<compile_context>
chip_gen: v7x
topology: tpu7x:2x2x1
jax: 0.10.2.dev20260603
libtpu: 0.0.44.dev20260713+nightly
codegen_flags: <defaults>
</compile_context>

<pallas_src>
import functools

import jax
import jax.numpy as jnp
from jax import lax
from jax.experimental import pallas as pl
from jax.experimental.pallas import tpu as pltpu
from jax.experimental.pallas import tpu_sc as plsc

B = 16
TOPK = 60
THRESHOLD = 0.15
NMS_THRESHOLD = 0.05
NMS_TOPK = 20
CROP = 192.0
DIMS = (48, 24, 12)
NS = tuple(d * d * d for d in DIMS)
SHIFTS = (0, NS[0], NS[0] + NS[1])
CHUNKS = (NS[0] // 128, NS[1] // 128, 14)
NCAND = 3 * TOPK



def _topk_body(c0, c1, c2, scores_ref, idx_ref, s0, s1, s2, r0, r1, r2, nm):
    ins = (c0, c1, c2)
    svs = (s0, s1, s2)
    rs = (r0, r1, r2)
    for lvl in range(3):
        s = jax.nn.sigmoid(ins[lvl][...])
        svs[lvl][...] = s
        rs[lvl][...] = jnp.max(s, axis=2)

    for lvl in range(3):
        sv = svs[lvl]
        rr = rs[lvl]
        ch = CHUNKS[lvl]
        shift = SHIFTS[lvl]
        ch_iota = lax.broadcasted_iota(jnp.int32, (1, ch), 1)
        lane_iota = lax.broadcasted_iota(jnp.int32, (1, 128), 1)

        def body(k, _, sv=sv, rr=rr, ch=ch, shift=shift, lvl=lvl,
                 ch_iota=ch_iota, lane_iota=lane_iota):
            rr2 = rr[...]
            m = jnp.max(rr2, axis=1, keepdims=True)
            chi = lax.broadcasted_iota(jnp.int32, (B, ch), 1)
            am = jnp.min(jnp.where(rr2 == m, chi, ch), axis=1,
                         keepdims=True)
            col = lvl * TOPK + k
            for b in range(B):
                r = jnp.max(am[b:b + 1, 0:1])
                row = sv[b, pl.ds(r, 1), :]
                c = jnp.argmax(row, axis=1)[0]
                val = jnp.max(row)
                scores_ref[pl.ds(col, 1), b:b + 1] = jnp.reshape(val, (1, 1))
                gidx = shift + r * 128 + c
                idx_ref[pl.ds(col, 1), b:b + 1] = jnp.reshape(gidx, (1, 1))
                newrow = jnp.where(lane_iota == c, -1.0, row)
                sv[b, pl.ds(r, 1), :] = newrow
                nm[b:b + 1, 0:1] = jnp.reshape(jnp.max(newrow), (1, 1))
            rr[...] = jnp.where(ch_iota == am, nm[:, 0:1], rr2)
            return 0

        lax.fori_loop(0, TOPK, body, 0)


def _run_topk(cls0, cls1, cls2):
    c0 = cls0.reshape(B, CHUNKS[0], 128)
    c1 = cls1.reshape(B, CHUNKS[1], 128)
    c2 = jnp.pad(cls2.reshape(B, NS[2]), ((0, 0), (0, 64)),
                 constant_values=-jnp.inf).reshape(B, CHUNKS[2], 128)
    scores_t, idx_t = pl.pallas_call(
        _topk_body,
        out_shape=[
            jax.ShapeDtypeStruct((NCAND, B), jnp.float32),
            jax.ShapeDtypeStruct((NCAND, B), jnp.int32),
        ],
        scratch_shapes=[
            pltpu.VMEM((B, CHUNKS[0], 128), jnp.float32),
            pltpu.VMEM((B, CHUNKS[1], 128), jnp.float32),
            pltpu.VMEM((B, CHUNKS[2], 128), jnp.float32),
            pltpu.VMEM((B, CHUNKS[0]), jnp.float32),
            pltpu.VMEM((B, CHUNKS[1]), jnp.float32),
            pltpu.VMEM((B, CHUNKS[2]), jnp.float32),
            pltpu.VMEM((B, 128), jnp.float32),
        ],
    )(c0, c1, c2)
    return scores_t.T, idx_t.T


_PER_W = 96
_NW = 32
_PADCAND = 1024


def _sc_gather_body(s0, o0, s1, o1, s2, o2, i0, i1, i2,
                    os0, oo0, os1, oo1, os2, oo2,
                    idx_v, rows_v, lanes_v, buf_s, buf_o, out_s, out_o,
                    sem_s, sem_o):
    wid = lax.axis_index("s") * 2 + lax.axis_index("c")
    tables = ((s0, o0, os0, oo0, i0, NS[0]),
              (s1, o1, os1, oo1, i1, NS[1]),
              (s2, o2, os2, oo2, i2, NS[2]))
    for (tab_s, tab_o, out_s_hbm, out_o_hbm, idx_hbm, n_lvl) in tables:
        pltpu.sync_copy(idx_hbm.at[pl.ds(wid * 32, 32)], idx_v)

        def v16(x):
            return jnp.full((16,), x, jnp.int32)

        for j in range(_PER_W // 16):
            e = v16(wid * _PER_W + j * 16) + lax.iota(jnp.int32, 16)
            q = (e * v16(21846)) >> v16(16)
            comp = e - q * v16(3)
            b = (q * v16(1093)) >> v16(16)
            b = jnp.where(b > v16(B - 1), v16(B - 1), b)
            n = plsc.load_gather(idx_v, [q - v16(wid * 32)])
            addr = (b * v16(3) + comp) * v16(n_lvl) + n
            rows_v[pl.ds(j * 16, 16)] = addr >> v16(7)
            lanes_v[pl.ds(j * 16, 16)] = addr & v16(127)
        cp_s = pltpu.async_copy(tab_s.at[rows_v], buf_s, sem_s)
        cp_o = pltpu.async_copy(tab_o.at[rows_v], buf_o, sem_o)
        cp_s.wait()
        cp_o.wait()
        for j in range(_PER_W // 16):
            ridx = v16(j * 16) + lax.iota(jnp.int32, 16)
            lidx = lanes_v[pl.ds(j * 16, 16)]
            out_s[pl.ds(j * 16, 16)] = plsc.load_gather(buf_s, [ridx, lidx])
            out_o[pl.ds(j * 16, 16)] = plsc.load_gather(buf_o, [ridx, lidx])
        pltpu.sync_copy(out_s, out_s_hbm.at[pl.ds(wid * _PER_W, _PER_W)])
        pltpu.sync_copy(out_o, out_o_hbm.at[pl.ds(wid * _PER_W, _PER_W)])


def _run_gather(idx, shape0, offset0, shape1, offset1, shape2, offset2):
    idx_lvls = []
    for lvl in range(3):
        loc = (idx[:, lvl * TOPK:(lvl + 1) * TOPK] - SHIFTS[lvl]).reshape(-1)
        idx_lvls.append(jnp.pad(loc, (0, _PADCAND - B * TOPK)))
    tabs = [a.reshape(-1, 128) for a in
            (shape0, offset0, shape1, offset1, shape2, offset2)]

    nel = _NW * _PER_W
    fn = pl.kernel(
        _sc_gather_body,
        out_type=[jax.ShapeDtypeStruct((nel,), jnp.float32)] * 6,
        mesh=plsc.VectorSubcoreMesh(core_axis_name="c", subcore_axis_name="s"),
        compiler_params=pltpu.CompilerParams(needs_layout_passes=False),
        scratch_types=[
            pltpu.VMEM((32,), jnp.int32),
            pltpu.VMEM((_PER_W,), jnp.int32),
            pltpu.VMEM((_PER_W,), jnp.int32),
            pltpu.VMEM((_PER_W, 128), jnp.float32),
            pltpu.VMEM((_PER_W, 128), jnp.float32),
            pltpu.VMEM((_PER_W,), jnp.float32),
            pltpu.VMEM((_PER_W,), jnp.float32),
            pltpu.SemaphoreType.DMA,
            pltpu.SemaphoreType.DMA,
        ],
    )
    os0, oo0, os1, oo1, os2, oo2 = fn(
        tabs[0], tabs[1], tabs[2], tabs[3], tabs[4], tabs[5],
        idx_lvls[0], idx_lvls[1], idx_lvls[2])
    shp = jnp.concatenate(
        [o[:B * TOPK * 3].reshape(B, TOPK, 3) for o in (os0, os1, os2)], axis=1)
    off = jnp.concatenate(
        [o[:B * TOPK * 3].reshape(B, TOPK, 3) for o in (oo0, oo1, oo2)], axis=1)
    return shp, off



def _nms_body(scores_ref, idx_ref, off_ref, shp_ref, out_ref, m_ref):
    n = NCAND
    s = scores_ref[...]
    idx = idx_ref[...]
    valid = s > THRESHOLD

    col = lax.broadcasted_iota(jnp.int32, (1, n), 1)
    dv = jnp.where(col < TOPK, DIMS[0], jnp.where(col < 2 * TOPK,
                                                  DIMS[1], DIMS[2]))
    shiftv = jnp.where(col < TOPK, SHIFTS[0], jnp.where(col < 2 * TOPK,
                                                        SHIFTS[1], SHIFTS[2]))
    stridev = (CROP / dv.astype(jnp.float32))
    nn = idx - shiftv
    dd = dv * dv
    z = nn // dd
    rem = nn - z * dd
    y = rem // dv
    x = rem - y * dv
    anchors = (z.astype(jnp.float32), y.astype(jnp.float32),
               x.astype(jnp.float32))
    centers = [(anchors[c] + off_ref[:, :, c]) * stridev for c in range(3)]
    shapes = [shp_ref[:, :, c] for c in range(3)]

    key = jnp.where(valid, -s, 2.0)
    ki = key[:, :, None]
    kj = key[:, None, :]
    ii = lax.broadcasted_iota(jnp.int32, (1, n, 1), 1)
    jj = lax.broadcasted_iota(jnp.int32, (1, 1, n), 2)
    rank = jnp.sum(((kj < ki) | ((kj == ki) & (jj < ii))).astype(jnp.float32),
                   axis=2).astype(jnp.int32)

    pp = lax.broadcasted_iota(jnp.int32, (1, 1, n), 2)
    oh_sort = (rank[:, :, None] == pp).astype(jnp.float32)

    def sort_q(q):
        return jnp.sum(oh_sort * q[:, :, None], axis=1)

    s_s = sort_q(s)
    v_s = sort_q(valid.astype(jnp.float32)) > 0.5
    cz, cy, cx = (sort_q(c) for c in centers)
    sz, sy, sx = (sort_q(c) for c in shapes)

    inter = None
    for (c, e) in ((cz, sz), (cy, sy), (cx, sx)):
        lo = c - e / 2.0
        hi = c + e / 2.0
        term = jnp.clip(jnp.minimum(hi[:, :, None], hi[:, None, :]) -
                        jnp.maximum(lo[:, :, None], lo[:, None, :]), 0.0, None)
        inter = term if inter is None else inter * term
    vol = sz * sy * sx
    m_ref[...] = inter / (vol[:, :, None] + vol[:, None, :] - inter + 1e-8)

    lane = lax.broadcasted_iota(jnp.int32, (1, n), 1)

    v_i32 = v_s.astype(jnp.int32)

    def nms_step(i, carry):
        supp, kept, cnt = carry
        row = m_ref[:, pl.ds(i, 1), :][:, 0, :]
        sel = lane == i
        supp_i = jnp.max(jnp.where(sel, supp, 0), axis=1, keepdims=True)
        val_i = jnp.max(jnp.where(sel, v_i32, 0), axis=1, keepdims=True)
        is_kept = (supp_i == 0) & (val_i > 0) & (cnt < NMS_TOPK)
        supp = jnp.where(is_kept & (row > NMS_THRESHOLD) & (lane > i),
                         1, supp)
        kept = jnp.where(is_kept & sel, 1, kept)
        cnt = cnt + is_kept.astype(jnp.int32)
        return supp, kept, cnt

    supp0 = jnp.zeros((B, n), dtype=jnp.int32)
    kept0 = jnp.zeros((B, n), dtype=jnp.int32)
    cnt0 = jnp.zeros((B, 1), dtype=jnp.int32)
    _, kept_i, _ = lax.fori_loop(0, 2, nms_step, (supp0, kept0, cnt0))
    kept = kept_i > 0

    keptf = kept.astype(jnp.float32)
    pos = jnp.sum(keptf[:, None, :] * (jj < ii).astype(jnp.float32),
                  axis=2).astype(jnp.int32)
    target = jnp.where(kept, pos, 2 * n)

    oh_out = (target[:, :, None] == pp).astype(jnp.float32)

    def scat(q):
        return jnp.sum(oh_out * (q + 1.0)[:, :, None], axis=1) - 1.0

    cols = [scat(jnp.ones_like(s_s)), scat(s_s), scat(cz), scat(cy),
            scat(cx), scat(sz), scat(sy), scat(sx)]
    out_ref[...] = jnp.stack(cols, axis=-1)


def _run_nms(scores, idx, off, shp):
    return pl.pallas_call(
        _nms_body,
        out_shape=jax.ShapeDtypeStruct((B, NCAND, 8), jnp.float32),
        scratch_shapes=[pltpu.VMEM((B, NCAND, NCAND), jnp.float32)],
    )(scores, idx, off, shp)



def kernel(Cls0, Shape0, Offset0, Cls1, Shape1, Offset1, Cls2, Shape2,
           Offset2):
    scores, idx = _run_topk(Cls0.reshape(B, -1), Cls1.reshape(B, -1),
                            Cls2.reshape(B, -1))
    shp, off = _run_gather(idx, Shape0, Offset0, Shape1, Offset1,
                           Shape2, Offset2)
    return _run_nms(scores, idx, off, shp)

# --- scband reference (transcript-rebuilt; emitter-appended) ---
"""Pipeline reference for scband-detection-postprocess-6700148982188 (READ-ONLY COPY).

The authoritative reference and input builder live on the scoring server;
editing this copy changes nothing except your own understanding.
"""

import jax, jax.numpy as jnp
import numpy as np

TOPK = 60
THRESHOLD = 0.15
NMS_THRESHOLD = 0.05
NMS_TOPK = 20
CROP_SIZE = (192, 192, 192)
BATCH = 16
DIMS = (48, 24, 12)


def setup_inputs(seed: int = 0):
    key = jax.random.key(seed)
    inp = {}
    i = 0
    for lvl, D in enumerate(DIMS):
        inp['Cls%d' % lvl] = jax.random.normal(jax.random.fold_in(key, i), (BATCH, 1, D, D, D), dtype=jnp.float32); i += 1
        inp['Shape%d' % lvl] = jax.random.uniform(jax.random.fold_in(key, i), (BATCH, 3, D, D, D), dtype=jnp.float32); i += 1
        inp['Offset%d' % lvl] = jax.random.normal(jax.random.fold_in(key, i), (BATCH, 3, D, D, D), dtype=jnp.float32); i += 1
    return inp


def make_anchors(dhw, crop_size):
    D, H, W = dhw
    stride = crop_size[0] / D
    zz, yy, xx = jnp.meshgrid(jnp.arange(D, dtype=jnp.float32), jnp.arange(H, dtype=jnp.float32), jnp.arange(W, dtype=jnp.float32), indexing='ij')
    anchor_points = jnp.stack([zz.ravel(), yy.ravel(), xx.ravel()], axis=-1)
    stride_tensor = jnp.full((anchor_points.shape[0], 1), stride, dtype=jnp.float32)
    return anchor_points, stride_tensor


def bbox_decode(anchor_points, pred_offsets, pred_shapes, stride_tensor):
    centers = (anchor_points[None, :, :] + pred_offsets) * stride_tensor[None, :, :]
    return jnp.concatenate([centers, pred_shapes], axis=-1)


def get_scores(Cls, Shape, Offset):
    B = Cls.shape[0]
    dhw = Cls.shape[2:]
    anchor_points, stride_tensor = make_anchors(dhw, CROP_SIZE)
    pred_scores = jax.nn.sigmoid(Cls.reshape(B, 1, -1).transpose(0, 2, 1)[..., 0])
    pred_shapes = Shape.reshape(B, 3, -1).transpose(0, 2, 1)
    pred_offsets = Offset.reshape(B, 3, -1).transpose(0, 2, 1)
    pred_bboxes = bbox_decode(anchor_points, pred_offsets, pred_shapes, stride_tensor)
    topk_scores, topk_indices = jax.lax.top_k(pred_scores, TOPK)
    return topk_scores, topk_indices, pred_bboxes


def iou_3d(box, boxes):
    lo1 = box[:3] - box[3:6] / 2.0
    hi1 = box[:3] + box[3:6] / 2.0
    lo2 = boxes[:, :3] - boxes[:, 3:6] / 2.0
    hi2 = boxes[:, :3] + boxes[:, 3:6] / 2.0
    inter = jnp.prod(jnp.clip(jnp.minimum(hi1, hi2) - jnp.maximum(lo1, lo2), 0.0, None), axis=-1)
    vol1 = jnp.prod(box[3:6])
    vol2 = jnp.prod(boxes[:, 3:6], axis=-1)
    return inter / (vol1 + vol2 - inter + 1e-8)


def nms_fixed(boxes, valid):
    # greedy 3D NMS over score-sorted candidates, fixed shapes (suppressed entries masked)
    n = boxes.shape[0]
    idxs = jnp.arange(n)
    suppressed = jnp.zeros((n,), dtype=bool)
    kept = jnp.zeros((n,), dtype=bool)
    kept_count = jnp.zeros((), dtype=jnp.int32)
    for i in range(n):
        is_kept = (~suppressed[i]) & valid[i] & (kept_count < NMS_TOPK)
        kept = kept.at[i].set(is_kept)
        iou = iou_3d(boxes[i], boxes)
        suppressed = suppressed | (is_kept & (iou > NMS_THRESHOLD) & (idxs > i))
        kept_count = kept_count + is_kept.astype(jnp.int32)
    return kept


def _per_image(scores, idx, bboxes):
    n = scores.shape[0]
    boxes = bboxes[idx]
    valid = scores > THRESHOLD
    order = jnp.argsort(jnp.where(valid, -scores, jnp.inf))
    s_sorted = scores[order]
    b_sorted = boxes[order]
    v_sorted = valid[order]
    kept = nms_fixed(b_sorted, v_sorted)
    rank = jnp.cumsum(kept.astype(jnp.int32)) - 1
    target = jnp.where(kept, rank, n)
    rows = jnp.concatenate([jnp.ones((n, 1), dtype=jnp.float32), s_sorted[:, None], b_sorted], axis=1)
    out = jnp.full((n + 1, 8), -1.0, dtype=jnp.float32).at[target].set(rows)[:n]
    return out


def _forward(Cls0, Shape0, Offset0, Cls1, Shape1, Offset1, Cls2, Shape2, Offset2):
    levels = [(Cls0, Shape0, Offset0), (Cls1, Shape1, Offset1), (Cls2, Shape2, Offset2)]
    shift = 0
    scores_l, idx_l, bbox_l = [], [], []
    for (C, S, O) in levels:
        ts, ti, pb = get_scores(C, S, O)
        scores_l.append(ts)
        idx_l.append(ti + shift)
        bbox_l.append(pb)
        shift += C.shape[2] * C.shape[3] * C.shape[4]
    tot_scores = jnp.concatenate(scores_l, axis=1)
    tot_idx = jnp.concatenate(idx_l, axis=1)
    tot_bboxes = jnp.concatenate(bbox_l, axis=1)
    return jax.vmap(_per_image)(tot_scores, tot_idx, tot_bboxes)


def reference(Cls0, Shape0, Offset0, Cls1, Shape1, Offset1, Cls2, Shape2, Offset2):
    return _forward(Cls0, Shape0, Offset0, Cls1, Shape1, Offset1, Cls2, Shape2, Offset2)

if __name__ == "__main__":
    import jax
    _d = setup_inputs()
    print(jax.jit(kernel)(*tuple(_d.values())))

</pallas_src>

<mosaic_0001>
#map = affine_map<(d0, d1) -> (0, 0)>
#map1 = affine_map<(d0, d1) -> (0)>
module attributes {stable_mosaic.version = 14 : i64} {
  func.func @_sc_gather_body(%arg0: i32, %arg1: i32, %arg2: memref<41472x128xf32, #tpu.memory_space<hbm>>, %arg3: memref<41472x128xf32, #tpu.memory_space<hbm>>, %arg4: memref<5184x128xf32, #tpu.memory_space<hbm>>, %arg5: memref<5184x128xf32, #tpu.memory_space<hbm>>, %arg6: memref<648x128xf32, #tpu.memory_space<hbm>>, %arg7: memref<648x128xf32, #tpu.memory_space<hbm>>, %arg8: memref<1024xi32, #tpu.memory_space<hbm>>, %arg9: memref<1024xi32, #tpu.memory_space<hbm>>, %arg10: memref<1024xi32, #tpu.memory_space<hbm>>, %arg11: memref<3072xf32, #tpu.memory_space<hbm>>, %arg12: memref<3072xf32, #tpu.memory_space<hbm>>, %arg13: memref<3072xf32, #tpu.memory_space<hbm>>, %arg14: memref<3072xf32, #tpu.memory_space<hbm>>, %arg15: memref<3072xf32, #tpu.memory_space<hbm>>, %arg16: memref<3072xf32, #tpu.memory_space<hbm>>, %arg17: memref<32xi32, #tpu.memory_space<vmem>>, %arg18: memref<96xi32, #tpu.memory_space<vmem>>, %arg19: memref<96xi32, #tpu.memory_space<vmem>>, %arg20: memref<96x128xf32, #tpu.memory_space<vmem>>, %arg21: memref<96x128xf32, #tpu.memory_space<vmem>>, %arg22: memref<96xf32, #tpu.memory_space<vmem>>, %arg23: memref<96xf32, #tpu.memory_space<vmem>>, %arg24: memref<!tpu.dma_semaphore, #tpu.memory_space<semaphore_mem>>, %arg25: memref<!tpu.dma_semaphore, #tpu.memory_space<semaphore_mem>>) attributes {dimension_semantics = [#tpu.dimension_semantics<core_parallel>, #tpu.dimension_semantics<subcore_parallel>], iteration_bounds = array<i64: 2, 16>, scalar_prefetch = 0 : i64, scratch_operands = 9 : i64, tpu.core_type = #tpu.core_type<sc_vector_subcore>, window_params = [{transform_indices = #map}, {transform_indices = #map}, {transform_indices = #map}, {transform_indices = #map}, {transform_indices = #map}, {transform_indices = #map}, {transform_indices = #map1}, {transform_indices = #map1}, {transform_indices = #map1}, {transform_indices = #map1}, {transform_indices = #map1}, {transform_indices = #map1}, {transform_indices = #map1}, {transform_indices = #map1}, {transform_indices = #map1}]} {
    %mul3A = arith.constant 2 : i32
    %mul3A_0 = arith.muli %arg1, %mul3A : i32
    %add3A = arith.addi %mul3A_0, %arg0 : i32
    %mul3A_1 = arith.constant 32 : i32
    %mul3A_2 = arith.muli %add3A, %mul3A_1 : i32
    "tpu.region"() ({
      %run_scoped3A = tpu.sem_alloc : memref<!tpu.dma_semaphore, #tpu.memory_space<semaphore_mem>>
      %dma_start3A_1195 = tpu.memref_slice %arg8[%mul3A_2] : memref<1024xi32, #tpu.memory_space<hbm>> -> memref<32xi32, #tpu.memory_space<hbm>>
      %dma_start3A_1196 = tpu.memref_slice %arg8[%mul3A_2] : memref<1024xi32, #tpu.memory_space<hbm>> -> memref<32xi32, #tpu.memory_space<hbm>>
      tpu.enqueue_dma source(%dma_start3A_1196 : memref<32xi32, #tpu.memory_space<hbm>>) target(%arg17 : memref<32xi32, #tpu.memory_space<vmem>>) target_semaphore(%run_scoped3A : memref<!tpu.dma_semaphore, #tpu.memory_space<semaphore_mem>>)
      %dma_wait3A_1197 = tpu.memref_slice %arg8[%mul3A_2] : memref<1024xi32, #tpu.memory_space<hbm>> -> memref<32xi32, #tpu.memory_space<hbm>>
      %dma_wait3A_1198 = tpu.memref_slice %arg8[%mul3A_2] : memref<1024xi32, #tpu.memory_space<hbm>> -> memref<32xi32, #tpu.memory_space<hbm>>
      tpu.wait_dma2 semaphore(%run_scoped3A : memref<!tpu.dma_semaphore, #tpu.memory_space<semaphore_mem>>) src(%dma_wait3A_1198 : memref<32xi32, #tpu.memory_space<hbm>>) dst(%arg17 : memref<32xi32, #tpu.memory_space<vmem>>)
      tpu.yield
    }) : () -> ()
    %mul3A_3 = arith.constant 96 : i32
    %mul3A_4 = arith.muli %add3A, %mul3A_3 : i32
    %add3A_5 = arith.constant 0 : i32
    %add3A_6 = arith.addi %mul3A_4, %add3A_5 : i32
    %broadcast_in_dim3A = vector.broadcast %add3A_6 : i32 to vector<16xi32>
    %iota3A = tpu.iota {dimensions = array<i32: 0>} : vector<16xi32>
    %add3A_7 = arith.addi %broadcast_in_dim3A, %iota3A : vector<16xi32>
    %broadcast_in_dim3A_8 = arith.constant 21846 : i32
    %broadcast_in_dim3A_9 = vector.broadcast %broadcast_in_dim3A_8 : i32 to vector<16xi32>
    %mul3A_10 = arith.muli %add3A_7, %broadcast_in_dim3A_9 : vector<16xi32>
    %broadcast_in_dim3A_11 = arith.constant 16 : i32
    %broadcast_in_dim3A_12 = vector.broadcast %broadcast_in_dim3A_11 : i32 to vector<16xi32>
    %shift_right_arithmetic3A = arith.shrsi %mul3A_10, %broadcast_in_dim3A_12 : vector<16xi32>
    %broadcast_in_dim3A_13 = arith.constant 3 : i32
    %broadcast_in_dim3A_14 = vector.broadcast %broadcast_in_dim3A_13 : i32 to vector<16xi32>
    %mul3A_15 = arith.muli %shift_right_arithmetic3A, %broadcast_in_dim3A_14 : vector<16xi32>
    %sub3A = arith.subi %add3A_7, %mul3A_15 : vector<16xi32>
    %broadcast_in_dim3A_16 = arith.constant 1093 : i32
    %broadcast_in_dim3A_17 = vector.broadcast %broadcast_in_dim3A_16 : i32 to vector<16xi32>
    %mul3A_18 = arith.muli %shift_right_arithmetic3A, %broadcast_in_dim3A_17 : vector<16xi32>
    %broadcast_in_dim3A_19 = arith.constant 16 : i32
    %broadcast_in_dim3A_20 = vector.broadcast %broadcast_in_dim3A_19 : i32 to vector<16xi32>
    %shift_right_arithmetic3A_21 = arith.shrsi %mul3A_18, %broadcast_in_dim3A_20 : vector<16xi32>
    %broadcast_in_dim3A_22 = arith.constant 15 : i32
    %broadcast_in_dim3A_23 = vector.broadcast %broadcast_in_dim3A_22 : i32 to vector<16xi32>
    %gt3A = arith.cmpi sgt, %shift_right_arithmetic3A_21, %broadcast_in_dim3A_23 : vector<16xi32>
    %broadcast_in_dim3A_24 = arith.constant 15 : i32
    %broadcast_in_dim3A_25 = vector.broadcast %broadcast_in_dim3A_24 : i32 to vector<16xi32>
    %select_n3A = arith.select %gt3A, %broadcast_in_dim3A_25, %shift_right_arithmetic3A_21 : vector<16xi1>, vector<16xi32>
    %mul3A_26 = arith.constant 32 : i32
    %mul3A_27 = arith.muli %add3A, %mul3A_26 : i32
    %broadcast_in_dim3A_28 = vector.broadcast %mul3A_27 : i32 to vector<16xi32>
    %sub3A_29 = arith.subi %shift_right_arithmetic3A, %broadcast_in_dim3A_28 : vector<16xi32>
    %gather3A = tpu.vector_load_idx %arg17[%sub3A_29] : memref<32xi32, #tpu.memory_space<vmem>>[vector<16xi32>], vector<16xi32>,
    %broadcast_in_dim3A_30 = arith.constant 3 : i32
    %broadcast_in_dim3A_31 = vector.broadcast %broadcast_in_dim3A_30 : i32 to vector<16xi32>
    %mul3A_32 = arith.muli %select_n3A, %broadcast_in_dim3A_31 : vector<16xi32>
    %add3A_33 = arith.addi %mul3A_32, %sub3A : vector<16xi32>
    %broadcast_in_dim3A_34 = arith.constant 110592 : i32
    %broadcast_in_dim3A_35 = vector.broadcast %broadcast_in_dim3A_34 : i32 to vector<16xi32>
    %mul3A_36 = arith.muli %add3A_33, %broadcast_in_dim3A_35 : vector<16xi32>
    %add3A_37 = arith.addi %mul3A_36, %gather3A : vector<16xi32>
    %broadcast_in_dim3A_38 = arith.constant 7 : i32
    %broadcast_in_dim3A_39 = vector.broadcast %broadcast_in_dim3A_38 : i32 to vector<16xi32>
    %shift_right_arithmetic3A_40 = arith.shrsi %add3A_37, %broadcast_in_dim3A_39 : vector<16xi32>
    %swap3A = arith.constant 0 : index
    %swap3A_41 = tpu.vector_load %arg18[%swap3A] {strides = array<i32>} : memref<96xi32, #tpu.memory_space<vmem>>, vector<16xi32>,
    tpu.vector_store %arg18[%swap3A], %shift_right_arithmetic3A_40 {strides = array<i32>} : memref<96xi32, #tpu.memory_space<vmem>>, vector<16xi32>,
    %broadcast_in_dim3A_42 = arith.constant 127 : i32
    %broadcast_in_dim3A_43 = vector.broadcast %broadcast_in_dim3A_42 : i32 to vector<16xi32>
    %and3A = arith.andi %add3A_37, %broadcast_in_dim3A_43 : vector<16xi32>
    %swap3A_44 = arith.constant 0 : index
    %swap3A_45 = tpu.vector_load %arg19[%swap3A_44] {strides = array<i32>} : memref<96xi32, #tpu.memory_space<vmem>>, vector<16xi32>,
    tpu.vector_store %arg19[%swap3A_44], %and3A {strides = array<i32>} : memref<96xi32, #tpu.memory_space<vmem>>, vector<16xi32>,
    %mul3A_46 = arith.constant 96 : i32
    %mul3A_47 = arith.muli %add3A, %mul3A_46 : i32
    %add3A_48 = arith.constant 16 : i32
    %add3A_49 = arith.addi %mul3A_47, %add3A_48 : i32
    %broadcast_in_dim3A_50 = vector.broadcast %add3A_49 : i32 to vector<16xi32>
    %iota3A_51 = tpu.iota {dimensions = array<i32: 0>} : vector<16xi32>
    %add3A_52 = arith.addi %broadcast_in_dim3A_50, %iota3A_51 : vector<16xi32>
    %broadcast_in_dim3A_53 = arith.constant 21846 : i32
    %broadcast_in_dim3A_54 = vector.broadcast %broadcast_in_dim3A_53 : i32 to vector<16xi32>
    %mul3A_55 = arith.muli %add3A_52, %broadcast_in_dim3A_54 : vector<16xi32>
    %broadcast_in_dim3A_56 = arith.constant 16 : i32
    %broadcast_in_dim3A_57 = vector.broadcast %broadcast_in_dim3A_56 : i32 to vector<16xi32>
    %shift_right_arithmetic3A_58 = arith.shrsi %mul3A_55, %broadcast_in_dim3A_57 : vector<16xi32>
    %broadcast_in_dim3A_59 = arith.constant 3 : i32
    %broadcast_in_dim3A_60 = vector.broadcast %broadcast_in_dim3A_59 : i32 to vector<16xi32>
    %mul3A_61 = arith.muli %shift_right_arithmetic3A_58, %broadcast_in_dim3A_60 : vector<16xi32>
    %sub3A_62 = arith.subi %add3A_52, %mul3A_61 : vector<16xi32>
    %broadcast_in_dim3A_63 = arith.constant 1093 : i32
    %broadcast_in_dim3A_64 = vector.broadcast %broadcast_in_dim3A_63 : i32 to vector<16xi32>
    %mul3A_65 = arith.muli %shift_right_arithmetic3A_58, %broadcast_in_dim3A_64 : vector<16xi32>
    %broadcast_in_dim3A_66 = arith.constant 16 : i32
    %broadcast_in_dim3A_67 = vector.broadcast %broadcast_in_dim3A_66 : i32 to vector<16xi32>
    %shift_right_arithmetic3A_68 = arith.shrsi %mul3A_65, %broadcast_in_dim3A_67 : vector<16xi32>
    %broadcast_in_dim3A_69 = arith.constant 15 : i32
    %broadcast_in_dim3A_70 = vector.broadcast %broadcast_in_dim3A_69 : i32 to vector<16xi32>
    %gt3A_71 = arith.cmpi sgt, %shift_right_arithmetic3A_68, %broadcast_in_dim3A_70 : vector<16xi32>
    %broadcast_in_dim3A_72 = arith.constant 15 : i32
    %broadcast_in_dim3A_73 = vector.broadcast %broadcast_in_dim3A_72 : i32 to vector<16xi32>
    %select_n3A_74 = arith.select %gt3A_71, %broadcast_in_dim3A_73, %shift_right_arithmetic3A_68 : vector<16xi1>, vector<16xi32>
    %mul3A_75 = arith.constant 32 : i32
    %mul3A_76 = arith.muli %add3A, %mul3A_75 : i32
    %broadcast_in_dim3A_77 = vector.broadcast %mul3A_76 : i32 to vector<16xi32>
    %sub3A_78 = arith.subi %shift_right_arithmetic3A_58, %broadcast_in_dim3A_77 : vector<16xi32>
    %gather3A_79 = tpu.vector_load_idx %arg17[%sub3A_78] : memref<32xi32, #tpu.memory_space<vmem>>[vector<16xi32>], vector<16xi32>,
    %broadcast_in_dim3A_80 = arith.constant 3 : i32
    %broadcast_in_dim3A_81 = vector.broadcast %broadcast_in_dim3A_80 : i32 to vector<16xi32>
    %mul3A_82 = arith.muli %select_n3A_74, %broadcast_in_dim3A_81 : vector<16xi32>
    %add3A_83 = arith.addi %mul3A_82, %sub3A_62 : vector<16xi32>
    %broadcast_in_dim3A_84 = arith.constant 110592 : i32
    %broadcast_in_dim3A_85 = vector.broadcast %broadcast_in_dim3A_84 : i32 to vector<16xi32>
    %mul3A_86 = arith.muli %add3A_83, %broadcast_in_dim3A_85 : vector<16xi32>
    %add3A_87 = arith.addi %mul3A_86, %gather3A_79 : vector<16xi32>
    %broadcast_in_dim3A_88 = arith.constant 7 : i32
    %broadcast_in_dim3A_89 = vector.broadcast %broadcast_in_dim3A_88 : i32 to vector<16xi32>
    %shift_right_arithmetic3A_90 = arith.shrsi %add3A_87, %broadcast_in_dim3A_89 : vector<16xi32>
    %swap3A_91 = arith.constant 16 : index
    %swap3A_92 = tpu.vector_load %arg18[%swap3A_91] {strides = array<i32>} : memref<96xi32, #tpu.memory_space<vmem>>, vector<16xi32>,
    tpu.vector_store %arg18[%swap3A_91], %shift_right_arithmetic3A_90 {strides = array<i32>} : memref<96xi32, #tpu.memory_space<vmem>>, vector<16xi32>,
    %broadcast_in_dim3A_93 = arith.constant 127 : i32
    %broadcast_in_dim3A_94 = vector.broadcast %broadcast_in_dim3A_93 : i32 to vector<16xi32>
    %and3A_95 = arith.andi %add3A_87, %broadcast_in_dim3A_94 : vector<16xi32>
    %swap3A_96 = arith.constant 16 : index
    %swap3A_97 = tpu.vector_load %arg19[%swap3A_96] {strides = array<i32>} : memref<96xi32, #tpu.memory_space<vmem>>, vector<16xi32>,
    tpu.vector_store %arg19[%swap3A_96], %and3A_95 {strides = array<i32>} : memref<96xi32, #tpu.memory_space<vmem>>, vector<16xi32>,
    %mul3A_98 = arith.constant 96 : i32
    %mul3A_99 = arith.muli %add3A, %mul3A_98 : i32
    %add3A_100 = arith.constant 32 : i32
    %add3A_101 = arith.addi %mul3A_99, %add3A_100 : i32
    %broadcast_in_dim3A_102 = vector.broadcast %add3A_101 : i32 to vector<16xi32>
    %iota3A_103 = tpu.iota {dimensions = array<i32: 0>} : vector<16xi32>
    %add3A_104 = arith.addi %broadcast_in_dim3A_102, %iota3A_103 : vector<16xi32>
    %broadcast_in_dim3A_105 = arith.constant 21846 : i32
    %broadcast_in_dim3A_106 = vector.broadcast %broadcast_in_dim3A_105 : i32 to vector<16xi32>
    %mul3A_107 = arith.muli %add3A_104, %broadcast_in_dim3A_106 : vector<16xi32>
    %broadcast_in_dim3A_108 = arith.constant 16 : i32
    %broadcast_in_dim3A_109 = vector.broadcast %broadcast_in_dim3A_108 : i32 to vector<16xi32>
    %shift_right_arithmetic3A_110 = arith.shrsi %mul3A_107, %broadcast_in_dim3A_109 : vector<16xi32>
    %broadcast_in_dim3A_111 = arith.constant 3 : i32
    %broadcast_in_dim3A_112 = vector.broadcast %broadcast_in_dim3A_111 : i32 to vector<16xi32>
    %mul3A_113 = arith.muli %shift_right_arithmetic3A_110, %broadcast_in_dim3A_112 : vector<16xi32>
    %sub3A_114 = arith.subi %add3A_104, %mul3A_113 : vector<16xi32>
    %broadcast_in_dim3A_115 = arith.constant 1093 : i32
    %broadcast_in_dim3A_116 = vector.broadcast %broadcast_in_dim3A_115 : i32 to vector<16xi32>
    %mul3A_117 = arith.muli %shift_right_arithmetic3A_110, %broadcast_in_dim3A_116 : vector<16xi32>
    %broadcast_in_dim3A_118 = arith.constant 16 : i32
    %broadcast_in_dim3A_119 = vector.broadcast %broadcast_in_dim3A_118 : i32 to vector<16xi32>
    %shift_right_arithmetic3A_120 = arith.shrsi %mul3A_117, %broadcast_in_dim3A_119 : vector<16xi32>
    %broadcast_in_dim3A_121 = arith.constant 15 : i32
    %broadcast_in_dim3A_122 = vector.broadcast %broadcast_in_dim3A_121 : i32 to vector<16xi32>
    %gt3A_123 = arith.cmpi sgt, %shift_right_arithmetic3A_120, %broadcast_in_dim3A_122 : vector<16xi32>
    %broadcast_in_dim3A_124 = arith.constant 15 : i32
    %broadcast_in_dim3A_125 = vector.broadcast %broadcast_in_dim3A_124 : i32 to vector<16xi32>
    %select_n3A_126 = arith.select %gt3A_123, %broadcast_in_dim3A_125, %shift_right_arithmetic3A_120 : vector<16xi1>, vector<16xi32>
    %mul3A_127 = arith.constant 32 : i32
    %mul3A_128 = arith.muli %add3A, %mul3A_127 : i32
    %broadcast_in_dim3A_129 = vector.broadcast %mul3A_128 : i32 to vector<16xi32>
    %sub3A_130 = arith.subi %shift_right_arithmetic3A_110, %broadcast_in_dim3A_129 : vector<16xi32>
    %gather3A_131 = tpu.vector_load_idx %arg17[%sub3A_130] : memref<32xi32, #tpu.memory_space<vmem>>[vector<16xi32>], vector<16xi32>,
    %broadcast_in_dim3A_132 = arith.constant 3 : i32
    %broadcast_in_dim3A_133 = vector.broadcast %broadcast_in_dim3A_132 : i32 to vector<16xi32>
    %mul3A_134 = arith.muli %select_n3A_126, %broadcast_in_dim3A_133 : vector<16xi32>
    %add3A_135 = arith.addi %mul3A_134, %sub3A_114 : vector<16xi32>
    %broadcast_in_dim3A_136 = arith.constant 110592 : i32
    %broadcast_in_dim3A_137 = vector.broadcast %broadcast_in_dim3A_136 : i32 to vector<16xi32>
    %mul3A_138 = arith.muli %add3A_135, %broadcast_in_dim3A_137 : vector<16xi32>
    %add3A_139 = arith.addi %mul3A_138, %gather3A_131 : vector<16xi32>
    %broadcast_in_dim3A_140 = arith.constant 7 : i32
    %broadcast_in_dim3A_141 = vector.broadcast %broadcast_in_dim3A_140 : i32 to vector<16xi32>
    %shift_right_arithmetic3A_142 = arith.shrsi %add3A_139, %broadcast_in_dim3A_141 : vector<16xi32>
    %swap3A_143 = arith.constant 32 : index
    %swap3A_144 = tpu.vector_load %arg18[%swap3A_143] {strides = array<i32>} : memref<96xi32, #tpu.memory_space<vmem>>, vector<16xi32>,
    tpu.vector_store %arg18[%swap3A_143], %shift_right_arithmetic3A_142 {strides = array<i32>} : memref<96xi32, #tpu.memory_space<vmem>>, vector<16xi32>,
    %broadcast_in_dim3A_145 = arith.constant 127 : i32
    %broadcast_in_dim3A_146 = vector.broadcast %broadcast_in_dim3A_145 : i32 to vector<16xi32>
    %and3A_147 = arith.andi %add3A_139, %broadcast_in_dim3A_146 : vector<16xi32>
    %swap3A_148 = arith.constant 32 : index
    %swap3A_149 = tpu.vector_load %arg19[%swap3A_148] {strides = array<i32>} : memref<96xi32, #tpu.memory_space<vmem>>, vector<16xi32>,
    tpu.vector_store %arg19[%swap3A_148], %and3A_147 {strides = array<i32>} : memref<96xi32, #tpu.memory_space<vmem>>, vector<16xi32>,
    %mul3A_150 = arith.constant 96 : i32
    %mul3A_151 = arith.muli %add3A, %mul3A_150 : i32
    %add3A_152 = arith.constant 48 : i32
    %add3A_153 = arith.addi %mul3A_151, %add3A_152 : i32
    %broadcast_in_dim3A_154 = vector.broadcast %add3A_153 : i32 to vector<16xi32>
    %iota3A_155 = tpu.iota {dimensions = array<i32: 0>} : vector<16xi32>
    %add3A_156 = arith.addi %broadcast_in_dim3A_154, %iota3A_155 : vector<16xi32>
    %broadcast_in_dim3A_157 = arith.constant 21846 : i32
    %broadcast_in_dim3A_158 = vector.broadcast %broadcast_in_dim3A_157 : i32 to vector<16xi32>
    %mul3A_159 = arith.muli %add3A_156, %broadcast_in_dim3A_158 : vector<16xi32>
    %broadcast_in_dim3A_160 = arith.constant 16 : i32
    %broadcast_in_dim3A_161 = vector.broadcast %broadcast_in_dim3A_160 : i32 to vector<16xi32>
    %shift_right_arithmetic3A_162 = arith.shrsi %mul3A_159, %broadcast_in_dim3A_161 : vector<16xi32>
    %broadcast_in_dim3A_163 = arith.constant 3 : i32
    %broadcast_in_dim3A_164 = vector.broadcast %broadcast_in_dim3A_163 : i32 to vector<16xi32>
    %mul3A_165 = arith.muli %shift_right_arithmetic3A_162, %broadcast_in_dim3A_164 : vector<16xi32>
    %sub3A_166 = arith.subi %add3A_156, %mul3A_165 : vector<16xi32>
    %broadcast_in_dim3A_167 = arith.constant 1093 : i32
    %broadcast_in_dim3A_168 = vector.broadcast %broadcast_in_dim3A_167 : i32 to vector<16xi32>
    %mul3A_169 = arith.muli %shift_right_arithmetic3A_162, %broadcast_in_dim3A_168 : vector<16xi32>
    %broadcast_in_dim3A_170 = arith.constant 16 : i32
    %broadcast_in_dim3A_171 = vector.broadcast %broadcast_in_dim3A_170 : i32 to vector<16xi32>
    %shift_right_arithmetic3A_172 = arith.shrsi %mul3A_169, %broadcast_in_dim3A_171 : vector<16xi32>
    %broadcast_in_dim3A_173 = arith.constant 15 : i32
    %broadcast_in_dim3A_174 = vector.broadcast %broadcast_in_dim3A_173 : i32 to vector<16xi32>
    %gt3A_175 = arith.cmpi sgt, %shift_right_arithmetic3A_172, %broadcast_in_dim3A_174 : vector<16xi32>
    %broadcast_in_dim3A_176 = arith.constant 15 : i32
    %broadcast_in_dim3A_177 = vector.broadcast %broadcast_in_dim3A_176 : i32 to vector<16xi32>
    %select_n3A_178 = arith.select %gt3A_175, %broadcast_in_dim3A_177, %shift_right_arithmetic3A_172 : vector<16xi1>, vector<16xi32>
    %mul3A_179 = arith.constant 32 : i32
    %mul3A_180 = arith.muli %add3A, %mul3A_179 : i32
    %broadcast_in_dim3A_181 = vector.broadcast %mul3A_180 : i32 to vector<16xi32>
    %sub3A_182 = arith.subi %shift_right_arithmetic3A_162, %broadcast_in_dim3A_181 : vector<16xi32>
    %gather3A_183 = tpu.vector_load_idx %arg17[%sub3A_182] : memref<32xi32, #tpu.memory_space<vmem>>[vector<16xi32>], vector<16xi32>,
    %broadcast_in_dim3A_184 = arith.constant 3 : i32
    %broadcast_in_dim3A_185 = vector.broadcast %broadcast_in_dim3A_184 : i32 to vector<16xi32>
    %mul3A_186 = arith.muli %select_n3A_178, %broadcast_in_dim3A_185 : vector<16xi32>
    %add3A_187 = arith.addi %mul3A_186, %sub3A_166 : vector<16xi32>
    %broadcast_in_dim3A_188 = arith.constant 110592 : i32
    %broadcast_in_dim3A_189 = vector.broadcast %broadcast_in_dim3A_188 : i32 to vector<16xi32>
    %mul3A_190 = arith.muli %add3A_187, %broadcast_in_dim3A_189 : vector<16xi32>
    %add3A_191 = arith.addi %mul3A_190, %gather3A_183 : vector<16xi32>
    %broadcast_in_dim3A_192 = arith.constant 7 : i32
    %broadcast_in_dim3A_193 = vector.broadcast %broadcast_in_dim3A_192 : i32 to vector<16xi32>
    %shift_right_arithmetic3A_194 = arith.shrsi %add3A_191, %broadcast_in_dim3A_193 : vector<16xi32>
    %swap3A_195 = arith.constant 48 : index
    %swap3A_196 = tpu.vector_load %arg18[%swap3A_195] {strides = array<i32>} : memref<96xi32, #tpu.memory_space<vmem>>, vector<16xi32>,
    tpu.vector_store %arg18[%swap3A_195], %shift_right_arithmetic3A_194 {strides = array<i32>} : memref<96xi32, #tpu.memory_space<vmem>>, vector<16xi32>,
    %broadcast_in_dim3A_197 = arith.constant 127 : i32
    %broadcast_in_dim3A_198 = vector.broadcast %broadcast_in_dim3A_197 : i32 to vector<16xi32>
    %and3A_199 = arith.andi %add3A_191, %broadcast_in_dim3A_198 : vector<16xi32>
    %swap3A_200 = arith.constant 48 : index
    %swap3A_201 = tpu.vector_load %arg19[%swap3A_200] {strides = array<i32>} : memref<96xi32, #tpu.memory_space<vmem>>, vector<16xi32>,
    tpu.vector_store %arg19[%swap3A_200], %and3A_199 {strides = array<i32>} : memref<96xi32, #tpu.memory_space<vmem>>, vector<16xi32>,
    %mul3A_202 = arith.constant 96 : i32
    %mul3A_203 = arith.muli %add3A, %mul3A_202 : i32
    %add3A_204 = arith.constant 64 : i32
    %add3A_205 = arith.addi %mul3A_203, %add3A_204 : i32
    %broadcast_in_dim3A_206 = vector.broadcast %add3A_205 : i32 to vector<16xi32>
    %iota3A_207 = tpu.iota {dimensions = array<i32: 0>} : vector<16xi32>
    %add3A_208 = arith.addi %broadcast_in_dim3A_206, %iota3A_207 : vector<16xi32>
    %broadcast_in_dim3A_209 = arith.constant 21846 : i32
    %broadcast_in_dim3A_210 = vector.broadcast %broadcast_in_dim3A_209 : i32 to vector<16xi32>
    %mul3A_211 = arith.muli %add3A_208, %broadcast_in_dim3A_210 : vector<16xi32>
    %broadcast_in_dim3A_212 = arith.constant 16 : i32
    %broadcast_in_dim3A_213 = vector.broadcast %broadcast_in_dim3A_212 : i32 to vector<16xi32>
    %shift_right_arithmetic3A_214 = arith.shrsi %mul3A_211, %broadcast_in_dim3A_213 : vector<16xi32>
    %broadcast_in_dim3A_215 = arith.constant 3 : i32
    %broadcast_in_dim3A_216 = vector.broadcast %broadcast_in_dim3A_215 : i32 to vector<16xi32>
    %mul3A_217 = arith.muli %shift_right_arithmetic3A_214, %broadcast_in_dim3A_216 : vector<16xi32>
    %sub3A_218 = arith.subi %add3A_208, %mul3A_217 : vector<16xi32>
    %broadcast_in_dim3A_219 = arith.constant 1093 : i32
    %broadcast_in_dim3A_220 = vector.broadcast %broadcast_in_dim3A_219 : i32 to vector<16xi32>
    %mul3A_221 = arith.muli %shift_right_arithmetic3A_214, %broadcast_in_dim3A_220 : vector<16xi32>
    %broadcast_in_dim3A_222 = arith.constant 16 : i32
    %broadcast_in_dim3A_223 = vector.broadcast %broadcast_in_dim3A_222 : i32 to vector<16xi32>
    %shift_right_arithmetic3A_224 = arith.shrsi %mul3A_221, %broadcast_in_dim3A_223 : vector<16xi32>
    %broadcast_in_dim3A_225 = arith.constant 15 : i32
    %broadcast_in_dim3A_226 = vector.broadcast %broadcast_in_dim3A_225 : i32 to vector<16xi32>
    %gt3A_227 = arith.cmpi sgt, %shift_right_arithmetic3A_224, %broadcast_in_dim3A_226 : vector<16xi32>
    %broadcast_in_dim3A_228 = arith.constant 15 : i32
    %broadcast_in_dim3A_229 = vector.broadcast %broadcast_in_dim3A_228 : i32 to vector<16xi32>
    %select_n3A_230 = arith.select %gt3A_227, %broadcast_in_dim3A_229, %shift_right_arithmetic3A_224 : vector<16xi1>, vector<16xi32>
    %mul3A_231 = arith.constant 32 : i32
    %mul3A_232 = arith.muli %add3A, %mul3A_231 : i32
    %broadcast_in_dim3A_233 = vector.broadcast %mul3A_232 : i32 to vector<16xi32>
    %sub3A_234 = arith.subi %shift_right_arithmetic3A_214, %broadcast_in_dim3A_233 : vector<16xi32>
    %gather3A_235 = tpu.vector_load_idx %arg17[%sub3A_234] : memref<32xi32, #tpu.memory_space<vmem>>[vector<16xi32>], vector<16xi32>,
    %broadcast_in_dim3A_236 = arith.constant 3 : i32
    %broadcast_in_dim3A_237 = vector.broadcast %broadcast_in_dim3A_236 : i32 to vector<16xi32>
    %mul3A_238 = arith.muli %select_n3A_230, %broadcast_in_dim3A_237 : vector<16xi32>
    %add3A_239 = arith.addi %mul3A_238, %sub3A_218 : vector<16xi32>
    %broadcast_in_dim3A_240 = arith.constant 110592 : i32
    %broadcast_in_dim3A_241 = vector.broadcast %broadcast_in_dim3A_240 : i32 to vector<16xi32>
    %mul3A_242 = arith.muli %add3A_239, %broadcast_in_dim3A_241 : vector<16xi32>
    %add3A_243 = arith.addi %mul3A_242, %gather3A_235 : vector<16xi32>
    %broadcast_in_dim3A_244 = arith.constant 7 : i32
    %broadcast_in_dim3A_245 = vector.broadcast %broadcast_in_dim3A_244 : i32 to vector<16xi32>
    %shift_right_arithmetic3A_246 = arith.shrsi %add3A_243, %broadcast_in_dim3A_245 : vector<16xi32>
    %swap3A_247 = arith.constant 64 : index
    %swap3A_248 = tpu.vector_load %arg18[%swap3A_247] {strides = array<i32>} : memref<96xi32, #tpu.memory_space<vmem>>, vector<16xi32>,
    tpu.vector_store %arg18[%swap3A_247], %shift_right_arithmetic3A_246 {strides = array<i32>} : memref<96xi32, #tpu.memory_space<vmem>>, vector<16xi32>,
    %broadcast_in_dim3A_249 = arith.constant 127 : i32
    %broadcast_in_dim3A_250 = vector.broadcast %broadcast_in_dim3A_249 : i32 to vector<16xi32>
    %and3A_251 = arith.andi %add3A_243, %broadcast_in_dim3A_250 : vector<16xi32>
    %swap3A_252 = arith.constant 64 : index
    %swap3A_253 = tpu.vector_load %arg19[%swap3A_252] {strides = array<i32>} : memref<96xi32, #tpu.memory_space<vmem>>, vector<16xi32>,
    tpu.vector_store %arg19[%swap3A_252], %and3A_251 {strides = array<i32>} : memref<96xi32, #tpu.memory_space<vmem>>, vector<16xi32>,
    %mul3A_254 = arith.constant 96 : i32
    %mul3A_255 = arith.muli %add3A, %mul3A_254 : i32
    %add3A_256 = arith.constant 80 : i32
    %add3A_257 = arith.addi %mul3A_255, %add3A_256 : i32
    %broadcast_in_dim3A_258 = vector.broadcast %add3A_257 : i32 to vector<16xi32>
    %iota3A_259 = tpu.iota {dimensions = array<i32: 0>} : vector<16xi32>
    %add3A_260 = arith.addi %broadcast_in_dim3A_258, %iota3A_259 : vector<16xi32>
    %broadcast_in_dim3A_261 = arith.constant 21846 : i32
    %broadcast_in_dim3A_262 = vector.broadcast %broadcast_in_dim3A_261 : i32 to vector<16xi32>
    %mul3A_263 = arith.muli %add3A_260, %broadcast_in_dim3A_262 : vector<16xi32>
    %broadcast_in_dim3A_264 = arith.constant 16 : i32
    %broadcast_in_dim3A_265 = vector.broadcast %broadcast_in_dim3A_264 : i32 to vector<16xi32>
    %shift_right_arithmetic3A_266 = arith.shrsi %mul3A_263, %broadcast_in_dim3A_265 : vector<16xi32>
    %broadcast_in_dim3A_267 = arith.constant 3 : i32
    %broadcast_in_dim3A_268 = vector.broadcast %broadcast_in_dim3A_267 : i32 to vector<16xi32>
    %mul3A_269 = arith.muli %shift_right_arithmetic3A_266, %broadcast_in_dim3A_268 : vector<16xi32>
    %sub3A_270 = arith.subi %add3A_260, %mul3A_269 : vector<16xi32>
    %broadcast_in_dim3A_271 = arith.constant 1093 : i32
    %broadcast_in_dim3A_272 = vector.broadcast %broadcast_in_dim3A_271 : i32 to vector<16xi32>
    %mul3A_273 = arith.muli %shift_right_arithmetic3A_266, %broadcast_in_dim3A_272 : vector<16xi32>
    %broadcast_in_dim3A_274 = arith.constant 16 : i32
    %broadcast_in_dim3A_275 = vector.broadcast %broadcast_in_dim3A_274 : i32 to vector<16xi32>
    %shift_right_arithmetic3A_276 = arith.shrsi %mul3A_273, %broadcast_in_dim3A_275 : vector<16xi32>
    %broadcast_in_dim3A_277 = arith.constant 15 : i32
    %broadcast_in_dim3A_278 = vector.broadcast %broadcast_in_dim3A_277 : i32 to vector<16xi32>
    %gt3A_279 = arith.cmpi sgt, %shift_right_arithmetic3A_276, %broadcast_in_dim3A_278 : vector<16xi32>
    %broadcast_in_dim3A_280 = arith.constant 15 : i32
    %broadcast_in_dim3A_281 = vector.broadcast %broadcast_in_dim3A_280 : i32 to vector<16xi32>
    %select_n3A_282 = arith.select %gt3A_279, %broadcast_in_dim3A_281, %shift_right_arithmetic3A_276 : vector<16xi1>, vector<16xi32>
    %mul3A_283 = arith.constant 32 : i32
    %mul3A_284 = arith.muli %add3A, %mul3A_283 : i32
    %broadcast_in_dim3A_285 = vector.broadcast %mul3A_284 : i32 to vector<16xi32>
    %sub3A_286 = arith.subi %shift_right_arithmetic3A_266, %broadcast_in_dim3A_285 : vector<16xi32>
    %gather3A_287 = tpu.vector_load_idx %arg17[%sub3A_286] : memref<32xi32, #tpu.memory_space<vmem>>[vector<16xi32>], vector<16xi32>,
    %broadcast_in_dim3A_288 = arith.constant 3 : i32
    %broadcast_in_dim3A_289 = vector.broadcast %broadcast_in_dim3A_288 : i32 to vector<16xi32>
    %mul3A_290 = arith.muli %select_n3A_282, %broadcast_in_dim3A_289 : vector<16xi32>
    %add3A_291 = arith.addi %mul3A_290, %sub3A_270 : vector<16xi32>
    %broadcast_in_dim3A_292 = arith.constant 110592 : i32
    %broadcast_in_dim3A_293 = vector.broadcast %broadcast_in_dim3A_292 : i32 to vector<16xi32>
    %mul3A_294 = arith.muli %add3A_291, %broadcast_in_dim3A_293 : vector<16xi32>
    %add3A_295 = arith.addi %mul3A_294, %gather3A_287 : vector<16xi32>
    %broadcast_in_dim3A_296 = arith.constant 7 : i32
    %broadcast_in_dim3A_297 = vector.broadcast %broadcast_in_dim3A_296 : i32 to vector<16xi32>
    %shift_right_arithmetic3A_298 = arith.shrsi %add3A_295, %broadcast_in_dim3A_297 : vector<16xi32>
    %swap3A_299 = arith.constant 80 : index
    %swap3A_300 = tpu.vector_load %arg18[%swap3A_299] {strides = array<i32>} : memref<96xi32, #tpu.memory_space<vmem>>, vector<16xi32>,
    tpu.vector_store %arg18[%swap3A_299], %shift_right_arithmetic3A_298 {strides = array<i32>} : memref<96xi32, #tpu.memory_space<vmem>>, vector<16xi32>,
    %broadcast_in_dim3A_301 = arith.constant 127 : i32
    %broadcast_in_dim3A_302 = vector.broadcast %broadcast_in_dim3A_301 : i32 to vector<16xi32>
    %and3A_303 = arith.andi %add3A_295, %broadcast_in_dim3A_302 : vector<16xi32>
    %swap3A_304 = arith.constant 80 : index
    %swap3A_305 = tpu.vector_load %arg19[%swap3A_304] {strides = array<i32>} : memref<96xi32, #tpu.memory_space<vmem>>, vector<16xi32>,
    tpu.vector_store %arg19[%swap3A_304], %and3A_303 {strides = array<i32>} : memref<96xi32, #tpu.memory_space<vmem>>, vector<16xi32>,
    %dma_start3A = arith.constant 0 : i32
    %dma_start3A_306 = arith.constant 0 : i32
    %dma_start3A_307 = tpu.memref_slice %arg2[%dma_start3A, %dma_start3A_306] : memref<41472x128xf32, #tpu.memory_space<hbm>> -> memref<41472x128xf32, #tpu.memory_space<hbm>>
    tpu.enqueue_indirect_dma source(%dma_start3A_307 : memref<41472x128xf32, #tpu.memory_space<hbm>>) target(%arg20 : memref<96x128xf32, #tpu.memory_space<vmem>>) offsets(%arg18 : memref<96xi32, #tpu.memory_space<vmem>>) semaphore(%arg24 : memref<!tpu.dma_semaphore, #tpu.memory_space<semaphore_mem>>)
    %dma_start3A_308 = arith.constant 0 : i32
    %dma_start3A_309 = arith.constant 0 : i32
    %dma_start3A_310 = tpu.memref_slice %arg3[%dma_start3A_308, %dma_start3A_309] : memref<41472x128xf32, #tpu.memory_space<hbm>> -> memref<41472x128xf32, #tpu.memory_space<hbm>>
    tpu.enqueue_indirect_dma source(%dma_start3A_310 : memref<41472x128xf32, #tpu.memory_space<hbm>>) target(%arg21 : memref<96x128xf32, #tpu.memory_space<vmem>>) offsets(%arg18 : memref<96xi32, #tpu.memory_space<vmem>>) semaphore(%arg25 : memref<!tpu.dma_semaphore, #tpu.memory_space<semaphore_mem>>)
    %dma_wait3A = arith.constant 0 : i32
    %dma_wait3A_311 = arith.constant 0 : i32
    %dma_wait3A_312 = tpu.memref_slice %arg2[%dma_wait3A, %dma_wait3A_311] : memref<41472x128xf32, #tpu.memory_space<hbm>> -> memref<41472x128xf32, #tpu.memory_space<hbm>>
    tpu.wait_indirect_dma semaphore(%arg24 : memref<!tpu.dma_semaphore, #tpu.memory_space<semaphore_mem>>) src(%dma_wait3A_312 : memref<41472x128xf32, #tpu.memory_space<hbm>>) dst(%arg20 : memref<96x128xf32, #tpu.memory_space<vmem>>)
    %dma_wait3A_313 = arith.constant 0 : i32
    %dma_wait3A_314 = arith.constant 0 : i32
    %dma_wait3A_315 = tpu.memref_slice %arg3[%dma_wait3A_313, %dma_wait3A_314] : memref<41472x128xf32, #tpu.memory_space<hbm>> -> memref<41472x128xf32, #tpu.memory_space<hbm>>
    tpu.wait_indirect_dma semaphore(%arg25 : memref<!tpu.dma_semaphore, #tpu.memory_space<semaphore_mem>>) src(%dma_wait3A_315 : memref<41472x128xf32, #tpu.memory_space<hbm>>) dst(%arg21 : memref<96x128xf32, #tpu.memory_space<vmem>>)
    %broadcast_in_dim3A_316 = arith.constant 0 : i32
    %broadcast_in_dim3A_317 = vector.broadcast %broadcast_in_dim3A_316 : i32 to vector<16xi32>
    %iota3A_318 = tpu.iota {dimensions = array<i32: 0>} : vector<16xi32>
    %add3A_319 = arith.addi %broadcast_in_dim3A_317, %iota3A_318 : vector<16xi32>
    %get3A = arith.constant 0 : index
    %get3A_320 = tpu.vector_load %arg19[%get3A] {strides = array<i32>} : memref<96xi32, #tpu.memory_space<vmem>>, vector<16xi32>,
    %gather3A_321 = tpu.vector_load_idx %arg20[%add3A_319, %get3A_320] : memref<96x128xf32, #tpu.memory_space<vmem>>[vector<16xi32>, vector<16xi32>], vector<16xf32>,
    %swap3A_322 = arith.constant 0 : index
    %swap3A_323 = tpu.vector_load %arg22[%swap3A_322] {strides = array<i32>} : memref<96xf32, #tpu.memory_space<vmem>>, vector<16xf32>,
    tpu.vector_store %arg22[%swap3A_322], %gather3A_321 {strides = array<i32>} : memref<96xf32, #tpu.memory_space<vmem>>, vector<16xf32>,
    %gather3A_324 = tpu.vector_load_idx %arg21[%add3A_319, %get3A_320] : memref<96x128xf32, #tpu.memory_space<vmem>>[vector<16xi32>, vector<16xi32>], vector<16xf32>,
    %swap3A_325 = arith.constant 0 : index
    %swap3A_326 = tpu.vector_load %arg23[%swap3A_325] {strides = array<i32>} : memref<96xf32, #tpu.memory_space<vmem>>, vector<16xf32>,
    tpu.vector_store %arg23[%swap3A_325], %gather3A_324 {strides = array<i32>} : memref<96xf32, #tpu.memory_space<vmem>>, vector<16xf32>,
    %broadcast_in_dim3A_327 = arith.constant 16 : i32
    %broadcast_in_dim3A_328 = vector.broadcast %broadcast_in_dim3A_327 : i32 to vector<16xi32>
    %iota3A_329 = tpu.iota {dimensions = array<i32: 0>} : vector<16xi32>
    %add3A_330 = arith.addi %broadcast_in_dim3A_328, %iota3A_329 : vector<16xi32>
    %get3A_331 = arith.constant 16 : index
    %get3A_332 = tpu.vector_load %arg19[%get3A_331] {strides = array<i32>} : memref<96xi32, #tpu.memory_space<vmem>>, vector<16xi32>,
    %gather3A_333 = tpu.vector_load_idx %arg20[%add3A_330, %get3A_332] : memref<96x128xf32, #tpu.memory_space<vmem>>[vector<16xi32>, vector<16xi32>], vector<16xf32>,
    %swap3A_334 = arith.constant 16 : index
    %swap3A_335 = tpu.vector_load %arg22[%swap3A_334] {strides = array<i32>} : memref<96xf32, #tpu.memory_space<vmem>>, vector<16xf32>,
    tpu.vector_store %arg22[%swap3A_334], %gather3A_333 {strides = array<i32>} : memref<96xf32, #tpu.memory_space<vmem>>, vector<16xf32>,
    %gather3A_336 = tpu.vector_load_idx %arg21[%add3A_330, %get3A_332] : memref<96x128xf32, #tpu.memory_space<vmem>>[vector<16xi32>, vector<16xi32>], vector<16xf32>,
    %swap3A_337 = arith.constant 16 : index
    %swap3A_338 = tpu.vector_load %arg23[%swap3A_337] {strides = array<i32>} : memref<96xf32, #tpu.memory_space<vmem>>, vector<16xf32>,
    tpu.vector_store %arg23[%swap3A_337], %gather3A_336 {strides = array<i32>} : memref<96xf32, #tpu.memory_space<vmem>>, vector<16xf32>,
    %broadcast_in_dim3A_339 = arith.constant 32 : i32
    %broadcast_in_dim3A_340 = vector.broadcast %broadcast_in_dim3A_339 : i32 to vector<16xi32>
    %iota3A_341 = tpu.iota {dimensions = array<i32: 0>} : vector<16xi32>
    %add3A_342 = arith.addi %broadcast_in_dim3A_340, %iota3A_341 : vector<16xi32>
    %get3A_343 = arith.constant 32 : index
    %get3A_344 = tpu.vector_load %arg19[%get3A_343] {strides = array<i32>} : memref<96xi32, #tpu.memory_space<vmem>>, vector<16xi32>,
    %gather3A_345 = tpu.vector_load_idx %arg20[%add3A_342, %get3A_344] : memref<96x128xf32, #tpu.memory_space<vmem>>[vector<16xi32>, vector<16xi32>], vector<16xf32>,
    %swap3A_346 = arith.constant 32 : index
    %swap3A_347 = tpu.vector_load %arg22[%swap3A_346] {strides = array<i32>} : memref<96xf32, #tpu.memory_space<vmem>>, vector<16xf32>,
    tpu.vector_store %arg22[%swap3A_346], %gather3A_345 {strides = array<i32>} : memref<96xf32, #tpu.memory_space<vmem>>, vector<16xf32>,
    %gather3A_348 = tpu.vector_load_idx %arg21[%add3A_342, %get3A_344] : memref<96x128xf32, #tpu.memory_space<vmem>>[vector<16xi32>, vector<16xi32>], vector<16xf32>,
    %swap3A_349 = arith.constant 32 : index
    %swap3A_350 = tpu.vector_load %arg23[%swap3A_349] {strides = array<i32>} : memref<96xf32, #tpu.memory_space<vmem>>, vector<16xf32>,
    tpu.vector_store %arg23[%swap3A_349], %gather3A_348 {strides = array<i32>} : memref<96xf32, #tpu.memory_space<vmem>>, vector<16xf32>,
    %broadcast_in_dim3A_351 = arith.constant 48 : i32
    %broadcast_in_dim3A_352 = vector.broadcast %broadcast_in_dim3A_351 : i32 to vector<16xi32>
    %iota3A_353 = tpu.iota {dimensions = array<i32: 0>} : vector<16xi32>
    %add3A_354 = arith.addi %broadcast_in_dim3A_352, %iota3A_353 : vector<16xi32>
    %get3A_355 = arith.constant 48 : index
    %get3A_356 = tpu.vector_load %arg19[%get3A_355] {strides = array<i32>} : memref<96xi32, #tpu.memory_space<vmem>>, vector<16xi32>,
    %gather3A_357 = tpu.vector_load_idx %arg20[%add3A_354, %get3A_356] : memref<96x128xf32, #tpu.memory_space<vmem>>[vector<16xi32>, vector<16xi32>], vector<16xf32>,
    %swap3A_358 = arith.constant 48 : index
    %swap3A_359 = tpu.vector_load %arg22[%swap3A_358] {strides = array<i32>} : memref<96xf32, #tpu.memory_space<vmem>>, vector<16xf32>,
    tpu.vector_store %arg22[%swap3A_358], %gather3A_357 {strides = array<i32>} : memref<96xf32, #tpu.memory_space<vmem>>, vector<16xf32>,
    %gather3A_360 = tpu.vector_load_idx %arg21[%add3A_354, %get3A_356] : memref<96x128xf32, #tpu.memory_space<vmem>>[vector<16xi32>, vector<16xi32>], vector<16xf32>,
    %swap3A_361 = arith.constant 48 : index
    %swap3A_362 = tpu.vector_load %arg23[%swap3A_361] {strides = array<i32>} : memref<96xf32, #tpu.memory_space<vmem>>, vector<16xf32>,
    tpu.vector_store %arg23[%swap3A_361], %gather3A_360 {strides = array<i32>} : memref<96xf32, #tpu.memory_space<vmem>>, vector<16xf32>,
    %broadcast_in_dim3A_363 = arith.constant 64 : i32
    %broadcast_in_dim3A_364 = vector.broadcast %broadcast_in_dim3A_363 : i32 to vector<16xi32>
    %iota3A_365 = tpu.iota {dimensions = array<i32: 0>} : vector<16xi32>
    %add3A_366 = arith.addi %broadcast_in_dim3A_364, %iota3A_365 : vector<16xi32>
    %get3A_367 = arith.constant 64 : index
    %get3A_368 = tpu.vector_load %arg19[%get3A_367] {strides = array<i32>} : memref<96xi32, #tpu.memory_space<vmem>>, vector<16xi32>,
    %gather3A_369 = tpu.vector_load_idx %arg20[%add3A_366, %get3A_368] : memref<96x128xf32, #tpu.memory_space<vmem>>[vector<16xi32>, vector<16xi32>], vector<16xf32>,
    %swap3A_370 = arith.constant 64 : index
    %swap3A_371 = tpu.vector_load %arg22[%swap3A_370] {strides = array<i32>} : memref<96xf32, #tpu.memory_space<vmem>>, vector<16xf32>,
    tpu.vector_store %arg22[%swap3A_370], %gather3A_369 {strides = array<i32>} : memref<96xf32, #tpu.memory_space<vmem>>, vector<16xf32>,
    %gather3A_372 = tpu.vector_load_idx %arg21[%add3A_366, %get3A_368] : memref<96x128xf32, #tpu.memory_space<vmem>>[vector<16xi32>, vector<16xi32>], vector<16xf32>,
    %swap3A_373 = arith.constant 64 : index
    %swap3A_374 = tpu.vector_load %arg23[%swap3A_373] {strides = array<i32>} : memref<96xf32, #tpu.memory_space<vmem>>, vector<16xf32>,
    tpu.vector_store %arg23[%swap3A_373], %gather3A_372 {strides = array<i32>} : memref<96xf32, #tpu.memory_space<vmem>>, vector<16xf32>,
    %broadcast_in_dim3A_375 = arith.constant 80 : i32
    %broadcast_in_dim3A_376 = vector.broadcast %broadcast_in_dim3A_375 : i32 to vector<16xi32>
    %iota3A_377 = tpu.iota {dimensions = array<i32: 0>} : vector<16xi32>
    %add3A_378 = arith.addi %broadcast_in_dim3A_376, %iota3A_377 : vector<16xi32>
    %get3A_379 = arith.constant 80 : index
    %get3A_380 = tpu.vector_load %arg19[%get3A_379] {strides = array<i32>} : memref<96xi32, #tpu.memory_space<vmem>>, vector<16xi32>,
    %gather3A_381 = tpu.vector_load_idx %arg20[%add3A_378, %get3A_380] : memref<96x128xf32, #tpu.memory_space<vmem>>[vector<16xi32>, vector<16xi32>], vector<16xf32>,
    %swap3A_382 = arith.constant 80 : index
    %swap3A_383 = tpu.vector_load %arg22[%swap3A_382] {strides = array<i32>} : memref<96xf32, #tpu.memory_space<vmem>>, vector<16xf32>,
    tpu.vector_store %arg22[%swap3A_382], %gather3A_381 {strides = array<i32>} : memref<96xf32, #tpu.memory_space<vmem>>, vector<16xf32>,
    %gather3A_384 = tpu.vector_load_idx %arg21[%add3A_378, %get3A_380] : memref<96x128xf32, #tpu.memory_space<vmem>>[vector<16xi32>, vector<16xi32>], vector<16xf32>,
    %swap3A_385 = arith.constant 80 : index
    %swap3A_386 = tpu.vector_load %arg23[%swap3A_385] {strides = array<i32>} : memref<96xf32, #tpu.memory_space<vmem>>, vector<16xf32>,
    tpu.vector_store %arg23[%swap3A_385], %gather3A_384 {strides = array<i32>} : memref<96xf32, #tpu.memory_space<vmem>>, vector<16xf32>,
    %mul3A_387 = arith.constant 96 : i32
    %mul3A_388 = arith.muli %add3A, %mul3A_387 : i32
    "tpu.region"() ({
      %run_scoped3A = tpu.sem_alloc : memref<!tpu.dma_semaphore, #tpu.memory_space<semaphore_mem>>
      %dma_start3A_1195 = tpu.memref_slice %arg11[%mul3A_388] : memref<3072xf32, #tpu.memory_space<hbm>> -> memref<96xf32, #tpu.memory_space<hbm>>
      %dma_start3A_1196 = tpu.memref_slice %arg11[%mul3A_388] : memref<3072xf32, #tpu.memory_space<hbm>> -> memref<96xf32, #tpu.memory_space<hbm>>
      tpu.enqueue_dma source(%arg22 : memref<96xf32, #tpu.memory_space<vmem>>) target(%dma_start3A_1196 : memref<96xf32, #tpu.memory_space<hbm>>) target_semaphore(%run_scoped3A : memref<!tpu.dma_semaphore, #tpu.memory_space<semaphore_mem>>)
      %dma_wait3A_1197 = tpu.memref_slice %arg11[%mul3A_388] : memref<3072xf32, #tpu.memory_space<hbm>> -> memref<96xf32, #tpu.memory_space<hbm>>
      %dma_wait3A_1198 = tpu.memref_slice %arg11[%mul3A_388] : memref<3072xf32, #tpu.memory_space<hbm>> -> memref<96xf32, #tpu.memory_space<hbm>>
      tpu.wait_dma2 semaphore(%run_scoped3A : memref<!tpu.dma_semaphore, #tpu.memory_space<semaphore_mem>>) src(%arg22 : memref<96xf32, #tpu.memory_space<vmem>>) dst(%dma_wait3A_1198 : memref<96xf32, #tpu.memory_space<hbm>>)
      tpu.yield
    }) : () -> ()
    %mul3A_389 = arith.constant 96 : i32
    %mul3A_390 = arith.muli %add3A, %mul3A_389 : i32
    "tpu.region"() ({
      %run_scoped3A = tpu.sem_alloc : memref<!tpu.dma_semaphore, #tpu.memory_space<semaphore_mem>>
      %dma_start3A_1195 = tpu.memref_slice %arg12[%mul3A_390] : memref<3072xf32, #tpu.memory_space<hbm>> -> memref<96xf32, #tpu.memory_space<hbm>>
      %dma_start3A_1196 = tpu.memref_slice %arg12[%mul3A_390] : memref<3072xf32, #tpu.memory_space<hbm>> -> memref<96xf32, #tpu.memory_space<hbm>>
      tpu.enqueue_dma source(%arg23 : memref<96xf32, #tpu.memory_space<vmem>>) target(%dma_start3A_1196 : memref<96xf32, #tpu.memory_space<hbm>>) target_semaphore(%run_scoped3A : memref<!tpu.dma_semaphore, #tpu.memory_space<semaphore_mem>>)
      %dma_wait3A_1197 = tpu.memref_slice %arg12[%mul3A_390] : memref<3072xf32, #tpu.memory_space<hbm>> -> memref<96xf32, #tpu.memory_space<hbm>>
      %dma_wait3A_1198 = tpu.memref_slice %arg12[%mul3A_390] : memref<3072xf32, #tpu.memory_space<hbm>> -> memref<96xf32, #tpu.memory_space<hbm>>
      tpu.wait_dma2 semaphore(%run_scoped3A : memref<!tpu.dma_semaphore, #tpu.memory_space<semaphore_mem>>) src(%arg23 : memref<96xf32, #tpu.memory_space<vmem>>) dst(%dma_wait3A_1198 : memref<96xf32, #tpu.memory_space<hbm>>)
      tpu.yield
    }) : () -> ()
    %mul3A_391 = arith.constant 32 : i32
    %mul3A_392 = arith.muli %add3A, %mul3A_391 : i32
    "tpu.region"() ({
      %run_scoped3A = tpu.sem_alloc : memref<!tpu.dma_semaphore, #tpu.memory_space<semaphore_mem>>
      %dma_start3A_1195 = tpu.memref_slice %arg9[%mul3A_392] : memref<1024xi32, #tpu.memory_space<hbm>> -> memref<32xi32, #tpu.memory_space<hbm>>
      %dma_start3A_1196 = tpu.memref_slice %arg9[%mul3A_392] : memref<1024xi32, #tpu.memory_space<hbm>> -> memref<32xi32, #tpu.memory_space<hbm>>
      tpu.enqueue_dma source(%dma_start3A_1196 : memref<32xi32, #tpu.memory_space<hbm>>) target(%arg17 : memref<32xi32, #tpu.memory_space<vmem>>) target_semaphore(%run_scoped3A : memref<!tpu.dma_semaphore, #tpu.memory_space<semaphore_mem>>)
      %dma_wait3A_1197 = tpu.memref_slice %arg9[%mul3A_392] : memref<1024xi32, #tpu.memory_space<hbm>> -> memref<32xi32, #tpu.memory_space<hbm>>
      %dma_wait3A_1198 = tpu.memref_slice %arg9[%mul3A_392] : memref<1024xi32, #tpu.memory_space<hbm>> -> memref<32xi32, #tpu.memory_space<hbm>>
      tpu.wait_dma2 semaphore(%run_scoped3A : memref<!tpu.dma_semaphore, #tpu.memory_space<semaphore_mem>>) src(%dma_wait3A_1198 : memref<32xi32, #tpu.memory_space<hbm>>) dst(%arg17 : memref<32xi32, #tpu.memory_space<vmem>>)
      tpu.yield
    }) : () -> ()
    %mul3A_393 = arith.constant 96 : i32
    %mul3A_394 = arith.muli %add3A, %mul3A_393 : i32
    %add3A_395 = arith.constant 0 : i32
    %add3A_396 = arith.addi %mul3A_394, %add3A_395 : i32
    %broadcast_in_dim3A_397 = vector.broadcast %add3A_396 : i32 to vector<16xi32>
    %iota3A_398 = tpu.iota {dimensions = array<i32: 0>} : vector<16xi32>
    %add3A_399 = arith.addi %broadcast_in_dim3A_397, %iota3A_398 : vector<16xi32>
    %broadcast_in_dim3A_400 = arith.constant 21846 : i32
    %broadcast_in_dim3A_401 = vector.broadcast %broadcast_in_dim3A_400 : i32 to vector<16xi32>
    %mul3A_402 = arith.muli %add3A_399, %broadcast_in_dim3A_401 : vector<16xi32>
    %broadcast_in_dim3A_403 = arith.constant 16 : i32
    %broadcast_in_dim3A_404 = vector.broadcast %broadcast_in_dim3A_403 : i32 to vector<16xi32>
    %shift_right_arithmetic3A_405 = arith.shrsi %mul3A_402, %broadcast_in_dim3A_404 : vector<16xi32>
    %broadcast_in_dim3A_406 = arith.constant 3 : i32
    %broadcast_in_dim3A_407 = vector.broadcast %broadcast_in_dim3A_406 : i32 to vector<16xi32>
    %mul3A_408 = arith.muli %shift_right_arithmetic3A_405, %broadcast_in_dim3A_407 : vector<16xi32>
    %sub3A_409 = arith.subi %add3A_399, %mul3A_408 : vector<16xi32>
    %broadcast_in_dim3A_410 = arith.constant 1093 : i32
    %broadcast_in_dim3A_411 = vector.broadcast %broadcast_in_dim3A_410 : i32 to vector<16xi32>
    %mul3A_412 = arith.muli %shift_right_arithmetic3A_405, %broadcast_in_dim3A_411 : vector<16xi32>
    %broadcast_in_dim3A_413 = arith.constant 16 : i32
    %broadcast_in_dim3A_414 = vector.broadcast %broadcast_in_dim3A_413 : i32 to vector<16xi32>
    %shift_right_arithmetic3A_415 = arith.shrsi %mul3A_412, %broadcast_in_dim3A_414 : vector<16xi32>
    %broadcast_in_dim3A_416 = arith.constant 15 : i32
    %broadcast_in_dim3A_417 = vector.broadcast %broadcast_in_dim3A_416 : i32 to vector<16xi32>
    %gt3A_418 = arith.cmpi sgt, %shift_right_arithmetic3A_415, %broadcast_in_dim3A_417 : vector<16xi32>
    %broadcast_in_dim3A_419 = arith.constant 15 : i32
    %broadcast_in_dim3A_420 = vector.broadcast %broadcast_in_dim3A_419 : i32 to vector<16xi32>
    %select_n3A_421 = arith.select %gt3A_418, %broadcast_in_dim3A_420, %shift_right_arithmetic3A_415 : vector<16xi1>, vector<16xi32>
    %mul3A_422 = arith.constant 32 : i32
    %mul3A_423 = arith.muli %add3A, %mul3A_422 : i32
    %broadcast_in_dim3A_424 = vector.broadcast %mul3A_423 : i32 to vector<16xi32>
    %sub3A_425 = arith.subi %shift_right_arithmetic3A_405, %broadcast_in_dim3A_424 : vector<16xi32>
    %gather3A_426 = tpu.vector_load_idx %arg17[%sub3A_425] : memref<32xi32, #tpu.memory_space<vmem>>[vector<16xi32>], vector<16xi32>,
    %broadcast_in_dim3A_427 = arith.constant 3 : i32
    %broadcast_in_dim3A_428 = vector.broadcast %broadcast_in_dim3A_427 : i32 to vector<16xi32>
    %mul3A_429 = arith.muli %select_n3A_421, %broadcast_in_dim3A_428 : vector<16xi32>
    %add3A_430 = arith.addi %mul3A_429, %sub3A_409 : vector<16xi32>
    %broadcast_in_dim3A_431 = arith.constant 13824 : i32
    %broadcast_in_dim3A_432 = vector.broadcast %broadcast_in_dim3A_431 : i32 to vector<16xi32>
    %mul3A_433 = arith.muli %add3A_430, %broadcast_in_dim3A_432 : vector<16xi32>
    %add3A_434 = arith.addi %mul3A_433, %gather3A_426 : vector<16xi32>
    %broadcast_in_dim3A_435 = arith.constant 7 : i32
    %broadcast_in_dim3A_436 = vector.broadcast %broadcast_in_dim3A_435 : i32 to vector<16xi32>
    %shift_right_arithmetic3A_437 = arith.shrsi %add3A_434, %broadcast_in_dim3A_436 : vector<16xi32>
    %swap3A_438 = arith.constant 0 : index
    %swap3A_439 = tpu.vector_load %arg18[%swap3A_438] {strides = array<i32>} : memref<96xi32, #tpu.memory_space<vmem>>, vector<16xi32>,
    tpu.vector_store %arg18[%swap3A_438], %shift_right_arithmetic3A_437 {strides = array<i32>} : memref<96xi32, #tpu.memory_space<vmem>>, vector<16xi32>,
    %broadcast_in_dim3A_440 = arith.constant 127 : i32
    %broadcast_in_dim3A_441 = vector.broadcast %broadcast_in_dim3A_440 : i32 to vector<16xi32>
    %and3A_442 = arith.andi %add3A_434, %broadcast_in_dim3A_441 : vector<16xi32>
    %swap3A_443 = arith.constant 0 : index
    %swap3A_444 = tpu.vector_load %arg19[%swap3A_443] {strides = array<i32>} : memref<96xi32, #tpu.memory_space<vmem>>, vector<16xi32>,
    tpu.vector_store %arg19[%swap3A_443], %and3A_442 {strides = array<i32>} : memref<96xi32, #tpu.memory_space<vmem>>, vector<16xi32>,
    %mul3A_445 = arith.constant 96 : i32
    %mul3A_446 = arith.muli %add3A, %mul3A_445 : i32
    %add3A_447 = arith.constant 16 : i32
    %add3A_448 = arith.addi %mul3A_446, %add3A_447 : i32
    %broadcast_in_dim3A_449 = vector.broadcast %add3A_448 : i32 to vector<16xi32>
    %iota3A_450 = tpu.iota {dimensions = array<i32: 0>} : vector<16xi32>
    %add3A_451 = arith.addi %broadcast_in_dim3A_449, %iota3A_450 : vector<16xi32>
    %broadcast_in_dim3A_452 = arith.constant 21846 : i32
    %broadcast_in_dim3A_453 = vector.broadcast %broadcast_in_dim3A_452 : i32 to vector<16xi32>
    %mul3A_454 = arith.muli %add3A_451, %broadcast_in_dim3A_453 : vector<16xi32>
    %broadcast_in_dim3A_455 = arith.constant 16 : i32
    %broadcast_in_dim3A_456 = vector.broadcast %broadcast_in_dim3A_455 : i32 to vector<16xi32>
    %shift_right_arithmetic3A_457 = arith.shrsi %mul3A_454, %broadcast_in_dim3A_456 : vector<16xi32>
    %broadcast_in_dim3A_458 = arith.constant 3 : i32
    %broadcast_in_dim3A_459 = vector.broadcast %broadcast_in_dim3A_458 : i32 to vector<16xi32>
    %mul3A_460 = arith.muli %shift_right_arithmetic3A_457, %broadcast_in_dim3A_459 : vector<16xi32>
    %sub3A_461 = arith.subi %add3A_451, %mul3A_460 : vector<16xi32>
    %broadcast_in_dim3A_462 = arith.constant 1093 : i32
    %broadcast_in_dim3A_463 = vector.broadcast %broadcast_in_dim3A_462 : i32 to vector<16xi32>
    %mul3A_464 = arith.muli %shift_right_arithmetic3A_457, %broadcast_in_dim3A_463 : vector<16xi32>
    %broadcast_in_dim3A_465 = arith.constant 16 : i32
    %broadcast_in_dim3A_466 = vector.broadcast %broadcast_in_dim3A_465 : i32 to vector<16xi32>
    %shift_right_arithmetic3A_467 = arith.shrsi %mul3A_464, %broadcast_in_dim3A_466 : vector<16xi32>
    %broadcast_in_dim3A_468 = arith.constant 15 : i32
    %broadcast_in_dim3A_469 = vector.broadcast %broadcast_in_dim3A_468 : i32 to vector<16xi32>
    %gt3A_470 = arith.cmpi sgt, %shift_right_arithmetic3A_467, %broadcast_in_dim3A_469 : vector<16xi32>
    %broadcast_in_dim3A_471 = arith.constant 15 : i32
    %broadcast_in_dim3A_472 = vector.broadcast %broadcast_in_dim3A_471 : i32 to vector<16xi32>
    %select_n3A_473 = arith.select %gt3A_470, %broadcast_in_dim3A_472, %shift_right_arithmetic3A_467 : vector<16xi1>, vector<16xi32>
    %mul3A_474 = arith.constant 32 : i32
    %mul3A_475 = arith.muli %add3A, %mul3A_474 : i32
    %broadcast_in_dim3A_476 = vector.broadcast %mul3A_475 : i32 to vector<16xi32>
    %sub3A_477 = arith.subi %shift_right_arithmetic3A_457, %broadcast_in_dim3A_476 : vector<16xi32>
    %gather3A_478 = tpu.vector_load_idx %arg17[%sub3A_477] : memref<32xi32, #tpu.memory_space<vmem>>[vector<16xi32>], vector<16xi32>,
    %broadcast_in_dim3A_479 = arith.constant 3 : i32
    %broadcast_in_dim3A_480 = vector.broadcast %broadcast_in_dim3A_479 : i32 to vector<16xi32>
    %mul3A_481 = arith.muli %select_n3A_473, %broadcast_in_dim3A_480 : vector<16xi32>
    %add3A_482 = arith.addi %mul3A_481, %sub3A_461 : vector<16xi32>
    %broadcast_in_dim3A_483 = arith.constant 13824 : i32
    %broadcast_in_dim3A_484 = vector.broadcast %broadcast_in_dim3A_483 : i32 to vector<16xi32>
    %mul3A_485 = arith.muli %add3A_482, %broadcast_in_dim3A_484 : vector<16xi32>
    %add3A_486 = arith.addi %mul3A_485, %gather3A_478 : vector<16xi32>
    %broadcast_in_dim3A_487 = arith.constant 7 : i32
    %broadcast_in_dim3A_488 = vector.broadcast %broadcast_in_dim3A_487 : i32 to vector<16xi32>
    %shift_right_arithmetic3A_489 = arith.shrsi %add3A_486, %broadcast_in_dim3A_488 : vector<16xi32>
    %swap3A_490 = arith.constant 16 : index
    %swap3A_491 = tpu.vector_load %arg18[%swap3A_490] {strides = array<i32>} : memref<96xi32, #tpu.memory_space<vmem>>, vector<16xi32>,
    tpu.vector_store %arg18[%swap3A_490], %shift_right_arithmetic3A_489 {strides = array<i32>} : memref<96xi32, #tpu.memory_space<vmem>>, vector<16xi32>,
    %broadcast_in_dim3A_492 = arith.constant 127 : i32
    %broadcast_in_dim3A_493 = vector.broadcast %broadcast_in_dim3A_492 : i32 to vector<16xi32>
    %and3A_494 = arith.andi %add3A_486, %broadcast_in_dim3A_493 : vector<16xi32>
    %swap3A_495 = arith.constant 16 : index
    %swap3A_496 = tpu.vector_load %arg19[%swap3A_495] {strides = array<i32>} : memref<96xi32, #tpu.memory_space<vmem>>, vector<16xi32>,
    tpu.vector_store %arg19[%swap3A_495], %and3A_494 {strides = array<i32>} : memref<96xi32, #tpu.memory_space<vmem>>, vector<16xi32>,
    %mul3A_497 = arith.constant 96 : i32
    %mul3A_498 = arith.muli %add3A, %mul3A_497 : i32
    %add3A_499 = arith.constant 32 : i32
    %add3A_500 = arith.addi %mul3A_498, %add3A_499 : i32
    %broadcast_in_dim3A_501 = vector.broadcast %add3A_500 : i32 to vector<16xi32>
    %iota3A_502 = tpu.iota {dimensions = array<i32: 0>} : vector<16xi32>
    %add3A_503 = arith.addi %broadcast_in_dim3A_501, %iota3A_502 : vector<16xi32>
    %broadcast_in_dim3A_504 = arith.constant 21846 : i32
    %broadcast_in_dim3A_505 = vector.broadcast %broadcast_in_dim3A_504 : i32 to vector<16xi32>
    %mul3A_506 = arith.muli %add3A_503, %broadcast_in_dim3A_505 : vector<16xi32>
    %broadcast_in_dim3A_507 = arith.constant 16 : i32
    %broadcast_in_dim3A_508 = vector.broadcast %broadcast_in_dim3A_507 : i32 to vector<16xi32>
    %shift_right_arithmetic3A_509 = arith.shrsi %mul3A_506, %broadcast_in_dim3A_508 : vector<16xi32>
    %broadcast_in_dim3A_510 = arith.constant 3 : i32
    %broadcast_in_dim3A_511 = vector.broadcast %broadcast_in_dim3A_510 : i32 to vector<16xi32>
    %mul3A_512 = arith.muli %shift_right_arithmetic3A_509, %broadcast_in_dim3A_511 : vector<16xi32>
    %sub3A_513 = arith.subi %add3A_503, %mul3A_512 : vector<16xi32>
    %broadcast_in_dim3A_514 = arith.constant 1093 : i32
    %broadcast_in_dim3A_515 = vector.broadcast %broadcast_in_dim3A_514 : i32 to vector<16xi32>
    %mul3A_516 = arith.muli %shift_right_arithmetic3A_509, %broadcast_in_dim3A_515 : vector<16xi32>
    %broadcast_in_dim3A_517 = arith.constant 16 : i32
    %broadcast_in_dim3A_518 = vector.broadcast %broadcast_in_dim3A_517 : i32 to vector<16xi32>
    %shift_right_arithmetic3A_519 = arith.shrsi %mul3A_516, %broadcast_in_dim3A_518 : vector<16xi32>
    %broadcast_in_dim3A_520 = arith.constant 15 : i32
    %broadcast_in_dim3A_521 = vector.broadcast %broadcast_in_dim3A_520 : i32 to vector<16xi32>
    %gt3A_522 = arith.cmpi sgt, %shift_right_arithmetic3A_519, %broadcast_in_dim3A_521 : vector<16xi32>
    %broadcast_in_dim3A_523 = arith.constant 15 : i32
    %broadcast_in_dim3A_524 = vector.broadcast %broadcast_in_dim3A_523 : i32 to vector<16xi32>
    %select_n3A_525 = arith.select %gt3A_522, %broadcast_in_dim3A_524, %shift_right_arithmetic3A_519 : vector<16xi1>, vector<16xi32>
    %mul3A_526 = arith.constant 32 : i32
    %mul3A_527 = arith.muli %add3A, %mul3A_526 : i32
    %broadcast_in_dim3A_528 = vector.broadcast %mul3A_527 : i32 to vector<16xi32>
    %sub3A_529 = arith.subi %shift_right_arithmetic3A_509, %broadcast_in_dim3A_528 : vector<16xi32>
    %gather3A_530 = tpu.vector_load_idx %arg17[%sub3A_529] : memref<32xi32, #tpu.memory_space<vmem>>[vector<16xi32>], vector<16xi32>,
    %broadcast_in_dim3A_531 = arith.constant 3 : i32
    %broadcast_in_dim3A_532 = vector.broadcast %broadcast_in_dim3A_531 : i32 to vector<16xi32>
    %mul3A_533 = arith.muli %select_n3A_525, %broadcast_in_dim3A_532 : vector<16xi32>
    %add3A_534 = arith.addi %mul3A_533, %sub3A_513 : vector<16xi32>
    %broadcast_in_dim3A_535 = arith.constant 13824 : i32
    %broadcast_in_dim3A_536 = vector.broadcast %broadcast_in_dim3A_535 : i32 to vector<16xi32>
    %mul3A_537 = arith.muli %add3A_534, %broadcast_in_dim3A_536 : vector<16xi32>
    %add3A_538 = arith.addi %mul3A_537, %gather3A_530 : vector<16xi32>
    %broadcast_in_dim3A_539 = arith.constant 7 : i32
    %broadcast_in_dim3A_540 = vector.broadcast %broadcast_in_dim3A_539 : i32 to vector<16xi32>
    %shift_right_arithmetic3A_541 = arith.shrsi %add3A_538, %broadcast_in_dim3A_540 : vector<16xi32>
    %swap3A_542 = arith.constant 32 : index
    %swap3A_543 = tpu.vector_load %arg18[%swap3A_542] {strides = array<i32>} : memref<96xi32, #tpu.memory_space<vmem>>, vector<16xi32>,
    tpu.vector_store %arg18[%swap3A_542], %shift_right_arithmetic3A_541 {strides = array<i32>} : memref<96xi32, #tpu.memory_space<vmem>>, vector<16xi32>,
    %broadcast_in_dim3A_544 = arith.constant 127 : i32
    %broadcast_in_dim3A_545 = vector.broadcast %broadcast_in_dim3A_544 : i32 to vector<16xi32>
    %and3A_546 = arith.andi %add3A_538, %broadcast_in_dim3A_545 : vector<16xi32>
    %swap3A_547 = arith.constant 32 : index
    %swap3A_548 = tpu.vector_load %arg19[%swap3A_547] {strides = array<i32>} : memref<96xi32, #tpu.memory_space<vmem>>, vector<16xi32>,
    tpu.vector_store %arg19[%swap3A_547], %and3A_546 {strides = array<i32>} : memref<96xi32, #tpu.memory_space<vmem>>, vector<16xi32>,
    %mul3A_549 = arith.constant 96 : i32
    %mul3A_550 = arith.muli %add3A, %mul3A_549 : i32
    %add3A_551 = arith.constant 48 : i32
    %add3A_552 = arith.addi %mul3A_550, %add3A_551 : i32
    %broadcast_in_dim3A_553 = vector.broadcast %add3A_552 : i32 to vector<16xi32>
    %iota3A_554 = tpu.iota {dimensions = array<i32: 0>} : vector<16xi32>
    %add3A_555 = arith.addi %broadcast_in_dim3A_553, %iota3A_554 : vector<16xi32>
    %broadcast_in_dim3A_556 = arith.constant 21846 : i32
    %broadcast_in_dim3A_557 = vector.broadcast %broadcast_in_dim3A_556 : i32 to vector<16xi32>
    %mul3A_558 = arith.muli %add3A_555, %broadcast_in_dim3A_557 : vector<16xi32>
    %broadcast_in_dim3A_559 = arith.constant 16 : i32
    %broadcast_in_dim3A_560 = vector.broadcast %broadcast_in_dim3A_559 : i32 to vector<16xi32>
    %shift_right_arithmetic3A_561 = arith.shrsi %mul3A_558, %broadcast_in_dim3A_560 : vector<16xi32>
    %broadcast_in_dim3A_562 = arith.constant 3 : i32
    %broadcast_in_dim3A_563 = vector.broadcast %broadcast_in_dim3A_562 : i32 to vector<16xi32>
    %mul3A_564 = arith.muli %shift_right_arithmetic3A_561, %broadcast_in_dim3A_563 : vector<16xi32>
    %sub3A_565 = arith.subi %add3A_555, %mul3A_564 : vector<16xi32>
    %broadcast_in_dim3A_566 = arith.constant 1093 : i32
    %broadcast_in_dim3A_567 = vector.broadcast %broadcast_in_dim3A_566 : i32 to vector<16xi32>
    %mul3A_568 = arith.muli %shift_right_arithmetic3A_561, %broadcast_in_dim3A_567 : vector<16xi32>
    %broadcast_in_dim3A_569 = arith.constant 16 : i32
    %broadcast_in_dim3A_570 = vector.broadcast %broadcast_in_dim3A_569 : i32 to vector<16xi32>
    %shift_right_arithmetic3A_571 = arith.shrsi %mul3A_568, %broadcast_in_dim3A_570 : vector<16xi32>
    %broadcast_in_dim3A_572 = arith.constant 15 : i32
    %broadcast_in_dim3A_573 = vector.broadcast %broadcast_in_dim3A_572 : i32 to vector<16xi32>
    %gt3A_574 = arith.cmpi sgt, %shift_right_arithmetic3A_571, %broadcast_in_dim3A_573 : vector<16xi32>
    %broadcast_in_dim3A_575 = arith.constant 15 : i32
    %broadcast_in_dim3A_576 = vector.broadcast %broadcast_in_dim3A_575 : i32 to vector<16xi32>
    %select_n3A_577 = arith.select %gt3A_574, %broadcast_in_dim3A_576, %shift_right_arithmetic3A_571 : vector<16xi1>, vector<16xi32>
    %mul3A_578 = arith.constant 32 : i32
    %mul3A_579 = arith.muli %add3A, %mul3A_578 : i32
    %broadcast_in_dim3A_580 = vector.broadcast %mul3A_579 : i32 to vector<16xi32>
    %sub3A_581 = arith.subi %shift_right_arithmetic3A_561, %broadcast_in_dim3A_580 : vector<16xi32>
    %gather3A_582 = tpu.vector_load_idx %arg17[%sub3A_581] : memref<32xi32, #tpu.memory_space<vmem>>[vector<16xi32>], vector<16xi32>,
    %broadcast_in_dim3A_583 = arith.constant 3 : i32
    %broadcast_in_dim3A_584 = vector.broadcast %broadcast_in_dim3A_583 : i32 to vector<16xi32>
    %mul3A_585 = arith.muli %select_n3A_577, %broadcast_in_dim3A_584 : vector<16xi32>
    %add3A_586 = arith.addi %mul3A_585, %sub3A_565 : vector<16xi32>
    %broadcast_in_dim3A_587 = arith.constant 13824 : i32
    %broadcast_in_dim3A_588 = vector.broadcast %broadcast_in_dim3A_587 : i32 to vector<16xi32>
    %mul3A_589 = arith.muli %add3A_586, %broadcast_in_dim3A_588 : vector<16xi32>
    %add3A_590 = arith.addi %mul3A_589, %gather3A_582 : vector<16xi32>
    %broadcast_in_dim3A_591 = arith.constant 7 : i32
    %broadcast_in_dim3A_592 = vector.broadcast %broadcast_in_dim3A_591 : i32 to vector<16xi32>
    %shift_right_arithmetic3A_593 = arith.shrsi %add3A_590, %broadcast_in_dim3A_592 : vector<16xi32>
    %swap3A_594 = arith.constant 48 : index
    %swap3A_595 = tpu.vector_load %arg18[%swap3A_594] {strides = array<i32>} : memref<96xi32, #tpu.memory_space<vmem>>, vector<16xi32>,
    tpu.vector_store %arg18[%swap3A_594], %shift_right_arithmetic3A_593 {strides = array<i32>} : memref<96xi32, #tpu.memory_space<vmem>>, vector<16xi32>,
    %broadcast_in_dim3A_596 = arith.constant 127 : i32
    %broadcast_in_dim3A_597 = vector.broadcast %broadcast_in_dim3A_596 : i32 to vector<16xi32>
    %and3A_598 = arith.andi %add3A_590, %broadcast_in_dim3A_597 : vector<16xi32>
    %swap3A_599 = arith.constant 48 : index
    %swap3A_600 = tpu.vector_load %arg19[%swap3A_599] {strides = array<i32>} : memref<96xi32, #tpu.memory_space<vmem>>, vector<16xi32>,
    tpu.vector_store %arg19[%swap3A_599], %and3A_598 {strides = array<i32>} : memref<96xi32, #tpu.memory_space<vmem>>, vector<16xi32>,
    %mul3A_601 = arith.constant 96 : i32
    %mul3A_602 = arith.muli %add3A, %mul3A_601 : i32
    %add3A_603 = arith.constant 64 : i32
    %add3A_604 = arith.addi %mul3A_602, %add3A_603 : i32
    %broadcast_in_dim3A_605 = vector.broadcast %add3A_604 : i32 to vector<16xi32>
    %iota3A_606 = tpu.iota {dimensions = array<i32: 0>} : vector<16xi32>
    %add3A_607 = arith.addi %broadcast_in_dim3A_605, %iota3A_606 : vector<16xi32>
    %broadcast_in_dim3A_608 = arith.constant 21846 : i32
    %broadcast_in_dim3A_609 = vector.broadcast %broadcast_in_dim3A_608 : i32 to vector<16xi32>
    %mul3A_610 = arith.muli %add3A_607, %broadcast_in_dim3A_609 : vector<16xi32>
    %broadcast_in_dim3A_611 = arith.constant 16 : i32
    %broadcast_in_dim3A_612 = vector.broadcast %broadcast_in_dim3A_611 : i32 to vector<16xi32>
    %shift_right_arithmetic3A_613 = arith.shrsi %mul3A_610, %broadcast_in_dim3A_612 : vector<16xi32>
    %broadcast_in_dim3A_614 = arith.constant 3 : i32
    %broadcast_in_dim3A_615 = vector.broadcast %broadcast_in_dim3A_614 : i32 to vector<16xi32>
    %mul3A_616 = arith.muli %shift_right_arithmetic3A_613, %broadcast_in_dim3A_615 : vector<16xi32>
    %sub3A_617 = arith.subi %add3A_607, %mul3A_616 : vector<16xi32>
    %broadcast_in_dim3A_618 = arith.constant 1093 : i32
    %broadcast_in_dim3A_619 = vector.broadcast %broadcast_in_dim3A_618 : i32 to vector<16xi32>
    %mul3A_620 = arith.muli %shift_right_arithmetic3A_613, %broadcast_in_dim3A_619 : vector<16xi32>
    %broadcast_in_dim3A_621 = arith.constant 16 : i32
    %broadcast_in_dim3A_622 = vector.broadcast %broadcast_in_dim3A_621 : i32 to vector<16xi32>
    %shift_right_arithmetic3A_623 = arith.shrsi %mul3A_620, %broadcast_in_dim3A_622 : vector<16xi32>
    %broadcast_in_dim3A_624 = arith.constant 15 : i32
    %broadcast_in_dim3A_625 = vector.broadcast %broadcast_in_dim3A_624 : i32 to vector<16xi32>
    %gt3A_626 = arith.cmpi sgt, %shift_right_arithmetic3A_623, %broadcast_in_dim3A_625 : vector<16xi32>
    %broadcast_in_dim3A_627 = arith.constant 15 : i32
    %broadcast_in_dim3A_628 = vector.broadcast %broadcast_in_dim3A_627 : i32 to vector<16xi32>
    %select_n3A_629 = arith.select %gt3A_626, %broadcast_in_dim3A_628, %shift_right_arithmetic3A_623 : vector<16xi1>, vector<16xi32>
    %mul3A_630 = arith.constant 32 : i32
    %mul3A_631 = arith.muli %add3A, %mul3A_630 : i32
    %broadcast_in_dim3A_632 = vector.broadcast %mul3A_631 : i32 to vector<16xi32>
    %sub3A_633 = arith.subi %shift_right_arithmetic3A_613, %broadcast_in_dim3A_632 : vector<16xi32>
    %gather3A_634 = tpu.vector_load_idx %arg17[%sub3A_633] : memref<32xi32, #tpu.memory_space<vmem>>[vector<16xi32>], vector<16xi32>,
    %broadcast_in_dim3A_635 = arith.constant 3 : i32
    %broadcast_in_dim3A_636 = vector.broadcast %broadcast_in_dim3A_635 : i32 to vector<16xi32>
    %mul3A_637 = arith.muli %select_n3A_629, %broadcast_in_dim3A_636 : vector<16xi32>
    %add3A_638 = arith.addi %mul3A_637, %sub3A_617 : vector<16xi32>
    %broadcast_in_dim3A_639 = arith.constant 13824 : i32
    %broadcast_in_dim3A_640 = vector.broadcast %broadcast_in_dim3A_639 : i32 to vector<16xi32>
    %mul3A_641 = arith.muli %add3A_638, %broadcast_in_dim3A_640 : vector<16xi32>
    %add3A_642 = arith.addi %mul3A_641, %gather3A_634 : vector<16xi32>
    %broadcast_in_dim3A_643 = arith.constant 7 : i32
    %broadcast_in_dim3A_644 = vector.broadcast %broadcast_in_dim3A_643 : i32 to vector<16xi32>
    %shift_right_arithmetic3A_645 = arith.shrsi %add3A_642, %broadcast_in_dim3A_644 : vector<16xi32>
    %swap3A_646 = arith.constant 64 : index
    %swap3A_647 = tpu.vector_load %arg18[%swap3A_646] {strides = array<i32>} : memref<96xi32, #tpu.memory_space<vmem>>, vector<16xi32>,
    tpu.vector_store %arg18[%swap3A_646], %shift_right_arithmetic3A_645 {strides = array<i32>} : memref<96xi32, #tpu.memory_space<vmem>>, vector<16xi32>,
    %broadcast_in_dim3A_648 = arith.constant 127 : i32
    %broadcast_in_dim3A_649 = vector.broadcast %broadcast_in_dim3A_648 : i32 to vector<16xi32>
    %and3A_650 = arith.andi %add3A_642, %broadcast_in_dim3A_649 : vector<16xi32>
    %swap3A_651 = arith.constant 64 : index
    %swap3A_652 = tpu.vector_load %arg19[%swap3A_651] {strides = array<i32>} : memref<96xi32, #tpu.memory_space<vmem>>, vector<16xi32>,
    tpu.vector_store %arg19[%swap3A_651], %and3A_650 {strides = array<i32>} : memref<96xi32, #tpu.memory_space<vmem>>, vector<16xi32>,
    %mul3A_653 = arith.constant 96 : i32
    %mul3A_654 = arith.muli %add3A, %mul3A_653 : i32
    %add3A_655 = arith.constant 80 : i32
    %add3A_656 = arith.addi %mul3A_654, %add3A_655 : i32
    %broadcast_in_dim3A_657 = vector.broadcast %add3A_656 : i32 to vector<16xi32>
    %iota3A_658 = tpu.iota {dimensions = array<i32: 0>} : vector<16xi32>
    %add3A_659 = arith.addi %broadcast_in_dim3A_657, %iota3A_658 : vector<16xi32>
    %broadcast_in_dim3A_660 = arith.constant 21846 : i32
    %broadcast_in_dim3A_661 = vector.broadcast %broadcast_in_dim3A_660 : i32 to vector<16xi32>
    %mul3A_662 = arith.muli %add3A_659, %broadcast_in_dim3A_661 : vector<16xi32>
    %broadcast_in_dim3A_663 = arith.constant 16 : i32
    %broadcast_in_dim3A_664 = vector.broadcast %broadcast_in_dim3A_663 : i32 to vector<16xi32>
    %shift_right_arithmetic3A_665 = arith.shrsi %mul3A_662, %broadcast_in_dim3A_664 : vector<16xi32>
    %broadcast_in_dim3A_666 = arith.constant 3 : i32
    %broadcast_in_dim3A_667 = vector.broadcast %broadcast_in_dim3A_666 : i32 to vector<16xi32>
    %mul3A_668 = arith.muli %shift_right_arithmetic3A_665, %broadcast_in_dim3A_667 : vector<16xi32>
    %sub3A_669 = arith.subi %add3A_659, %mul3A_668 : vector<16xi32>
    %broadcast_in_dim3A_670 = arith.constant 1093 : i32
    %broadcast_in_dim3A_671 = vector.broadcast %broadcast_in_dim3A_670 : i32 to vector<16xi32>
    %mul3A_672 = arith.muli %shift_right_arithmetic3A_665, %broadcast_in_dim3A_671 : vector<16xi32>
    %broadcast_in_dim3A_673 = arith.constant 16 : i32
    %broadcast_in_dim3A_674 = vector.broadcast %broadcast_in_dim3A_673 : i32 to vector<16xi32>
    %shift_right_arithmetic3A_675 = arith.shrsi %mul3A_672, %broadcast_in_dim3A_674 : vector<16xi32>
    %broadcast_in_dim3A_676 = arith.constant 15 : i32
    %broadcast_in_dim3A_677 = vector.broadcast %broadcast_in_dim3A_676 : i32 to vector<16xi32>
    %gt3A_678 = arith.cmpi sgt, %shift_right_arithmetic3A_675, %broadcast_in_dim3A_677 : vector<16xi32>
    %broadcast_in_dim3A_679 = arith.constant 15 : i32
    %broadcast_in_dim3A_680 = vector.broadcast %broadcast_in_dim3A_679 : i32 to vector<16xi32>
    %select_n3A_681 = arith.select %gt3A_678, %broadcast_in_dim3A_680, %shift_right_arithmetic3A_675 : vector<16xi1>, vector<16xi32>
    %mul3A_682 = arith.constant 32 : i32
    %mul3A_683 = arith.muli %add3A, %mul3A_682 : i32
    %broadcast_in_dim3A_684 = vector.broadcast %mul3A_683 : i32 to vector<16xi32>
    %sub3A_685 = arith.subi %shift_right_arithmetic3A_665, %broadcast_in_dim3A_684 : vector<16xi32>
    %gather3A_686 = tpu.vector_load_idx %arg17[%sub3A_685] : memref<32xi32, #tpu.memory_space<vmem>>[vector<16xi32>], vector<16xi32>,
    %broadcast_in_dim3A_687 = arith.constant 3 : i32
    %broadcast_in_dim3A_688 = vector.broadcast %broadcast_in_dim3A_687 : i32 to vector<16xi32>
    %mul3A_689 = arith.muli %select_n3A_681, %broadcast_in_dim3A_688 : vector<16xi32>
    %add3A_690 = arith.addi %mul3A_689, %sub3A_669 : vector<16xi32>
    %broadcast_in_dim3A_691 = arith.constant 13824 : i32
    %broadcast_in_dim3A_692 = vector.broadcast %broadcast_in_dim3A_691 : i32 to vector<16xi32>
    %mul3A_693 = arith.muli %add3A_690, %broadcast_in_dim3A_692 : vector<16xi32>
    %add3A_694 = arith.addi %mul3A_693, %gather3A_686 : vector<16xi32>
    %broadcast_in_dim3A_695 = arith.constant 7 : i32
    %broadcast_in_dim3A_696 = vector.broadcast %broadcast_in_dim3A_695 : i32 to vector<16xi32>
    %shift_right_arithmetic3A_697 = arith.shrsi %add3A_694, %broadcast_in_dim3A_696 : vector<16xi32>
    %swap3A_698 = arith.constant 80 : index
    %swap3A_699 = tpu.vector_load %arg18[%swap3A_698] {strides = array<i32>} : memref<96xi32, #tpu.memory_space<vmem>>, vector<16xi32>,
    tpu.vector_store %arg18[%swap3A_698], %shift_right_arithmetic3A_697 {strides = array<i32>} : memref<96xi32, #tpu.memory_space<vmem>>, vector<16xi32>,
    %broadcast_in_dim3A_700 = arith.constant 127 : i32
    %broadcast_in_dim3A_701 = vector.broadcast %broadcast_in_dim3A_700 : i32 to vector<16xi32>
    %and3A_702 = arith.andi %add3A_694, %broadcast_in_dim3A_701 : vector<16xi32>
    %swap3A_703 = arith.constant 80 : index
    %swap3A_704 = tpu.vector_load %arg19[%swap3A_703] {strides = array<i32>} : memref<96xi32, #tpu.memory_space<vmem>>, vector<16xi32>,
    tpu.vector_store %arg19[%swap3A_703], %and3A_702 {strides = array<i32>} : memref<96xi32, #tpu.memory_space<vmem>>, vector<16xi32>,
    %dma_start3A_705 = arith.constant 0 : i32
    %dma_start3A_706 = arith.constant 0 : i32
    %dma_start3A_707 = tpu.memref_slice %arg4[%dma_start3A_705, %dma_start3A_706] : memref<5184x128xf32, #tpu.memory_space<hbm>> -> memref<5184x128xf32, #tpu.memory_space<hbm>>
    tpu.enqueue_indirect_dma source(%dma_start3A_707 : memref<5184x128xf32, #tpu.memory_space<hbm>>) target(%arg20 : memref<96x128xf32, #tpu.memory_space<vmem>>) offsets(%arg18 : memref<96xi32, #tpu.memory_space<vmem>>) semaphore(%arg24 : memref<!tpu.dma_semaphore, #tpu.memory_space<semaphore_mem>>)
    %dma_start3A_708 = arith.constant 0 : i32
    %dma_start3A_709 = arith.constant 0 : i32
    %dma_start3A_710 = tpu.memref_slice %arg5[%dma_start3A_708, %dma_start3A_709] : memref<5184x128xf32, #tpu.memory_space<hbm>> -> memref<5184x128xf32, #tpu.memory_space<hbm>>
    tpu.enqueue_indirect_dma source(%dma_start3A_710 : memref<5184x128xf32, #tpu.memory_space<hbm>>) target(%arg21 : memref<96x128xf32, #tpu.memory_space<vmem>>) offsets(%arg18 : memref<96xi32, #tpu.memory_space<vmem>>) semaphore(%arg25 : memref<!tpu.dma_semaphore, #tpu.memory_space<semaphore_mem>>)
    %dma_wait3A_711 = arith.constant 0 : i32
    %dma_wait3A_712 = arith.constant 0 : i32
    %dma_wait3A_713 = tpu.memref_slice %arg4[%dma_wait3A_711, %dma_wait3A_712] : memref<5184x128xf32, #tpu.memory_space<hbm>> -> memref<5184x128xf32, #tpu.memory_space<hbm>>
    tpu.wait_indirect_dma semaphore(%arg24 : memref<!tpu.dma_semaphore, #tpu.memory_space<semaphore_mem>>) src(%dma_wait3A_713 : memref<5184x128xf32, #tpu.memory_space<hbm>>) dst(%arg20 : memref<96x128xf32, #tpu.memory_space<vmem>>)
    %dma_wait3A_714 = arith.constant 0 : i32
    %dma_wait3A_715 = arith.constant 0 : i32
    %dma_wait3A_716 = tpu.memref_slice %arg5[%dma_wait3A_714, %dma_wait3A_715] : memref<5184x128xf32, #tpu.memory_space<hbm>> -> memref<5184x128xf32, #tpu.memory_space<hbm>>
    tpu.wait_indirect_dma semaphore(%arg25 : memref<!tpu.dma_semaphore, #tpu.memory_space<semaphore_mem>>) src(%dma_wait3A_716 : memref<5184x128xf32, #tpu.memory_space<hbm>>) dst(%arg21 : memref<96x128xf32, #tpu.memory_space<vmem>>)
    %broadcast_in_dim3A_717 = arith.constant 0 : i32
    %broadcast_in_dim3A_718 = vector.broadcast %broadcast_in_dim3A_717 : i32 to vector<16xi32>
    %iota3A_719 = tpu.iota {dimensions = array<i32: 0>} : vector<16xi32>
    %add3A_720 = arith.addi %broadcast_in_dim3A_718, %iota3A_719 : vector<16xi32>
    %get3A_721 = arith.constant 0 : index
    %get3A_722 = tpu.vector_load %arg19[%get3A_721] {strides = array<i32>} : memref<96xi32, #tpu.memory_space<vmem>>, vector<16xi32>,
    %gather3A_723 = tpu.vector_load_idx %arg20[%add3A_720, %get3A_722] : memref<96x128xf32, #tpu.memory_space<vmem>>[vector<16xi32>, vector<16xi32>], vector<16xf32>,
    %swap3A_724 = arith.constant 0 : index
    %swap3A_725 = tpu.vector_load %arg22[%swap3A_724] {strides = array<i32>} : memref<96xf32, #tpu.memory_space<vmem>>, vector<16xf32>,
    tpu.vector_store %arg22[%swap3A_724], %gather3A_723 {strides = array<i32>} : memref<96xf32, #tpu.memory_space<vmem>>, vector<16xf32>,
    %gather3A_726 = tpu.vector_load_idx %arg21[%add3A_720, %get3A_722] : memref<96x128xf32, #tpu.memory_space<vmem>>[vector<16xi32>, vector<16xi32>], vector<16xf32>,
    %swap3A_727 = arith.constant 0 : index
    %swap3A_728 = tpu.vector_load %arg23[%swap3A_727] {strides = array<i32>} : memref<96xf32, #tpu.memory_space<vmem>>, vector<16xf32>,
    tpu.vector_store %arg23[%swap3A_727], %gather3A_726 {strides = array<i32>} : memref<96xf32, #tpu.memory_space<vmem>>, vector<16xf32>,
    %broadcast_in_dim3A_729 = arith.constant 16 : i32
    %broadcast_in_dim3A_730 = vector.broadcast %broadcast_in_dim3A_729 : i32 to vector<16xi32>
    %iota3A_731 = tpu.iota {dimensions = array<i32: 0>} : vector<16xi32>
    %add3A_732 = arith.addi %broadcast_in_dim3A_730, %iota3A_731 : vector<16xi32>
    %get3A_733 = arith.constant 16 : index
    %get3A_734 = tpu.vector_load %arg19[%get3A_733] {strides = array<i32>} : memref<96xi32, #tpu.memory_space<vmem>>, vector<16xi32>,
    %gather3A_735 = tpu.vector_load_idx %arg20[%add3A_732, %get3A_734] : memref<96x128xf32, #tpu.memory_space<vmem>>[vector<16xi32>, vector<16xi32>], vector<16xf32>,
    %swap3A_736 = arith.constant 16 : index
    %swap3A_737 = tpu.vector_load %arg22[%swap3A_736] {strides = array<i32>} : memref<96xf32, #tpu.memory_space<vmem>>, vector<16xf32>,
    tpu.vector_store %arg22[%swap3A_736], %gather3A_735 {strides = array<i32>} : memref<96xf32, #tpu.memory_space<vmem>>, vector<16xf32>,
    %gather3A_738 = tpu.vector_load_idx %arg21[%add3A_732, %get3A_734] : memref<96x128xf32, #tpu.memory_space<vmem>>[vector<16xi32>, vector<16xi32>], vector<16xf32>,
    %swap3A_739 = arith.constant 16 : index
    %swap3A_740 = tpu.vector_load %arg23[%swap3A_739] {strides = array<i32>} : memref<96xf32, #tpu.memory_space<vmem>>, vector<16xf32>,
    tpu.vector_store %arg23[%swap3A_739], %gather3A_738 {strides = array<i32>} : memref<96xf32, #tpu.memory_space<vmem>>, vector<16xf32>,
    %broadcast_in_dim3A_741 = arith.constant 32 : i32
    %broadcast_in_dim3A_742 = vector.broadcast %broadcast_in_dim3A_741 : i32 to vector<16xi32>
    %iota3A_743 = tpu.iota {dimensions = array<i32: 0>} : vector<16xi32>
    %add3A_744 = arith.addi %broadcast_in_dim3A_742, %iota3A_743 : vector<16xi32>
    %get3A_745 = arith.constant 32 : index
    %get3A_746 = tpu.vector_load %arg19[%get3A_745] {strides = array<i32>} : memref<96xi32, #tpu.memory_space<vmem>>, vector<16xi32>,
    %gather3A_747 = tpu.vector_load_idx %arg20[%add3A_744, %get3A_746] : memref<96x128xf32, #tpu.memory_space<vmem>>[vector<16xi32>, vector<16xi32>], vector<16xf32>,
    %swap3A_748 = arith.constant 32 : index
    %swap3A_749 = tpu.vector_load %arg22[%swap3A_748] {strides = array<i32>} : memref<96xf32, #tpu.memory_space<vmem>>, vector<16xf32>,
    tpu.vector_store %arg22[%swap3A_748], %gather3A_747 {strides = array<i32>} : memref<96xf32, #tpu.memory_space<vmem>>, vector<16xf32>,
    %gather3A_750 = tpu.vector_load_idx %arg21[%add3A_744, %get3A_746] : memref<96x128xf32, #tpu.memory_space<vmem>>[vector<16xi32>, vector<16xi32>], vector<16xf32>,
    %swap3A_751 = arith.constant 32 : index
    %swap3A_752 = tpu.vector_load %arg23[%swap3A_751] {strides = array<i32>} : memref<96xf32, #tpu.memory_space<vmem>>, vector<16xf32>,
    tpu.vector_store %arg23[%swap3A_751], %gather3A_750 {strides = array<i32>} : memref<96xf32, #tpu.memory_space<vmem>>, vector<16xf32>,
    %broadcast_in_dim3A_753 = arith.constant 48 : i32
    %broadcast_in_dim3A_754 = vector.broadcast %broadcast_in_dim3A_753 : i32 to vector<16xi32>
    %iota3A_755 = tpu.iota {dimensions = array<i32: 0>} : vector<16xi32>
    %add3A_756 = arith.addi %broadcast_in_dim3A_754, %iota3A_755 : vector<16xi32>
    %get3A_757 = arith.constant 48 : index
    %get3A_758 = tpu.vector_load %arg19[%get3A_757] {strides = array<i32>} : memref<96xi32, #tpu.memory_space<vmem>>, vector<16xi32>,
    %gather3A_759 = tpu.vector_load_idx %arg20[%add3A_756, %get3A_758] : memref<96x128xf32, #tpu.memory_space<vmem>>[vector<16xi32>, vector<16xi32>], vector<16xf32>,
    %swap3A_760 = arith.constant 48 : index
    %swap3A_761 = tpu.vector_load %arg22[%swap3A_760] {strides = array<i32>} : memref<96xf32, #tpu.memory_space<vmem>>, vector<16xf32>,
    tpu.vector_store %arg22[%swap3A_760], %gather3A_759 {strides = array<i32>} : memref<96xf32, #tpu.memory_space<vmem>>, vector<16xf32>,
    %gather3A_762 = tpu.vector_load_idx %arg21[%add3A_756, %get3A_758] : memref<96x128xf32, #tpu.memory_space<vmem>>[vector<16xi32>, vector<16xi32>], vector<16xf32>,
    %swap3A_763 = arith.constant 48 : index
    %swap3A_764 = tpu.vector_load %arg23[%swap3A_763] {strides = array<i32>} : memref<96xf32, #tpu.memory_space<vmem>>, vector<16xf32>,
    tpu.vector_store %arg23[%swap3A_763], %gather3A_762 {strides = array<i32>} : memref<96xf32, #tpu.memory_space<vmem>>, vector<16xf32>,
    %broadcast_in_dim3A_765 = arith.constant 64 : i32
    %broadcast_in_dim3A_766 = vector.broadcast %broadcast_in_dim3A_765 : i32 to vector<16xi32>
    %iota3A_767 = tpu.iota {dimensions = array<i32: 0>} : vector<16xi32>
    %add3A_768 = arith.addi %broadcast_in_dim3A_766, %iota3A_767 : vector<16xi32>
    %get3A_769 = arith.constant 64 : index
    %get3A_770 = tpu.vector_load %arg19[%get3A_769] {strides = array<i32>} : memref<96xi32, #tpu.memory_space<vmem>>, vector<16xi32>,
    %gather3A_771 = tpu.vector_load_idx %arg20[%add3A_768, %get3A_770] : memref<96x128xf32, #tpu.memory_space<vmem>>[vector<16xi32>, vector<16xi32>], vector<16xf32>,
    %swap3A_772 = arith.constant 64 : index
    %swap3A_773 = tpu.vector_load %arg22[%swap3A_772] {strides = array<i32>} : memref<96xf32, #tpu.memory_space<vmem>>, vector<16xf32>,
    tpu.vector_store %arg22[%swap3A_772], %gather3A_771 {strides = array<i32>} : memref<96xf32, #tpu.memory_space<vmem>>, vector<16xf32>,
    %gather3A_774 = tpu.vector_load_idx %arg21[%add3A_768, %get3A_770] : memref<96x128xf32, #tpu.memory_space<vmem>>[vector<16xi32>, vector<16xi32>], vector<16xf32>,
    %swap3A_775 = arith.constant 64 : index
    %swap3A_776 = tpu.vector_load %arg23[%swap3A_775] {strides = array<i32>} : memref<96xf32, #tpu.memory_space<vmem>>, vector<16xf32>,
    tpu.vector_store %arg23[%swap3A_775], %gather3A_774 {strides = array<i32>} : memref<96xf32, #tpu.memory_space<vmem>>, vector<16xf32>,
    %broadcast_in_dim3A_777 = arith.constant 80 : i32
    %broadcast_in_dim3A_778 = vector.broadcast %broadcast_in_dim3A_777 : i32 to vector<16xi32>
    %iota3A_779 = tpu.iota {dimensions = array<i32: 0>} : vector<16xi32>
    %add3A_780 = arith.addi %broadcast_in_dim3A_778, %iota3A_779 : vector<16xi32>
    %get3A_781 = arith.constant 80 : index
    %get3A_782 = tpu.vector_load %arg19[%get3A_781] {strides = array<i32>} : memref<96xi32, #tpu.memory_space<vmem>>, vector<16xi32>,
    %gather3A_783 = tpu.vector_load_idx %arg20[%add3A_780, %get3A_782] : memref<96x128xf32, #tpu.memory_space<vmem>>[vector<16xi32>, vector<16xi32>], vector<16xf32>,
    %swap3A_784 = arith.constant 80 : index
    %swap3A_785 = tpu.vector_load %arg22[%swap3A_784] {strides = array<i32>} : memref<96xf32, #tpu.memory_space<vmem>>, vector<16xf32>,
    tpu.vector_store %arg22[%swap3A_784], %gather3A_783 {strides = array<i32>} : memref<96xf32, #tpu.memory_space<vmem>>, vector<16xf32>,
    %gather3A_786 = tpu.vector_load_idx %arg21[%add3A_780, %get3A_782] : memref<96x128xf32, #tpu.memory_space<vmem>>[vector<16xi32>, vector<16xi32>], vector<16xf32>,
    %swap3A_787 = arith.constant 80 : index
    %swap3A_788 = tpu.vector_load %arg23[%swap3A_787] {strides = array<i32>} : memref<96xf32, #tpu.memory_space<vmem>>, vector<16xf32>,
    tpu.vector_store %arg23[%swap3A_787], %gather3A_786 {strides = array<i32>} : memref<96xf32, #tpu.memory_space<vmem>>, vector<16xf32>,
    %mul3A_789 = arith.constant 96 : i32
    %mul3A_790 = arith.muli %add3A, %mul3A_789 : i32
    "tpu.region"() ({
      %run_scoped3A = tpu.sem_alloc : memref<!tpu.dma_semaphore, #tpu.memory_space<semaphore_mem>>
      %dma_start3A_1195 = tpu.memref_slice %arg13[%mul3A_790] : memref<3072xf32, #tpu.memory_space<hbm>> -> memref<96xf32, #tpu.memory_space<hbm>>
      %dma_start3A_1196 = tpu.memref_slice %arg13[%mul3A_790] : memref<3072xf32, #tpu.memory_space<hbm>> -> memref<96xf32, #tpu.memory_space<hbm>>
      tpu.enqueue_dma source(%arg22 : memref<96xf32, #tpu.memory_space<vmem>>) target(%dma_start3A_1196 : memref<96xf32, #tpu.memory_space<hbm>>) target_semaphore(%run_scoped3A : memref<!tpu.dma_semaphore, #tpu.memory_space<semaphore_mem>>)
      %dma_wait3A_1197 = tpu.memref_slice %arg13[%mul3A_790] : memref<3072xf32, #tpu.memory_space<hbm>> -> memref<96xf32, #tpu.memory_space<hbm>>
      %dma_wait3A_1198 = tpu.memref_slice %arg13[%mul3A_790] : memref<3072xf32, #tpu.memory_space<hbm>> -> memref<96xf32, #tpu.memory_space<hbm>>
      tpu.wait_dma2 semaphore(%run_scoped3A : memref<!tpu.dma_semaphore, #tpu.memory_space<semaphore_mem>>) src(%arg22 : memref<96xf32, #tpu.memory_space<vmem>>) dst(%dma_wait3A_1198 : memref<96xf32, #tpu.memory_space<hbm>>)
      tpu.yield
    }) : () -> ()
    %mul3A_791 = arith.constant 96 : i32
    %mul3A_792 = arith.muli %add3A, %mul3A_791 : i32
    "tpu.region"() ({
      %run_scoped3A = tpu.sem_alloc : memref<!tpu.dma_semaphore, #tpu.memory_space<semaphore_mem>>
      %dma_start3A_1195 = tpu.memref_slice %arg14[%mul3A_792] : memref<3072xf32, #tpu.memory_space<hbm>> -> memref<96xf32, #tpu.memory_space<hbm>>
      %dma_start3A_1196 = tpu.memref_slice %arg14[%mul3A_792] : memref<3072xf32, #tpu.memory_space<hbm>> -> memref<96xf32, #tpu.memory_space<hbm>>
      tpu.enqueue_dma source(%arg23 : memref<96xf32, #tpu.memory_space<vmem>>) target(%dma_start3A_1196 : memref<96xf32, #tpu.memory_space<hbm>>) target_semaphore(%run_scoped3A : memref<!tpu.dma_semaphore, #tpu.memory_space<semaphore_mem>>)
      %dma_wait3A_1197 = tpu.memref_slice %arg14[%mul3A_792] : memref<3072xf32, #tpu.memory_space<hbm>> -> memref<96xf32, #tpu.memory_space<hbm>>
      %dma_wait3A_1198 = tpu.memref_slice %arg14[%mul3A_792] : memref<3072xf32, #tpu.memory_space<hbm>> -> memref<96xf32, #tpu.memory_space<hbm>>
      tpu.wait_dma2 semaphore(%run_scoped3A : memref<!tpu.dma_semaphore, #tpu.memory_space<semaphore_mem>>) src(%arg23 : memref<96xf32, #tpu.memory_space<vmem>>) dst(%dma_wait3A_1198 : memref<96xf32, #tpu.memory_space<hbm>>)
      tpu.yield
    }) : () -> ()
    %mul3A_793 = arith.constant 32 : i32
    %mul3A_794 = arith.muli %add3A, %mul3A_793 : i32
    "tpu.region"() ({
      %run_scoped3A = tpu.sem_alloc : memref<!tpu.dma_semaphore, #tpu.memory_space<semaphore_mem>>
      %dma_start3A_1195 = tpu.memref_slice %arg10[%mul3A_794] : memref<1024xi32, #tpu.memory_space<hbm>> -> memref<32xi32, #tpu.memory_space<hbm>>
      %dma_start3A_1196 = tpu.memref_slice %arg10[%mul3A_794] : memref<1024xi32, #tpu.memory_space<hbm>> -> memref<32xi32, #tpu.memory_space<hbm>>
      tpu.enqueue_dma source(%dma_start3A_1196 : memref<32xi32, #tpu.memory_space<hbm>>) target(%arg17 : memref<32xi32, #tpu.memory_space<vmem>>) target_semaphore(%run_scoped3A : memref<!tpu.dma_semaphore, #tpu.memory_space<semaphore_mem>>)
      %dma_wait3A_1197 = tpu.memref_slice %arg10[%mul3A_794] : memref<1024xi32, #tpu.memory_space<hbm>> -> memref<32xi32, #tpu.memory_space<hbm>>
      %dma_wait3A_1198 = tpu.memref_slice %arg10[%mul3A_794] : memref<1024xi32, #tpu.memory_space<hbm>> -> memref<32xi32, #tpu.memory_space<hbm>>
      tpu.wait_dma2 semaphore(%run_scoped3A : memref<!tpu.dma_semaphore, #tpu.memory_space<semaphore_mem>>) src(%dma_wait3A_1198 : memref<32xi32, #tpu.memory_space<hbm>>) dst(%arg17 : memref<32xi32, #tpu.memory_space<vmem>>)
      tpu.yield
    }) : () -> ()
    %mul3A_795 = arith.constant 96 : i32
    %mul3A_796 = arith.muli %add3A, %mul3A_795 : i32
    %add3A_797 = arith.constant 0 : i32
    %add3A_798 = arith.addi %mul3A_796, %add3A_797 : i32
    %broadcast_in_dim3A_799 = vector.broadcast %add3A_798 : i32 to vector<16xi32>
    %iota3A_800 = tpu.iota {dimensions = array<i32: 0>} : vector<16xi32>
    %add3A_801 = arith.addi %broadcast_in_dim3A_799, %iota3A_800 : vector<16xi32>
    %broadcast_in_dim3A_802 = arith.constant 21846 : i32
    %broadcast_in_dim3A_803 = vector.broadcast %broadcast_in_dim3A_802 : i32 to vector<16xi32>
    %mul3A_804 = arith.muli %add3A_801, %broadcast_in_dim3A_803 : vector<16xi32>
    %broadcast_in_dim3A_805 = arith.constant 16 : i32
    %broadcast_in_dim3A_806 = vector.broadcast %broadcast_in_dim3A_805 : i32 to vector<16xi32>
    %shift_right_arithmetic3A_807 = arith.shrsi %mul3A_804, %broadcast_in_dim3A_806 : vector<16xi32>
    %broadcast_in_dim3A_808 = arith.constant 3 : i32
    %broadcast_in_dim3A_809 = vector.broadcast %broadcast_in_dim3A_808 : i32 to vector<16xi32>
    %mul3A_810 = arith.muli %shift_right_arithmetic3A_807, %broadcast_in_dim3A_809 : vector<16xi32>
    %sub3A_811 = arith.subi %add3A_801, %mul3A_810 : vector<16xi32>
    %broadcast_in_dim3A_812 = arith.constant 1093 : i32
    %broadcast_in_dim3A_813 = vector.broadcast %broadcast_in_dim3A_812 : i32 to vector<16xi32>
    %mul3A_814 = arith.muli %shift_right_arithmetic3A_807, %broadcast_in_dim3A_813 : vector<16xi32>
    %broadcast_in_dim3A_815 = arith.constant 16 : i32
    %broadcast_in_dim3A_816 = vector.broadcast %broadcast_in_dim3A_815 : i32 to vector<16xi32>
    %shift_right_arithmetic3A_817 = arith.shrsi %mul3A_814, %broadcast_in_dim3A_816 : vector<16xi32>
    %broadcast_in_dim3A_818 = arith.constant 15 : i32
    %broadcast_in_dim3A_819 = vector.broadcast %broadcast_in_dim3A_818 : i32 to vector<16xi32>
    %gt3A_820 = arith.cmpi sgt, %shift_right_arithmetic3A_817, %broadcast_in_dim3A_819 : vector<16xi32>
    %broadcast_in_dim3A_821 = arith.constant 15 : i32
    %broadcast_in_dim3A_822 = vector.broadcast %broadcast_in_dim3A_821 : i32 to vector<16xi32>
    %select_n3A_823 = arith.select %gt3A_820, %broadcast_in_dim3A_822, %shift_right_arithmetic3A_817 : vector<16xi1>, vector<16xi32>
    %mul3A_824 = arith.constant 32 : i32
    %mul3A_825 = arith.muli %add3A, %mul3A_824 : i32
    %broadcast_in_dim3A_826 = vector.broadcast %mul3A_825 : i32 to vector<16xi32>
    %sub3A_827 = arith.subi %shift_right_arithmetic3A_807, %broadcast_in_dim3A_826 : vector<16xi32>
    %gather3A_828 = tpu.vector_load_idx %arg17[%sub3A_827] : memref<32xi32, #tpu.memory_space<vmem>>[vector<16xi32>], vector<16xi32>,
    %broadcast_in_dim3A_829 = arith.constant 3 : i32
    %broadcast_in_dim3A_830 = vector.broadcast %broadcast_in_dim3A_829 : i32 to vector<16xi32>
    %mul3A_831 = arith.muli %select_n3A_823, %broadcast_in_dim3A_830 : vector<16xi32>
    %add3A_832 = arith.addi %mul3A_831, %sub3A_811 : vector<16xi32>
    %broadcast_in_dim3A_833 = arith.constant 1728 : i32
    %broadcast_in_dim3A_834 = vector.broadcast %broadcast_in_dim3A_833 : i32 to vector<16xi32>
    %mul3A_835 = arith.muli %add3A_832, %broadcast_in_dim3A_834 : vector<16xi32>
    %add3A_836 = arith.addi %mul3A_835, %gather3A_828 : vector<16xi32>
    %broadcast_in_dim3A_837 = arith.constant 7 : i32
    %broadcast_in_dim3A_838 = vector.broadcast %broadcast_in_dim3A_837 : i32 to vector<16xi32>
    %shift_right_arithmetic3A_839 = arith.shrsi %add3A_836, %broadcast_in_dim3A_838 : vector<16xi32>
    %swap3A_840 = arith.constant 0 : index
    %swap3A_841 = tpu.vector_load %arg18[%swap3A_840] {strides = array<i32>} : memref<96xi32, #tpu.memory_space<vmem>>, vector<16xi32>,
    tpu.vector_store %arg18[%swap3A_840], %shift_right_arithmetic3A_839 {strides = array<i32>} : memref<96xi32, #tpu.memory_space<vmem>>, vector<16xi32>,
    %broadcast_in_dim3A_842 = arith.constant 127 : i32
    %broadcast_in_dim3A_843 = vector.broadcast %broadcast_in_dim3A_842 : i32 to vector<16xi32>
    %and3A_844 = arith.andi %add3A_836, %broadcast_in_dim3A_843 : vector<16xi32>
    %swap3A_845 = arith.constant 0 : index
    %swap3A_846 = tpu.vector_load %arg19[%swap3A_845] {strides = array<i32>} : memref<96xi32, #tpu.memory_space<vmem>>, vector<16xi32>,
    tpu.vector_store %arg19[%swap3A_845], %and3A_844 {strides = array<i32>} : memref<96xi32, #tpu.memory_space<vmem>>, vector<16xi32>,
    %mul3A_847 = arith.constant 96 : i32
    %mul3A_848 = arith.muli %add3A, %mul3A_847 : i32
    %add3A_849 = arith.constant 16 : i32
    %add3A_850 = arith.addi %mul3A_848, %add3A_849 : i32
    %broadcast_in_dim3A_851 = vector.broadcast %add3A_850 : i32 to vector<16xi32>
    %iota3A_852 = tpu.iota {dimensions = array<i32: 0>} : vector<16xi32>
    %add3A_853 = arith.addi %broadcast_in_dim3A_851, %iota3A_852 : vector<16xi32>
    %broadcast_in_dim3A_854 = arith.constant 21846 : i32
    %broadcast_in_dim3A_855 = vector.broadcast %broadcast_in_dim3A_854 : i32 to vector<16xi32>
    %mul3A_856 = arith.muli %add3A_853, %broadcast_in_dim3A_855 : vector<16xi32>
    %broadcast_in_dim3A_857 = arith.constant 16 : i32
    %broadcast_in_dim3A_858 = vector.broadcast %broadcast_in_dim3A_857 : i32 to vector<16xi32>
    %shift_right_arithmetic3A_859 = arith.shrsi %mul3A_856, %broadcast_in_dim3A_858 : vector<16xi32>
    %broadcast_in_dim3A_860 = arith.constant 3 : i32
    %broadcast_in_dim3A_861 = vector.broadcast %broadcast_in_dim3A_860 : i32 to vector<16xi32>
    %mul3A_862 = arith.muli %shift_right_arithmetic3A_859, %broadcast_in_dim3A_861 : vector<16xi32>
    %sub3A_863 = arith.subi %add3A_853, %mul3A_862 : vector<16xi32>
    %broadcast_in_dim3A_864 = arith.constant 1093 : i32
    %broadcast_in_dim3A_865 = vector.broadcast %broadcast_in_dim3A_864 : i32 to vector<16xi32>
    %mul3A_866 = arith.muli %shift_right_arithmetic3A_859, %broadcast_in_dim3A_865 : vector<16xi32>
    %broadcast_in_dim3A_867 = arith.constant 16 : i32
    %broadcast_in_dim3A_868 = vector.broadcast %broadcast_in_dim3A_867 : i32 to vector<16xi32>
    %shift_right_arithmetic3A_869 = arith.shrsi %mul3A_866, %broadcast_in_dim3A_868 : vector<16xi32>
    %broadcast_in_dim3A_870 = arith.constant 15 : i32
    %broadcast_in_dim3A_871 = vector.broadcast %broadcast_in_dim3A_870 : i32 to vector<16xi32>
    %gt3A_872 = arith.cmpi sgt, %shift_right_arithmetic3A_869, %broadcast_in_dim3A_871 : vector<16xi32>
    %broadcast_in_dim3A_873 = arith.constant 15 : i32
    %broadcast_in_dim3A_874 = vector.broadcast %broadcast_in_dim3A_873 : i32 to vector<16xi32>
    %select_n3A_875 = arith.select %gt3A_872, %broadcast_in_dim3A_874, %shift_right_arithmetic3A_869 : vector<16xi1>, vector<16xi32>
    %mul3A_876 = arith.constant 32 : i32
    %mul3A_877 = arith.muli %add3A, %mul3A_876 : i32
    %broadcast_in_dim3A_878 = vector.broadcast %mul3A_877 : i32 to vector<16xi32>
    %sub3A_879 = arith.subi %shift_right_arithmetic3A_859, %broadcast_in_dim3A_878 : vector<16xi32>
    %gather3A_880 = tpu.vector_load_idx %arg17[%sub3A_879] : memref<32xi32, #tpu.memory_space<vmem>>[vector<16xi32>], vector<16xi32>,
    %broadcast_in_dim3A_881 = arith.constant 3 : i32
    %broadcast_in_dim3A_882 = vector.broadcast %broadcast_in_dim3A_881 : i32 to vector<16xi32>
    %mul3A_883 = arith.muli %select_n3A_875, %broadcast_in_dim3A_882 : vector<16xi32>
    %add3A_884 = arith.addi %mul3A_883, %sub3A_863 : vector<16xi32>
    %broadcast_in_dim3A_885 = arith.constant 1728 : i32
    %broadcast_in_dim3A_886 = vector.broadcast %broadcast_in_dim3A_885 : i32 to vector<16xi32>
    %mul3A_887 = arith.muli %add3A_884, %broadcast_in_dim3A_886 : vector<16xi32>
    %add3A_888 = arith.addi %mul3A_887, %gather3A_880 : vector<16xi32>
    %broadcast_in_dim3A_889 = arith.constant 7 : i32
    %broadcast_in_dim3A_890 = vector.broadcast %broadcast_in_dim3A_889 : i32 to vector<16xi32>
    %shift_right_arithmetic3A_891 = arith.shrsi %add3A_888, %broadcast_in_dim3A_890 : vector<16xi32>
    %swap3A_892 = arith.constant 16 : index
    %swap3A_893 = tpu.vector_load %arg18[%swap3A_892] {strides = array<i32>} : memref<96xi32, #tpu.memory_space<vmem>>, vector<16xi32>,
    tpu.vector_store %arg18[%swap3A_892], %shift_right_arithmetic3A_891 {strides = array<i32>} : memref<96xi32, #tpu.memory_space<vmem>>, vector<16xi32>,
    %broadcast_in_dim3A_894 = arith.constant 127 : i32
    %broadcast_in_dim3A_895 = vector.broadcast %broadcast_in_dim3A_894 : i32 to vector<16xi32>
    %and3A_896 = arith.andi %add3A_888, %broadcast_in_dim3A_895 : vector<16xi32>
    %swap3A_897 = arith.constant 16 : index
    %swap3A_898 = tpu.vector_load %arg19[%swap3A_897] {strides = array<i32>} : memref<96xi32, #tpu.memory_space<vmem>>, vector<16xi32>,
    tpu.vector_store %arg19[%swap3A_897], %and3A_896 {strides = array<i32>} : memref<96xi32, #tpu.memory_space<vmem>>, vector<16xi32>,
    %mul3A_899 = arith.constant 96 : i32
    %mul3A_900 = arith.muli %add3A, %mul3A_899 : i32
    %add3A_901 = arith.constant 32 : i32
    %add3A_902 = arith.addi %mul3A_900, %add3A_901 : i32
    %broadcast_in_dim3A_903 = vector.broadcast %add3A_902 : i32 to vector<16xi32>
    %iota3A_904 = tpu.iota {dimensions = array<i32: 0>} : vector<16xi32>
    %add3A_905 = arith.addi %broadcast_in_dim3A_903, %iota3A_904 : vector<16xi32>
    %broadcast_in_dim3A_906 = arith.constant 21846 : i32
    %broadcast_in_dim3A_907 = vector.broadcast %broadcast_in_dim3A_906 : i32 to vector<16xi32>
    %mul3A_908 = arith.muli %add3A_905, %broadcast_in_dim3A_907 : vector<16xi32>
    %broadcast_in_dim3A_909 = arith.constant 16 : i32
    %broadcast_in_dim3A_910 = vector.broadcast %broadcast_in_dim3A_909 : i32 to vector<16xi32>
    %shift_right_arithmetic3A_911 = arith.shrsi %mul3A_908, %broadcast_in_dim3A_910 : vector<16xi32>
    %broadcast_in_dim3A_912 = arith.constant 3 : i32
    %broadcast_in_dim3A_913 = vector.broadcast %broadcast_in_dim3A_912 : i32 to vector<16xi32>
    %mul3A_914 = arith.muli %shift_right_arithmetic3A_911, %broadcast_in_dim3A_913 : vector<16xi32>
    %sub3A_915 = arith.subi %add3A_905, %mul3A_914 : vector<16xi32>
    %broadcast_in_dim3A_916 = arith.constant 1093 : i32
    %broadcast_in_dim3A_917 = vector.broadcast %broadcast_in_dim3A_916 : i32 to vector<16xi32>
    %mul3A_918 = arith.muli %shift_right_arithmetic3A_911, %broadcast_in_dim3A_917 : vector<16xi32>
    %broadcast_in_dim3A_919 = arith.constant 16 : i32
    %broadcast_in_dim3A_920 = vector.broadcast %broadcast_in_dim3A_919 : i32 to vector<16xi32>
    %shift_right_arithmetic3A_921 = arith.shrsi %mul3A_918, %broadcast_in_dim3A_920 : vector<16xi32>
    %broadcast_in_dim3A_922 = arith.constant 15 : i32
    %broadcast_in_dim3A_923 = vector.broadcast %broadcast_in_dim3A_922 : i32 to vector<16xi32>
    %gt3A_924 = arith.cmpi sgt, %shift_right_arithmetic3A_921, %broadcast_in_dim3A_923 : vector<16xi32>
    %broadcast_in_dim3A_925 = arith.constant 15 : i32
    %broadcast_in_dim3A_926 = vector.broadcast %broadcast_in_dim3A_925 : i32 to vector<16xi32>
    %select_n3A_927 = arith.select %gt3A_924, %broadcast_in_dim3A_926, %shift_right_arithmetic3A_921 : vector<16xi1>, vector<16xi32>
    %mul3A_928 = arith.constant 32 : i32
    %mul3A_929 = arith.muli %add3A, %mul3A_928 : i32
    %broadcast_in_dim3A_930 = vector.broadcast %mul3A_929 : i32 to vector<16xi32>
    %sub3A_931 = arith.subi %shift_right_arithmetic3A_911, %broadcast_in_dim3A_930 : vector<16xi32>
    %gather3A_932 = tpu.vector_load_idx %arg17[%sub3A_931] : memref<32xi32, #tpu.memory_space<vmem>>[vector<16xi32>], vector<16xi32>,
    %broadcast_in_dim3A_933 = arith.constant 3 : i32
    %broadcast_in_dim3A_934 = vector.broadcast %broadcast_in_dim3A_933 : i32 to vector<16xi32>
    %mul3A_935 = arith.muli %select_n3A_927, %broadcast_in_dim3A_934 : vector<16xi32>
    %add3A_936 = arith.addi %mul3A_935, %sub3A_915 : vector<16xi32>
    %broadcast_in_dim3A_937 = arith.constant 1728 : i32
    %broadcast_in_dim3A_938 = vector.broadcast %broadcast_in_dim3A_937 : i32 to vector<16xi32>
    %mul3A_939 = arith.muli %add3A_936, %broadcast_in_dim3A_938 : vector<16xi32>
    %add3A_940 = arith.addi %mul3A_939, %gather3A_932 : vector<16xi32>
    %broadcast_in_dim3A_941 = arith.constant 7 : i32
    %broadcast_in_dim3A_942 = vector.broadcast %broadcast_in_dim3A_941 : i32 to vector<16xi32>
    %shift_right_arithmetic3A_943 = arith.shrsi %add3A_940, %broadcast_in_dim3A_942 : vector<16xi32>
    %swap3A_944 = arith.constant 32 : index
    %swap3A_945 = tpu.vector_load %arg18[%swap3A_944] {strides = array<i32>} : memref<96xi32, #tpu.memory_space<vmem>>, vector<16xi32>,
    tpu.vector_store %arg18[%swap3A_944], %shift_right_arithmetic3A_943 {strides = array<i32>} : memref<96xi32, #tpu.memory_space<vmem>>, vector<16xi32>,
    %broadcast_in_dim3A_946 = arith.constant 127 : i32
    %broadcast_in_dim3A_947 = vector.broadcast %broadcast_in_dim3A_946 : i32 to vector<16xi32>
    %and3A_948 = arith.andi %add3A_940, %broadcast_in_dim3A_947 : vector<16xi32>
    %swap3A_949 = arith.constant 32 : index
    %swap3A_950 = tpu.vector_load %arg19[%swap3A_949] {strides = array<i32>} : memref<96xi32, #tpu.memory_space<vmem>>, vector<16xi32>,
    tpu.vector_store %arg19[%swap3A_949], %and3A_948 {strides = array<i32>} : memref<96xi32, #tpu.memory_space<vmem>>, vector<16xi32>,
    %mul3A_951 = arith.constant 96 : i32
    %mul3A_952 = arith.muli %add3A, %mul3A_951 : i32
    %add3A_953 = arith.constant 48 : i32
    %add3A_954 = arith.addi %mul3A_952, %add3A_953 : i32
    %broadcast_in_dim3A_955 = vector.broadcast %add3A_954 : i32 to vector<16xi32>
    %iota3A_956 = tpu.iota {dimensions = array<i32: 0>} : vector<16xi32>
    %add3A_957 = arith.addi %broadcast_in_dim3A_955, %iota3A_956 : vector<16xi32>
    %broadcast_in_dim3A_958 = arith.constant 21846 : i32
    %broadcast_in_dim3A_959 = vector.broadcast %broadcast_in_dim3A_958 : i32 to vector<16xi32>
    %mul3A_960 = arith.muli %add3A_957, %broadcast_in_dim3A_959 : vector<16xi32>
    %broadcast_in_dim3A_961 = arith.constant 16 : i32
    %broadcast_in_dim3A_962 = vector.broadcast %broadcast_in_dim3A_961 : i32 to vector<16xi32>
    %shift_right_arithmetic3A_963 = arith.shrsi %mul3A_960, %broadcast_in_dim3A_962 : vector<16xi32>
    %broadcast_in_dim3A_964 = arith.constant 3 : i32
    %broadcast_in_dim3A_965 = vector.broadcast %broadcast_in_dim3A_964 : i32 to vector<16xi32>
    %mul3A_966 = arith.muli %shift_right_arithmetic3A_963, %broadcast_in_dim3A_965 : vector<16xi32>
    %sub3A_967 = arith.subi %add3A_957, %mul3A_966 : vector<16xi32>
    %broadcast_in_dim3A_968 = arith.constant 1093 : i32
    %broadcast_in_dim3A_969 = vector.broadcast %broadcast_in_dim3A_968 : i32 to vector<16xi32>
    %mul3A_970 = arith.muli %shift_right_arithmetic3A_963, %broadcast_in_dim3A_969 : vector<16xi32>
    %broadcast_in_dim3A_971 = arith.constant 16 : i32
    %broadcast_in_dim3A_972 = vector.broadcast %broadcast_in_dim3A_971 : i32 to vector<16xi32>
    %shift_right_arithmetic3A_973 = arith.shrsi %mul3A_970, %broadcast_in_dim3A_972 : vector<16xi32>
    %broadcast_in_dim3A_974 = arith.constant 15 : i32
    %broadcast_in_dim3A_975 = vector.broadcast %broadcast_in_dim3A_974 : i32 to vector<16xi32>
    %gt3A_976 = arith.cmpi sgt, %shift_right_arithmetic3A_973, %broadcast_in_dim3A_975 : vector<16xi32>
    %broadcast_in_dim3A_977 = arith.constant 15 : i32
    %broadcast_in_dim3A_978 = vector.broadcast %broadcast_in_dim3A_977 : i32 to vector<16xi32>
    %select_n3A_979 = arith.select %gt3A_976, %broadcast_in_dim3A_978, %shift_right_arithmetic3A_973 : vector<16xi1>, vector<16xi32>
    %mul3A_980 = arith.constant 32 : i32
    %mul3A_981 = arith.muli %add3A, %mul3A_980 : i32
    %broadcast_in_dim3A_982 = vector.broadcast %mul3A_981 : i32 to vector<16xi32>
    %sub3A_983 = arith.subi %shift_right_arithmetic3A_963, %broadcast_in_dim3A_982 : vector<16xi32>
    %gather3A_984 = tpu.vector_load_idx %arg17[%sub3A_983] : memref<32xi32, #tpu.memory_space<vmem>>[vector<16xi32>], vector<16xi32>,
    %broadcast_in_dim3A_985 = arith.constant 3 : i32
    %broadcast_in_dim3A_986 = vector.broadcast %broadcast_in_dim3A_985 : i32 to vector<16xi32>
    %mul3A_987 = arith.muli %select_n3A_979, %broadcast_in_dim3A_986 : vector<16xi32>
    %add3A_988 = arith.addi %mul3A_987, %sub3A_967 : vector<16xi32>
    %broadcast_in_dim3A_989 = arith.constant 1728 : i32
    %broadcast_in_dim3A_990 = vector.broadcast %broadcast_in_dim3A_989 : i32 to vector<16xi32>
    %mul3A_991 = arith.muli %add3A_988, %broadcast_in_dim3A_990 : vector<16xi32>
    %add3A_992 = arith.addi %mul3A_991, %gather3A_984 : vector<16xi32>
    %broadcast_in_dim3A_993 = arith.constant 7 : i32
    %broadcast_in_dim3A_994 = vector.broadcast %broadcast_in_dim3A_993 : i32 to vector<16xi32>
    %shift_right_arithmetic3A_995 = arith.shrsi %add3A_992, %broadcast_in_dim3A_994 : vector<16xi32>
    %swap3A_996 = arith.constant 48 : index
    %swap3A_997 = tpu.vector_load %arg18[%swap3A_996] {strides = array<i32>} : memref<96xi32, #tpu.memory_space<vmem>>, vector<16xi32>,
    tpu.vector_store %arg18[%swap3A_996], %shift_right_arithmetic3A_995 {strides = array<i32>} : memref<96xi32, #tpu.memory_space<vmem>>, vector<16xi32>,
    %broadcast_in_dim3A_998 = arith.constant 127 : i32
    %broadcast_in_dim3A_999 = vector.broadcast %broadcast_in_dim3A_998 : i32 to vector<16xi32>
    %and3A_1000 = arith.andi %add3A_992, %broadcast_in_dim3A_999 : vector<16xi32>
    %swap3A_1001 = arith.constant 48 : index
    %swap3A_1002 = tpu.vector_load %arg19[%swap3A_1001] {strides = array<i32>} : memref<96xi32, #tpu.memory_space<vmem>>, vector<16xi32>,
    tpu.vector_store %arg19[%swap3A_1001], %and3A_1000 {strides = array<i32>} : memref<96xi32, #tpu.memory_space<vmem>>, vector<16xi32>,
    %mul3A_1003 = arith.constant 96 : i32
    %mul3A_1004 = arith.muli %add3A, %mul3A_1003 : i32
    %add3A_1005 = arith.constant 64 : i32
    %add3A_1006 = arith.addi %mul3A_1004, %add3A_1005 : i32
    %broadcast_in_dim3A_1007 = vector.broadcast %add3A_1006 : i32 to vector<16xi32>
    %iota3A_1008 = tpu.iota {dimensions = array<i32: 0>} : vector<16xi32>
    %add3A_1009 = arith.addi %broadcast_in_dim3A_1007, %iota3A_1008 : vector<16xi32>
    %broadcast_in_dim3A_1010 = arith.constant 21846 : i32
    %broadcast_in_dim3A_1011 = vector.broadcast %broadcast_in_dim3A_1010 : i32 to vector<16xi32>
    %mul3A_1012 = arith.muli %add3A_1009, %broadcast_in_dim3A_1011 : vector<16xi32>
    %broadcast_in_dim3A_1013 = arith.constant 16 : i32
    %broadcast_in_dim3A_1014 = vector.broadcast %broadcast_in_dim3A_1013 : i32 to vector<16xi32>
    %shift_right_arithmetic3A_1015 = arith.shrsi %mul3A_1012, %broadcast_in_dim3A_1014 : vector<16xi32>
    %broadcast_in_dim3A_1016 = arith.constant 3 : i32
    %broadcast_in_dim3A_1017 = vector.broadcast %broadcast_in_dim3A_1016 : i32 to vector<16xi32>
    %mul3A_1018 = arith.muli %shift_right_arithmetic3A_1015, %broadcast_in_dim3A_1017 : vector<16xi32>
    %sub3A_1019 = arith.subi %add3A_1009, %mul3A_1018 : vector<16xi32>
    %broadcast_in_dim3A_1020 = arith.constant 1093 : i32
    %broadcast_in_dim3A_1021 = vector.broadcast %broadcast_in_dim3A_1020 : i32 to vector<16xi32>
    %mul3A_1022 = arith.muli %shift_right_arithmetic3A_1015, %broadcast_in_dim3A_1021 : vector<16xi32>
    %broadcast_in_dim3A_1023 = arith.constant 16 : i32
    %broadcast_in_dim3A_1024 = vector.broadcast %broadcast_in_dim3A_1023 : i32 to vector<16xi32>
    %shift_right_arithmetic3A_1025 = arith.shrsi %mul3A_1022, %broadcast_in_dim3A_1024 : vector<16xi32>
    %broadcast_in_dim3A_1026 = arith.constant 15 : i32
    %broadcast_in_dim3A_1027 = vector.broadcast %broadcast_in_dim3A_1026 : i32 to vector<16xi32>
    %gt3A_1028 = arith.cmpi sgt, %shift_right_arithmetic3A_1025, %broadcast_in_dim3A_1027 : vector<16xi32>
    %broadcast_in_dim3A_1029 = arith.constant 15 : i32
    %broadcast_in_dim3A_1030 = vector.broadcast %broadcast_in_dim3A_1029 : i32 to vector<16xi32>
    %select_n3A_1031 = arith.select %gt3A_1028, %broadcast_in_dim3A_1030, %shift_right_arithmetic3A_1025 : vector<16xi1>, vector<16xi32>
    %mul3A_1032 = arith.constant 32 : i32
    %mul3A_1033 = arith.muli %add3A, %mul3A_1032 : i32
    %broadcast_in_dim3A_1034 = vector.broadcast %mul3A_1033 : i32 to vector<16xi32>
    %sub3A_1035 = arith.subi %shift_right_arithmetic3A_1015, %broadcast_in_dim3A_1034 : vector<16xi32>
    %gather3A_1036 = tpu.vector_load_idx %arg17[%sub3A_1035] : memref<32xi32, #tpu.memory_space<vmem>>[vector<16xi32>], vector<16xi32>,
    %broadcast_in_dim3A_1037 = arith.constant 3 : i32
    %broadcast_in_dim3A_1038 = vector.broadcast %broadcast_in_dim3A_1037 : i32 to vector<16xi32>
    %mul3A_1039 = arith.muli %select_n3A_1031, %broadcast_in_dim3A_1038 : vector<16xi32>
    %add3A_1040 = arith.addi %mul3A_1039, %sub3A_1019 : vector<16xi32>
    %broadcast_in_dim3A_1041 = arith.constant 1728 : i32
    %broadcast_in_dim3A_1042 = vector.broadcast %broadcast_in_dim3A_1041 : i32 to vector<16xi32>
    %mul3A_1043 = arith.muli %add3A_1040, %broadcast_in_dim3A_1042 : vector<16xi32>
    %add3A_1044 = arith.addi %mul3A_1043, %gather3A_1036 : vector<16xi32>
    %broadcast_in_dim3A_1045 = arith.constant 7 : i32
    %broadcast_in_dim3A_1046 = vector.broadcast %broadcast_in_dim3A_1045 : i32 to vector<16xi32>
    %shift_right_arithmetic3A_1047 = arith.shrsi %add3A_1044, %broadcast_in_dim3A_1046 : vector<16xi32>
    %swap3A_1048 = arith.constant 64 : index
    %swap3A_1049 = tpu.vector_load %arg18[%swap3A_1048] {strides = array<i32>} : memref<96xi32, #tpu.memory_space<vmem>>, vector<16xi32>,
    tpu.vector_store %arg18[%swap3A_1048], %shift_right_arithmetic3A_1047 {strides = array<i32>} : memref<96xi32, #tpu.memory_space<vmem>>, vector<16xi32>,
    %broadcast_in_dim3A_1050 = arith.constant 127 : i32
    %broadcast_in_dim3A_1051 = vector.broadcast %broadcast_in_dim3A_1050 : i32 to vector<16xi32>
    %and3A_1052 = arith.andi %add3A_1044, %broadcast_in_dim3A_1051 : vector<16xi32>
    %swap3A_1053 = arith.constant 64 : index
    %swap3A_1054 = tpu.vector_load %arg19[%swap3A_1053] {strides = array<i32>} : memref<96xi32, #tpu.memory_space<vmem>>, vector<16xi32>,
    tpu.vector_store %arg19[%swap3A_1053], %and3A_1052 {strides = array<i32>} : memref<96xi32, #tpu.memory_space<vmem>>, vector<16xi32>,
    %mul3A_1055 = arith.constant 96 : i32
    %mul3A_1056 = arith.muli %add3A, %mul3A_1055 : i32
    %add3A_1057 = arith.constant 80 : i32
    %add3A_1058 = arith.addi %mul3A_1056, %add3A_1057 : i32
    %broadcast_in_dim3A_1059 = vector.broadcast %add3A_1058 : i32 to vector<16xi32>
    %iota3A_1060 = tpu.iota {dimensions = array<i32: 0>} : vector<16xi32>
    %add3A_1061 = arith.addi %broadcast_in_dim3A_1059, %iota3A_1060 : vector<16xi32>
    %broadcast_in_dim3A_1062 = arith.constant 21846 : i32
    %broadcast_in_dim3A_1063 = vector.broadcast %broadcast_in_dim3A_1062 : i32 to vector<16xi32>
    %mul3A_1064 = arith.muli %add3A_1061, %broadcast_in_dim3A_1063 : vector<16xi32>
    %broadcast_in_dim3A_1065 = arith.constant 16 : i32
    %broadcast_in_dim3A_1066 = vector.broadcast %broadcast_in_dim3A_1065 : i32 to vector<16xi32>
    %shift_right_arithmetic3A_1067 = arith.shrsi %mul3A_1064, %broadcast_in_dim3A_1066 : vector<16xi32>
    %broadcast_in_dim3A_1068 = arith.constant 3 : i32
    %broadcast_in_dim3A_1069 = vector.broadcast %broadcast_in_dim3A_1068 : i32 to vector<16xi32>
    %mul3A_1070 = arith.muli %shift_right_arithmetic3A_1067, %broadcast_in_dim3A_1069 : vector<16xi32>
    %sub3A_1071 = arith.subi %add3A_1061, %mul3A_1070 : vector<16xi32>
    %broadcast_in_dim3A_1072 = arith.constant 1093 : i32
    %broadcast_in_dim3A_1073 = vector.broadcast %broadcast_in_dim3A_1072 : i32 to vector<16xi32>
    %mul3A_1074 = arith.muli %shift_right_arithmetic3A_1067, %broadcast_in_dim3A_1073 : vector<16xi32>
    %broadcast_in_dim3A_1075 = arith.constant 16 : i32
    %broadcast_in_dim3A_1076 = vector.broadcast %broadcast_in_dim3A_1075 : i32 to vector<16xi32>
    %shift_right_arithmetic3A_1077 = arith.shrsi %mul3A_1074, %broadcast_in_dim3A_1076 : vector<16xi32>
    %broadcast_in_dim3A_1078 = arith.constant 15 : i32
    %broadcast_in_dim3A_1079 = vector.broadcast %broadcast_in_dim3A_1078 : i32 to vector<16xi32>
    %gt3A_1080 = arith.cmpi sgt, %shift_right_arithmetic3A_1077, %broadcast_in_dim3A_1079 : vector<16xi32>
    %broadcast_in_dim3A_1081 = arith.constant 15 : i32
    %broadcast_in_dim3A_1082 = vector.broadcast %broadcast_in_dim3A_1081 : i32 to vector<16xi32>
    %select_n3A_1083 = arith.select %gt3A_1080, %broadcast_in_dim3A_1082, %shift_right_arithmetic3A_1077 : vector<16xi1>, vector<16xi32>
    %mul3A_1084 = arith.constant 32 : i32
    %mul3A_1085 = arith.muli %add3A, %mul3A_1084 : i32
    %broadcast_in_dim3A_1086 = vector.broadcast %mul3A_1085 : i32 to vector<16xi32>
    %sub3A_1087 = arith.subi %shift_right_arithmetic3A_1067, %broadcast_in_dim3A_1086 : vector<16xi32>
    %gather3A_1088 = tpu.vector_load_idx %arg17[%sub3A_1087] : memref<32xi32, #tpu.memory_space<vmem>>[vector<16xi32>], vector<16xi32>,
    %broadcast_in_dim3A_1089 = arith.constant 3 : i32
    %broadcast_in_dim3A_1090 = vector.broadcast %broadcast_in_dim3A_1089 : i32 to vector<16xi32>
    %mul3A_1091 = arith.muli %select_n3A_1083, %broadcast_in_dim3A_1090 : vector<16xi32>
    %add3A_1092 = arith.addi %mul3A_1091, %sub3A_1071 : vector<16xi32>
    %broadcast_in_dim3A_1093 = arith.constant 1728 : i32
    %broadcast_in_dim3A_1094 = vector.broadcast %broadcast_in_dim3A_1093 : i32 to vector<16xi32>
    %mul3A_1095 = arith.muli %add3A_1092, %broadcast_in_dim3A_1094 : vector<16xi32>
    %add3A_1096 = arith.addi %mul3A_1095, %gather3A_1088 : vector<16xi32>
    %broadcast_in_dim3A_1097 = arith.constant 7 : i32
    %broadcast_in_dim3A_1098 = vector.broadcast %broadcast_in_dim3A_1097 : i32 to vector<16xi32>
    %shift_right_arithmetic3A_1099 = arith.shrsi %add3A_1096, %broadcast_in_dim3A_1098 : vector<16xi32>
    %swap3A_1100 = arith.constant 80 : index
    %swap3A_1101 = tpu.vector_load %arg18[%swap3A_1100] {strides = array<i32>} : memref<96xi32, #tpu.memory_space<vmem>>, vector<16xi32>,
    tpu.vector_store %arg18[%swap3A_1100], %shift_right_arithmetic3A_1099 {strides = array<i32>} : memref<96xi32, #tpu.memory_space<vmem>>, vector<16xi32>,
    %broadcast_in_dim3A_1102 = arith.constant 127 : i32
    %broadcast_in_dim3A_1103 = vector.broadcast %broadcast_in_dim3A_1102 : i32 to vector<16xi32>
    %and3A_1104 = arith.andi %add3A_1096, %broadcast_in_dim3A_1103 : vector<16xi32>
    %swap3A_1105 = arith.constant 80 : index
    %swap3A_1106 = tpu.vector_load %arg19[%swap3A_1105] {strides = array<i32>} : memref<96xi32, #tpu.memory_space<vmem>>, vector<16xi32>,
    tpu.vector_store %arg19[%swap3A_1105], %and3A_1104 {strides = array<i32>} : memref<96xi32, #tpu.memory_space<vmem>>, vector<16xi32>,
    %dma_start3A_1107 = arith.constant 0 : i32
    %dma_start3A_1108 = arith.constant 0 : i32
    %dma_start3A_1109 = tpu.memref_slice %arg6[%dma_start3A_1107, %dma_start3A_1108] : memref<648x128xf32, #tpu.memory_space<hbm>> -> memref<648x128xf32, #tpu.memory_space<hbm>>
    tpu.enqueue_indirect_dma source(%dma_start3A_1109 : memref<648x128xf32, #tpu.memory_space<hbm>>) target(%arg20 : memref<96x128xf32, #tpu.memory_space<vmem>>) offsets(%arg18 : memref<96xi32, #tpu.memory_space<vmem>>) semaphore(%arg24 : memref<!tpu.dma_semaphore, #tpu.memory_space<semaphore_mem>>)
    %dma_start3A_1110 = arith.constant 0 : i32
    %dma_start3A_1111 = arith.constant 0 : i32
    %dma_start3A_1112 = tpu.memref_slice %arg7[%dma_start3A_1110, %dma_start3A_1111] : memref<648x128xf32, #tpu.memory_space<hbm>> -> memref<648x128xf32, #tpu.memory_space<hbm>>
    tpu.enqueue_indirect_dma source(%dma_start3A_1112 : memref<648x128xf32, #tpu.memory_space<hbm>>) target(%arg21 : memref<96x128xf32, #tpu.memory_space<vmem>>) offsets(%arg18 : memref<96xi32, #tpu.memory_space<vmem>>) semaphore(%arg25 : memref<!tpu.dma_semaphore, #tpu.memory_space<semaphore_mem>>)
    %dma_wait3A_1113 = arith.constant 0 : i32
    %dma_wait3A_1114 = arith.constant 0 : i32
    %dma_wait3A_1115 = tpu.memref_slice %arg6[%dma_wait3A_1113, %dma_wait3A_1114] : memref<648x128xf32, #tpu.memory_space<hbm>> -> memref<648x128xf32, #tpu.memory_space<hbm>>
    tpu.wait_indirect_dma semaphore(%arg24 : memref<!tpu.dma_semaphore, #tpu.memory_space<semaphore_mem>>) src(%dma_wait3A_1115 : memref<648x128xf32, #tpu.memory_space<hbm>>) dst(%arg20 : memref<96x128xf32, #tpu.memory_space<vmem>>)
    %dma_wait3A_1116 = arith.constant 0 : i32
    %dma_wait3A_1117 = arith.constant 0 : i32
    %dma_wait3A_1118 = tpu.memref_slice %arg7[%dma_wait3A_1116, %dma_wait3A_1117] : memref<648x128xf32, #tpu.memory_space<hbm>> -> memref<648x128xf32, #tpu.memory_space<hbm>>
    tpu.wait_indirect_dma semaphore(%arg25 : memref<!tpu.dma_semaphore, #tpu.memory_space<semaphore_mem>>) src(%dma_wait3A_1118 : memref<648x128xf32, #tpu.memory_space<hbm>>) dst(%arg21 : memref<96x128xf32, #tpu.memory_space<vmem>>)
    %broadcast_in_dim3A_1119 = arith.constant 0 : i32
    %broadcast_in_dim3A_1120 = vector.broadcast %broadcast_in_dim3A_1119 : i32 to vector<16xi32>
    %iota3A_1121 = tpu.iota {dimensions = array<i32: 0>} : vector<16xi32>
    %add3A_1122 = arith.addi %broadcast_in_dim3A_1120, %iota3A_1121 : vector<16xi32>
    %get3A_1123 = arith.constant 0 : index
    %get3A_1124 = tpu.vector_load %arg19[%get3A_1123] {strides = array<i32>} : memref<96xi32, #tpu.memory_space<vmem>>, vector<16xi32>,
    %gather3A_1125 = tpu.vector_load_idx %arg20[%add3A_1122, %get3A_1124] : memref<96x128xf32, #tpu.memory_space<vmem>>[vector<16xi32>, vector<16xi32>], vector<16xf32>,
    %swap3A_1126 = arith.constant 0 : index
    %swap3A_1127 = tpu.vector_load %arg22[%swap3A_1126] {strides = array<i32>} : memref<96xf32, #tpu.memory_space<vmem>>, vector<16xf32>,
    tpu.vector_store %arg22[%swap3A_1126], %gather3A_1125 {strides = array<i32>} : memref<96xf32, #tpu.memory_space<vmem>>, vector<16xf32>,
    %gather3A_1128 = tpu.vector_load_idx %arg21[%add3A_1122, %get3A_1124] : memref<96x128xf32, #tpu.memory_space<vmem>>[vector<16xi32>, vector<16xi32>], vector<16xf32>,
    %swap3A_1129 = arith.constant 0 : index
    %swap3A_1130 = tpu.vector_load %arg23[%swap3A_1129] {strides = array<i32>} : memref<96xf32, #tpu.memory_space<vmem>>, vector<16xf32>,
    tpu.vector_store %arg23[%swap3A_1129], %gather3A_1128 {strides = array<i32>} : memref<96xf32, #tpu.memory_space<vmem>>, vector<16xf32>,
    %broadcast_in_dim3A_1131 = arith.constant 16 : i32
    %broadcast_in_dim3A_1132 = vector.broadcast %broadcast_in_dim3A_1131 : i32 to vector<16xi32>
    %iota3A_1133 = tpu.iota {dimensions = array<i32: 0>} : vector<16xi32>
    %add3A_1134 = arith.addi %broadcast_in_dim3A_1132, %iota3A_1133 : vector<16xi32>
    %get3A_1135 = arith.constant 16 : index
    %get3A_1136 = tpu.vector_load %arg19[%get3A_1135] {strides = array<i32>} : memref<96xi32, #tpu.memory_space<vmem>>, vector<16xi32>,
    %gather3A_1137 = tpu.vector_load_idx %arg20[%add3A_1134, %get3A_1136] : memref<96x128xf32, #tpu.memory_space<vmem>>[vector<16xi32>, vector<16xi32>], vector<16xf32>,
    %swap3A_1138 = arith.constant 16 : index
    %swap3A_1139 = tpu.vector_load %arg22[%swap3A_1138] {strides = array<i32>} : memref<96xf32, #tpu.memory_space<vmem>>, vector<16xf32>,
    tpu.vector_store %arg22[%swap3A_1138], %gather3A_1137 {strides = array<i32>} : memref<96xf32, #tpu.memory_space<vmem>>, vector<16xf32>,
    %gather3A_1140 = tpu.vector_load_idx %arg21[%add3A_1134, %get3A_1136] : memref<96x128xf32, #tpu.memory_space<vmem>>[vector<16xi32>, vector<16xi32>], vector<16xf32>,
    %swap3A_1141 = arith.constant 16 : index
    %swap3A_1142 = tpu.vector_load %arg23[%swap3A_1141] {strides = array<i32>} : memref<96xf32, #tpu.memory_space<vmem>>, vector<16xf32>,
    tpu.vector_store %arg23[%swap3A_1141], %gather3A_1140 {strides = array<i32>} : memref<96xf32, #tpu.memory_space<vmem>>, vector<16xf32>,
    %broadcast_in_dim3A_1143 = arith.constant 32 : i32
    %broadcast_in_dim3A_1144 = vector.broadcast %broadcast_in_dim3A_1143 : i32 to vector<16xi32>
    %iota3A_1145 = tpu.iota {dimensions = array<i32: 0>} : vector<16xi32>
    %add3A_1146 = arith.addi %broadcast_in_dim3A_1144, %iota3A_1145 : vector<16xi32>
    %get3A_1147 = arith.constant 32 : index
    %get3A_1148 = tpu.vector_load %arg19[%get3A_1147] {strides = array<i32>} : memref<96xi32, #tpu.memory_space<vmem>>, vector<16xi32>,
    %gather3A_1149 = tpu.vector_load_idx %arg20[%add3A_1146, %get3A_1148] : memref<96x128xf32, #tpu.memory_space<vmem>>[vector<16xi32>, vector<16xi32>], vector<16xf32>,
    %swap3A_1150 = arith.constant 32 : index
    %swap3A_1151 = tpu.vector_load %arg22[%swap3A_1150] {strides = array<i32>} : memref<96xf32, #tpu.memory_space<vmem>>, vector<16xf32>,
    tpu.vector_store %arg22[%swap3A_1150], %gather3A_1149 {strides = array<i32>} : memref<96xf32, #tpu.memory_space<vmem>>, vector<16xf32>,
    %gather3A_1152 = tpu.vector_load_idx %arg21[%add3A_1146, %get3A_1148] : memref<96x128xf32, #tpu.memory_space<vmem>>[vector<16xi32>, vector<16xi32>], vector<16xf32>,
    %swap3A_1153 = arith.constant 32 : index
    %swap3A_1154 = tpu.vector_load %arg23[%swap3A_1153] {strides = array<i32>} : memref<96xf32, #tpu.memory_space<vmem>>, vector<16xf32>,
    tpu.vector_store %arg23[%swap3A_1153], %gather3A_1152 {strides = array<i32>} : memref<96xf32, #tpu.memory_space<vmem>>, vector<16xf32>,
    %broadcast_in_dim3A_1155 = arith.constant 48 : i32
    %broadcast_in_dim3A_1156 = vector.broadcast %broadcast_in_dim3A_1155 : i32 to vector<16xi32>
    %iota3A_1157 = tpu.iota {dimensions = array<i32: 0>} : vector<16xi32>
    %add3A_1158 = arith.addi %broadcast_in_dim3A_1156, %iota3A_1157 : vector<16xi32>
    %get3A_1159 = arith.constant 48 : index
    %get3A_1160 = tpu.vector_load %arg19[%get3A_1159] {strides = array<i32>} : memref<96xi32, #tpu.memory_space<vmem>>, vector<16xi32>,
    %gather3A_1161 = tpu.vector_load_idx %arg20[%add3A_1158, %get3A_1160] : memref<96x128xf32, #tpu.memory_space<vmem>>[vector<16xi32>, vector<16xi32>], vector<16xf32>,
    %swap3A_1162 = arith.constant 48 : index
    %swap3A_1163 = tpu.vector_load %arg22[%swap3A_1162] {strides = array<i32>} : memref<96xf32, #tpu.memory_space<vmem>>, vector<16xf32>,
    tpu.vector_store %arg22[%swap3A_1162], %gather3A_1161 {strides = array<i32>} : memref<96xf32, #tpu.memory_space<vmem>>, vector<16xf32>,
    %gather3A_1164 = tpu.vector_load_idx %arg21[%add3A_1158, %get3A_1160] : memref<96x128xf32, #tpu.memory_space<vmem>>[vector<16xi32>, vector<16xi32>], vector<16xf32>,
    %swap3A_1165 = arith.constant 48 : index
    %swap3A_1166 = tpu.vector_load %arg23[%swap3A_1165] {strides = array<i32>} : memref<96xf32, #tpu.memory_space<vmem>>, vector<16xf32>,
    tpu.vector_store %arg23[%swap3A_1165], %gather3A_1164 {strides = array<i32>} : memref<96xf32, #tpu.memory_space<vmem>>, vector<16xf32>,
    %broadcast_in_dim3A_1167 = arith.constant 64 : i32
    %broadcast_in_dim3A_1168 = vector.broadcast %broadcast_in_dim3A_1167 : i32 to vector<16xi32>
    %iota3A_1169 = tpu.iota {dimensions = array<i32: 0>} : vector<16xi32>
    %add3A_1170 = arith.addi %broadcast_in_dim3A_1168, %iota3A_1169 : vector<16xi32>
    %get3A_1171 = arith.constant 64 : index
    %get3A_1172 = tpu.vector_load %arg19[%get3A_1171] {strides = array<i32>} : memref<96xi32, #tpu.memory_space<vmem>>, vector<16xi32>,
    %gather3A_1173 = tpu.vector_load_idx %arg20[%add3A_1170, %get3A_1172] : memref<96x128xf32, #tpu.memory_space<vmem>>[vector<16xi32>, vector<16xi32>], vector<16xf32>,
    %swap3A_1174 = arith.constant 64 : index
    %swap3A_1175 = tpu.vector_load %arg22[%swap3A_1174] {strides = array<i32>} : memref<96xf32, #tpu.memory_space<vmem>>, vector<16xf32>,
    tpu.vector_store %arg22[%swap3A_1174], %gather3A_1173 {strides = array<i32>} : memref<96xf32, #tpu.memory_space<vmem>>, vector<16xf32>,
    %gather3A_1176 = tpu.vector_load_idx %arg21[%add3A_1170, %get3A_1172] : memref<96x128xf32, #tpu.memory_space<vmem>>[vector<16xi32>, vector<16xi32>], vector<16xf32>,
    %swap3A_1177 = arith.constant 64 : index
    %swap3A_1178 = tpu.vector_load %arg23[%swap3A_1177] {strides = array<i32>} : memref<96xf32, #tpu.memory_space<vmem>>, vector<16xf32>,
    tpu.vector_store %arg23[%swap3A_1177], %gather3A_1176 {strides = array<i32>} : memref<96xf32, #tpu.memory_space<vmem>>, vector<16xf32>,
    %broadcast_in_dim3A_1179 = arith.constant 80 : i32
    %broadcast_in_dim3A_1180 = vector.broadcast %broadcast_in_dim3A_1179 : i32 to vector<16xi32>
    %iota3A_1181 = tpu.iota {dimensions = array<i32: 0>} : vector<16xi32>
    %add3A_1182 = arith.addi %broadcast_in_dim3A_1180, %iota3A_1181 : vector<16xi32>
    %get3A_1183 = arith.constant 80 : index
    %get3A_1184 = tpu.vector_load %arg19[%get3A_1183] {strides = array<i32>} : memref<96xi32, #tpu.memory_space<vmem>>, vector<16xi32>,
    %gather3A_1185 = tpu.vector_load_idx %arg20[%add3A_1182, %get3A_1184] : memref<96x128xf32, #tpu.memory_space<vmem>>[vector<16xi32>, vector<16xi32>], vector<16xf32>,
    %swap3A_1186 = arith.constant 80 : index
    %swap3A_1187 = tpu.vector_load %arg22[%swap3A_1186] {strides = array<i32>} : memref<96xf32, #tpu.memory_space<vmem>>, vector<16xf32>,
    tpu.vector_store %arg22[%swap3A_1186], %gather3A_1185 {strides = array<i32>} : memref<96xf32, #tpu.memory_space<vmem>>, vector<16xf32>,
    %gather3A_1188 = tpu.vector_load_idx %arg21[%add3A_1182, %get3A_1184] : memref<96x128xf32, #tpu.memory_space<vmem>>[vector<16xi32>, vector<16xi32>], vector<16xf32>,
    %swap3A_1189 = arith.constant 80 : index
    %swap3A_1190 = tpu.vector_load %arg23[%swap3A_1189] {strides = array<i32>} : memref<96xf32, #tpu.memory_space<vmem>>, vector<16xf32>,
    tpu.vector_store %arg23[%swap3A_1189], %gather3A_1188 {strides = array<i32>} : memref<96xf32, #tpu.memory_space<vmem>>, vector<16xf32>,
    %mul3A_1191 = arith.constant 96 : i32
    %mul3A_1192 = arith.muli %add3A, %mul3A_1191 : i32
    "tpu.region"() ({
      %run_scoped3A = tpu.sem_alloc : memref<!tpu.dma_semaphore, #tpu.memory_space<semaphore_mem>>
      %dma_start3A_1195 = tpu.memref_slice %arg15[%mul3A_1192] : memref<3072xf32, #tpu.memory_space<hbm>> -> memref<96xf32, #tpu.memory_space<hbm>>
      %dma_start3A_1196 = tpu.memref_slice %arg15[%mul3A_1192] : memref<3072xf32, #tpu.memory_space<hbm>> -> memref<96xf32, #tpu.memory_space<hbm>>
      tpu.enqueue_dma source(%arg22 : memref<96xf32, #tpu.memory_space<vmem>>) target(%dma_start3A_1196 : memref<96xf32, #tpu.memory_space<hbm>>) target_semaphore(%run_scoped3A : memref<!tpu.dma_semaphore, #tpu.memory_space<semaphore_mem>>)
      %dma_wait3A_1197 = tpu.memref_slice %arg15[%mul3A_1192] : memref<3072xf32, #tpu.memory_space<hbm>> -> memref<96xf32, #tpu.memory_space<hbm>>
      %dma_wait3A_1198 = tpu.memref_slice %arg15[%mul3A_1192] : memref<3072xf32, #tpu.memory_space<hbm>> -> memref<96xf32, #tpu.memory_space<hbm>>
      tpu.wait_dma2 semaphore(%run_scoped3A : memref<!tpu.dma_semaphore, #tpu.memory_space<semaphore_mem>>) src(%arg22 : memref<96xf32, #tpu.memory_space<vmem>>) dst(%dma_wait3A_1198 : memref<96xf32, #tpu.memory_space<hbm>>)
      tpu.yield
    }) : () -> ()
    %mul3A_1193 = arith.constant 96 : i32
    %mul3A_1194 = arith.muli %add3A, %mul3A_1193 : i32
    "tpu.region"() ({
      %run_scoped3A = tpu.sem_alloc : memref<!tpu.dma_semaphore, #tpu.memory_space<semaphore_mem>>
      %dma_start3A_1195 = tpu.memref_slice %arg16[%mul3A_1194] : memref<3072xf32, #tpu.memory_space<hbm>> -> memref<96xf32, #tpu.memory_space<hbm>>
      %dma_start3A_1196 = tpu.memref_slice %arg16[%mul3A_1194] : memref<3072xf32, #tpu.memory_space<hbm>> -> memref<96xf32, #tpu.memory_space<hbm>>
      tpu.enqueue_dma source(%arg23 : memref<96xf32, #tpu.memory_space<vmem>>) target(%dma_start3A_1196 : memref<96xf32, #tpu.memory_space<hbm>>) target_semaphore(%run_scoped3A : memref<!tpu.dma_semaphore, #tpu.memory_space<semaphore_mem>>)
      %dma_wait3A_1197 = tpu.memref_slice %arg16[%mul3A_1194] : memref<3072xf32, #tpu.memory_space<hbm>> -> memref<96xf32, #tpu.memory_space<hbm>>
      %dma_wait3A_1198 = tpu.memref_slice %arg16[%mul3A_1194] : memref<3072xf32, #tpu.memory_space<hbm>> -> memref<96xf32, #tpu.memory_space<hbm>>
      tpu.wait_dma2 semaphore(%run_scoped3A : memref<!tpu.dma_semaphore, #tpu.memory_space<semaphore_mem>>) src(%arg23 : memref<96xf32, #tpu.memory_space<vmem>>) dst(%dma_wait3A_1198 : memref<96xf32, #tpu.memory_space<hbm>>)
      tpu.yield
    }) : () -> ()
    return
  }
}

module attributes {stable_mosaic.version = 14 : i64} {
  func.func @_topk_body(%arg0: memref<16x864x128xf32, #tpu.memory_space<vmem>>, %arg1: memref<16x108x128xf32, #tpu.memory_space<vmem>>, %arg2: memref<16x14x128xf32, #tpu.memory_space<vmem>>, %arg3: memref<180x16xf32, #tpu.memory_space<vmem>>, %arg4: memref<180x16xi32, #tpu.memory_space<vmem>>, %arg5: memref<16x864x128xf32, #tpu.memory_space<vmem>>, %arg6: memref<16x108x128xf32, #tpu.memory_space<vmem>>, %arg7: memref<16x14x128xf32, #tpu.memory_space<vmem>>, %arg8: memref<16x864xf32, #tpu.memory_space<vmem>>, %arg9: memref<16x108xf32, #tpu.memory_space<vmem>>, %arg10: memref<16x14xf32, #tpu.memory_space<vmem>>, %arg11: memref<16x128xf32, #tpu.memory_space<vmem>>) attributes {dimension_semantics = [], scalar_prefetch = 0 : i64, scratch_operands = 7 : i64, tpu.core_type = #tpu.core_type<tc>} {
    %get3A = arith.constant 0 : index
    %get3A_0 = arith.constant 0 : index
    %get3A_1 = arith.constant 0 : index
    %get3A_2 = vector.load %arg0[%get3A, %get3A_0, %get3A_1] : memref<16x864x128xf32, #tpu.memory_space<vmem>>, vector<16x864x128xf32>
    %logistic3A = arith.negf %get3A_2 : vector<16x864x128xf32>
    %logistic3A_3 = math.exp %logistic3A : vector<16x864x128xf32>
    %logistic3A_4 = arith.constant 1.000000e+00 : f32
    %logistic3A_5 = vector.broadcast %logistic3A_4 : f32 to vector<16x864x128xf32>
    %logistic3A_6 = arith.addf %logistic3A_5, %logistic3A_3 : vector<16x864x128xf32>
    %logistic3A_7 = arith.divf %logistic3A_5, %logistic3A_6 : vector<16x864x128xf32>
    %swap3A = arith.constant 0 : index
    %swap3A_8 = arith.constant 0 : index
    %swap3A_9 = arith.constant 0 : index
    %swap3A_10 = vector.load %arg5[%swap3A, %swap3A_8, %swap3A_9] : memref<16x864x128xf32, #tpu.memory_space<vmem>>, vector<16x864x128xf32>
    tpu.vector_store %arg5[%swap3A, %swap3A_8, %swap3A_9], %logistic3A_7 {strides = array<i32>} : memref<16x864x128xf32, #tpu.memory_space<vmem>>, vector<16x864x128xf32>,
    %reduce_max3A = arith.constant dense<0xFF800000> : vector<16x864xf32>
    %reduce_max3A_11 = vector.multi_reduction <maximumf>, %logistic3A_7, %reduce_max3A [2] : vector<16x864x128xf32> to vector<16x864xf32>
    %swap3A_12 = arith.constant 0 : index
    %swap3A_13 = arith.constant 0 : index
    %swap3A_14 = vector.load %arg8[%swap3A_12, %swap3A_13] : memref<16x864xf32, #tpu.memory_space<vmem>>, vector<16x864xf32>
    tpu.vector_store %arg8[%swap3A_12, %swap3A_13], %reduce_max3A_11 {strides = array<i32>} : memref<16x864xf32, #tpu.memory_space<vmem>>, vector<16x864xf32>,
    %get3A_15 = arith.constant 0 : index
    %get3A_16 = arith.constant 0 : index
    %get3A_17 = arith.constant 0 : index
    %get3A_18 = vector.load %arg1[%get3A_15, %get3A_16, %get3A_17] : memref<16x108x128xf32, #tpu.memory_space<vmem>>, vector<16x108x128xf32>
    %logistic3A_19 = arith.negf %get3A_18 : vector<16x108x128xf32>
    %logistic3A_20 = math.exp %logistic3A_19 : vector<16x108x128xf32>
    %logistic3A_21 = arith.constant 1.000000e+00 : f32
    %logistic3A_22 = vector.broadcast %logistic3A_21 : f32 to vector<16x108x128xf32>
    %logistic3A_23 = arith.addf %logistic3A_22, %logistic3A_20 : vector<16x108x128xf32>
    %logistic3A_24 = arith.divf %logistic3A_22, %logistic3A_23 : vector<16x108x128xf32>
    %swap3A_25 = arith.constant 0 : index
    %swap3A_26 = arith.constant 0 : index
    %swap3A_27 = arith.constant 0 : index
    %swap3A_28 = vector.load %arg6[%swap3A_25, %swap3A_26, %swap3A_27] : memref<16x108x128xf32, #tpu.memory_space<vmem>>, vector<16x108x128xf32>
    tpu.vector_store %arg6[%swap3A_25, %swap3A_26, %swap3A_27], %logistic3A_24 {strides = array<i32>} : memref<16x108x128xf32, #tpu.memory_space<vmem>>, vector<16x108x128xf32>,
    %reduce_max3A_29 = arith.constant dense<0xFF800000> : vector<16x108xf32>
    %reduce_max3A_30 = vector.multi_reduction <maximumf>, %logistic3A_24, %reduce_max3A_29 [2] : vector<16x108x128xf32> to vector<16x108xf32>
    %swap3A_31 = arith.constant 0 : index
    %swap3A_32 = arith.constant 0 : index
    %swap3A_33 = vector.load %arg9[%swap3A_31, %swap3A_32] : memref<16x108xf32, #tpu.memory_space<vmem>>, vector<16x108xf32>
    tpu.vector_store %arg9[%swap3A_31, %swap3A_32], %reduce_max3A_30 {strides = array<i32>} : memref<16x108xf32, #tpu.memory_space<vmem>>, vector<16x108xf32>,
    %get3A_34 = arith.constant 0 : index
    %get3A_35 = arith.constant 0 : index
    %get3A_36 = arith.constant 0 : index
    %get3A_37 = vector.load %arg2[%get3A_34, %get3A_35, %get3A_36] : memref<16x14x128xf32, #tpu.memory_space<vmem>>, vector<16x14x128xf32>
    %logistic3A_38 = arith.negf %get3A_37 : vector<16x14x128xf32>
    %logistic3A_39 = math.exp %logistic3A_38 : vector<16x14x128xf32>
    %logistic3A_40 = arith.constant 1.000000e+00 : f32
    %logistic3A_41 = vector.broadcast %logistic3A_40 : f32 to vector<16x14x128xf32>
    %logistic3A_42 = arith.addf %logistic3A_41, %logistic3A_39 : vector<16x14x128xf32>
    %logistic3A_43 = arith.divf %logistic3A_41, %logistic3A_42 : vector<16x14x128xf32>
    %swap3A_44 = arith.constant 0 : index
    %swap3A_45 = arith.constant 0 : index
    %swap3A_46 = arith.constant 0 : index
    %swap3A_47 = vector.load %arg7[%swap3A_44, %swap3A_45, %swap3A_46] : memref<16x14x128xf32, #tpu.memory_space<vmem>>, vector<16x14x128xf32>
    tpu.vector_store %arg7[%swap3A_44, %swap3A_45, %swap3A_46], %logistic3A_43 {strides = array<i32>} : memref<16x14x128xf32, #tpu.memory_space<vmem>>, vector<16x14x128xf32>,
    %reduce_max3A_48 = arith.constant dense<0xFF800000> : vector<16x14xf32>
    %reduce_max3A_49 = vector.multi_reduction <maximumf>, %logistic3A_43, %reduce_max3A_48 [2] : vector<16x14x128xf32> to vector<16x14xf32>
    %swap3A_50 = arith.constant 0 : index
    %swap3A_51 = arith.constant 0 : index
    %swap3A_52 = vector.load %arg10[%swap3A_50, %swap3A_51] : memref<16x14xf32, #tpu.memory_space<vmem>>, vector<16x14xf32>
    tpu.vector_store %arg10[%swap3A_50, %swap3A_51], %reduce_max3A_49 {strides = array<i32>} : memref<16x14xf32, #tpu.memory_space<vmem>>, vector<16x14xf32>,
    %iota3A = tpu.iota {dimensions = array<i32: 1>} : vector<1x864xi32>
    %iota3A_53 = tpu.iota {dimensions = array<i32: 1>} : vector<1x128xi32>
    %scan3A = arith.constant 0 : i32
    %scan3A_54 = arith.constant 60 : i32
    %scan3A_55 = arith.addi %scan3A, %scan3A_54 : i32
    %scan3A_56 = arith.constant 1 : i32
    scf.for %scan3A_72 = %scan3A to %scan3A_55 step %scan3A_56  : i32 {
      %get3A_73 = arith.constant 0 : index
      %get3A_74 = arith.constant 0 : index
      %get3A_75 = vector.load %arg8[%get3A_73, %get3A_74] : memref<16x864xf32, #tpu.memory_space<vmem>>, vector<16x864xf32>
      %reduce_max3A_76 = arith.constant dense<0xFF800000> : vector<16xf32>
      %reduce_max3A_77 = vector.multi_reduction <maximumf>, %get3A_75, %reduce_max3A_76 [1] : vector<16x864xf32> to vector<16xf32>
      %broadcast_in_dim3A = vector.shape_cast %reduce_max3A_77 : vector<16xf32> to vector<16x1xf32>
      %iota3A_78 = tpu.iota {dimensions = array<i32: 1>} : vector<16x864xi32>
      %eq3A = vector.broadcast %broadcast_in_dim3A : vector<16x1xf32> to vector<16x864xf32>
      %eq3A_79 = arith.cmpf oeq, %get3A_75, %eq3A : vector<16x864xf32>
      %jit3A = arith.constant 864 : i32
      %broadcast_in_dim3A_80 = vector.broadcast %jit3A : i32 to vector<16x864xi32>
      %select_n3A = arith.select %eq3A_79, %iota3A_78, %broadcast_in_dim3A_80 : vector<16x864xi1>, vector<16x864xi32>
      %reduce_min3A = arith.constant dense<2147483647> : vector<16xi32>
      %reduce_min3A_81 = vector.multi_reduction <minsi>, %select_n3A, %reduce_min3A [1] : vector<16x864xi32> to vector<16xi32>
      %broadcast_in_dim3A_82 = vector.shape_cast %reduce_min3A_81 : vector<16xi32> to vector<16x1xi32>
      %add3A = arith.constant 0 : i32
      %add3A_83 = arith.addi %add3A, %scan3A_72 : i32
      %slice3A = vector.extract_strided_slice %broadcast_in_dim3A_82 {offsets = [0, 0], sizes = [1, 1], strides = [1, 1]} : vector<16x1xi32> to vector<1x1xi32>
      %reduce_max3A_84 = vector.shape_cast %slice3A : vector<1x1xi32> to vector<1x1x1xi32>
      %reduce_max3A_85 = arith.constant dense<-2147483648> : vector<1xi32>
      %reduce_max3A_86 = vector.multi_reduction <maxsi>, %reduce_max3A_84, %reduce_max3A_85 [1, 2] : vector<1x1x1xi32> to vector<1xi32>
      %reduce_max3A_87 = vector.shape_cast %reduce_max3A_86 : vector<1xi32> to vector<1x1x1xi32>
      %reduce_max3A_88 = vector.extract %reduce_max3A_87[0, 0, 0] : i32 from vector<1x1x1xi32>
      %get3A_89 = arith.constant 0 : index
      %get3A_90 = arith.index_cast %reduce_max3A_88 : i32 to index
      %get3A_91 = arith.constant 0 : index
      %get3A_92 = vector.load %arg5[%get3A_89, %get3A_90, %get3A_91] : memref<16x864x128xf32, #tpu.memory_space<vmem>>, vector<1x1x128xf32>
      %get3A_93 = vector.shape_cast %get3A_92 : vector<1x1x128xf32> to vector<1x128xf32>
      %argmax3A = tpu.reduce_index %get3A_93 {axis = 1 : i32, kind = #tpu.reduction_kind<arg_max>} : vector<1x128xf32> -> vector<1xi32>
      %squeeze3A = vector.extract %argmax3A[0] : i32 from vector<1xi32>
      %reduce_max3A_94 = vector.shape_cast %get3A_93 : vector<1x128xf32> to vector<1x1x128xf32>
      %reduce_max3A_95 = arith.constant dense<0xFF800000> : vector<1xf32>
      %reduce_max3A_96 = vector.multi_reduction <maximumf>, %reduce_max3A_94, %reduce_max3A_95 [1, 2] : vector<1x1x128xf32> to vector<1xf32>
      %reduce_max3A_97 = vector.shape_cast %reduce_max3A_96 : vector<1xf32> to vector<1x1x1xf32>
      %reduce_max3A_98 = vector.extract %reduce_max3A_97[0, 0, 0] : f32 from vector<1x1x1xf32>
      %reshape3A = vector.broadcast %reduce_max3A_98 : f32 to vector<1x1xf32>
      %swap3A_99 = arith.index_cast %add3A_83 : i32 to index
      %swap3A_100 = arith.constant 0 : index
      %swap3A_101 = vector.load %arg3[%swap3A_99, %swap3A_100] : memref<180x16xf32, #tpu.memory_space<vmem>>, vector<1x1xf32>
      tpu.vector_store %arg3[%swap3A_99, %swap3A_100], %reshape3A {strides = array<i32>} : memref<180x16xf32, #tpu.memory_space<vmem>>, vector<1x1xf32>,
      %mul3A = arith.constant 128 : i32
      %mul3A_102 = arith.muli %reduce_max3A_88, %mul3A : i32
      %add3A_103 = arith.constant 0 : i32
      %add3A_104 = arith.addi %add3A_103, %mul3A_102 : i32
      %add3A_105 = arith.addi %add3A_104, %squeeze3A : i32
      %reshape3A_106 = vector.broadcast %add3A_105 : i32 to vector<1x1xi32>
      %swap3A_107 = arith.index_cast %add3A_83 : i32 to index
      %swap3A_108 = arith.constant 0 : index
      %swap3A_109 = vector.load %arg4[%swap3A_107, %swap3A_108] : memref<180x16xi32, #tpu.memory_space<vmem>>, vector<1x1xi32>
      tpu.vector_store %arg4[%swap3A_107, %swap3A_108], %reshape3A_106 {strides = array<i32>} : memref<180x16xi32, #tpu.memory_space<vmem>>, vector<1x1xi32>,
      %eq3A_110 = vector.broadcast %squeeze3A : i32 to vector<1x128xi32>
      %eq3A_111 = arith.cmpi eq, %iota3A_53, %eq3A_110 : vector<1x128xi32>
      %jit3A_112 = arith.constant -1.000000e+00 : f32
      %broadcast_in_dim3A_113 = vector.broadcast %jit3A_112 : f32 to vector<1x128xf32>
      %select_n3A_114 = arith.select %eq3A_111, %broadcast_in_dim3A_113, %get3A_93 : vector<1x128xi1>, vector<1x128xf32>
      %swap3A_115 = arith.constant 0 : index
      %swap3A_116 = arith.index_cast %reduce_max3A_88 : i32 to index
      %swap3A_117 = arith.constant 0 : index
      %swap3A_118 = vector.load %arg5[%swap3A_115, %swap3A_116, %swap3A_117] : memref<16x864x128xf32, #tpu.memory_space<vmem>>, vector<1x1x128xf32>
      %swap3A_119 = vector.shape_cast %swap3A_118 : vector<1x1x128xf32> to vector<1x128xf32>
      %swap3A_120 = vector.shape_cast %select_n3A_114 : vector<1x128xf32> to vector<1x1x128xf32>
      tpu.vector_store %arg5[%swap3A_115, %swap3A_116, %swap3A_117], %swap3A_120 {strides = array<i32>} : memref<16x864x128xf32, #tpu.memory_space<vmem>>, vector<1x1x128xf32>,
      %reduce_max3A_121 = vector.shape_cast %select_n3A_114 : vector<1x128xf32> to vector<1x1x128xf32>
      %reduce_max3A_122 = arith.constant dense<0xFF800000> : vector<1xf32>
      %reduce_max3A_123 = vector.multi_reduction <maximumf>, %reduce_max3A_121, %reduce_max3A_122 [1, 2] : vector<1x1x128xf32> to vector<1xf32>
      %reduce_max3A_124 = vector.shape_cast %reduce_max3A_123 : vector<1xf32> to vector<1x1x1xf32>
      %reduce_max3A_125 = vector.extract %reduce_max3A_124[0, 0, 0] : f32 from vector<1x1x1xf32>
      %reshape3A_126 = vector.broadcast %reduce_max3A_125 : f32 to vector<1x1xf32>
      %swap3A_127 = arith.constant 0 : index
      %swap3A_128 = arith.constant 0 : index
      %swap3A_129 = vector.load %arg11[%swap3A_127, %swap3A_128] : memref<16x128xf32, #tpu.memory_space<vmem>>, vector<1x1xf32>
      tpu.vector_store %arg11[%swap3A_127, %swap3A_128], %reshape3A_126 {strides = array<i32>} : memref<16x128xf32, #tpu.memory_space<vmem>>, vector<1x1xf32>,
      %slice3A_130 = vector.extract_strided_slice %broadcast_in_dim3A_82 {offsets = [1, 0], sizes = [1, 1], strides = [1, 1]} : vector<16x1xi32> to vector<1x1xi32>
      %reduce_max3A_131 = vector.shape_cast %slice3A_130 : vector<1x1xi32> to vector<1x1x1xi32>
      %reduce_max3A_132 = arith.constant dense<-2147483648> : vector<1xi32>
      %reduce_max3A_133 = vector.multi_reduction <maxsi>, %reduce_max3A_131, %reduce_max3A_132 [1, 2] : vector<1x1x1xi32> to vector<1xi32>
      %reduce_max3A_134 = vector.shape_cast %reduce_max3A_133 : vector<1xi32> to vector<1x1x1xi32>
      %reduce_max3A_135 = vector.extract %reduce_max3A_134[0, 0, 0] : i32 from vector<1x1x1xi32>
      %get3A_136 = arith.constant 1 : index
      %get3A_137 = arith.index_cast %reduce_max3A_135 : i32 to index
      %get3A_138 = arith.constant 0 : index
      %get3A_139 = vector.load %arg5[%get3A_136, %get3A_137, %get3A_138] : memref<16x864x128xf32, #tpu.memory_space<vmem>>, vector<1x1x128xf32>
      %get3A_140 = vector.shape_cast %get3A_139 : vector<1x1x128xf32> to vector<1x128xf32>
      %argmax3A_141 = tpu.reduce_index %get3A_140 {axis = 1 : i32, kind = #tpu.reduction_kind<arg_max>} : vector<1x128xf32> -> vector<1xi32>
      %squeeze3A_142 = vector.extract %argmax3A_141[0] : i32 from vector<1xi32>
      %reduce_max3A_143 = vector.shape_cast %get3A_140 : vector<1x128xf32> to vector<1x1x128xf32>
      %reduce_max3A_144 = arith.constant dense<0xFF800000> : vector<1xf32>
      %reduce_max3A_145 = vector.multi_reduction <maximumf>, %reduce_max3A_143, %reduce_max3A_144 [1, 2] : vector<1x1x128xf32> to vector<1xf32>
      %reduce_max3A_146 = vector.shape_cast %reduce_max3A_145 : vector<1xf32> to vector<1x1x1xf32>
      %reduce_max3A_147 = vector.extract %reduce_max3A_146[0, 0, 0] : f32 from vector<1x1x1xf32>
      %reshape3A_148 = vector.broadcast %reduce_max3A_147 : f32 to vector<1x1xf32>
      %swap3A_149 = arith.index_cast %add3A_83 : i32 to index
      %swap3A_150 = arith.constant 1 : index
      %swap3A_151 = vector.load %arg3[%swap3A_149, %swap3A_150] : memref<180x16xf32, #tpu.memory_space<vmem>>, vector<1x1xf32>
      tpu.vector_store %arg3[%swap3A_149, %swap3A_150], %reshape3A_148 {strides = array<i32>} : memref<180x16xf32, #tpu.memory_space<vmem>>, vector<1x1xf32>,
      %mul3A_152 = arith.constant 128 : i32
      %mul3A_153 = arith.muli %reduce_max3A_135, %mul3A_152 : i32
      %add3A_154 = arith.constant 0 : i32
      %add3A_155 = arith.addi %add3A_154, %mul3A_153 : i32
      %add3A_156 = arith.addi %add3A_155, %squeeze3A_142 : i32
      %reshape3A_157 = vector.broadcast %add3A_156 : i32 to vector<1x1xi32>
      %swap3A_158 = arith.index_cast %add3A_83 : i32 to index
      %swap3A_159 = arith.constant 1 : index
      %swap3A_160 = vector.load %arg4[%swap3A_158, %swap3A_159] : memref<180x16xi32, #tpu.memory_space<vmem>>, vector<1x1xi32>
      tpu.vector_store %arg4[%swap3A_158, %swap3A_159], %reshape3A_157 {strides = array<i32>} : memref<180x16xi32, #tpu.memory_space<vmem>>, vector<1x1xi32>,
      %eq3A_161 = vector.broadcast %squeeze3A_142 : i32 to vector<1x128xi32>
      %eq3A_162 = arith.cmpi eq, %iota3A_53, %eq3A_161 : vector<1x128xi32>
      %jit3A_163 = arith.constant -1.000000e+00 : f32
      %broadcast_in_dim3A_164 = vector.broadcast %jit3A_163 : f32 to vector<1x128xf32>
      %select_n3A_165 = arith.select %eq3A_162, %broadcast_in_dim3A_164, %get3A_140 : vector<1x128xi1>, vector<1x128xf32>
      %swap3A_166 = arith.constant 1 : index
      %swap3A_167 = arith.index_cast %reduce_max3A_135 : i32 to index
      %swap3A_168 = arith.constant 0 : index
      %swap3A_169 = vector.load %arg5[%swap3A_166, %swap3A_167, %swap3A_168] : memref<16x864x128xf32, #tpu.memory_space<vmem>>, vector<1x1x128xf32>
      %swap3A_170 = vector.shape_cast %swap3A_169 : vector<1x1x128xf32> to vector<1x128xf32>
      %swap3A_171 = vector.shape_cast %select_n3A_165 : vector<1x128xf32> to vector<1x1x128xf32>
      tpu.vector_store %arg5[%swap3A_166, %swap3A_167, %swap3A_168], %swap3A_171 {strides = array<i32>} : memref<16x864x128xf32, #tpu.memory_space<vmem>>, vector<1x1x128xf32>,
      %reduce_max3A_172 = vector.shape_cast %select_n3A_165 : vector<1x128xf32> to vector<1x1x128xf32>
      %reduce_max3A_173 = arith.constant dense<0xFF800000> : vector<1xf32>
      %reduce_max3A_174 = vector.multi_reduction <maximumf>, %reduce_max3A_172, %reduce_max3A_173 [1, 2] : vector<1x1x128xf32> to vector<1xf32>
      %reduce_max3A_175 = vector.shape_cast %reduce_max3A_174 : vector<1xf32> to vector<1x1x1xf32>
      %reduce_max3A_176 = vector.extract %reduce_max3A_175[0, 0, 0] : f32 from vector<1x1x1xf32>
      %reshape3A_177 = vector.broadcast %reduce_max3A_176 : f32 to vector<1x1xf32>
      %swap3A_178 = arith.constant 1 : index
      %swap3A_179 = arith.constant 0 : index
      %swap3A_180 = vector.load %arg11[%swap3A_178, %swap3A_179] : memref<16x128xf32, #tpu.memory_space<vmem>>, vector<1x1xf32>
      tpu.vector_store %arg11[%swap3A_178, %swap3A_179], %reshape3A_177 {strides = array<i32>} : memref<16x128xf32, #tpu.memory_space<vmem>>, vector<1x1xf32>,
      %slice3A_181 = vector.extract_strided_slice %broadcast_in_dim3A_82 {offsets = [2, 0], sizes = [1, 1], strides = [1, 1]} : vector<16x1xi32> to vector<1x1xi32>
      %reduce_max3A_182 = vector.shape_cast %slice3A_181 : vector<1x1xi32> to vector<1x1x1xi32>
      %reduce_max3A_183 = arith.constant dense<-2147483648> : vector<1xi32>
      %reduce_max3A_184 = vector.multi_reduction <maxsi>, %reduce_max3A_182, %reduce_max3A_183 [1, 2] : vector<1x1x1xi32> to vector<1xi32>
      %reduce_max3A_185 = vector.shape_cast %reduce_max3A_184 : vector<1xi32> to vector<1x1x1xi32>
      %reduce_max3A_186 = vector.extract %reduce_max3A_185[0, 0, 0] : i32 from vector<1x1x1xi32>
      %get3A_187 = arith.constant 2 : index
      %get3A_188 = arith.index_cast %reduce_max3A_186 : i32 to index
      %get3A_189 = arith.constant 0 : index
      %get3A_190 = vector.load %arg5[%get3A_187, %get3A_188, %get3A_189] : memref<16x864x128xf32, #tpu.memory_space<vmem>>, vector<1x1x128xf32>
      %get3A_191 = vector.shape_cast %get3A_190 : vector<1x1x128xf32> to vector<1x128xf32>
      %argmax3A_192 = tpu.reduce_index %get3A_191 {axis = 1 : i32, kind = #tpu.reduction_kind<arg_max>} : vector<1x128xf32> -> vector<1xi32>
      %squeeze3A_193 = vector.extract %argmax3A_192[0] : i32 from vector<1xi32>
      %reduce_max3A_194 = vector.shape_cast %get3A_191 : vector<1x128xf32> to vector<1x1x128xf32>
      %reduce_max3A_195 = arith.constant dense<0xFF800000> : vector<1xf32>
      %reduce_max3A_196 = vector.multi_reduction <maximumf>, %reduce_max3A_194, %reduce_max3A_195 [1, 2] : vector<1x1x128xf32> to vector<1xf32>
      %reduce_max3A_197 = vector.shape_cast %reduce_max3A_196 : vector<1xf32> to vector<1x1x1xf32>
      %reduce_max3A_198 = vector.extract %reduce_max3A_197[0, 0, 0] : f32 from vector<1x1x1xf32>
      %reshape3A_199 = vector.broadcast %reduce_max3A_198 : f32 to vector<1x1xf32>
      %swap3A_200 = arith.index_cast %add3A_83 : i32 to index
      %swap3A_201 = arith.constant 2 : index
      %swap3A_202 = vector.load %arg3[%swap3A_200, %swap3A_201] : memref<180x16xf32, #tpu.memory_space<vmem>>, vector<1x1xf32>
      tpu.vector_store %arg3[%swap3A_200, %swap3A_201], %reshape3A_199 {strides = array<i32>} : memref<180x16xf32, #tpu.memory_space<vmem>>, vector<1x1xf32>,
      %mul3A_203 = arith.constant 128 : i32
      %mul3A_204 = arith.muli %reduce_max3A_186, %mul3A_203 : i32
      %add3A_205 = arith.constant 0 : i32
      %add3A_206 = arith.addi %add3A_205, %mul3A_204 : i32
      %add3A_207 = arith.addi %add3A_206, %squeeze3A_193 : i32
      %reshape3A_208 = vector.broadcast %add3A_207 : i32 to vector<1x1xi32>
      %swap3A_209 = arith.index_cast %add3A_83 : i32 to index
      %swap3A_210 = arith.constant 2 : index
      %swap3A_211 = vector.load %arg4[%swap3A_209, %swap3A_210] : memref<180x16xi32, #tpu.memory_space<vmem>>, vector<1x1xi32>
      tpu.vector_store %arg4[%swap3A_209, %swap3A_210], %reshape3A_208 {strides = array<i32>} : memref<180x16xi32, #tpu.memory_space<vmem>>, vector<1x1xi32>,
      %eq3A_212 = vector.broadcast %squeeze3A_193 : i32 to vector<1x128xi32>
      %eq3A_213 = arith.cmpi eq, %iota3A_53, %eq3A_212 : vector<1x128xi32>
      %jit3A_214 = arith.constant -1.000000e+00 : f32
      %broadcast_in_dim3A_215 = vector.broadcast %jit3A_214 : f32 to vector<1x128xf32>
      %select_n3A_216 = arith.select %eq3A_213, %broadcast_in_dim3A_215, %get3A_191 : vector<1x128xi1>, vector<1x128xf32>
      %swap3A_217 = arith.constant 2 : index
      %swap3A_218 = arith.index_cast %reduce_max3A_186 : i32 to index
      %swap3A_219 = arith.constant 0 : index
      %swap3A_220 = vector.load %arg5[%swap3A_217, %swap3A_218, %swap3A_219] : memref<16x864x128xf32, #tpu.memory_space<vmem>>, vector<1x1x128xf32>
      %swap3A_221 = vector.shape_cast %swap3A_220 : vector<1x1x128xf32> to vector<1x128xf32>
      %swap3A_222 = vector.shape_cast %select_n3A_216 : vector<1x128xf32> to vector<1x1x128xf32>
      tpu.vector_store %arg5[%swap3A_217, %swap3A_218, %swap3A_219], %swap3A_222 {strides = array<i32>} : memref<16x864x128xf32, #tpu.memory_space<vmem>>, vector<1x1x128xf32>,
      %reduce_max3A_223 = vector.shape_cast %select_n3A_216 : vector<1x128xf32> to vector<1x1x128xf32>
      %reduce_max3A_224 = arith.constant dense<0xFF800000> : vector<1xf32>
      %reduce_max3A_225 = vector.multi_reduction <maximumf>, %reduce_max3A_223, %reduce_max3A_224 [1, 2] : vector<1x1x128xf32> to vector<1xf32>
      %reduce_max3A_226 = vector.shape_cast %reduce_max3A_225 : vector<1xf32> to vector<1x1x1xf32>
      %reduce_max3A_227 = vector.extract %reduce_max3A_226[0, 0, 0] : f32 from vector<1x1x1xf32>
      %reshape3A_228 = vector.broadcast %reduce_max3A_227 : f32 to vector<1x1xf32>
      %swap3A_229 = arith.constant 2 : index
      %swap3A_230 = arith.constant 0 : index
      %swap3A_231 = vector.load %arg11[%swap3A_229, %swap3A_230] : memref<16x128xf32, #tpu.memory_space<vmem>>, vector<1x1xf32>
      tpu.vector_store %arg11[%swap3A_229, %swap3A_230], %reshape3A_228 {strides = array<i32>} : memref<16x128xf32, #tpu.memory_space<vmem>>, vector<1x1xf32>,
      %slice3A_232 = vector.extract_strided_slice %broadcast_in_dim3A_82 {offsets = [3, 0], sizes = [1, 1], strides = [1, 1]} : vector<16x1xi32> to vector<1x1xi32>
      %reduce_max3A_233 = vector.shape_cast %slice3A_232 : vector<1x1xi32> to vector<1x1x1xi32>
      %reduce_max3A_234 = arith.constant dense<-2147483648> : vector<1xi32>
      %reduce_max3A_235 = vector.multi_reduction <maxsi>, %reduce_max3A_233, %reduce_max3A_234 [1, 2] : vector<1x1x1xi32> to vector<1xi32>
      %reduce_max3A_236 = vector.shape_cast %reduce_max3A_235 : vector<1xi32> to vector<1x1x1xi32>
      %reduce_max3A_237 = vector.extract %reduce_max3A_236[0, 0, 0] : i32 from vector<1x1x1xi32>
      %get3A_238 = arith.constant 3 : index
      %get3A_239 = arith.index_cast %reduce_max3A_237 : i32 to index
      %get3A_240 = arith.constant 0 : index
      %get3A_241 = vector.load %arg5[%get3A_238, %get3A_239, %get3A_240] : memref<16x864x128xf32, #tpu.memory_space<vmem>>, vector<1x1x128xf32>
      %get3A_242 = vector.shape_cast %get3A_241 : vector<1x1x128xf32> to vector<1x128xf32>
      %argmax3A_243 = tpu.reduce_index %get3A_242 {axis = 1 : i32, kind = #tpu.reduction_kind<arg_max>} : vector<1x128xf32> -> vector<1xi32>
      %squeeze3A_244 = vector.extract %argmax3A_243[0] : i32 from vector<1xi32>
      %reduce_max3A_245 = vector.shape_cast %get3A_242 : vector<1x128xf32> to vector<1x1x128xf32>
      %reduce_max3A_246 = arith.constant dense<0xFF800000> : vector<1xf32>
      %reduce_max3A_247 = vector.multi_reduction <maximumf>, %reduce_max3A_245, %reduce_max3A_246 [1, 2] : vector<1x1x128xf32> to vector<1xf32>
      %reduce_max3A_248 = vector.shape_cast %reduce_max3A_247 : vector<1xf32> to vector<1x1x1xf32>
      %reduce_max3A_249 = vector.extract %reduce_max3A_248[0, 0, 0] : f32 from vector<1x1x1xf32>
      %reshape3A_250 = vector.broadcast %reduce_max3A_249 : f32 to vector<1x1xf32>
      %swap3A_251 = arith.index_cast %add3A_83 : i32 to index
      %swap3A_252 = arith.constant 3 : index
      %swap3A_253 = vector.load %arg3[%swap3A_251, %swap3A_252] : memref<180x16xf32, #tpu.memory_space<vmem>>, vector<1x1xf32>
      tpu.vector_store %arg3[%swap3A_251, %swap3A_252], %reshape3A_250 {strides = array<i32>} : memref<180x16xf32, #tpu.memory_space<vmem>>, vector<1x1xf32>,
      %mul3A_254 = arith.constant 128 : i32
      %mul3A_255 = arith.muli %reduce_max3A_237, %mul3A_254 : i32
      %add3A_256 = arith.constant 0 : i32
      %add3A_257 = arith.addi %add3A_256, %mul3A_255 : i32
      %add3A_258 = arith.addi %add3A_257, %squeeze3A_244 : i32
      %reshape3A_259 = vector.broadcast %add3A_258 : i32 to vector<1x1xi32>
      %swap3A_260 = arith.index_cast %add3A_83 : i32 to index
      %swap3A_261 = arith.constant 3 : index
      %swap3A_262 = vector.load %arg4[%swap3A_260, %swap3A_261] : memref<180x16xi32, #tpu.memory_space<vmem>>, vector<1x1xi32>
      tpu.vector_store %arg4[%swap3A_260, %swap3A_261], %reshape3A_259 {strides = array<i32>} : memref<180x16xi32, #tpu.memory_space<vmem>>, vector<1x1xi32>,
      %eq3A_263 = vector.broadcast %squeeze3A_244 : i32 to vector<1x128xi32>
      %eq3A_264 = arith.cmpi eq, %iota3A_53, %eq3A_263 : vector<1x128xi32>
      %jit3A_265 = arith.constant -1.000000e+00 : f32
      %broadcast_in_dim3A_266 = vector.broadcast %jit3A_265 : f32 to vector<1x128xf32>
      %select_n3A_267 = arith.select %eq3A_264, %broadcast_in_dim3A_266, %get3A_242 : vector<1x128xi1>, vector<1x128xf32>
      %swap3A_268 = arith.constant 3 : index
      %swap3A_269 = arith.index_cast %reduce_max3A_237 : i32 to index
      %swap3A_270 = arith.constant 0 : index
      %swap3A_271 = vector.load %arg5[%swap3A_268, %swap3A_269, %swap3A_270] : memref<16x864x128xf32, #tpu.memory_space<vmem>>, vector<1x1x128xf32>
      %swap3A_272 = vector.shape_cast %swap3A_271 : vector<1x1x128xf32> to vector<1x128xf32>
      %swap3A_273 = vector.shape_cast %select_n3A_267 : vector<1x128xf32> to vector<1x1x128xf32>
      tpu.vector_store %arg5[%swap3A_268, %swap3A_269, %swap3A_270], %swap3A_273 {strides = array<i32>} : memref<16x864x128xf32, #tpu.memory_space<vmem>>, vector<1x1x128xf32>,
      %reduce_max3A_274 = vector.shape_cast %select_n3A_267 : vector<1x128xf32> to vector<1x1x128xf32>
      %reduce_max3A_275 = arith.constant dense<0xFF800000> : vector<1xf32>
      %reduce_max3A_276 = vector.multi_reduction <maximumf>, %reduce_max3A_274, %reduce_max3A_275 [1, 2] : vector<1x1x128xf32> to vector<1xf32>
      %reduce_max3A_277 = vector.shape_cast %reduce_max3A_276 : vector<1xf32> to vector<1x1x1xf32>
      %reduce_max3A_278 = vector.extract %reduce_max3A_277[0, 0, 0] : f32 from vector<1x1x1xf32>
      %reshape3A_279 = vector.broadcast %reduce_max3A_278 : f32 to vector<1x1xf32>
      %swap3A_280 = arith.constant 3 : index
      %swap3A_281 = arith.constant 0 : index
      %swap3A_282 = vector.load %arg11[%swap3A_280, %swap3A_281] : memref<16x128xf32, #tpu.memory_space<vmem>>, vector<1x1xf32>
      tpu.vector_store %arg11[%swap3A_280, %swap3A_281], %reshape3A_279 {strides = array<i32>} : memref<16x128xf32, #tpu.memory_space<vmem>>, vector<1x1xf32>,
      %slice3A_283 = vector.extract_strided_slice %broadcast_in_dim3A_82 {offsets = [4, 0], sizes = [1, 1], strides = [1, 1]} : vector<16x1xi32> to vector<1x1xi32>
      %reduce_max3A_284 = vector.shape_cast %slice3A_283 : vector<1x1xi32> to vector<1x1x1xi32>
      %reduce_max3A_285 = arith.constant dense<-2147483648> : vector<1xi32>
      %reduce_max3A_286 = vector.multi_reduction <maxsi>, %reduce_max3A_284, %reduce_max3A_285 [1, 2] : vector<1x1x1xi32> to vector<1xi32>
      %reduce_max3A_287 = vector.shape_cast %reduce_max3A_286 : vector<1xi32> to vector<1x1x1xi32>
      %reduce_max3A_288 = vector.extract %reduce_max3A_287[0, 0, 0] : i32 from vector<1x1x1xi32>
      %get3A_289 = arith.constant 4 : index
      %get3A_290 = arith.index_cast %reduce_max3A_288 : i32 to index
      %get3A_291 = arith.constant 0 : index
      %get3A_292 = vector.load %arg5[%get3A_289, %get3A_290, %get3A_291] : memref<16x864x128xf32, #tpu.memory_space<vmem>>, vector<1x1x128xf32>
      %get3A_293 = vector.shape_cast %get3A_292 : vector<1x1x128xf32> to vector<1x128xf32>
      %argmax3A_294 = tpu.reduce_index %get3A_293 {axis = 1 : i32, kind = #tpu.reduction_kind<arg_max>} : vector<1x128xf32> -> vector<1xi32>
      %squeeze3A_295 = vector.extract %argmax3A_294[0] : i32 from vector<1xi32>
      %reduce_max3A_296 = vector.shape_cast %get3A_293 : vector<1x128xf32> to vector<1x1x128xf32>
      %reduce_max3A_297 = arith.constant dense<0xFF800000> : vector<1xf32>
      %reduce_max3A_298 = vector.multi_reduction <maximumf>, %reduce_max3A_296, %reduce_max3A_297 [1, 2] : vector<1x1x128xf32> to vector<1xf32>
      %reduce_max3A_299 = vector.shape_cast %reduce_max3A_298 : vector<1xf32> to vector<1x1x1xf32>
      %reduce_max3A_300 = vector.extract %reduce_max3A_299[0, 0, 0] : f32 from vector<1x1x1xf32>
      %reshape3A_301 = vector.broadcast %reduce_max3A_300 : f32 to vector<1x1xf32>
      %swap3A_302 = arith.index_cast %add3A_83 : i32 to index
      %swap3A_303 = arith.constant 4 : index
      %swap3A_304 = vector.load %arg3[%swap3A_302, %swap3A_303] : memref<180x16xf32, #tpu.memory_space<vmem>>, vector<1x1xf32>
      tpu.vector_store %arg3[%swap3A_302, %swap3A_303], %reshape3A_301 {strides = array<i32>} : memref<180x16xf32, #tpu.memory_space<vmem>>, vector<1x1xf32>,
      %mul3A_305 = arith.constant 128 : i32
      %mul3A_306 = arith.muli %reduce_max3A_288, %mul3A_305 : i32
      %add3A_307 = arith.constant 0 : i32
      %add3A_308 = arith.addi %add3A_307, %mul3A_306 : i32
      %add3A_309 = arith.addi %add3A_308, %squeeze3A_295 : i32
      %reshape3A_310 = vector.broadcast %add3A_309 : i32 to vector<1x1xi32>
      %swap3A_311 = arith.index_cast %add3A_83 : i32 to index
      %swap3A_312 = arith.constant 4 : index
      %swap3A_313 = vector.load %arg4[%swap3A_311, %swap3A_312] : memref<180x16xi32, #tpu.memory_space<vmem>>, vector<1x1xi32>
      tpu.vector_store %arg4[%swap3A_311, %swap3A_312], %reshape3A_310 {strides = array<i32>} : memref<180x16xi32, #tpu.memory_space<vmem>>, vector<1x1xi32>,
      %eq3A_314 = vector.broadcast %squeeze3A_295 : i32 to vector<1x128xi32>
      %eq3A_315 = arith.cmpi eq, %iota3A_53, %eq3A_314 : vector<1x128xi32>
      %jit3A_316 = arith.constant -1.000000e+00 : f32
      %broadcast_in_dim3A_317 = vector.broadcast %jit3A_316 : f32 to vector<1x128xf32>
      %select_n3A_318 = arith.select %eq3A_315, %broadcast_in_dim3A_317, %get3A_293 : vector<1x128xi1>, vector<1x128xf32>
      %swap3A_319 = arith.constant 4 : index
      %swap3A_320 = arith.index_cast %reduce_max3A_288 : i32 to index
      %swap3A_321 = arith.constant 0 : index
      %swap3A_322 = vector.load %arg5[%swap3A_319, %swap3A_320, %swap3A_321] : memref<16x864x128xf32, #tpu.memory_space<vmem>>, vector<1x1x128xf32>
      %swap3A_323 = vector.shape_cast %swap3A_322 : vector<1x1x128xf32> to vector<1x128xf32>
      %swap3A_324 = vector.shape_cast %select_n3A_318 : vector<1x128xf32> to vector<1x1x128xf32>
      tpu.vector_store %arg5[%swap3A_319, %swap3A_320, %swap3A_321], %swap3A_324 {strides = array<i32>} : memref<16x864x128xf32, #tpu.memory_space<vmem>>, vector<1x1x128xf32>,
      %reduce_max3A_325 = vector.shape_cast %select_n3A_318 : vector<1x128xf32> to vector<1x1x128xf32>
      %reduce_max3A_326 = arith.constant dense<0xFF800000> : vector<1xf32>
      %reduce_max3A_327 = vector.multi_reduction <maximumf>, %reduce_max3A_325, %reduce_max3A_326 [1, 2] : vector<1x1x128xf32> to vector<1xf32>
      %reduce_max3A_328 = vector.shape_cast %reduce_max3A_327 : vector<1xf32> to vector<1x1x1xf32>
      %reduce_max3A_329 = vector.extract %reduce_max3A_328[0, 0, 0] : f32 from vector<1x1x1xf32>
      %reshape3A_330 = vector.broadcast %reduce_max3A_329 : f32 to vector<1x1xf32>
      %swap3A_331 = arith.constant 4 : index
      %swap3A_332 = arith.constant 0 : index
      %swap3A_333 = vector.load %arg11[%swap3A_331, %swap3A_332] : memref<16x128xf32, #tpu.memory_space<vmem>>, vector<1x1xf32>
      tpu.vector_store %arg11[%swap3A_331, %swap3A_332], %reshape3A_330 {strides = array<i32>} : memref<16x128xf32, #tpu.memory_space<vmem>>, vector<1x1xf32>,
      %slice3A_334 = vector.extract_strided_slice %broadcast_in_dim3A_82 {offsets = [5, 0], sizes = [1, 1], strides = [1, 1]} : vector<16x1xi32> to vector<1x1xi32>
      %reduce_max3A_335 = vector.shape_cast %slice3A_334 : vector<1x1xi32> to vector<1x1x1xi32>
      %reduce_max3A_336 = arith.constant dense<-2147483648> : vector<1xi32>
      %reduce_max3A_337 = vector.multi_reduction <maxsi>, %reduce_max3A_335, %reduce_max3A_336 [1, 2] : vector<1x1x1xi32> to vector<1xi32>
      %reduce_max3A_338 = vector.shape_cast %reduce_max3A_337 : vector<1xi32> to vector<1x1x1xi32>
      %reduce_max3A_339 = vector.extract %reduce_max3A_338[0, 0, 0] : i32 from vector<1x1x1xi32>
      %get3A_340 = arith.constant 5 : index
      %get3A_341 = arith.index_cast %reduce_max3A_339 : i32 to index
      %get3A_342 = arith.constant 0 : index
      %get3A_343 = vector.load %arg5[%get3A_340, %get3A_341, %get3A_342] : memref<16x864x128xf32, #tpu.memory_space<vmem>>, vector<1x1x128xf32>
      %get3A_344 = vector.shape_cast %get3A_343 : vector<1x1x128xf32> to vector<1x128xf32>
      %argmax3A_345 = tpu.reduce_index %get3A_344 {axis = 1 : i32, kind = #tpu.reduction_kind<arg_max>} : vector<1x128xf32> -> vector<1xi32>
      %squeeze3A_346 = vector.extract %argmax3A_345[0] : i32 from vector<1xi32>
      %reduce_max3A_347 = vector.shape_cast %get3A_344 : vector<1x128xf32> to vector<1x1x128xf32>
      %reduce_max3A_348 = arith.constant dense<0xFF800000> : vector<1xf32>
      %reduce_max3A_349 = vector.multi_reduction <maximumf>, %reduce_max3A_347, %reduce_max3A_348 [1, 2] : vector<1x1x128xf32> to vector<1xf32>
      %reduce_max3A_350 = vector.shape_cast %reduce_max3A_349 : vector<1xf32> to vector<1x1x1xf32>
      %reduce_max3A_351 = vector.extract %reduce_max3A_350[0, 0, 0] : f32 from vector<1x1x1xf32>
      %reshape3A_352 = vector.broadcast %reduce_max3A_351 : f32 to vector<1x1xf32>
      %swap3A_353 = arith.index_cast %add3A_83 : i32 to index
      %swap3A_354 = arith.constant 5 : index
      %swap3A_355 = vector.load %arg3[%swap3A_353, %swap3A_354] : memref<180x16xf32, #tpu.memory_space<vmem>>, vector<1x1xf32>
      tpu.vector_store %arg3[%swap3A_353, %swap3A_354], %reshape3A_352 {strides = array<i32>} : memref<180x16xf32, #tpu.memory_space<vmem>>, vector<1x1xf32>,
      %mul3A_356 = arith.constant 128 : i32
      %mul3A_357 = arith.muli %reduce_max3A_339, %mul3A_356 : i32
      %add3A_358 = arith.constant 0 : i32
      %add3A_359 = arith.addi %add3A_358, %mul3A_357 : i32
      %add3A_360 = arith.addi %add3A_359, %squeeze3A_346 : i32
      %reshape3A_361 = vector.broadcast %add3A_360 : i32 to vector<1x1xi32>
      %swap3A_362 = arith.index_cast %add3A_83 : i32 to index
      %swap3A_363 = arith.constant 5 : index
      %swap3A_364 = vector.load %arg4[%swap3A_362, %swap3A_363] : memref<180x16xi32, #tpu.memory_space<vmem>>, vector<1x1xi32>
      tpu.vector_store %arg4[%swap3A_362, %swap3A_363], %reshape3A_361 {strides = array<i32>} : memref<180x16xi32, #tpu.memory_space<vmem>>, vector<1x1xi32>,
      %eq3A_365 = vector.broadcast %squeeze3A_346 : i32 to vector<1x128xi32>
      %eq3A_366 = arith.cmpi eq, %iota3A_53, %eq3A_365 : vector<1x128xi32>
      %jit3A_367 = arith.constant -1.000000e+00 : f32
      %broadcast_in_dim3A_368 = vector.broadcast %jit3A_367 : f32 to vector<1x128xf32>
      %select_n3A_369 = arith.select %eq3A_366, %broadcast_in_dim3A_368, %get3A_344 : vector<1x128xi1>, vector<1x128xf32>
      %swap3A_370 = arith.constant 5 : index
      %swap3A_371 = arith.index_cast %reduce_max3A_339 : i32 to index
      %swap3A_372 = arith.constant 0 : index
      %swap3A_373 = vector.load %arg5[%swap3A_370, %swap3A_371, %swap3A_372] : memref<16x864x128xf32, #tpu.memory_space<vmem>>, vector<1x1x128xf32>
      %swap3A_374 = vector.shape_cast %swap3A_373 : vector<1x1x128xf32> to vector<1x128xf32>
      %swap3A_375 = vector.shape_cast %select_n3A_369 : vector<1x128xf32> to vector<1x1x128xf32>
      tpu.vector_store %arg5[%swap3A_370, %swap3A_371, %swap3A_372], %swap3A_375 {strides = array<i32>} : memref<16x864x128xf32, #tpu.memory_space<vmem>>, vector<1x1x128xf32>,
      %reduce_max3A_376 = vector.shape_cast %select_n3A_369 : vector<1x128xf32> to vector<1x1x128xf32>
      %reduce_max3A_377 = arith.constant dense<0xFF800000> : vector<1xf32>
      %reduce_max3A_378 = vector.multi_reduction <maximumf>, %reduce_max3A_376, %reduce_max3A_377 [1, 2] : vector<1x1x128xf32> to vector<1xf32>
      %reduce_max3A_379 = vector.shape_cast %reduce_max3A_378 : vector<1xf32> to vector<1x1x1xf32>
      %reduce_max3A_380 = vector.extract %reduce_max3A_379[0, 0, 0] : f32 from vector<1x1x1xf32>
      %reshape3A_381 = vector.broadcast %reduce_max3A_380 : f32 to vector<1x1xf32>
      %swap3A_382 = arith.constant 5 : index
      %swap3A_383 = arith.constant 0 : index
      %swap3A_384 = vector.load %arg11[%swap3A_382, %swap3A_383] : memref<16x128xf32, #tpu.memory_space<vmem>>, vector<1x1xf32>
      tpu.vector_store %arg11[%swap3A_382, %swap3A_383], %reshape3A_381 {strides = array<i32>} : memref<16x128xf32, #tpu.memory_space<vmem>>, vector<1x1xf32>,
      %slice3A_385 = vector.extract_strided_slice %broadcast_in_dim3A_82 {offsets = [6, 0], sizes = [1, 1], strides = [1, 1]} : vector<16x1xi32> to vector<1x1xi32>
      %reduce_max3A_386 = vector.shape_cast %slice3A_385 : vector<1x1xi32> to vector<1x1x1xi32>
      %reduce_max3A_387 = arith.constant dense<-2147483648> : vector<1xi32>
      %reduce_max3A_388 = vector.multi_reduction <maxsi>, %reduce_max3A_386, %reduce_max3A_387 [1, 2] : vector<1x1x1xi32> to vector<1xi32>
      %reduce_max3A_389 = vector.shape_cast %reduce_max3A_388 : vector<1xi32> to vector<1x1x1xi32>
      %reduce_max3A_390 = vector.extract %reduce_max3A_389[0, 0, 0] : i32 from vector<1x1x1xi32>
      %get3A_391 = arith.constant 6 : index
      %get3A_392 = arith.index_cast %reduce_max3A_390 : i32 to index
      %get3A_393 = arith.constant 0 : index
      %get3A_394 = vector.load %arg5[%get3A_391, %get3A_392, %get3A_393] : memref<16x864x128xf32, #tpu.memory_space<vmem>>, vector<1x1x128xf32>
      %get3A_395 = vector.shape_cast %get3A_394 : vector<1x1x128xf32> to vector<1x128xf32>
      %argmax3A_396 = tpu.reduce_index %get3A_395 {axis = 1 : i32, kind = #tpu.reduction_kind<arg_max>} : vector<1x128xf32> -> vector<1xi32>
      %squeeze3A_397 = vector.extract %argmax3A_396[0] : i32 from vector<1xi32>
      %reduce_max3A_398 = vector.shape_cast %get3A_395 : vector<1x128xf32> to vector<1x1x128xf32>
      %reduce_max3A_399 = arith.constant dense<0xFF800000> : vector<1xf32>
      %reduce_max3A_400 = vector.multi_reduction <maximumf>, %reduce_max3A_398, %reduce_max3A_399 [1, 2] : vector<1x1x128xf32> to vector<1xf32>
      %reduce_max3A_401 = vector.shape_cast %reduce_max3A_400 : vector<1xf32> to vector<1x1x1xf32>
      %reduce_max3A_402 = vector.extract %reduce_max3A_401[0, 0, 0] : f32 from vector<1x1x1xf32>
      %reshape3A_403 = vector.broadcast %reduce_max3A_402 : f32 to vector<1x1xf32>
      %swap3A_404 = arith.index_cast %add3A_83 : i32 to index
      %swap3A_405 = arith.constant 6 : index
      %swap3A_406 = vector.load %arg3[%swap3A_404, %swap3A_405] : memref<180x16xf32, #tpu.memory_space<vmem>>, vector<1x1xf32>
      tpu.vector_store %arg3[%swap3A_404, %swap3A_405], %reshape3A_403 {strides = array<i32>} : memref<180x16xf32, #tpu.memory_space<vmem>>, vector<1x1xf32>,
      %mul3A_407 = arith.constant 128 : i32
      %mul3A_408 = arith.muli %reduce_max3A_390, %mul3A_407 : i32
      %add3A_409 = arith.constant 0 : i32
      %add3A_410 = arith.addi %add3A_409, %mul3A_408 : i32
      %add3A_411 = arith.addi %add3A_410, %squeeze3A_397 : i32
      %reshape3A_412 = vector.broadcast %add3A_411 : i32 to vector<1x1xi32>
      %swap3A_413 = arith.index_cast %add3A_83 : i32 to index
      %swap3A_414 = arith.constant 6 : index
      %swap3A_415 = vector.load %arg4[%swap3A_413, %swap3A_414] : memref<180x16xi32, #tpu.memory_space<vmem>>, vector<1x1xi32>
      tpu.vector_store %arg4[%swap3A_413, %swap3A_414], %reshape3A_412 {strides = array<i32>} : memref<180x16xi32, #tpu.memory_space<vmem>>, vector<1x1xi32>,
      %eq3A_416 = vector.broadcast %squeeze3A_397 : i32 to vector<1x128xi32>
      %eq3A_417 = arith.cmpi eq, %iota3A_53, %eq3A_416 : vector<1x128xi32>
      %jit3A_418 = arith.constant -1.000000e+00 : f32
      %broadcast_in_dim3A_419 = vector.broadcast %jit3A_418 : f32 to vector<1x128xf32>
      %select_n3A_420 = arith.select %eq3A_417, %broadcast_in_dim3A_419, %get3A_395 : vector<1x128xi1>, vector<1x128xf32>
      %swap3A_421 = arith.constant 6 : index
      %swap3A_422 = arith.index_cast %reduce_max3A_390 : i32 to index
      %swap3A_423 = arith.constant 0 : index
      %swap3A_424 = vector.load %arg5[%swap3A_421, %swap3A_422, %swap3A_423] : memref<16x864x128xf32, #tpu.memory_space<vmem>>, vector<1x1x128xf32>
      %swap3A_425 = vector.shape_cast %swap3A_424 : vector<1x1x128xf32> to vector<1x128xf32>
      %swap3A_426 = vector.shape_cast %select_n3A_420 : vector<1x128xf32> to vector<1x1x128xf32>
      tpu.vector_store %arg5[%swap3A_421, %swap3A_422, %swap3A_423], %swap3A_426 {strides = array<i32>} : memref<16x864x128xf32, #tpu.memory_space<vmem>>, vector<1x1x128xf32>,
      %reduce_max3A_427 = vector.shape_cast %select_n3A_420 : vector<1x128xf32> to vector<1x1x128xf32>
      %reduce_max3A_428 = arith.constant dense<0xFF800000> : vector<1xf32>
      %reduce_max3A_429 = vector.multi_reduction <maximumf>, %reduce_max3A_427, %reduce_max3A_428 [1, 2] : vector<1x1x128xf32> to vector<1xf32>
      %reduce_max3A_430 = vector.shape_cast %reduce_max3A_429 : vector<1xf32> to vector<1x1x1xf32>
      %reduce_max3A_431 = vector.extract %reduce_max3A_430[0, 0, 0] : f32 from vector<1x1x1xf32>
      %reshape3A_432 = vector.broadcast %reduce_max3A_431 : f32 to vector<1x1xf32>
      %swap3A_433 = arith.constant 6 : index
      %swap3A_434 = arith.constant 0 : index
      %swap3A_435 = vector.load %arg11[%swap3A_433, %swap3A_434] : memref<16x128xf32, #tpu.memory_space<vmem>>, vector<1x1xf32>
      tpu.vector_store %arg11[%swap3A_433, %swap3A_434], %reshape3A_432 {strides = array<i32>} : memref<16x128xf32, #tpu.memory_space<vmem>>, vector<1x1xf32>,
      %slice3A_436 = vector.extract_strided_slice %broadcast_in_dim3A_82 {offsets = [7, 0], sizes = [1, 1], strides = [1, 1]} : vector<16x1xi32> to vector<1x1xi32>
      %reduce_max3A_437 = vector.shape_cast %slice3A_436 : vector<1x1xi32> to vector<1x1x1xi32>
      %reduce_max3A_438 = arith.constant dense<-2147483648> : vector<1xi32>
      %reduce_max3A_439 = vector.multi_reduction <maxsi>, %reduce_max3A_437, %reduce_max3A_438 [1, 2] : vector<1x1x1xi32> to vector<1xi32>
      %reduce_max3A_440 = vector.shape_cast %reduce_max3A_439 : vector<1xi32> to vector<1x1x1xi32>
      %reduce_max3A_441 = vector.extract %reduce_max3A_440[0, 0, 0] : i32 from vector<1x1x1xi32>
      %get3A_442 = arith.constant 7 : index
      %get3A_443 = arith.index_cast %reduce_max3A_441 : i32 to index
      %get3A_444 = arith.constant 0 : index
      %get3A_445 = vector.load %arg5[%get3A_442, %get3A_443, %get3A_444] : memref<16x864x128xf32, #tpu.memory_space<vmem>>, vector<1x1x128xf32>
      %get3A_446 = vector.shape_cast %get3A_445 : vector<1x1x128xf32> to vector<1x128xf32>
      %argmax3A_447 = tpu.reduce_index %get3A_446 {axis = 1 : i32, kind = #tpu.reduction_kind<arg_max>} : vector<1x128xf32> -> vector<1xi32>
      %squeeze3A_448 = vector.extract %argmax3A_447[0] : i32 from vector<1xi32>
      %reduce_max3A_449 = vector.shape_cast %get3A_446 : vector<1x128xf32> to vector<1x1x128xf32>
      %reduce_max3A_450 = arith.constant dense<0xFF800000> : vector<1xf32>
      %reduce_max3A_451 = vector.multi_reduction <maximumf>, %reduce_max3A_449, %reduce_max3A_450 [1, 2] : vector<1x1x128xf32> to vector<1xf32>
      %reduce_max3A_452 = vector.shape_cast %reduce_max3A_451 : vector<1xf32> to vector<1x1x1xf32>
      %reduce_max3A_453 = vector.extract %reduce_max3A_452[0, 0, 0] : f32 from vector<1x1x1xf32>
      %reshape3A_454 = vector.broadcast %reduce_max3A_453 : f32 to vector<1x1xf32>
      %swap3A_455 = arith.index_cast %add3A_83 : i32 to index
      %swap3A_456 = arith.constant 7 : index
      %swap3A_457 = vector.load %arg3[%swap3A_455, %swap3A_456] : memref<180x16xf32, #tpu.memory_space<vmem>>, vector<1x1xf32>
      tpu.vector_store %arg3[%swap3A_455, %swap3A_456], %reshape3A_454 {strides = array<i32>} : memref<180x16xf32, #tpu.memory_space<vmem>>, vector<1x1xf32>,
      %mul3A_458 = arith.constant 128 : i32
      %mul3A_459 = arith.muli %reduce_max3A_441, %mul3A_458 : i32
      %add3A_460 = arith.constant 0 : i32
      %add3A_461 = arith.addi %add3A_460, %mul3A_459 : i32
      %add3A_462 = arith.addi %add3A_461, %squeeze3A_448 : i32
      %reshape3A_463 = vector.broadcast %add3A_462 : i32 to vector<1x1xi32>
      %swap3A_464 = arith.index_cast %add3A_83 : i32 to index
      %swap3A_465 = arith.constant 7 : index
      %swap3A_466 = vector.load %arg4[%swap3A_464, %swap3A_465] : memref<180x16xi32, #tpu.memory_space<vmem>>, vector<1x1xi32>
      tpu.vector_store %arg4[%swap3A_464, %swap3A_465], %reshape3A_463 {strides = array<i32>} : memref<180x16xi32, #tpu.memory_space<vmem>>, vector<1x1xi32>,
      %eq3A_467 = vector.broadcast %squeeze3A_448 : i32 to vector<1x128xi32>
      %eq3A_468 = arith.cmpi eq, %iota3A_53, %eq3A_467 : vector<1x128xi32>
      %jit3A_469 = arith.constant -1.000000e+00 : f32
      %broadcast_in_dim3A_470 = vector.broadcast %jit3A_469 : f32 to vector<1x128xf32>
      %select_n3A_471 = arith.select %eq3A_468, %broadcast_in_dim3A_470, %get3A_446 : vector<1x128xi1>, vector<1x128xf32>
      %swap3A_472 = arith.constant 7 : index
      %swap3A_473 = arith.index_cast %reduce_max3A_441 : i32 to index
      %swap3A_474 = arith.constant 0 : index
      %swap3A_475 = vector.load %arg5[%swap3A_472, %swap3A_473, %swap3A_474] : memref<16x864x128xf32, #tpu.memory_space<vmem>>, vector<1x1x128xf32>
      %swap3A_476 = vector.shape_cast %swap3A_475 : vector<1x1x128xf32> to vector<1x128xf32>
      %swap3A_477 = vector.shape_cast %select_n3A_471 : vector<1x128xf32> to vector<1x1x128xf32>
      tpu.vector_store %arg5[%swap3A_472, %swap3A_473, %swap3A_474], %swap3A_477 {strides = array<i32>} : memref<16x864x128xf32, #tpu.memory_space<vmem>>, vector<1x1x128xf32>,
      %reduce_max3A_478 = vector.shape_cast %select_n3A_471 : vector<1x128xf32> to vector<1x1x128xf32>
      %reduce_max3A_479 = arith.constant dense<0xFF800000> : vector<1xf32>
      %reduce_max3A_480 = vector.multi_reduction <maximumf>, %reduce_max3A_478, %reduce_max3A_479 [1, 2] : vector<1x1x128xf32> to vector<1xf32>
      %reduce_max3A_481 = vector.shape_cast %reduce_max3A_480 : vector<1xf32> to vector<1x1x1xf32>
      %reduce_max3A_482 = vector.extract %reduce_max3A_481[0, 0, 0] : f32 from vector<1x1x1xf32>
      %reshape3A_483 = vector.broadcast %reduce_max3A_482 : f32 to vector<1x1xf32>
      %swap3A_484 = arith.constant 7 : index
      %swap3A_485 = arith.constant 0 : index
      %swap3A_486 = vector.load %arg11[%swap3A_484, %swap3A_485] : memref<16x128xf32, #tpu.memory_space<vmem>>, vector<1x1xf32>
      tpu.vector_store %arg11[%swap3A_484, %swap3A_485], %reshape3A_483 {strides = array<i32>} : memref<16x128xf32, #tpu.memory_space<vmem>>, vector<1x1xf32>,
      %slice3A_487 = vector.extract_strided_slice %broadcast_in_dim3A_82 {offsets = [8, 0], sizes = [1, 1], strides = [1, 1]} : vector<16x1xi32> to vector<1x1xi32>
      %reduce_max3A_488 = vector.shape_cast %slice3A_487 : vector<1x1xi32> to vector<1x1x1xi32>
      %reduce_max3A_489 = arith.constant dense<-2147483648> : vector<1xi32>
      %reduce_max3A_490 = vector.multi_reduction <maxsi>, %reduce_max3A_488, %reduce_max3A_489 [1, 2] : vector<1x1x1xi32> to vector<1xi32>
      %reduce_max3A_491 = vector.shape_cast %reduce_max3A_490 : vector<1xi32> to vector<1x1x1xi32>
      %reduce_max3A_492 = vector.extract %reduce_max3A_491[0, 0, 0] : i32 from vector<1x1x1xi32>
      %get3A_493 = arith.constant 8 : index
      %get3A_494 = arith.index_cast %reduce_max3A_492 : i32 to index
      %get3A_495 = arith.constant 0 : index
      %get3A_496 = vector.load %arg5[%get3A_493, %get3A_494, %get3A_495] : memref<16x864x128xf32, #tpu.memory_space<vmem>>, vector<1x1x128xf32>
      %get3A_497 = vector.shape_cast %get3A_496 : vector<1x1x128xf32> to vector<1x128xf32>
      %argmax3A_498 = tpu.reduce_index %get3A_497 {axis = 1 : i32, kind = #tpu.reduction_kind<arg_max>} : vector<1x128xf32> -> vector<1xi32>
      %squeeze3A_499 = vector.extract %argmax3A_498[0] : i32 from vector<1xi32>
      %reduce_max3A_500 = vector.shape_cast %get3A_497 : vector<1x128xf32> to vector<1x1x128xf32>
      %reduce_max3A_501 = arith.constant dense<0xFF800000> : vector<1xf32>
      %reduce_max3A_502 = vector.multi_reduction <maximumf>, %reduce_max3A_500, %reduce_max3A_501 [1, 2] : vector<1x1x128xf32> to vector<1xf32>
      %reduce_max3A_503 = vector.shape_cast %reduce_max3A_502 : vector<1xf32> to vector<1x1x1xf32>
      %reduce_max3A_504 = vector.extract %reduce_max3A_503[0, 0, 0] : f32 from vector<1x1x1xf32>
      %reshape3A_505 = vector.broadcast %reduce_max3A_504 : f32 to vector<1x1xf32>
      %swap3A_506 = arith.index_cast %add3A_83 : i32 to index
      %swap3A_507 = arith.constant 8 : index
      %swap3A_508 = vector.load %arg3[%swap3A_506, %swap3A_507] : memref<180x16xf32, #tpu.memory_space<vmem>>, vector<1x1xf32>
      tpu.vector_store %arg3[%swap3A_506, %swap3A_507], %reshape3A_505 {strides = array<i32>} : memref<180x16xf32, #tpu.memory_space<vmem>>, vector<1x1xf32>,
      %mul3A_509 = arith.constant 128 : i32
      %mul3A_510 = arith.muli %reduce_max3A_492, %mul3A_509 : i32
      %add3A_511 = arith.constant 0 : i32
      %add3A_512 = arith.addi %add3A_511, %mul3A_510 : i32
      %add3A_513 = arith.addi %add3A_512, %squeeze3A_499 : i32
      %reshape3A_514 = vector.broadcast %add3A_513 : i32 to vector<1x1xi32>
      %swap3A_515 = arith.index_cast %add3A_83 : i32 to index
      %swap3A_516 = arith.constant 8 : index
      %swap3A_517 = vector.load %arg4[%swap3A_515, %swap3A_516] : memref<180x16xi32, #tpu.memory_space<vmem>>, vector<1x1xi32>
      tpu.vector_store %arg4[%swap3A_515, %swap3A_516], %reshape3A_514 {strides = array<i32>} : memref<180x16xi32, #tpu.memory_space<vmem>>, vector<1x1xi32>,
      %eq3A_518 = vector.broadcast %squeeze3A_499 : i32 to vector<1x128xi32>
      %eq3A_519 = arith.cmpi eq, %iota3A_53, %eq3A_518 : vector<1x128xi32>
      %jit3A_520 = arith.constant -1.000000e+00 : f32
      %broadcast_in_dim3A_521 = vector.broadcast %jit3A_520 : f32 to vector<1x128xf32>
      %select_n3A_522 = arith.select %eq3A_519, %broadcast_in_dim3A_521, %get3A_497 : vector<1x128xi1>, vector<1x128xf32>
      %swap3A_523 = arith.constant 8 : index
      %swap3A_524 = arith.index_cast %reduce_max3A_492 : i32 to index
      %swap3A_525 = arith.constant 0 : index
      %swap3A_526 = vector.load %arg5[%swap3A_523, %swap3A_524, %swap3A_525] : memref<16x864x128xf32, #tpu.memory_space<vmem>>, vector<1x1x128xf32>
      %swap3A_527 = vector.shape_cast %swap3A_526 : vector<1x1x128xf32> to vector<1x128xf32>
      %swap3A_528 = vector.shape_cast %select_n3A_522 : vector<1x128xf32> to vector<1x1x128xf32>
      tpu.vector_store %arg5[%swap3A_523, %swap3A_524, %swap3A_525], %swap3A_528 {strides = array<i32>} : memref<16x864x128xf32, #tpu.memory_space<vmem>>, vector<1x1x128xf32>,
      %reduce_max3A_529 = vector.shape_cast %select_n3A_522 : vector<1x128xf32> to vector<1x1x128xf32>
      %reduce_max3A_530 = arith.constant dense<0xFF800000> : vector<1xf32>
      %reduce_max3A_531 = vector.multi_reduction <maximumf>, %reduce_max3A_529, %reduce_max3A_530 [1, 2] : vector<1x1x128xf32> to vector<1xf32>
      %reduce_max3A_532 = vector.shape_cast %reduce_max3A_531 : vector<1xf32> to vector<1x1x1xf32>
      %reduce_max3A_533 = vector.extract %reduce_max3A_532[0, 0, 0] : f32 from vector<1x1x1xf32>
      %reshape3A_534 = vector.broadcast %reduce_max3A_533 : f32 to vector<1x1xf32>
      %swap3A_535 = arith.constant 8 : index
      %swap3A_536 = arith.constant 0 : index
      %swap3A_537 = vector.load %arg11[%swap3A_535, %swap3A_536] : memref<16x128xf32, #tpu.memory_space<vmem>>, vector<1x1xf32>
      tpu.vector_store %arg11[%swap3A_535, %swap3A_536], %reshape3A_534 {strides = array<i32>} : memref<16x128xf32, #tpu.memory_space<vmem>>, vector<1x1xf32>,
      %slice3A_538 = vector.extract_strided_slice %broadcast_in_dim3A_82 {offsets = [9, 0], sizes = [1, 1], strides = [1, 1]} : vector<16x1xi32> to vector<1x1xi32>
      %reduce_max3A_539 = vector.shape_cast %slice3A_538 : vector<1x1xi32> to vector<1x1x1xi32>
      %reduce_max3A_540 = arith.constant dense<-2147483648> : vector<1xi32>
      %reduce_max3A_541 = vector.multi_reduction <maxsi>, %reduce_max3A_539, %reduce_max3A_540 [1, 2] : vector<1x1x1xi32> to vector<1xi32>
      %reduce_max3A_542 = vector.shape_cast %reduce_max3A_541 : vector<1xi32> to vector<1x1x1xi32>
      %reduce_max3A_543 = vector.extract %reduce_max3A_542[0, 0, 0] : i32 from vector<1x1x1xi32>
      %get3A_544 = arith.constant 9 : index
      %get3A_545 = arith.index_cast %reduce_max3A_543 : i32 to index
      %get3A_546 = arith.constant 0 : index
      %get3A_547 = vector.load %arg5[%get3A_544, %get3A_545, %get3A_546] : memref<16x864x128xf32, #tpu.memory_space<vmem>>, vector<1x1x128xf32>
      %get3A_548 = vector.shape_cast %get3A_547 : vector<1x1x128xf32> to vector<1x128xf32>
      %argmax3A_549 = tpu.reduce_index %get3A_548 {axis = 1 : i32, kind = #tpu.reduction_kind<arg_max>} : vector<1x128xf32> -> vector<1xi32>
      %squeeze3A_550 = vector.extract %argmax3A_549[0] : i32 from vector<1xi32>
      %reduce_max3A_551 = vector.shape_cast %get3A_548 : vector<1x128xf32> to vector<1x1x128xf32>
      %reduce_max3A_552 = arith.constant dense<0xFF800000> : vector<1xf32>
      %reduce_max3A_553 = vector.multi_reduction <maximumf>, %reduce_max3A_551, %reduce_max3A_552 [1, 2] : vector<1x1x128xf32> to vector<1xf32>
      %reduce_max3A_554 = vector.shape_cast %reduce_max3A_553 : vector<1xf32> to vector<1x1x1xf32>
      %reduce_max3A_555 = vector.extract %reduce_max3A_554[0, 0, 0] : f32 from vector<1x1x1xf32>
      %reshape3A_556 = vector.broadcast %reduce_max3A_555 : f32 to vector<1x1xf32>
      %swap3A_557 = arith.index_cast %add3A_83 : i32 to index
      %swap3A_558 = arith.constant 9 : index
      %swap3A_559 = vector.load %arg3[%swap3A_557, %swap3A_558] : memref<180x16xf32, #tpu.memory_space<vmem>>, vector<1x1xf32>
      tpu.vector_store %arg3[%swap3A_557, %swap3A_558], %reshape3A_556 {strides = array<i32>} : memref<180x16xf32, #tpu.memory_space<vmem>>, vector<1x1xf32>,
      %mul3A_560 = arith.constant 128 : i32
      %mul3A_561 = arith.muli %reduce_max3A_543, %mul3A_560 : i32
      %add3A_562 = arith.constant 0 : i32
      %add3A_563 = arith.addi %add3A_562, %mul3A_561 : i32
      %add3A_564 = arith.addi %add3A_563, %squeeze3A_550 : i32
      %reshape3A_565 = vector.broadcast %add3A_564 : i32 to vector<1x1xi32>
      %swap3A_566 = arith.index_cast %add3A_83 : i32 to index
      %swap3A_567 = arith.constant 9 : index
      %swap3A_568 = vector.load %arg4[%swap3A_566, %swap3A_567] : memref<180x16xi32, #tpu.memory_space<vmem>>, vector<1x1xi32>
      tpu.vector_store %arg4[%swap3A_566, %swap3A_567], %reshape3A_565 {strides = array<i32>} : memref<180x16xi32, #tpu.memory_space<vmem>>, vector<1x1xi32>,
      %eq3A_569 = vector.broadcast %squeeze3A_550 : i32 to vector<1x128xi32>
      %eq3A_570 = arith.cmpi eq, %iota3A_53, %eq3A_569 : vector<1x128xi32>
      %jit3A_571 = arith.constant -1.000000e+00 : f32
      %broadcast_in_dim3A_572 = vector.broadcast %jit3A_571 : f32 to vector<1x128xf32>
      %select_n3A_573 = arith.select %eq3A_570, %broadcast_in_dim3A_572, %get3A_548 : vector<1x128xi1>, vector<1x128xf32>
      %swap3A_574 = arith.constant 9 : index
      %swap3A_575 = arith.index_cast %reduce_max3A_543 : i32 to index
      %swap3A_576 = arith.constant 0 : index
      %swap3A_577 = vector.load %arg5[%swap3A_574, %swap3A_575, %swap3A_576] : memref<16x864x128xf32, #tpu.memory_space<vmem>>, vector<1x1x128xf32>
      %swap3A_578 = vector.shape_cast %swap3A_577 : vector<1x1x128xf32> to vector<1x128xf32>
      %swap3A_579 = vector.shape_cast %select_n3A_573 : vector<1x128xf32> to vector<1x1x128xf32>
      tpu.vector_store %arg5[%swap3A_574, %swap3A_575, %swap3A_576], %swap3A_579 {strides = array<i32>} : memref<16x864x128xf32, #tpu.memory_space<vmem>>, vector<1x1x128xf32>,
      %reduce_max3A_580 = vector.shape_cast %select_n3A_573 : vector<1x128xf32> to vector<1x1x128xf32>
      %reduce_max3A_581 = arith.constant dense<0xFF800000> : vector<1xf32>
      %reduce_max3A_582 = vector.multi_reduction <maximumf>, %reduce_max3A_580, %reduce_max3A_581 [1, 2] : vector<1x1x128xf32> to vector<1xf32>
      %reduce_max3A_583 = vector.shape_cast %reduce_max3A_582 : vector<1xf32> to vector<1x1x1xf32>
      %reduce_max3A_584 = vector.extract %reduce_max3A_583[0, 0, 0] : f32 from vector<1x1x1xf32>
      %reshape3A_585 = vector.broadcast %reduce_max3A_584 : f32 to vector<1x1xf32>
      %swap3A_586 = arith.constant 9 : index
      %swap3A_587 = arith.constant 0 : index
      %swap3A_588 = vector.load %arg11[%swap3A_586, %swap3A_587] : memref<16x128xf32, #tpu.memory_space<vmem>>, vector<1x1xf32>
      tpu.vector_store %arg11[%swap3A_586, %swap3A_587], %reshape3A_585 {strides = array<i32>} : memref<16x128xf32, #tpu.memory_space<vmem>>, vector<1x1xf32>,
      %slice3A_589 = vector.extract_strided_slice %broadcast_in_dim3A_82 {offsets = [10, 0], sizes = [1, 1], strides = [1, 1]} : vector<16x1xi32> to vector<1x1xi32>
      %reduce_max3A_590 = vector.shape_cast %slice3A_589 : vector<1x1xi32> to vector<1x1x1xi32>
      %reduce_max3A_591 = arith.constant dense<-2147483648> : vector<1xi32>
      %reduce_max3A_592 = vector.multi_reduction <maxsi>, %reduce_max3A_590, %reduce_max3A_591 [1, 2] : vector<1x1x1xi32> to vector<1xi32>
      %reduce_max3A_593 = vector.shape_cast %reduce_max3A_592 : vector<1xi32> to vector<1x1x1xi32>
      %reduce_max3A_594 = vector.extract %reduce_max3A_593[0, 0, 0] : i32 from vector<1x1x1xi32>
      %get3A_595 = arith.constant 10 : index
      %get3A_596 = arith.index_cast %reduce_max3A_594 : i32 to index
      %get3A_597 = arith.constant 0 : index
      %get3A_598 = vector.load %arg5[%get3A_595, %get3A_596, %get3A_597] : memref<16x864x128xf32, #tpu.memory_space<vmem>>, vector<1x1x128xf32>
      %get3A_599 = vector.shape_cast %get3A_598 : vector<1x1x128xf32> to vector<1x128xf32>
      %argmax3A_600 = tpu.reduce_index %get3A_599 {axis = 1 : i32, kind = #tpu.reduction_kind<arg_max>} : vector<1x128xf32> -> vector<1xi32>
      %squeeze3A_601 = vector.extract %argmax3A_600[0] : i32 from vector<1xi32>
      %reduce_max3A_602 = vector.shape_cast %get3A_599 : vector<1x128xf32> to vector<1x1x128xf32>
      %reduce_max3A_603 = arith.constant dense<0xFF800000> : vector<1xf32>
      %reduce_max3A_604 = vector.multi_reduction <maximumf>, %reduce_max3A_602, %reduce_max3A_603 [1, 2] : vector<1x1x128xf32> to vector<1xf32>
      %reduce_max3A_605 = vector.shape_cast %reduce_max3A_604 : vector<1xf32> to vector<1x1x1xf32>
      %reduce_max3A_606 = vector.extract %reduce_max3A_605[0, 0, 0] : f32 from vector<1x1x1xf32>
      %reshape3A_607 = vector.broadcast %reduce_max3A_606 : f32 to vector<1x1xf32>
      %swap3A_608 = arith.index_cast %add3A_83 : i32 to index
      %swap3A_609 = arith.constant 10 : index
      %swap3A_610 = vector.load %arg3[%swap3A_608, %swap3A_609] : memref<180x16xf32, #tpu.memory_space<vmem>>, vector<1x1xf32>
      tpu.vector_store %arg3[%swap3A_608, %swap3A_609], %reshape3A_607 {strides = array<i32>} : memref<180x16xf32, #tpu.memory_space<vmem>>, vector<1x1xf32>,
      %mul3A_611 = arith.constant 128 : i32
      %mul3A_612 = arith.muli %reduce_max3A_594, %mul3A_611 : i32
      %add3A_613 = arith.constant 0 : i32
      %add3A_614 = arith.addi %add3A_613, %mul3A_612 : i32
      %add3A_615 = arith.addi %add3A_614, %squeeze3A_601 : i32
      %reshape3A_616 = vector.broadcast %add3A_615 : i32 to vector<1x1xi32>
      %swap3A_617 = arith.index_cast %add3A_83 : i32 to index
      %swap3A_618 = arith.constant 10 : index
      %swap3A_619 = vector.load %arg4[%swap3A_617, %swap3A_618] : memref<180x16xi32, #tpu.memory_space<vmem>>, vector<1x1xi32>
      tpu.vector_store %arg4[%swap3A_617, %swap3A_618], %reshape3A_616 {strides = array<i32>} : memref<180x16xi32, #tpu.memory_space<vmem>>, vector<1x1xi32>,
      %eq3A_620 = vector.broadcast %squeeze3A_601 : i32 to vector<1x128xi32>
      %eq3A_621 = arith.cmpi eq, %iota3A_53, %eq3A_620 : vector<1x128xi32>
      %jit3A_622 = arith.constant -1.000000e+00 : f32
      %broadcast_in_dim3A_623 = vector.broadcast %jit3A_622 : f32 to vector<1x128xf32>
      %select_n3A_624 = arith.select %eq3A_621, %broadcast_in_dim3A_623, %get3A_599 : vector<1x128xi1>, vector<1x128xf32>
      %swap3A_625 = arith.constant 10 : index
      %swap3A_626 = arith.index_cast %reduce_max3A_594 : i32 to index
      %swap3A_627 = arith.constant 0 : index
      %swap3A_628 = vector.load %arg5[%swap3A_625, %swap3A_626, %swap3A_627] : memref<16x864x128xf32, #tpu.memory_space<vmem>>, vector<1x1x128xf32>
      %swap3A_629 = vector.shape_cast %swap3A_628 : vector<1x1x128xf32> to vector<1x128xf32>
      %swap3A_630 = vector.shape_cast %select_n3A_624 : vector<1x128xf32> to vector<1x1x128xf32>
      tpu.vector_store %arg5[%swap3A_625, %swap3A_626, %swap3A_627], %swap3A_630 {strides = array<i32>} : memref<16x864x128xf32, #tpu.memory_space<vmem>>, vector<1x1x128xf32>,
      %reduce_max3A_631 = vector.shape_cast %select_n3A_624 : vector<1x128xf32> to vector<1x1x128xf32>
      %reduce_max3A_632 = arith.constant dense<0xFF800000> : vector<1xf32>
      %reduce_max3A_633 = vector.multi_reduction <maximumf>, %reduce_max3A_631, %reduce_max3A_632 [1, 2] : vector<1x1x128xf32> to vector<1xf32>
      %reduce_max3A_634 = vector.shape_cast %reduce_max3A_633 : vector<1xf32> to vector<1x1x1xf32>
      %reduce_max3A_635 = vector.extract %reduce_max3A_634[0, 0, 0] : f32 from vector<1x1x1xf32>
      %reshape3A_636 = vector.broadcast %reduce_max3A_635 : f32 to vector<1x1xf32>
      %swap3A_637 = arith.constant 10 : index
      %swap3A_638 = arith.constant 0 : index
      %swap3A_639 = vector.load %arg11[%swap3A_637, %swap3A_638] : memref<16x128xf32, #tpu.memory_space<vmem>>, vector<1x1xf32>
      tpu.vector_store %arg11[%swap3A_637, %swap3A_638], %reshape3A_636 {strides = array<i32>} : memref<16x128xf32, #tpu.memory_space<vmem>>, vector<1x1xf32>,
      %slice3A_640 = vector.extract_strided_slice %broadcast_in_dim3A_82 {offsets = [11, 0], sizes = [1, 1], strides = [1, 1]} : vector<16x1xi32> to vector<1x1xi32>
      %reduce_max3A_641 = vector.shape_cast %slice3A_640 : vector<1x1xi32> to vector<1x1x1xi32>
      %reduce_max3A_642 = arith.constant dense<-2147483648> : vector<1xi32>
      %reduce_max3A_643 = vector.multi_reduction <maxsi>, %reduce_max3A_641, %reduce_max3A_642 [1, 2] : vector<1x1x1xi32> to vector<1xi32>
      %reduce_max3A_644 = vector.shape_cast %reduce_max3A_643 : vector<1xi32> to vector<1x1x1xi32>
      %reduce_max3A_645 = vector.extract %reduce_max3A_644[0, 0, 0] : i32 from vector<1x1x1xi32>
      %get3A_646 = arith.constant 11 : index
      %get3A_647 = arith.index_cast %reduce_max3A_645 : i32 to index
      %get3A_648 = arith.constant 0 : index
      %get3A_649 = vector.load %arg5[%get3A_646, %get3A_647, %get3A_648] : memref<16x864x128xf32, #tpu.memory_space<vmem>>, vector<1x1x128xf32>
      %get3A_650 = vector.shape_cast %get3A_649 : vector<1x1x128xf32> to vector<1x128xf32>
      %argmax3A_651 = tpu.reduce_index %get3A_650 {axis = 1 : i32, kind = #tpu.reduction_kind<arg_max>} : vector<1x128xf32> -> vector<1xi32>
      %squeeze3A_652 = vector.extract %argmax3A_651[0] : i32 from vector<1xi32>
      %reduce_max3A_653 = vector.shape_cast %get3A_650 : vector<1x128xf32> to vector<1x1x128xf32>
      %reduce_max3A_654 = arith.constant dense<0xFF800000> : vector<1xf32>
      %reduce_max3A_655 = vector.multi_reduction <maximumf>, %reduce_max3A_653, %reduce_max3A_654 [1, 2] : vector<1x1x128xf32> to vector<1xf32>
      %reduce_max3A_656 = vector.shape_cast %reduce_max3A_655 : vector<1xf32> to vector<1x1x1xf32>
      %reduce_max3A_657 = vector.extract %reduce_max3A_656[0, 0, 0] : f32 from vector<1x1x1xf32>
      %reshape3A_658 = vector.broadcast %reduce_max3A_657 : f32 to vector<1x1xf32>
      %swap3A_659 = arith.index_cast %add3A_83 : i32 to index
      %swap3A_660 = arith.constant 11 : index
      %swap3A_661 = vector.load %arg3[%swap3A_659, %swap3A_660] : memref<180x16xf32, #tpu.memory_space<vmem>>, vector<1x1xf32>
      tpu.vector_store %arg3[%swap3A_659, %swap3A_660], %reshape3A_658 {strides = array<i32>} : memref<180x16xf32, #tpu.memory_space<vmem>>, vector<1x1xf32>,
      %mul3A_662 = arith.constant 128 : i32
      %mul3A_663 = arith.muli %reduce_max3A_645, %mul3A_662 : i32
      %add3A_664 = arith.constant 0 : i32
      %add3A_665 = arith.addi %add3A_664, %mul3A_663 : i32
      %add3A_666 = arith.addi %add3A_665, %squeeze3A_652 : i32
      %reshape3A_667 = vector.broadcast %add3A_666 : i32 to vector<1x1xi32>
      %swap3A_668 = arith.index_cast %add3A_83 : i32 to index
      %swap3A_669 = arith.constant 11 : index
      %swap3A_670 = vector.load %arg4[%swap3A_668, %swap3A_669] : memref<180x16xi32, #tpu.memory_space<vmem>>, vector<1x1xi32>
      tpu.vector_store %arg4[%swap3A_668, %swap3A_669], %reshape3A_667 {strides = array<i32>} : memref<180x16xi32, #tpu.memory_space<vmem>>, vector<1x1xi32>,
      %eq3A_671 = vector.broadcast %squeeze3A_652 : i32 to vector<1x128xi32>
      %eq3A_672 = arith.cmpi eq, %iota3A_53, %eq3A_671 : vector<1x128xi32>
      %jit3A_673 = arith.constant -1.000000e+00 : f32
      %broadcast_in_dim3A_674 = vector.broadcast %jit3A_673 : f32 to vector<1x128xf32>
      %select_n3A_675 = arith.select %eq3A_672, %broadcast_in_dim3A_674, %get3A_650 : vector<1x128xi1>, vector<1x128xf32>
      %swap3A_676 = arith.constant 11 : index
      %swap3A_677 = arith.index_cast %reduce_max3A_645 : i32 to index
      %swap3A_678 = arith.constant 0 : index
      %swap3A_679 = vector.load %arg5[%swap3A_676, %swap3A_677, %swap3A_678] : memref<16x864x128xf32, #tpu.memory_space<vmem>>, vector<1x1x128xf32>
      %swap3A_680 = vector.shape_cast %swap3A_679 : vector<1x1x128xf32> to vector<1x128xf32>
      %swap3A_681 = vector.shape_cast %select_n3A_675 : vector<1x128xf32> to vector<1x1x128xf32>
      tpu.vector_store %arg5[%swap3A_676, %swap3A_677, %swap3A_678], %swap3A_681 {strides = array<i32>} : memref<16x864x128xf32, #tpu.memory_space<vmem>>, vector<1x1x128xf32>,
      %reduce_max3A_682 = vector.shape_cast %select_n3A_675 : vector<1x128xf32> to vector<1x1x128xf32>
      %reduce_max3A_683 = arith.constant dense<0xFF800000> : vector<1xf32>
      %reduce_max3A_684 = vector.multi_reduction <maximumf>, %reduce_max3A_682, %reduce_max3A_683 [1, 2] : vector<1x1x128xf32> to vector<1xf32>
      %reduce_max3A_685 = vector.shape_cast %reduce_max3A_684 : vector<1xf32> to vector<1x1x1xf32>
      %reduce_max3A_686 = vector.extract %reduce_max3A_685[0, 0, 0] : f32 from vector<1x1x1xf32>
      %reshape3A_687 = vector.broadcast %reduce_max3A_686 : f32 to vector<1x1xf32>
      %swap3A_688 = arith.constant 11 : index
      %swap3A_689 = arith.constant 0 : index
      %swap3A_690 = vector.load %arg11[%swap3A_688, %swap3A_689] : memref<16x128xf32, #tpu.memory_space<vmem>>, vector<1x1xf32>
      tpu.vector_store %arg11[%swap3A_688, %swap3A_689], %reshape3A_687 {strides = array<i32>} : memref<16x128xf32, #tpu.memory_space<vmem>>, vector<1x1xf32>,
      %slice3A_691 = vector.extract_strided_slice %broadcast_in_dim3A_82 {offsets = [12, 0], sizes = [1, 1], strides = [1, 1]} : vector<16x1xi32> to vector<1x1xi32>
      %reduce_max3A_692 = vector.shape_cast %slice3A_691 : vector<1x1xi32> to vector<1x1x1xi32>
      %reduce_max3A_693 = arith.constant dense<-2147483648> : vector<1xi32>
      %reduce_max3A_694 = vector.multi_reduction <maxsi>, %reduce_max3A_692, %reduce_max3A_693 [1, 2] : vector<1x1x1xi32> to vector<1xi32>
      %reduce_max3A_695 = vector.shape_cast %reduce_max3A_694 : vector<1xi32> to vector<1x1x1xi32>
      %reduce_max3A_696 = vector.extract %reduce_max3A_695[0, 0, 0] : i32 from vector<1x1x1xi32>
      %get3A_697 = arith.constant 12 : index
      %get3A_698 = arith.index_cast %reduce_max3A_696 : i32 to index
      %get3A_699 = arith.constant 0 : index
      %get3A_700 = vector.load %arg5[%get3A_697, %get3A_698, %get3A_699] : memref<16x864x128xf32, #tpu.memory_space<vmem>>, vector<1x1x128xf32>
      %get3A_701 = vector.shape_cast %get3A_700 : vector<1x1x128xf32> to vector<1x128xf32>
      %argmax3A_702 = tpu.reduce_index %get3A_701 {axis = 1 : i32, kind = #tpu.reduction_kind<arg_max>} : vector<1x128xf32> -> vector<1xi32>
      %squeeze3A_703 = vector.extract %argmax3A_702[0] : i32 from vector<1xi32>
      %reduce_max3A_704 = vector.shape_cast %get3A_701 : vector<1x128xf32> to vector<1x1x128xf32>
      %reduce_max3A_705 = arith.constant dense<0xFF800000> : vector<1xf32>
      %reduce_max3A_706 = vector.multi_reduction <maximumf>, %reduce_max3A_704, %reduce_max3A_705 [1, 2] : vector<1x1x128xf32> to vector<1xf32>
      %reduce_max3A_707 = vector.shape_cast %reduce_max3A_706 : vector<1xf32> to vector<1x1x1xf32>
      %reduce_max3A_708 = vector.extract %reduce_max3A_707[0, 0, 0] : f32 from vector<1x1x1xf32>
      %reshape3A_709 = vector.broadcast %reduce_max3A_708 : f32 to vector<1x1xf32>
      %swap3A_710 = arith.index_cast %add3A_83 : i32 to index
      %swap3A_711 = arith.constant 12 : index
      %swap3A_712 = vector.load %arg3[%swap3A_710, %swap3A_711] : memref<180x16xf32, #tpu.memory_space<vmem>>, vector<1x1xf32>
      tpu.vector_store %arg3[%swap3A_710, %swap3A_711], %reshape3A_709 {strides = array<i32>} : memref<180x16xf32, #tpu.memory_space<vmem>>, vector<1x1xf32>,
      %mul3A_713 = arith.constant 128 : i32
      %mul3A_714 = arith.muli %reduce_max3A_696, %mul3A_713 : i32
      %add3A_715 = arith.constant 0 : i32
      %add3A_716 = arith.addi %add3A_715, %mul3A_714 : i32
      %add3A_717 = arith.addi %add3A_716, %squeeze3A_703 : i32
      %reshape3A_718 = vector.broadcast %add3A_717 : i32 to vector<1x1xi32>
      %swap3A_719 = arith.index_cast %add3A_83 : i32 to index
      %swap3A_720 = arith.constant 12 : index
      %swap3A_721 = vector.load %arg4[%swap3A_719, %swap3A_720] : memref<180x16xi32, #tpu.memory_space<vmem>>, vector<1x1xi32>
      tpu.vector_store %arg4[%swap3A_719, %swap3A_720], %reshape3A_718 {strides = array<i32>} : memref<180x16xi32, #tpu.memory_space<vmem>>, vector<1x1xi32>,
      %eq3A_722 = vector.broadcast %squeeze3A_703 : i32 to vector<1x128xi32>
      %eq3A_723 = arith.cmpi eq, %iota3A_53, %eq3A_722 : vector<1x128xi32>
      %jit3A_724 = arith.constant -1.000000e+00 : f32
      %broadcast_in_dim3A_725 = vector.broadcast %jit3A_724 : f32 to vector<1x128xf32>
      %select_n3A_726 = arith.select %eq3A_723, %broadcast_in_dim3A_725, %get3A_701 : vector<1x128xi1>, vector<1x128xf32>
      %swap3A_727 = arith.constant 12 : index
      %swap3A_728 = arith.index_cast %reduce_max3A_696 : i32 to index
      %swap3A_729 = arith.constant 0 : index
      %swap3A_730 = vector.load %arg5[%swap3A_727, %swap3A_728, %swap3A_729] : memref<16x864x128xf32, #tpu.memory_space<vmem>>, vector<1x1x128xf32>
      %swap3A_731 = vector.shape_cast %swap3A_730 : vector<1x1x128xf32> to vector<1x128xf32>
      %swap3A_732 = vector.shape_cast %select_n3A_726 : vector<1x128xf32> to vector<1x1x128xf32>
      tpu.vector_store %arg5[%swap3A_727, %swap3A_728, %swap3A_729], %swap3A_732 {strides = array<i32>} : memref<16x864x128xf32, #tpu.memory_space<vmem>>, vector<1x1x128xf32>,
      %reduce_max3A_733 = vector.shape_cast %select_n3A_726 : vector<1x128xf32> to vector<1x1x128xf32>
      %reduce_max3A_734 = arith.constant dense<0xFF800000> : vector<1xf32>
      %reduce_max3A_735 = vector.multi_reduction <maximumf>, %reduce_max3A_733, %reduce_max3A_734 [1, 2] : vector<1x1x128xf32> to vector<1xf32>
      %reduce_max3A_736 = vector.shape_cast %reduce_max3A_735 : vector<1xf32> to vector<1x1x1xf32>
      %reduce_max3A_737 = vector.extract %reduce_max3A_736[0, 0, 0] : f32 from vector<1x1x1xf32>
      %reshape3A_738 = vector.broadcast %reduce_max3A_737 : f32 to vector<1x1xf32>
      %swap3A_739 = arith.constant 12 : index
      %swap3A_740 = arith.constant 0 : index
      %swap3A_741 = vector.load %arg11[%swap3A_739, %swap3A_740] : memref<16x128xf32, #tpu.memory_space<vmem>>, vector<1x1xf32>
      tpu.vector_store %arg11[%swap3A_739, %swap3A_740], %reshape3A_738 {strides = array<i32>} : memref<16x128xf32, #tpu.memory_space<vmem>>, vector<1x1xf32>,
      %slice3A_742 = vector.extract_strided_slice %broadcast_in_dim3A_82 {offsets = [13, 0], sizes = [1, 1], strides = [1, 1]} : vector<16x1xi32> to vector<1x1xi32>
      %reduce_max3A_743 = vector.shape_cast %slice3A_742 : vector<1x1xi32> to vector<1x1x1xi32>
      %reduce_max3A_744 = arith.constant dense<-2147483648> : vector<1xi32>
      %reduce_max3A_745 = vector.multi_reduction <maxsi>, %reduce_max3A_743, %reduce_max3A_744 [1, 2] : vector<1x1x1xi32> to vector<1xi32>
      %reduce_max3A_746 = vector.shape_cast %reduce_max3A_745 : vector<1xi32> to vector<1x1x1xi32>
      %reduce_max3A_747 = vector.extract %reduce_max3A_746[0, 0, 0] : i32 from vector<1x1x1xi32>
      %get3A_748 = arith.constant 13 : index
      %get3A_749 = arith.index_cast %reduce_max3A_747 : i32 to index
      %get3A_750 = arith.constant 0 : index
      %get3A_751 = vector.load %arg5[%get3A_748, %get3A_749, %get3A_750] : memref<16x864x128xf32, #tpu.memory_space<vmem>>, vector<1x1x128xf32>
      %get3A_752 = vector.shape_cast %get3A_751 : vector<1x1x128xf32> to vector<1x128xf32>
      %argmax3A_753 = tpu.reduce_index %get3A_752 {axis = 1 : i32, kind = #tpu.reduction_kind<arg_max>} : vector<1x128xf32> -> vector<1xi32>
      %squeeze3A_754 = vector.extract %argmax3A_753[0] : i32 from vector<1xi32>
      %reduce_max3A_755 = vector.shape_cast %get3A_752 : vector<1x128xf32> to vector<1x1x128xf32>
      %reduce_max3A_756 = arith.constant dense<0xFF800000> : vector<1xf32>
      %reduce_max3A_757 = vector.multi_reduction <maximumf>, %reduce_max3A_755, %reduce_max3A_756 [1, 2] : vector<1x1x128xf32> to vector<1xf32>
      %reduce_max3A_758 = vector.shape_cast %reduce_max3A_757 : vector<1xf32> to vector<1x1x1xf32>
      %reduce_max3A_759 = vector.extract %reduce_max3A_758[0, 0, 0] : f32 from vector<1x1x1xf32>
      %reshape3A_760 = vector.broadcast %reduce_max3A_759 : f32 to vector<1x1xf32>
      %swap3A_761 = arith.index_cast %add3A_83 : i32 to index
      %swap3A_762 = arith.constant 13 : index
      %swap3A_763 = vector.load %arg3[%swap3A_761, %swap3A_762] : memref<180x16xf32, #tpu.memory_space<vmem>>, vector<1x1xf32>
      tpu.vector_store %arg3[%swap3A_761, %swap3A_762], %reshape3A_760 {strides = array<i32>} : memref<180x16xf32, #tpu.memory_space<vmem>>, vector<1x1xf32>,
      %mul3A_764 = arith.constant 128 : i32
      %mul3A_765 = arith.muli %reduce_max3A_747, %mul3A_764 : i32
      %add3A_766 = arith.constant 0 : i32
      %add3A_767 = arith.addi %add3A_766, %mul3A_765 : i32
      %add3A_768 = arith.addi %add3A_767, %squeeze3A_754 : i32
      %reshape3A_769 = vector.broadcast %add3A_768 : i32 to vector<1x1xi32>
      %swap3A_770 = arith.index_cast %add3A_83 : i32 to index
      %swap3A_771 = arith.constant 13 : index
      %swap3A_772 = vector.load %arg4[%swap3A_770, %swap3A_771] : memref<180x16xi32, #tpu.memory_space<vmem>>, vector<1x1xi32>
      tpu.vector_store %arg4[%swap3A_770, %swap3A_771], %reshape3A_769 {strides = array<i32>} : memref<180x16xi32, #tpu.memory_space<vmem>>, vector<1x1xi32>,
      %eq3A_773 = vector.broadcast %squeeze3A_754 : i32 to vector<1x128xi32>
      %eq3A_774 = arith.cmpi eq, %iota3A_53, %eq3A_773 : vector<1x128xi32>
      %jit3A_775 = arith.constant -1.000000e+00 : f32
      %broadcast_in_dim3A_776 = vector.broadcast %jit3A_775 : f32 to vector<1x128xf32>
      %select_n3A_777 = arith.select %eq3A_774, %broadcast_in_dim3A_776, %get3A_752 : vector<1x128xi1>, vector<1x128xf32>
      %swap3A_778 = arith.constant 13 : index
      %swap3A_779 = arith.index_cast %reduce_max3A_747 : i32 to index
      %swap3A_780 = arith.constant 0 : index
      %swap3A_781 = vector.load %arg5[%swap3A_778, %swap3A_779, %swap3A_780] : memref<16x864x128xf32, #tpu.memory_space<vmem>>, vector<1x1x128xf32>
      %swap3A_782 = vector.shape_cast %swap3A_781 : vector<1x1x128xf32> to vector<1x128xf32>
      %swap3A_783 = vector.shape_cast %select_n3A_777 : vector<1x128xf32> to vector<1x1x128xf32>
      tpu.vector_store %arg5[%swap3A_778, %swap3A_779, %swap3A_780], %swap3A_783 {strides = array<i32>} : memref<16x864x128xf32, #tpu.memory_space<vmem>>, vector<1x1x128xf32>,
      %reduce_max3A_784 = vector.shape_cast %select_n3A_777 : vector<1x128xf32> to vector<1x1x128xf32>
      %reduce_max3A_785 = arith.constant dense<0xFF800000> : vector<1xf32>
      %reduce_max3A_786 = vector.multi_reduction <maximumf>, %reduce_max3A_784, %reduce_max3A_785 [1, 2] : vector<1x1x128xf32> to vector<1xf32>
      %reduce_max3A_787 = vector.shape_cast %reduce_max3A_786 : vector<1xf32> to vector<1x1x1xf32>
      %reduce_max3A_788 = vector.extract %reduce_max3A_787[0, 0, 0] : f32 from vector<1x1x1xf32>
      %reshape3A_789 = vector.broadcast %reduce_max3A_788 : f32 to vector<1x1xf32>
      %swap3A_790 = arith.constant 13 : index
      %swap3A_791 = arith.constant 0 : index
      %swap3A_792 = vector.load %arg11[%swap3A_790, %swap3A_791] : memref<16x128xf32, #tpu.memory_space<vmem>>, vector<1x1xf32>
      tpu.vector_store %arg11[%swap3A_790, %swap3A_791], %reshape3A_789 {strides = array<i32>} : memref<16x128xf32, #tpu.memory_space<vmem>>, vector<1x1xf32>,
      %slice3A_793 = vector.extract_strided_slice %broadcast_in_dim3A_82 {offsets = [14, 0], sizes = [1, 1], strides = [1, 1]} : vector<16x1xi32> to vector<1x1xi32>
      %reduce_max3A_794 = vector.shape_cast %slice3A_793 : vector<1x1xi32> to vector<1x1x1xi32>
      %reduce_max3A_795 = arith.constant dense<-2147483648> : vector<1xi32>
      %reduce_max3A_796 = vector.multi_reduction <maxsi>, %reduce_max3A_794, %reduce_max3A_795 [1, 2] : vector<1x1x1xi32> to vector<1xi32>
      %reduce_max3A_797 = vector.shape_cast %reduce_max3A_796 : vector<1xi32> to vector<1x1x1xi32>
      %reduce_max3A_798 = vector.extract %reduce_max3A_797[0, 0, 0] : i32 from vector<1x1x1xi32>
      %get3A_799 = arith.constant 14 : index
      %get3A_800 = arith.index_cast %reduce_max3A_798 : i32 to index
      %get3A_801 = arith.constant 0 : index
      %get3A_802 = vector.load %arg5[%get3A_799, %get3A_800, %get3A_801] : memref<16x864x128xf32, #tpu.memory_space<vmem>>, vector<1x1x128xf32>
      %get3A_803 = vector.shape_cast %get3A_802 : vector<1x1x128xf32> to vector<1x128xf32>
      %argmax3A_804 = tpu.reduce_index %get3A_803 {axis = 1 : i32, kind = #tpu.reduction_kind<arg_max>} : vector<1x128xf32> -> vector<1xi32>
      %squeeze3A_805 = vector.extract %argmax3A_804[0] : i32 from vector<1xi32>
      %reduce_max3A_806 = vector.shape_cast %get3A_803 : vector<1x128xf32> to vector<1x1x128xf32>
      %reduce_max3A_807 = arith.constant dense<0xFF800000> : vector<1xf32>
      %reduce_max3A_808 = vector.multi_reduction <maximumf>, %reduce_max3A_806, %reduce_max3A_807 [1, 2] : vector<1x1x128xf32> to vector<1xf32>
      %reduce_max3A_809 = vector.shape_cast %reduce_max3A_808 : vector<1xf32> to vector<1x1x1xf32>
      %reduce_max3A_810 = vector.extract %reduce_max3A_809[0, 0, 0] : f32 from vector<1x1x1xf32>
      %reshape3A_811 = vector.broadcast %reduce_max3A_810 : f32 to vector<1x1xf32>
      %swap3A_812 = arith.index_cast %add3A_83 : i32 to index
      %swap3A_813 = arith.constant 14 : index
      %swap3A_814 = vector.load %arg3[%swap3A_812, %swap3A_813] : memref<180x16xf32, #tpu.memory_space<vmem>>, vector<1x1xf32>
      tpu.vector_store %arg3[%swap3A_812, %swap3A_813], %reshape3A_811 {strides = array<i32>} : memref<180x16xf32, #tpu.memory_space<vmem>>, vector<1x1xf32>,
      %mul3A_815 = arith.constant 128 : i32
      %mul3A_816 = arith.muli %reduce_max3A_798, %mul3A_815 : i32
      %add3A_817 = arith.constant 0 : i32
      %add3A_818 = arith.addi %add3A_817, %mul3A_816 : i32
      %add3A_819 = arith.addi %add3A_818, %squeeze3A_805 : i32
      %reshape3A_820 = vector.broadcast %add3A_819 : i32 to vector<1x1xi32>
      %swap3A_821 = arith.index_cast %add3A_83 : i32 to index
      %swap3A_822 = arith.constant 14 : index
      %swap3A_823 = vector.load %arg4[%swap3A_821, %swap3A_822] : memref<180x16xi32, #tpu.memory_space<vmem>>, vector<1x1xi32>
      tpu.vector_store %arg4[%swap3A_821, %swap3A_822], %reshape3A_820 {strides = array<i32>} : memref<180x16xi32, #tpu.memory_space<vmem>>, vector<1x1xi32>,
      %eq3A_824 = vector.broadcast %squeeze3A_805 : i32 to vector<1x128xi32>
      %eq3A_825 = arith.cmpi eq, %iota3A_53, %eq3A_824 : vector<1x128xi32>
      %jit3A_826 = arith.constant -1.000000e+00 : f32
      %broadcast_in_dim3A_827 = vector.broadcast %jit3A_826 : f32 to vector<1x128xf32>
      %select_n3A_828 = arith.select %eq3A_825, %broadcast_in_dim3A_827, %get3A_803 : vector<1x128xi1>, vector<1x128xf32>
      %swap3A_829 = arith.constant 14 : index
      %swap3A_830 = arith.index_cast %reduce_max3A_798 : i32 to index
      %swap3A_831 = arith.constant 0 : index
      %swap3A_832 = vector.load %arg5[%swap3A_829, %swap3A_830, %swap3A_831] : memref<16x864x128xf32, #tpu.memory_space<vmem>>, vector<1x1x128xf32>
      %swap3A_833 = vector.shape_cast %swap3A_832 : vector<1x1x128xf32> to vector<1x128xf32>
      %swap3A_834 = vector.shape_cast %select_n3A_828 : vector<1x128xf32> to vector<1x1x128xf32>
      tpu.vector_store %arg5[%swap3A_829, %swap3A_830, %swap3A_831], %swap3A_834 {strides = array<i32>} : memref<16x864x128xf32, #tpu.memory_space<vmem>>, vector<1x1x128xf32>,
      %reduce_max3A_835 = vector.shape_cast %select_n3A_828 : vector<1x128xf32> to vector<1x1x128xf32>
      %reduce_max3A_836 = arith.constant dense<0xFF800000> : vector<1xf32>
      %reduce_max3A_837 = vector.multi_reduction <maximumf>, %reduce_max3A_835, %reduce_max3A_836 [1, 2] : vector<1x1x128xf32> to vector<1xf32>
      %reduce_max3A_838 = vector.shape_cast %reduce_max3A_837 : vector<1xf32> to vector<1x1x1xf32>
      %reduce_max3A_839 = vector.extract %reduce_max3A_838[0, 0, 0] : f32 from vector<1x1x1xf32>
      %reshape3A_840 = vector.broadcast %reduce_max3A_839 : f32 to vector<1x1xf32>
      %swap3A_841 = arith.constant 14 : index
      %swap3A_842 = arith.constant 0 : index
      %swap3A_843 = vector.load %arg11[%swap3A_841, %swap3A_842] : memref<16x128xf32, #tpu.memory_space<vmem>>, vector<1x1xf32>
      tpu.vector_store %arg11[%swap3A_841, %swap3A_842], %reshape3A_840 {strides = array<i32>} : memref<16x128xf32, #tpu.memory_space<vmem>>, vector<1x1xf32>,
      %slice3A_844 = vector.extract_strided_slice %broadcast_in_dim3A_82 {offsets = [15, 0], sizes = [1, 1], strides = [1, 1]} : vector<16x1xi32> to vector<1x1xi32>
      %reduce_max3A_845 = vector.shape_cast %slice3A_844 : vector<1x1xi32> to vector<1x1x1xi32>
      %reduce_max3A_846 = arith.constant dense<-2147483648> : vector<1xi32>
      %reduce_max3A_847 = vector.multi_reduction <maxsi>, %reduce_max3A_845, %reduce_max3A_846 [1, 2] : vector<1x1x1xi32> to vector<1xi32>
      %reduce_max3A_848 = vector.shape_cast %reduce_max3A_847 : vector<1xi32> to vector<1x1x1xi32>
      %reduce_max3A_849 = vector.extract %reduce_max3A_848[0, 0, 0] : i32 from vector<1x1x1xi32>
      %get3A_850 = arith.constant 15 : index
      %get3A_851 = arith.index_cast %reduce_max3A_849 : i32 to index
      %get3A_852 = arith.constant 0 : index
      %get3A_853 = vector.load %arg5[%get3A_850, %get3A_851, %get3A_852] : memref<16x864x128xf32, #tpu.memory_space<vmem>>, vector<1x1x128xf32>
      %get3A_854 = vector.shape_cast %get3A_853 : vector<1x1x128xf32> to vector<1x128xf32>
      %argmax3A_855 = tpu.reduce_index %get3A_854 {axis = 1 : i32, kind = #tpu.reduction_kind<arg_max>} : vector<1x128xf32> -> vector<1xi32>
      %squeeze3A_856 = vector.extract %argmax3A_855[0] : i32 from vector<1xi32>
      %reduce_max3A_857 = vector.shape_cast %get3A_854 : vector<1x128xf32> to vector<1x1x128xf32>
      %reduce_max3A_858 = arith.constant dense<0xFF800000> : vector<1xf32>
      %reduce_max3A_859 = vector.multi_reduction <maximumf>, %reduce_max3A_857, %reduce_max3A_858 [1, 2] : vector<1x1x128xf32> to vector<1xf32>
      %reduce_max3A_860 = vector.shape_cast %reduce_max3A_859 : vector<1xf32> to vector<1x1x1xf32>
      %reduce_max3A_861 = vector.extract %reduce_max3A_860[0, 0, 0] : f32 from vector<1x1x1xf32>
      %reshape3A_862 = vector.broadcast %reduce_max3A_861 : f32 to vector<1x1xf32>
      %swap3A_863 = arith.index_cast %add3A_83 : i32 to index
      %swap3A_864 = arith.constant 15 : index
      %swap3A_865 = vector.load %arg3[%swap3A_863, %swap3A_864] : memref<180x16xf32, #tpu.memory_space<vmem>>, vector<1x1xf32>
      tpu.vector_store %arg3[%swap3A_863, %swap3A_864], %reshape3A_862 {strides = array<i32>} : memref<180x16xf32, #tpu.memory_space<vmem>>, vector<1x1xf32>,
      %mul3A_866 = arith.constant 128 : i32
      %mul3A_867 = arith.muli %reduce_max3A_849, %mul3A_866 : i32
      %add3A_868 = arith.constant 0 : i32
      %add3A_869 = arith.addi %add3A_868, %mul3A_867 : i32
      %add3A_870 = arith.addi %add3A_869, %squeeze3A_856 : i32
      %reshape3A_871 = vector.broadcast %add3A_870 : i32 to vector<1x1xi32>
      %swap3A_872 = arith.index_cast %add3A_83 : i32 to index
      %swap3A_873 = arith.constant 15 : index
      %swap3A_874 = vector.load %arg4[%swap3A_872, %swap3A_873] : memref<180x16xi32, #tpu.memory_space<vmem>>, vector<1x1xi32>
      tpu.vector_store %arg4[%swap3A_872, %swap3A_873], %reshape3A_871 {strides = array<i32>} : memref<180x16xi32, #tpu.memory_space<vmem>>, vector<1x1xi32>,
      %eq3A_875 = vector.broadcast %squeeze3A_856 : i32 to vector<1x128xi32>
      %eq3A_876 = arith.cmpi eq, %iota3A_53, %eq3A_875 : vector<1x128xi32>
      %jit3A_877 = arith.constant -1.000000e+00 : f32
      %broadcast_in_dim3A_878 = vector.broadcast %jit3A_877 : f32 to vector<1x128xf32>
      %select_n3A_879 = arith.select %eq3A_876, %broadcast_in_dim3A_878, %get3A_854 : vector<1x128xi1>, vector<1x128xf32>
      %swap3A_880 = arith.constant 15 : index
      %swap3A_881 = arith.index_cast %reduce_max3A_849 : i32 to index
      %swap3A_882 = arith.constant 0 : index
      %swap3A_883 = vector.load %arg5[%swap3A_880, %swap3A_881, %swap3A_882] : memref<16x864x128xf32, #tpu.memory_space<vmem>>, vector<1x1x128xf32>
      %swap3A_884 = vector.shape_cast %swap3A_883 : vector<1x1x128xf32> to vector<1x128xf32>
      %swap3A_885 = vector.shape_cast %select_n3A_879 : vector<1x128xf32> to vector<1x1x128xf32>
      tpu.vector_store %arg5[%swap3A_880, %swap3A_881, %swap3A_882], %swap3A_885 {strides = array<i32>} : memref<16x864x128xf32, #tpu.memory_space<vmem>>, vector<1x1x128xf32>,
      %reduce_max3A_886 = vector.shape_cast %select_n3A_879 : vector<1x128xf32> to vector<1x1x128xf32>
      %reduce_max3A_887 = arith.constant dense<0xFF800000> : vector<1xf32>
      %reduce_max3A_888 = vector.multi_reduction <maximumf>, %reduce_max3A_886, %reduce_max3A_887 [1, 2] : vector<1x1x128xf32> to vector<1xf32>
      %reduce_max3A_889 = vector.shape_cast %reduce_max3A_888 : vector<1xf32> to vector<1x1x1xf32>
      %reduce_max3A_890 = vector.extract %reduce_max3A_889[0, 0, 0] : f32 from vector<1x1x1xf32>
      %reshape3A_891 = vector.broadcast %reduce_max3A_890 : f32 to vector<1x1xf32>
      %swap3A_892 = arith.constant 15 : index
      %swap3A_893 = arith.constant 0 : index
      %swap3A_894 = vector.load %arg11[%swap3A_892, %swap3A_893] : memref<16x128xf32, #tpu.memory_space<vmem>>, vector<1x1xf32>
      tpu.vector_store %arg11[%swap3A_892, %swap3A_893], %reshape3A_891 {strides = array<i32>} : memref<16x128xf32, #tpu.memory_space<vmem>>, vector<1x1xf32>,
      %eq3A_895 = vector.broadcast %iota3A : vector<1x864xi32> to vector<16x864xi32>
      %eq3A_896 = vector.broadcast %broadcast_in_dim3A_82 : vector<16x1xi32> to vector<16x864xi32>
      %eq3A_897 = arith.cmpi eq, %eq3A_895, %eq3A_896 : vector<16x864xi32>
      %get3A_898 = arith.constant 0 : index
      %get3A_899 = arith.constant 0 : index
      %get3A_900 = vector.load %arg11[%get3A_898, %get3A_899] : memref<16x128xf32, #tpu.memory_space<vmem>>, vector<16x1xf32>
      %broadcast_in_dim3A_901 = vector.shape_cast %get3A_900 : vector<16x1xf32> to vector<16x1xf32>
      %broadcast_in_dim3A_902 = vector.broadcast %broadcast_in_dim3A_901 : vector<16x1xf32> to vector<16x864xf32>
      %select_n3A_903 = arith.select %eq3A_897, %broadcast_in_dim3A_902, %get3A_75 : vector<16x864xi1>, vector<16x864xf32>
      %swap3A_904 = arith.constant 0 : index
      %swap3A_905 = arith.constant 0 : index
      %swap3A_906 = vector.load %arg8[%swap3A_904, %swap3A_905] : memref<16x864xf32, #tpu.memory_space<vmem>>, vector<16x864xf32>
      tpu.vector_store %arg8[%swap3A_904, %swap3A_905], %select_n3A_903 {strides = array<i32>} : memref<16x864xf32, #tpu.memory_space<vmem>>, vector<16x864xf32>,
    }
    %scan3A_57 = arith.constant 60 : i32
    %iota3A_58 = tpu.iota {dimensions = array<i32: 1>} : vector<1x108xi32>
    %iota3A_59 = tpu.iota {dimensions = array<i32: 1>} : vector<1x128xi32>
    %scan3A_60 = arith.constant 0 : i32
    %scan3A_61 = arith.constant 60 : i32
    %scan3A_62 = arith.addi %scan3A_60, %scan3A_61 : i32
    %scan3A_63 = arith.constant 1 : i32
    scf.for %scan3A_72 = %scan3A_60 to %scan3A_62 step %scan3A_63  : i32 {
      %get3A_73 = arith.constant 0 : index
      %get3A_74 = arith.constant 0 : index
      %get3A_75 = vector.load %arg9[%get3A_73, %get3A_74] : memref<16x108xf32, #tpu.memory_space<vmem>>, vector<16x108xf32>
      %reduce_max3A_76 = arith.constant dense<0xFF800000> : vector<16xf32>
      %reduce_max3A_77 = vector.multi_reduction <maximumf>, %get3A_75, %reduce_max3A_76 [1] : vector<16x108xf32> to vector<16xf32>
      %broadcast_in_dim3A = vector.shape_cast %reduce_max3A_77 : vector<16xf32> to vector<16x1xf32>
      %iota3A_78 = tpu.iota {dimensions = array<i32: 1>} : vector<16x108xi32>
      %eq3A = vector.broadcast %broadcast_in_dim3A : vector<16x1xf32> to vector<16x108xf32>
      %eq3A_79 = arith.cmpf oeq, %get3A_75, %eq3A : vector<16x108xf32>
      %jit3A = arith.constant 108 : i32
      %broadcast_in_dim3A_80 = vector.broadcast %jit3A : i32 to vector<16x108xi32>
      %select_n3A = arith.select %eq3A_79, %iota3A_78, %broadcast_in_dim3A_80 : vector<16x108xi1>, vector<16x108xi32>
      %reduce_min3A = arith.constant dense<2147483647> : vector<16xi32>
      %reduce_min3A_81 = vector.multi_reduction <minsi>, %select_n3A, %reduce_min3A [1] : vector<16x108xi32> to vector<16xi32>
      %broadcast_in_dim3A_82 = vector.shape_cast %reduce_min3A_81 : vector<16xi32> to vector<16x1xi32>
      %add3A = arith.constant 60 : i32
      %add3A_83 = arith.addi %add3A, %scan3A_72 : i32
      %slice3A = vector.extract_strided_slice %broadcast_in_dim3A_82 {offsets = [0, 0], sizes = [1, 1], strides = [1, 1]} : vector<16x1xi32> to vector<1x1xi32>
      %reduce_max3A_84 = vector.shape_cast %slice3A : vector<1x1xi32> to vector<1x1x1xi32>
      %reduce_max3A_85 = arith.constant dense<-2147483648> : vector<1xi32>
      %reduce_max3A_86 = vector.multi_reduction <maxsi>, %reduce_max3A_84, %reduce_max3A_85 [1, 2] : vector<1x1x1xi32> to vector<1xi32>
      %reduce_max3A_87 = vector.shape_cast %reduce_max3A_86 : vector<1xi32> to vector<1x1x1xi32>
      %reduce_max3A_88 = vector.extract %reduce_max3A_87[0, 0, 0] : i32 from vector<1x1x1xi32>
      %get3A_89 = arith.constant 0 : index
      %get3A_90 = arith.index_cast %reduce_max3A_88 : i32 to index
      %get3A_91 = arith.constant 0 : index
      %get3A_92 = vector.load %arg6[%get3A_89, %get3A_90, %get3A_91] : memref<16x108x128xf32, #tpu.memory_space<vmem>>, vector<1x1x128xf32>
      %get3A_93 = vector.shape_cast %get3A_92 : vector<1x1x128xf32> to vector<1x128xf32>
      %argmax3A = tpu.reduce_index %get3A_93 {axis = 1 : i32, kind = #tpu.reduction_kind<arg_max>} : vector<1x128xf32> -> vector<1xi32>
      %squeeze3A = vector.extract %argmax3A[0] : i32 from vector<1xi32>
      %reduce_max3A_94 = vector.shape_cast %get3A_93 : vector<1x128xf32> to vector<1x1x128xf32>
      %reduce_max3A_95 = arith.constant dense<0xFF800000> : vector<1xf32>
      %reduce_max3A_96 = vector.multi_reduction <maximumf>, %reduce_max3A_94, %reduce_max3A_95 [1, 2] : vector<1x1x128xf32> to vector<1xf32>
      %reduce_max3A_97 = vector.shape_cast %reduce_max3A_96 : vector<1xf32> to vector<1x1x1xf32>
      %reduce_max3A_98 = vector.extract %reduce_max3A_97[0, 0, 0] : f32 from vector<1x1x1xf32>
      %reshape3A = vector.broadcast %reduce_max3A_98 : f32 to vector<1x1xf32>
      %swap3A_99 = arith.index_cast %add3A_83 : i32 to index
      %swap3A_100 = arith.constant 0 : index
      %swap3A_101 = vector.load %arg3[%swap3A_99, %swap3A_100] : memref<180x16xf32, #tpu.memory_space<vmem>>, vector<1x1xf32>
      tpu.vector_store %arg3[%swap3A_99, %swap3A_100], %reshape3A {strides = array<i32>} : memref<180x16xf32, #tpu.memory_space<vmem>>, vector<1x1xf32>,
      %mul3A = arith.constant 128 : i32
      %mul3A_102 = arith.muli %reduce_max3A_88, %mul3A : i32
      %add3A_103 = arith.constant 110592 : i32
      %add3A_104 = arith.addi %add3A_103, %mul3A_102 : i32
      %add3A_105 = arith.addi %add3A_104, %squeeze3A : i32
      %reshape3A_106 = vector.broadcast %add3A_105 : i32 to vector<1x1xi32>
      %swap3A_107 = arith.index_cast %add3A_83 : i32 to index
      %swap3A_108 = arith.constant 0 : index
      %swap3A_109 = vector.load %arg4[%swap3A_107, %swap3A_108] : memref<180x16xi32, #tpu.memory_space<vmem>>, vector<1x1xi32>
      tpu.vector_store %arg4[%swap3A_107, %swap3A_108], %reshape3A_106 {strides = array<i32>} : memref<180x16xi32, #tpu.memory_space<vmem>>, vector<1x1xi32>,
      %eq3A_110 = vector.broadcast %squeeze3A : i32 to vector<1x128xi32>
      %eq3A_111 = arith.cmpi eq, %iota3A_59, %eq3A_110 : vector<1x128xi32>
      %jit3A_112 = arith.constant -1.000000e+00 : f32
      %broadcast_in_dim3A_113 = vector.broadcast %jit3A_112 : f32 to vector<1x128xf32>
      %select_n3A_114 = arith.select %eq3A_111, %broadcast_in_dim3A_113, %get3A_93 : vector<1x128xi1>, vector<1x128xf32>
      %swap3A_115 = arith.constant 0 : index
      %swap3A_116 = arith.index_cast %reduce_max3A_88 : i32 to index
      %swap3A_117 = arith.constant 0 : index
      %swap3A_118 = vector.load %arg6[%swap3A_115, %swap3A_116, %swap3A_117] : memref<16x108x128xf32, #tpu.memory_space<vmem>>, vector<1x1x128xf32>
      %swap3A_119 = vector.shape_cast %swap3A_118 : vector<1x1x128xf32> to vector<1x128xf32>
      %swap3A_120 = vector.shape_cast %select_n3A_114 : vector<1x128xf32> to vector<1x1x128xf32>
      tpu.vector_store %arg6[%swap3A_115, %swap3A_116, %swap3A_117], %swap3A_120 {strides = array<i32>} : memref<16x108x128xf32, #tpu.memory_space<vmem>>, vector<1x1x128xf32>,
      %reduce_max3A_121 = vector.shape_cast %select_n3A_114 : vector<1x128xf32> to vector<1x1x128xf32>
      %reduce_max3A_122 = arith.constant dense<0xFF800000> : vector<1xf32>
      %reduce_max3A_123 = vector.multi_reduction <maximumf>, %reduce_max3A_121, %reduce_max3A_122 [1, 2] : vector<1x1x128xf32> to vector<1xf32>
      %reduce_max3A_124 = vector.shape_cast %reduce_max3A_123 : vector<1xf32> to vector<1x1x1xf32>
      %reduce_max3A_125 = vector.extract %reduce_max3A_124[0, 0, 0] : f32 from vector<1x1x1xf32>
      %reshape3A_126 = vector.broadcast %reduce_max3A_125 : f32 to vector<1x1xf32>
      %swap3A_127 = arith.constant 0 : index
      %swap3A_128 = arith.constant 0 : index
      %swap3A_129 = vector.load %arg11[%swap3A_127, %swap3A_128] : memref<16x128xf32, #tpu.memory_space<vmem>>, vector<1x1xf32>
      tpu.vector_store %arg11[%swap3A_127, %swap3A_128], %reshape3A_126 {strides = array<i32>} : memref<16x128xf32, #tpu.memory_space<vmem>>, vector<1x1xf32>,
      %slice3A_130 = vector.extract_strided_slice %broadcast_in_dim3A_82 {offsets = [1, 0], sizes = [1, 1], strides = [1, 1]} : vector<16x1xi32> to vector<1x1xi32>
      %reduce_max3A_131 = vector.shape_cast %slice3A_130 : vector<1x1xi32> to vector<1x1x1xi32>
      %reduce_max3A_132 = arith.constant dense<-2147483648> : vector<1xi32>
      %reduce_max3A_133 = vector.multi_reduction <maxsi>, %reduce_max3A_131, %reduce_max3A_132 [1, 2] : vector<1x1x1xi32> to vector<1xi32>
      %reduce_max3A_134 = vector.shape_cast %reduce_max3A_133 : vector<1xi32> to vector<1x1x1xi32>
      %reduce_max3A_135 = vector.extract %reduce_max3A_134[0, 0, 0] : i32 from vector<1x1x1xi32>
      %get3A_136 = arith.constant 1 : index
      %get3A_137 = arith.index_cast %reduce_max3A_135 : i32 to index
      %get3A_138 = arith.constant 0 : index
      %get3A_139 = vector.load %arg6[%get3A_136, %get3A_137, %get3A_138] : memref<16x108x128xf32, #tpu.memory_space<vmem>>, vector<1x1x128xf32>
      %get3A_140 = vector.shape_cast %get3A_139 : vector<1x1x128xf32> to vector<1x128xf32>
      %argmax3A_141 = tpu.reduce_index %get3A_140 {axis = 1 : i32, kind = #tpu.reduction_kind<arg_max>} : vector<1x128xf32> -> vector<1xi32>
      %squeeze3A_142 = vector.extract %argmax3A_141[0] : i32 from vector<1xi32>
      %reduce_max3A_143 = vector.shape_cast %get3A_140 : vector<1x128xf32> to vector<1x1x128xf32>
      %reduce_max3A_144 = arith.constant dense<0xFF800000> : vector<1xf32>
      %reduce_max3A_145 = vector.multi_reduction <maximumf>, %reduce_max3A_143, %reduce_max3A_144 [1, 2] : vector<1x1x128xf32> to vector<1xf32>
      %reduce_max3A_146 = vector.shape_cast %reduce_max3A_145 : vector<1xf32> to vector<1x1x1xf32>
      %reduce_max3A_147 = vector.extract %reduce_max3A_146[0, 0, 0] : f32 from vector<1x1x1xf32>
      %reshape3A_148 = vector.broadcast %reduce_max3A_147 : f32 to vector<1x1xf32>
      %swap3A_149 = arith.index_cast %add3A_83 : i32 to index
      %swap3A_150 = arith.constant 1 : index
      %swap3A_151 = vector.load %arg3[%swap3A_149, %swap3A_150] : memref<180x16xf32, #tpu.memory_space<vmem>>, vector<1x1xf32>
      tpu.vector_store %arg3[%swap3A_149, %swap3A_150], %reshape3A_148 {strides = array<i32>} : memref<180x16xf32, #tpu.memory_space<vmem>>, vector<1x1xf32>,
      %mul3A_152 = arith.constant 128 : i32
      %mul3A_153 = arith.muli %reduce_max3A_135, %mul3A_152 : i32
      %add3A_154 = arith.constant 110592 : i32
      %add3A_155 = arith.addi %add3A_154, %mul3A_153 : i32
      %add3A_156 = arith.addi %add3A_155, %squeeze3A_142 : i32
      %reshape3A_157 = vector.broadcast %add3A_156 : i32 to vector<1x1xi32>
      %swap3A_158 = arith.index_cast %add3A_83 : i32 to index
      %swap3A_159 = arith.constant 1 : index
      %swap3A_160 = vector.load %arg4[%swap3A_158, %swap3A_159] : memref<180x16xi32, #tpu.memory_space<vmem>>, vector<1x1xi32>
      tpu.vector_store %arg4[%swap3A_158, %swap3A_159], %reshape3A_157 {strides = array<i32>} : memref<180x16xi32, #tpu.memory_space<vmem>>, vector<1x1xi32>,
      %eq3A_161 = vector.broadcast %squeeze3A_142 : i32 to vector<1x128xi32>
      %eq3A_162 = arith.cmpi eq, %iota3A_59, %eq3A_161 : vector<1x128xi32>
      %jit3A_163 = arith.constant -1.000000e+00 : f32
      %broadcast_in_dim3A_164 = vector.broadcast %jit3A_163 : f32 to vector<1x128xf32>
      %select_n3A_165 = arith.select %eq3A_162, %broadcast_in_dim3A_164, %get3A_140 : vector<1x128xi1>, vector<1x128xf32>
      %swap3A_166 = arith.constant 1 : index
      %swap3A_167 = arith.index_cast %reduce_max3A_135 : i32 to index
      %swap3A_168 = arith.constant 0 : index
      %swap3A_169 = vector.load %arg6[%swap3A_166, %swap3A_167, %swap3A_168] : memref<16x108x128xf32, #tpu.memory_space<vmem>>, vector<1x1x128xf32>
      %swap3A_170 = vector.shape_cast %swap3A_169 : vector<1x1x128xf32> to vector<1x128xf32>
      %swap3A_171 = vector.shape_cast %select_n3A_165 : vector<1x128xf32> to vector<1x1x128xf32>
      tpu.vector_store %arg6[%swap3A_166, %swap3A_167, %swap3A_168], %swap3A_171 {strides = array<i32>} : memref<16x108x128xf32, #tpu.memory_space<vmem>>, vector<1x1x128xf32>,
      %reduce_max3A_172 = vector.shape_cast %select_n3A_165 : vector<1x128xf32> to vector<1x1x128xf32>
      %reduce_max3A_173 = arith.constant dense<0xFF800000> : vector<1xf32>
      %reduce_max3A_174 = vector.multi_reduction <maximumf>, %reduce_max3A_172, %reduce_max3A_173 [1, 2] : vector<1x1x128xf32> to vector<1xf32>
      %reduce_max3A_175 = vector.shape_cast %reduce_max3A_174 : vector<1xf32> to vector<1x1x1xf32>
      %reduce_max3A_176 = vector.extract %reduce_max3A_175[0, 0, 0] : f32 from vector<1x1x1xf32>
      %reshape3A_177 = vector.broadcast %reduce_max3A_176 : f32 to vector<1x1xf32>
      %swap3A_178 = arith.constant 1 : index
      %swap3A_179 = arith.constant 0 : index
      %swap3A_180 = vector.load %arg11[%swap3A_178, %swap3A_179] : memref<16x128xf32, #tpu.memory_space<vmem>>, vector<1x1xf32>
      tpu.vector_store %arg11[%swap3A_178, %swap3A_179], %reshape3A_177 {strides = array<i32>} : memref<16x128xf32, #tpu.memory_space<vmem>>, vector<1x1xf32>,
      %slice3A_181 = vector.extract_strided_slice %broadcast_in_dim3A_82 {offsets = [2, 0], sizes = [1, 1], strides = [1, 1]} : vector<16x1xi32> to vector<1x1xi32>
      %reduce_max3A_182 = vector.shape_cast %slice3A_181 : vector<1x1xi32> to vector<1x1x1xi32>
      %reduce_max3A_183 = arith.constant dense<-2147483648> : vector<1xi32>
      %reduce_max3A_184 = vector.multi_reduction <maxsi>, %reduce_max3A_182, %reduce_max3A_183 [1, 2] : vector<1x1x1xi32> to vector<1xi32>
      %reduce_max3A_185 = vector.shape_cast %reduce_max3A_184 : vector<1xi32> to vector<1x1x1xi32>
      %reduce_max3A_186 = vector.extract %reduce_max3A_185[0, 0, 0] : i32 from vector<1x1x1xi32>
      %get3A_187 = arith.constant 2 : index
      %get3A_188 = arith.index_cast %reduce_max3A_186 : i32 to index
      %get3A_189 = arith.constant 0 : index
      %get3A_190 = vector.load %arg6[%get3A_187, %get3A_188, %get3A_189] : memref<16x108x128xf32, #tpu.memory_space<vmem>>, vector<1x1x128xf32>
      %get3A_191 = vector.shape_cast %get3A_190 : vector<1x1x128xf32> to vector<1x128xf32>
      %argmax3A_192 = tpu.reduce_index %get3A_191 {axis = 1 : i32, kind = #tpu.reduction_kind<arg_max>} : vector<1x128xf32> -> vector<1xi32>
      %squeeze3A_193 = vector.extract %argmax3A_192[0] : i32 from vector<1xi32>
      %reduce_max3A_194 = vector.shape_cast %get3A_191 : vector<1x128xf32> to vector<1x1x128xf32>
      %reduce_max3A_195 = arith.constant dense<0xFF800000> : vector<1xf32>
      %reduce_max3A_196 = vector.multi_reduction <maximumf>, %reduce_max3A_194, %reduce_max3A_195 [1, 2] : vector<1x1x128xf32> to vector<1xf32>
      %reduce_max3A_197 = vector.shape_cast %reduce_max3A_196 : vector<1xf32> to vector<1x1x1xf32>
      %reduce_max3A_198 = vector.extract %reduce_max3A_197[0, 0, 0] : f32 from vector<1x1x1xf32>
      %reshape3A_199 = vector.broadcast %reduce_max3A_198 : f32 to vector<1x1xf32>
      %swap3A_200 = arith.index_cast %add3A_83 : i32 to index
      %swap3A_201 = arith.constant 2 : index
      %swap3A_202 = vector.load %arg3[%swap3A_200, %swap3A_201] : memref<180x16xf32, #tpu.memory_space<vmem>>, vector<1x1xf32>
      tpu.vector_store %arg3[%swap3A_200, %swap3A_201], %reshape3A_199 {strides = array<i32>} : memref<180x16xf32, #tpu.memory_space<vmem>>, vector<1x1xf32>,
      %mul3A_203 = arith.constant 128 : i32
      %mul3A_204 = arith.muli %reduce_max3A_186, %mul3A_203 : i32
      %add3A_205 = arith.constant 110592 : i32
      %add3A_206 = arith.addi %add3A_205, %mul3A_204 : i32
      %add3A_207 = arith.addi %add3A_206, %squeeze3A_193 : i32
      %reshape3A_208 = vector.broadcast %add3A_207 : i32 to vector<1x1xi32>
      %swap3A_209 = arith.index_cast %add3A_83 : i32 to index
      %swap3A_210 = arith.constant 2 : index
      %swap3A_211 = vector.load %arg4[%swap3A_209, %swap3A_210] : memref<180x16xi32, #tpu.memory_space<vmem>>, vector<1x1xi32>
      tpu.vector_store %arg4[%swap3A_209, %swap3A_210], %reshape3A_208 {strides = array<i32>} : memref<180x16xi32, #tpu.memory_space<vmem>>, vector<1x1xi32>,
      %eq3A_212 = vector.broadcast %squeeze3A_193 : i32 to vector<1x128xi32>
      %eq3A_213 = arith.cmpi eq, %iota3A_59, %eq3A_212 : vector<1x128xi32>
      %jit3A_214 = arith.constant -1.000000e+00 : f32
      %broadcast_in_dim3A_215 = vector.broadcast %jit3A_214 : f32 to vector<1x128xf32>
      %select_n3A_216 = arith.select %eq3A_213, %broadcast_in_dim3A_215, %get3A_191 : vector<1x128xi1>, vector<1x128xf32>
      %swap3A_217 = arith.constant 2 : index
      %swap3A_218 = arith.index_cast %reduce_max3A_186 : i32 to index
      %swap3A_219 = arith.constant 0 : index
      %swap3A_220 = vector.load %arg6[%swap3A_217, %swap3A_218, %swap3A_219] : memref<16x108x128xf32, #tpu.memory_space<vmem>>, vector<1x1x128xf32>
      %swap3A_221 = vector.shape_cast %swap3A_220 : vector<1x1x128xf32> to vector<1x128xf32>
      %swap3A_222 = vector.shape_cast %select_n3A_216 : vector<1x128xf32> to vector<1x1x128xf32>
      tpu.vector_store %arg6[%swap3A_217, %swap3A_218, %swap3A_219], %swap3A_222 {strides = array<i32>} : memref<16x108x128xf32, #tpu.memory_space<vmem>>, vector<1x1x128xf32>,
      %reduce_max3A_223 = vector.shape_cast %select_n3A_216 : vector<1x128xf32> to vector<1x1x128xf32>
      %reduce_max3A_224 = arith.constant dense<0xFF800000> : vector<1xf32>
      %reduce_max3A_225 = vector.multi_reduction <maximumf>, %reduce_max3A_223, %reduce_max3A_224 [1, 2] : vector<1x1x128xf32> to vector<1xf32>
      %reduce_max3A_226 = vector.shape_cast %reduce_max3A_225 : vector<1xf32> to vector<1x1x1xf32>
      %reduce_max3A_227 = vector.extract %reduce_max3A_226[0, 0, 0] : f32 from vector<1x1x1xf32>
      %reshape3A_228 = vector.broadcast %reduce_max3A_227 : f32 to vector<1x1xf32>
      %swap3A_229 = arith.constant 2 : index
      %swap3A_230 = arith.constant 0 : index
      %swap3A_231 = vector.load %arg11[%swap3A_229, %swap3A_230] : memref<16x128xf32, #tpu.memory_space<vmem>>, vector<1x1xf32>
      tpu.vector_store %arg11[%swap3A_229, %swap3A_230], %reshape3A_228 {strides = array<i32>} : memref<16x128xf32, #tpu.memory_space<vmem>>, vector<1x1xf32>,
      %slice3A_232 = vector.extract_strided_slice %broadcast_in_dim3A_82 {offsets = [3, 0], sizes = [1, 1], strides = [1, 1]} : vector<16x1xi32> to vector<1x1xi32>
      %reduce_max3A_233 = vector.shape_cast %slice3A_232 : vector<1x1xi32> to vector<1x1x1xi32>
      %reduce_max3A_234 = arith.constant dense<-2147483648> : vector<1xi32>
      %reduce_max3A_235 = vector.multi_reduction <maxsi>, %reduce_max3A_233, %reduce_max3A_234 [1, 2] : vector<1x1x1xi32> to vector<1xi32>
      %reduce_max3A_236 = vector.shape_cast %reduce_max3A_235 : vector<1xi32> to vector<1x1x1xi32>
      %reduce_max3A_237 = vector.extract %reduce_max3A_236[0, 0, 0] : i32 from vector<1x1x1xi32>
      %get3A_238 = arith.constant 3 : index
      %get3A_239 = arith.index_cast %reduce_max3A_237 : i32 to index
      %get3A_240 = arith.constant 0 : index
      %get3A_241 = vector.load %arg6[%get3A_238, %get3A_239, %get3A_240] : memref<16x108x128xf32, #tpu.memory_space<vmem>>, vector<1x1x128xf32>
      %get3A_242 = vector.shape_cast %get3A_241 : vector<1x1x128xf32> to vector<1x128xf32>
      %argmax3A_243 = tpu.reduce_index %get3A_242 {axis = 1 : i32, kind = #tpu.reduction_kind<arg_max>} : vector<1x128xf32> -> vector<1xi32>
      %squeeze3A_244 = vector.extract %argmax3A_243[0] : i32 from vector<1xi32>
      %reduce_max3A_245 = vector.shape_cast %get3A_242 : vector<1x128xf32> to vector<1x1x128xf32>
      %reduce_max3A_246 = arith.constant dense<0xFF800000> : vector<1xf32>
      %reduce_max3A_247 = vector.multi_reduction <maximumf>, %reduce_max3A_245, %reduce_max3A_246 [1, 2] : vector<1x1x128xf32> to vector<1xf32>
      %reduce_max3A_248 = vector.shape_cast %reduce_max3A_247 : vector<1xf32> to vector<1x1x1xf32>
      %reduce_max3A_249 = vector.extract %reduce_max3A_248[0, 0, 0] : f32 from vector<1x1x1xf32>
      %reshape3A_250 = vector.broadcast %reduce_max3A_249 : f32 to vector<1x1xf32>
      %swap3A_251 = arith.index_cast %add3A_83 : i32 to index
      %swap3A_252 = arith.constant 3 : index
      %swap3A_253 = vector.load %arg3[%swap3A_251, %swap3A_252] : memref<180x16xf32, #tpu.memory_space<vmem>>, vector<1x1xf32>
      tpu.vector_store %arg3[%swap3A_251, %swap3A_252], %reshape3A_250 {strides = array<i32>} : memref<180x16xf32, #tpu.memory_space<vmem>>, vector<1x1xf32>,
      %mul3A_254 = arith.constant 128 : i32
      %mul3A_255 = arith.muli %reduce_max3A_237, %mul3A_254 : i32
      %add3A_256 = arith.constant 110592 : i32
      %add3A_257 = arith.addi %add3A_256, %mul3A_255 : i32
      %add3A_258 = arith.addi %add3A_257, %squeeze3A_244 : i32
      %reshape3A_259 = vector.broadcast %add3A_258 : i32 to vector<1x1xi32>
      %swap3A_260 = arith.index_cast %add3A_83 : i32 to index
      %swap3A_261 = arith.constant 3 : index
      %swap3A_262 = vector.load %arg4[%swap3A_260, %swap3A_261] : memref<180x16xi32, #tpu.memory_space<vmem>>, vector<1x1xi32>
      tpu.vector_store %arg4[%swap3A_260, %swap3A_261], %reshape3A_259 {strides = array<i32>} : memref<180x16xi32, #tpu.memory_space<vmem>>, vector<1x1xi32>,
      %eq3A_263 = vector.broadcast %squeeze3A_244 : i32 to vector<1x128xi32>
      %eq3A_264 = arith.cmpi eq, %iota3A_59, %eq3A_263 : vector<1x128xi32>
      %jit3A_265 = arith.constant -1.000000e+00 : f32
      %broadcast_in_dim3A_266 = vector.broadcast %jit3A_265 : f32 to vector<1x128xf32>
      %select_n3A_267 = arith.select %eq3A_264, %broadcast_in_dim3A_266, %get3A_242 : vector<1x128xi1>, vector<1x128xf32>
      %swap3A_268 = arith.constant 3 : index
      %swap3A_269 = arith.index_cast %reduce_max3A_237 : i32 to index
      %swap3A_270 = arith.constant 0 : index
      %swap3A_271 = vector.load %arg6[%swap3A_268, %swap3A_269, %swap3A_270] : memref<16x108x128xf32, #tpu.memory_space<vmem>>, vector<1x1x128xf32>
      %swap3A_272 = vector.shape_cast %swap3A_271 : vector<1x1x128xf32> to vector<1x128xf32>
      %swap3A_273 = vector.shape_cast %select_n3A_267 : vector<1x128xf32> to vector<1x1x128xf32>
      tpu.vector_store %arg6[%swap3A_268, %swap3A_269, %swap3A_270], %swap3A_273 {strides = array<i32>} : memref<16x108x128xf32, #tpu.memory_space<vmem>>, vector<1x1x128xf32>,
      %reduce_max3A_274 = vector.shape_cast %select_n3A_267 : vector<1x128xf32> to vector<1x1x128xf32>
      %reduce_max3A_275 = arith.constant dense<0xFF800000> : vector<1xf32>
      %reduce_max3A_276 = vector.multi_reduction <maximumf>, %reduce_max3A_274, %reduce_max3A_275 [1, 2] : vector<1x1x128xf32> to vector<1xf32>
      %reduce_max3A_277 = vector.shape_cast %reduce_max3A_276 : vector<1xf32> to vector<1x1x1xf32>
      %reduce_max3A_278 = vector.extract %reduce_max3A_277[0, 0, 0] : f32 from vector<1x1x1xf32>
      %reshape3A_279 = vector.broadcast %reduce_max3A_278 : f32 to vector<1x1xf32>
      %swap3A_280 = arith.constant 3 : index
      %swap3A_281 = arith.constant 0 : index
      %swap3A_282 = vector.load %arg11[%swap3A_280, %swap3A_281] : memref<16x128xf32, #tpu.memory_space<vmem>>, vector<1x1xf32>
      tpu.vector_store %arg11[%swap3A_280, %swap3A_281], %reshape3A_279 {strides = array<i32>} : memref<16x128xf32, #tpu.memory_space<vmem>>, vector<1x1xf32>,
      %slice3A_283 = vector.extract_strided_slice %broadcast_in_dim3A_82 {offsets = [4, 0], sizes = [1, 1], strides = [1, 1]} : vector<16x1xi32> to vector<1x1xi32>
      %reduce_max3A_284 = vector.shape_cast %slice3A_283 : vector<1x1xi32> to vector<1x1x1xi32>
      %reduce_max3A_285 = arith.constant dense<-2147483648> : vector<1xi32>
      %reduce_max3A_286 = vector.multi_reduction <maxsi>, %reduce_max3A_284, %reduce_max3A_285 [1, 2] : vector<1x1x1xi32> to vector<1xi32>
      %reduce_max3A_287 = vector.shape_cast %reduce_max3A_286 : vector<1xi32> to vector<1x1x1xi32>
      %reduce_max3A_288 = vector.extract %reduce_max3A_287[0, 0, 0] : i32 from vector<1x1x1xi32>
      %get3A_289 = arith.constant 4 : index
      %get3A_290 = arith.index_cast %reduce_max3A_288 : i32 to index
      %get3A_291 = arith.constant 0 : index
      %get3A_292 = vector.load %arg6[%get3A_289, %get3A_290, %get3A_291] : memref<16x108x128xf32, #tpu.memory_space<vmem>>, vector<1x1x128xf32>
      %get3A_293 = vector.shape_cast %get3A_292 : vector<1x1x128xf32> to vector<1x128xf32>
      %argmax3A_294 = tpu.reduce_index %get3A_293 {axis = 1 : i32, kind = #tpu.reduction_kind<arg_max>} : vector<1x128xf32> -> vector<1xi32>
      %squeeze3A_295 = vector.extract %argmax3A_294[0] : i32 from vector<1xi32>
      %reduce_max3A_296 = vector.shape_cast %get3A_293 : vector<1x128xf32> to vector<1x1x128xf32>
      %reduce_max3A_297 = arith.constant dense<0xFF800000> : vector<1xf32>
      %reduce_max3A_298 = vector.multi_reduction <maximumf>, %reduce_max3A_296, %reduce_max3A_297 [1, 2] : vector<1x1x128xf32> to vector<1xf32>
      %reduce_max3A_299 = vector.shape_cast %reduce_max3A_298 : vector<1xf32> to vector<1x1x1xf32>
      %reduce_max3A_300 = vector.extract %reduce_max3A_299[0, 0, 0] : f32 from vector<1x1x1xf32>
      %reshape3A_301 = vector.broadcast %reduce_max3A_300 : f32 to vector<1x1xf32>
      %swap3A_302 = arith.index_cast %add3A_83 : i32 to index
      %swap3A_303 = arith.constant 4 : index
      %swap3A_304 = vector.load %arg3[%swap3A_302, %swap3A_303] : memref<180x16xf32, #tpu.memory_space<vmem>>, vector<1x1xf32>
      tpu.vector_store %arg3[%swap3A_302, %swap3A_303], %reshape3A_301 {strides = array<i32>} : memref<180x16xf32, #tpu.memory_space<vmem>>, vector<1x1xf32>,
      %mul3A_305 = arith.constant 128 : i32
      %mul3A_306 = arith.muli %reduce_max3A_288, %mul3A_305 : i32
      %add3A_307 = arith.constant 110592 : i32
      %add3A_308 = arith.addi %add3A_307, %mul3A_306 : i32
      %add3A_309 = arith.addi %add3A_308, %squeeze3A_295 : i32
      %reshape3A_310 = vector.broadcast %add3A_309 : i32 to vector<1x1xi32>
      %swap3A_311 = arith.index_cast %add3A_83 : i32 to index
      %swap3A_312 = arith.constant 4 : index
      %swap3A_313 = vector.load %arg4[%swap3A_311, %swap3A_312] : memref<180x16xi32, #tpu.memory_space<vmem>>, vector<1x1xi32>
      tpu.vector_store %arg4[%swap3A_311, %swap3A_312], %reshape3A_310 {strides = array<i32>} : memref<180x16xi32, #tpu.memory_space<vmem>>, vector<1x1xi32>,
      %eq3A_314 = vector.broadcast %squeeze3A_295 : i32 to vector<1x128xi32>
      %eq3A_315 = arith.cmpi eq, %iota3A_59, %eq3A_314 : vector<1x128xi32>
      %jit3A_316 = arith.constant -1.000000e+00 : f32
      %broadcast_in_dim3A_317 = vector.broadcast %jit3A_316 : f32 to vector<1x128xf32>
      %select_n3A_318 = arith.select %eq3A_315, %broadcast_in_dim3A_317, %get3A_293 : vector<1x128xi1>, vector<1x128xf32>
      %swap3A_319 = arith.constant 4 : index
      %swap3A_320 = arith.index_cast %reduce_max3A_288 : i32 to index
      %swap3A_321 = arith.constant 0 : index
      %swap3A_322 = vector.load %arg6[%swap3A_319, %swap3A_320, %swap3A_321] : memref<16x108x128xf32, #tpu.memory_space<vmem>>, vector<1x1x128xf32>
      %swap3A_323 = vector.shape_cast %swap3A_322 : vector<1x1x128xf32> to vector<1x128xf32>
      %swap3A_324 = vector.shape_cast %select_n3A_318 : vector<1x128xf32> to vector<1x1x128xf32>
      tpu.vector_store %arg6[%swap3A_319, %swap3A_320, %swap3A_321], %swap3A_324 {strides = array<i32>} : memref<16x108x128xf32, #tpu.memory_space<vmem>>, vector<1x1x128xf32>,
      %reduce_max3A_325 = vector.shape_cast %select_n3A_318 : vector<1x128xf32> to vector<1x1x128xf32>
      %reduce_max3A_326 = arith.constant dense<0xFF800000> : vector<1xf32>
      %reduce_max3A_327 = vector.multi_reduction <maximumf>, %reduce_max3A_325, %reduce_max3A_326 [1, 2] : vector<1x1x128xf32> to vector<1xf32>
      %reduce_max3A_328 = vector.shape_cast %reduce_max3A_327 : vector<1xf32> to vector<1x1x1xf32>
      %reduce_max3A_329 = vector.extract %reduce_max3A_328[0, 0, 0] : f32 from vector<1x1x1xf32>
      %reshape3A_330 = vector.broadcast %reduce_max3A_329 : f32 to vector<1x1xf32>
      %swap3A_331 = arith.constant 4 : index
      %swap3A_332 = arith.constant 0 : index
      %swap3A_333 = vector.load %arg11[%swap3A_331, %swap3A_332] : memref<16x128xf32, #tpu.memory_space<vmem>>, vector<1x1xf32>
      tpu.vector_store %arg11[%swap3A_331, %swap3A_332], %reshape3A_330 {strides = array<i32>} : memref<16x128xf32, #tpu.memory_space<vmem>>, vector<1x1xf32>,
      %slice3A_334 = vector.extract_strided_slice %broadcast_in_dim3A_82 {offsets = [5, 0], sizes = [1, 1], strides = [1, 1]} : vector<16x1xi32> to vector<1x1xi32>
      %reduce_max3A_335 = vector.shape_cast %slice3A_334 : vector<1x1xi32> to vector<1x1x1xi32>
      %reduce_max3A_336 = arith.constant dense<-2147483648> : vector<1xi32>
      %reduce_max3A_337 = vector.multi_reduction <maxsi>, %reduce_max3A_335, %reduce_max3A_336 [1, 2] : vector<1x1x1xi32> to vector<1xi32>
      %reduce_max3A_338 = vector.shape_cast %reduce_max3A_337 : vector<1xi32> to vector<1x1x1xi32>
      %reduce_max3A_339 = vector.extract %reduce_max3A_338[0, 0, 0] : i32 from vector<1x1x1xi32>
      %get3A_340 = arith.constant 5 : index
      %get3A_341 = arith.index_cast %reduce_max3A_339 : i32 to index
      %get3A_342 = arith.constant 0 : index
      %get3A_343 = vector.load %arg6[%get3A_340, %get3A_341, %get3A_342] : memref<16x108x128xf32, #tpu.memory_space<vmem>>, vector<1x1x128xf32>
      %get3A_344 = vector.shape_cast %get3A_343 : vector<1x1x128xf32> to vector<1x128xf32>
      %argmax3A_345 = tpu.reduce_index %get3A_344 {axis = 1 : i32, kind = #tpu.reduction_kind<arg_max>} : vector<1x128xf32> -> vector<1xi32>
      %squeeze3A_346 = vector.extract %argmax3A_345[0] : i32 from vector<1xi32>
      %reduce_max3A_347 = vector.shape_cast %get3A_344 : vector<1x128xf32> to vector<1x1x128xf32>
      %reduce_max3A_348 = arith.constant dense<0xFF800000> : vector<1xf32>
      %reduce_max3A_349 = vector.multi_reduction <maximumf>, %reduce_max3A_347, %reduce_max3A_348 [1, 2] : vector<1x1x128xf32> to vector<1xf32>
      %reduce_max3A_350 = vector.shape_cast %reduce_max3A_349 : vector<1xf32> to vector<1x1x1xf32>
      %reduce_max3A_351 = vector.extract %reduce_max3A_350[0, 0, 0] : f32 from vector<1x1x1xf32>
      %reshape3A_352 = vector.broadcast %reduce_max3A_351 : f32 to vector<1x1xf32>
      %swap3A_353 = arith.index_cast %add3A_83 : i32 to index
      %swap3A_354 = arith.constant 5 : index
      %swap3A_355 = vector.load %arg3[%swap3A_353, %swap3A_354] : memref<180x16xf32, #tpu.memory_space<vmem>>, vector<1x1xf32>
      tpu.vector_store %arg3[%swap3A_353, %swap3A_354], %reshape3A_352 {strides = array<i32>} : memref<180x16xf32, #tpu.memory_space<vmem>>, vector<1x1xf32>,
      %mul3A_356 = arith.constant 128 : i32
      %mul3A_357 = arith.muli %reduce_max3A_339, %mul3A_356 : i32
      %add3A_358 = arith.constant 110592 : i32
      %add3A_359 = arith.addi %add3A_358, %mul3A_357 : i32
      %add3A_360 = arith.addi %add3A_359, %squeeze3A_346 : i32
      %reshape3A_361 = vector.broadcast %add3A_360 : i32 to vector<1x1xi32>
      %swap3A_362 = arith.index_cast %add3A_83 : i32 to index
      %swap3A_363 = arith.constant 5 : index
      %swap3A_364 = vector.load %arg4[%swap3A_362, %swap3A_363] : memref<180x16xi32, #tpu.memory_space<vmem>>, vector<1x1xi32>
      tpu.vector_store %arg4[%swap3A_362, %swap3A_363], %reshape3A_361 {strides = array<i32>} : memref<180x16xi32, #tpu.memory_space<vmem>>, vector<1x1xi32>,
      %eq3A_365 = vector.broadcast %squeeze3A_346 : i32 to vector<1x128xi32>
      %eq3A_366 = arith.cmpi eq, %iota3A_59, %eq3A_365 : vector<1x128xi32>
      %jit3A_367 = arith.constant -1.000000e+00 : f32
      %broadcast_in_dim3A_368 = vector.broadcast %jit3A_367 : f32 to vector<1x128xf32>
      %select_n3A_369 = arith.select %eq3A_366, %broadcast_in_dim3A_368, %get3A_344 : vector<1x128xi1>, vector<1x128xf32>
      %swap3A_370 = arith.constant 5 : index
      %swap3A_371 = arith.index_cast %reduce_max3A_339 : i32 to index
      %swap3A_372 = arith.constant 0 : index
      %swap3A_373 = vector.load %arg6[%swap3A_370, %swap3A_371, %swap3A_372] : memref<16x108x128xf32, #tpu.memory_space<vmem>>, vector<1x1x128xf32>
      %swap3A_374 = vector.shape_cast %swap3A_373 : vector<1x1x128xf32> to vector<1x128xf32>
      %swap3A_375 = vector.shape_cast %select_n3A_369 : vector<1x128xf32> to vector<1x1x128xf32>
      tpu.vector_store %arg6[%swap3A_370, %swap3A_371, %swap3A_372], %swap3A_375 {strides = array<i32>} : memref<16x108x128xf32, #tpu.memory_space<vmem>>, vector<1x1x128xf32>,
      %reduce_max3A_376 = vector.shape_cast %select_n3A_369 : vector<1x128xf32> to vector<1x1x128xf32>
      %reduce_max3A_377 = arith.constant dense<0xFF800000> : vector<1xf32>
      %reduce_max3A_378 = vector.multi_reduction <maximumf>, %reduce_max3A_376, %reduce_max3A_377 [1, 2] : vector<1x1x128xf32> to vector<1xf32>
      %reduce_max3A_379 = vector.shape_cast %reduce_max3A_378 : vector<1xf32> to vector<1x1x1xf32>
      %reduce_max3A_380 = vector.extract %reduce_max3A_379[0, 0, 0] : f32 from vector<1x1x1xf32>
      %reshape3A_381 = vector.broadcast %reduce_max3A_380 : f32 to vector<1x1xf32>
      %swap3A_382 = arith.constant 5 : index
      %swap3A_383 = arith.constant 0 : index
      %swap3A_384 = vector.load %arg11[%swap3A_382, %swap3A_383] : memref<16x128xf32, #tpu.memory_space<vmem>>, vector<1x1xf32>
      tpu.vector_store %arg11[%swap3A_382, %swap3A_383], %reshape3A_381 {strides = array<i32>} : memref<16x128xf32, #tpu.memory_space<vmem>>, vector<1x1xf32>,
      %slice3A_385 = vector.extract_strided_slice %broadcast_in_dim3A_82 {offsets = [6, 0], sizes = [1, 1], strides = [1, 1]} : vector<16x1xi32> to vector<1x1xi32>
      %reduce_max3A_386 = vector.shape_cast %slice3A_385 : vector<1x1xi32> to vector<1x1x1xi32>
      %reduce_max3A_387 = arith.constant dense<-2147483648> : vector<1xi32>
      %reduce_max3A_388 = vector.multi_reduction <maxsi>, %reduce_max3A_386, %reduce_max3A_387 [1, 2] : vector<1x1x1xi32> to vector<1xi32>
      %reduce_max3A_389 = vector.shape_cast %reduce_max3A_388 : vector<1xi32> to vector<1x1x1xi32>
      %reduce_max3A_390 = vector.extract %reduce_max3A_389[0, 0, 0] : i32 from vector<1x1x1xi32>
      %get3A_391 = arith.constant 6 : index
      %get3A_392 = arith.index_cast %reduce_max3A_390 : i32 to index
      %get3A_393 = arith.constant 0 : index
      %get3A_394 = vector.load %arg6[%get3A_391, %get3A_392, %get3A_393] : memref<16x108x128xf32, #tpu.memory_space<vmem>>, vector<1x1x128xf32>
      %get3A_395 = vector.shape_cast %get3A_394 : vector<1x1x128xf32> to vector<1x128xf32>
      %argmax3A_396 = tpu.reduce_index %get3A_395 {axis = 1 : i32, kind = #tpu.reduction_kind<arg_max>} : vector<1x128xf32> -> vector<1xi32>
      %squeeze3A_397 = vector.extract %argmax3A_396[0] : i32 from vector<1xi32>
      %reduce_max3A_398 = vector.shape_cast %get3A_395 : vector<1x128xf32> to vector<1x1x128xf32>
      %reduce_max3A_399 = arith.constant dense<0xFF800000> : vector<1xf32>
      %reduce_max3A_400 = vector.multi_reduction <maximumf>, %reduce_max3A_398, %reduce_max3A_399 [1, 2] : vector<1x1x128xf32> to vector<1xf32>
      %reduce_max3A_401 = vector.shape_cast %reduce_max3A_400 : vector<1xf32> to vector<1x1x1xf32>
      %reduce_max3A_402 = vector.extract %reduce_max3A_401[0, 0, 0] : f32 from vector<1x1x1xf32>
      %reshape3A_403 = vector.broadcast %reduce_max3A_402 : f32 to vector<1x1xf32>
      %swap3A_404 = arith.index_cast %add3A_83 : i32 to index
      %swap3A_405 = arith.constant 6 : index
      %swap3A_406 = vector.load %arg3[%swap3A_404, %swap3A_405] : memref<180x16xf32, #tpu.memory_space<vmem>>, vector<1x1xf32>
      tpu.vector_store %arg3[%swap3A_404, %swap3A_405], %reshape3A_403 {strides = array<i32>} : memref<180x16xf32, #tpu.memory_space<vmem>>, vector<1x1xf32>,
      %mul3A_407 = arith.constant 128 : i32
      %mul3A_408 = arith.muli %reduce_max3A_390, %mul3A_407 : i32
      %add3A_409 = arith.constant 110592 : i32
      %add3A_410 = arith.addi %add3A_409, %mul3A_408 : i32
      %add3A_411 = arith.addi %add3A_410, %squeeze3A_397 : i32
      %reshape3A_412 = vector.broadcast %add3A_411 : i32 to vector<1x1xi32>
      %swap3A_413 = arith.index_cast %add3A_83 : i32 to index
      %swap3A_414 = arith.constant 6 : index
      %swap3A_415 = vector.load %arg4[%swap3A_413, %swap3A_414] : memref<180x16xi32, #tpu.memory_space<vmem>>, vector<1x1xi32>
      tpu.vector_store %arg4[%swap3A_413, %swap3A_414], %reshape3A_412 {strides = array<i32>} : memref<180x16xi32, #tpu.memory_space<vmem>>, vector<1x1xi32>,
      %eq3A_416 = vector.broadcast %squeeze3A_397 : i32 to vector<1x128xi32>
      %eq3A_417 = arith.cmpi eq, %iota3A_59, %eq3A_416 : vector<1x128xi32>
      %jit3A_418 = arith.constant -1.000000e+00 : f32
      %broadcast_in_dim3A_419 = vector.broadcast %jit3A_418 : f32 to vector<1x128xf32>
      %select_n3A_420 = arith.select %eq3A_417, %broadcast_in_dim3A_419, %get3A_395 : vector<1x128xi1>, vector<1x128xf32>
      %swap3A_421 = arith.constant 6 : index
      %swap3A_422 = arith.index_cast %reduce_max3A_390 : i32 to index
      %swap3A_423 = arith.constant 0 : index
      %swap3A_424 = vector.load %arg6[%swap3A_421, %swap3A_422, %swap3A_423] : memref<16x108x128xf32, #tpu.memory_space<vmem>>, vector<1x1x128xf32>
      %swap3A_425 = vector.shape_cast %swap3A_424 : vector<1x1x128xf32> to vector<1x128xf32>
      %swap3A_426 = vector.shape_cast %select_n3A_420 : vector<1x128xf32> to vector<1x1x128xf32>
      tpu.vector_store %arg6[%swap3A_421, %swap3A_422, %swap3A_423], %swap3A_426 {strides = array<i32>} : memref<16x108x128xf32, #tpu.memory_space<vmem>>, vector<1x1x128xf32>,
      %reduce_max3A_427 = vector.shape_cast %select_n3A_420 : vector<1x128xf32> to vector<1x1x128xf32>
      %reduce_max3A_428 = arith.constant dense<0xFF800000> : vector<1xf32>
      %reduce_max3A_429 = vector.multi_reduction <maximumf>, %reduce_max3A_427, %reduce_max3A_428 [1, 2] : vector<1x1x128xf32> to vector<1xf32>
      %reduce_max3A_430 = vector.shape_cast %reduce_max3A_429 : vector<1xf32> to vector<1x1x1xf32>
      %reduce_max3A_431 = vector.extract %reduce_max3A_430[0, 0, 0] : f32 from vector<1x1x1xf32>
      %reshape3A_432 = vector.broadcast %reduce_max3A_431 : f32 to vector<1x1xf32>
      %swap3A_433 = arith.constant 6 : index
      %swap3A_434 = arith.constant 0 : index
      %swap3A_435 = vector.load %arg11[%swap3A_433, %swap3A_434] : memref<16x128xf32, #tpu.memory_space<vmem>>, vector<1x1xf32>
      tpu.vector_store %arg11[%swap3A_433, %swap3A_434], %reshape3A_432 {strides = array<i32>} : memref<16x128xf32, #tpu.memory_space<vmem>>, vector<1x1xf32>,
      %slice3A_436 = vector.extract_strided_slice %broadcast_in_dim3A_82 {offsets = [7, 0], sizes = [1, 1], strides = [1, 1]} : vector<16x1xi32> to vector<1x1xi32>
      %reduce_max3A_437 = vector.shape_cast %slice3A_436 : vector<1x1xi32> to vector<1x1x1xi32>
      %reduce_max3A_438 = arith.constant dense<-2147483648> : vector<1xi32>
      %reduce_max3A_439 = vector.multi_reduction <maxsi>, %reduce_max3A_437, %reduce_max3A_438 [1, 2] : vector<1x1x1xi32> to vector<1xi32>
      %reduce_max3A_440 = vector.shape_cast %reduce_max3A_439 : vector<1xi32> to vector<1x1x1xi32>
      %reduce_max3A_441 = vector.extract %reduce_max3A_440[0, 0, 0] : i32 from vector<1x1x1xi32>
      %get3A_442 = arith.constant 7 : index
      %get3A_443 = arith.index_cast %reduce_max3A_441 : i32 to index
      %get3A_444 = arith.constant 0 : index
      %get3A_445 = vector.load %arg6[%get3A_442, %get3A_443, %get3A_444] : memref<16x108x128xf32, #tpu.memory_space<vmem>>, vector<1x1x128xf32>
      %get3A_446 = vector.shape_cast %get3A_445 : vector<1x1x128xf32> to vector<1x128xf32>
      %argmax3A_447 = tpu.reduce_index %get3A_446 {axis = 1 : i32, kind = #tpu.reduction_kind<arg_max>} : vector<1x128xf32> -> vector<1xi32>
      %squeeze3A_448 = vector.extract %argmax3A_447[0] : i32 from vector<1xi32>
      %reduce_max3A_449 = vector.shape_cast %get3A_446 : vector<1x128xf32> to vector<1x1x128xf32>
      %reduce_max3A_450 = arith.constant dense<0xFF800000> : vector<1xf32>
      %reduce_max3A_451 = vector.multi_reduction <maximumf>, %reduce_max3A_449, %reduce_max3A_450 [1, 2] : vector<1x1x128xf32> to vector<1xf32>
      %reduce_max3A_452 = vector.shape_cast %reduce_max3A_451 : vector<1xf32> to vector<1x1x1xf32>
      %reduce_max3A_453 = vector.extract %reduce_max3A_452[0, 0, 0] : f32 from vector<1x1x1xf32>
      %reshape3A_454 = vector.broadcast %reduce_max3A_453 : f32 to vector<1x1xf32>
      %swap3A_455 = arith.index_cast %add3A_83 : i32 to index
      %swap3A_456 = arith.constant 7 : index
      %swap3A_457 = vector.load %arg3[%swap3A_455, %swap3A_456] : memref<180x16xf32, #tpu.memory_space<vmem>>, vector<1x1xf32>
      tpu.vector_store %arg3[%swap3A_455, %swap3A_456], %reshape3A_454 {strides = array<i32>} : memref<180x16xf32, #tpu.memory_space<vmem>>, vector<1x1xf32>,
      %mul3A_458 = arith.constant 128 : i32
      %mul3A_459 = arith.muli %reduce_max3A_441, %mul3A_458 : i32
      %add3A_460 = arith.constant 110592 : i32
      %add3A_461 = arith.addi %add3A_460, %mul3A_459 : i32
      %add3A_462 = arith.addi %add3A_461, %squeeze3A_448 : i32
      %reshape3A_463 = vector.broadcast %add3A_462 : i32 to vector<1x1xi32>
      %swap3A_464 = arith.index_cast %add3A_83 : i32 to index
      %swap3A_465 = arith.constant 7 : index
      %swap3A_466 = vector.load %arg4[%swap3A_464, %swap3A_465] : memref<180x16xi32, #tpu.memory_space<vmem>>, vector<1x1xi32>
      tpu.vector_store %arg4[%swap3A_464, %swap3A_465], %reshape3A_463 {strides = array<i32>} : memref<180x16xi32, #tpu.memory_space<vmem>>, vector<1x1xi32>,
      %eq3A_467 = vector.broadcast %squeeze3A_448 : i32 to vector<1x128xi32>
      %eq3A_468 = arith.cmpi eq, %iota3A_59, %eq3A_467 : vector<1x128xi32>
      %jit3A_469 = arith.constant -1.000000e+00 : f32
      %broadcast_in_dim3A_470 = vector.broadcast %jit3A_469 : f32 to vector<1x128xf32>
      %select_n3A_471 = arith.select %eq3A_468, %broadcast_in_dim3A_470, %get3A_446 : vector<1x128xi1>, vector<1x128xf32>
      %swap3A_472 = arith.constant 7 : index
      %swap3A_473 = arith.index_cast %reduce_max3A_441 : i32 to index
      %swap3A_474 = arith.constant 0 : index
      %swap3A_475 = vector.load %arg6[%swap3A_472, %swap3A_473, %swap3A_474] : memref<16x108x128xf32, #tpu.memory_space<vmem>>, vector<1x1x128xf32>
      %swap3A_476 = vector.shape_cast %swap3A_475 : vector<1x1x128xf32> to vector<1x128xf32>
      %swap3A_477 = vector.shape_cast %select_n3A_471 : vector<1x128xf32> to vector<1x1x128xf32>
      tpu.vector_store %arg6[%swap3A_472, %swap3A_473, %swap3A_474], %swap3A_477 {strides = array<i32>} : memref<16x108x128xf32, #tpu.memory_space<vmem>>, vector<1x1x128xf32>,
      %reduce_max3A_478 = vector.shape_cast %select_n3A_471 : vector<1x128xf32> to vector<1x1x128xf32>
      %reduce_max3A_479 = arith.constant dense<0xFF800000> : vector<1xf32>
      %reduce_max3A_480 = vector.multi_reduction <maximumf>, %reduce_max3A_478, %reduce_max3A_479 [1, 2] : vector<1x1x128xf32> to vector<1xf32>
      %reduce_max3A_481 = vector.shape_cast %reduce_max3A_480 : vector<1xf32> to vector<1x1x1xf32>
      %reduce_max3A_482 = vector.extract %reduce_max3A_481[0, 0, 0] : f32 from vector<1x1x1xf32>
      %reshape3A_483 = vector.broadcast %reduce_max3A_482 : f32 to vector<1x1xf32>
      %swap3A_484 = arith.constant 7 : index
      %swap3A_485 = arith.constant 0 : index
      %swap3A_486 = vector.load %arg11[%swap3A_484, %swap3A_485] : memref<16x128xf32, #tpu.memory_space<vmem>>, vector<1x1xf32>
      tpu.vector_store %arg11[%swap3A_484, %swap3A_485], %reshape3A_483 {strides = array<i32>} : memref<16x128xf32, #tpu.memory_space<vmem>>, vector<1x1xf32>,
      %slice3A_487 = vector.extract_strided_slice %broadcast_in_dim3A_82 {offsets = [8, 0], sizes = [1, 1], strides = [1, 1]} : vector<16x1xi32> to vector<1x1xi32>
      %reduce_max3A_488 = vector.shape_cast %slice3A_487 : vector<1x1xi32> to vector<1x1x1xi32>
      %reduce_max3A_489 = arith.constant dense<-2147483648> : vector<1xi32>
      %reduce_max3A_490 = vector.multi_reduction <maxsi>, %reduce_max3A_488, %reduce_max3A_489 [1, 2] : vector<1x1x1xi32> to vector<1xi32>
      %reduce_max3A_491 = vector.shape_cast %reduce_max3A_490 : vector<1xi32> to vector<1x1x1xi32>
      %reduce_max3A_492 = vector.extract %reduce_max3A_491[0, 0, 0] : i32 from vector<1x1x1xi32>
      %get3A_493 = arith.constant 8 : index
      %get3A_494 = arith.index_cast %reduce_max3A_492 : i32 to index
      %get3A_495 = arith.constant 0 : index
      %get3A_496 = vector.load %arg6[%get3A_493, %get3A_494, %get3A_495] : memref<16x108x128xf32, #tpu.memory_space<vmem>>, vector<1x1x128xf32>
      %get3A_497 = vector.shape_cast %get3A_496 : vector<1x1x128xf32> to vector<1x128xf32>
      %argmax3A_498 = tpu.reduce_index %get3A_497 {axis = 1 : i32, kind = #tpu.reduction_kind<arg_max>} : vector<1x128xf32> -> vector<1xi32>
      %squeeze3A_499 = vector.extract %argmax3A_498[0] : i32 from vector<1xi32>
      %reduce_max3A_500 = vector.shape_cast %get3A_497 : vector<1x128xf32> to vector<1x1x128xf32>
      %reduce_max3A_501 = arith.constant dense<0xFF800000> : vector<1xf32>
      %reduce_max3A_502 = vector.multi_reduction <maximumf>, %reduce_max3A_500, %reduce_max3A_501 [1, 2] : vector<1x1x128xf32> to vector<1xf32>
      %reduce_max3A_503 = vector.shape_cast %reduce_max3A_502 : vector<1xf32> to vector<1x1x1xf32>
      %reduce_max3A_504 = vector.extract %reduce_max3A_503[0, 0, 0] : f32 from vector<1x1x1xf32>
      %reshape3A_505 = vector.broadcast %reduce_max3A_504 : f32 to vector<1x1xf32>
      %swap3A_506 = arith.index_cast %add3A_83 : i32 to index
      %swap3A_507 = arith.constant 8 : index
      %swap3A_508 = vector.load %arg3[%swap3A_506, %swap3A_507] : memref<180x16xf32, #tpu.memory_space<vmem>>, vector<1x1xf32>
      tpu.vector_store %arg3[%swap3A_506, %swap3A_507], %reshape3A_505 {strides = array<i32>} : memref<180x16xf32, #tpu.memory_space<vmem>>, vector<1x1xf32>,
      %mul3A_509 = arith.constant 128 : i32
      %mul3A_510 = arith.muli %reduce_max3A_492, %mul3A_509 : i32
      %add3A_511 = arith.constant 110592 : i32
      %add3A_512 = arith.addi %add3A_511, %mul3A_510 : i32
      %add3A_513 = arith.addi %add3A_512, %squeeze3A_499 : i32
      %reshape3A_514 = vector.broadcast %add3A_513 : i32 to vector<1x1xi32>
      %swap3A_515 = arith.index_cast %add3A_83 : i32 to index
      %swap3A_516 = arith.constant 8 : index
      %swap3A_517 = vector.load %arg4[%swap3A_515, %swap3A_516] : memref<180x16xi32, #tpu.memory_space<vmem>>, vector<1x1xi32>
      tpu.vector_store %arg4[%swap3A_515, %swap3A_516], %reshape3A_514 {strides = array<i32>} : memref<180x16xi32, #tpu.memory_space<vmem>>, vector<1x1xi32>,
      %eq3A_518 = vector.broadcast %squeeze3A_499 : i32 to vector<1x128xi32>
      %eq3A_519 = arith.cmpi eq, %iota3A_59, %eq3A_518 : vector<1x128xi32>
      %jit3A_520 = arith.constant -1.000000e+00 : f32
      %broadcast_in_dim3A_521 = vector.broadcast %jit3A_520 : f32 to vector<1x128xf32>
      %select_n3A_522 = arith.select %eq3A_519, %broadcast_in_dim3A_521, %get3A_497 : vector<1x128xi1>, vector<1x128xf32>
      %swap3A_523 = arith.constant 8 : index
      %swap3A_524 = arith.index_cast %reduce_max3A_492 : i32 to index
      %swap3A_525 = arith.constant 0 : index
      %swap3A_526 = vector.load %arg6[%swap3A_523, %swap3A_524, %swap3A_525] : memref<16x108x128xf32, #tpu.memory_space<vmem>>, vector<1x1x128xf32>
      %swap3A_527 = vector.shape_cast %swap3A_526 : vector<1x1x128xf32> to vector<1x128xf32>
      %swap3A_528 = vector.shape_cast %select_n3A_522 : vector<1x128xf32> to vector<1x1x128xf32>
      tpu.vector_store %arg6[%swap3A_523, %swap3A_524, %swap3A_525], %swap3A_528 {strides = array<i32>} : memref<16x108x128xf32, #tpu.memory_space<vmem>>, vector<1x1x128xf32>,
      %reduce_max3A_529 = vector.shape_cast %select_n3A_522 : vector<1x128xf32> to vector<1x1x128xf32>
      %reduce_max3A_530 = arith.constant dense<0xFF800000> : vector<1xf32>
      %reduce_max3A_531 = vector.multi_reduction <maximumf>, %reduce_max3A_529, %reduce_max3A_530 [1, 2] : vector<1x1x128xf32> to vector<1xf32>
      %reduce_max3A_532 = vector.shape_cast %reduce_max3A_531 : vector<1xf32> to vector<1x1x1xf32>
      %reduce_max3A_533 = vector.extract %reduce_max3A_532[0, 0, 0] : f32 from vector<1x1x1xf32>
      %reshape3A_534 = vector.broadcast %reduce_max3A_533 : f32 to vector<1x1xf32>
      %swap3A_535 = arith.constant 8 : index
      %swap3A_536 = arith.constant 0 : index
      %swap3A_537 = vector.load %arg11[%swap3A_535, %swap3A_536] : memref<16x128xf32, #tpu.memory_space<vmem>>, vector<1x1xf32>
      tpu.vector_store %arg11[%swap3A_535, %swap3A_536], %reshape3A_534 {strides = array<i32>} : memref<16x128xf32, #tpu.memory_space<vmem>>, vector<1x1xf32>,
      %slice3A_538 = vector.extract_strided_slice %broadcast_in_dim3A_82 {offsets = [9, 0], sizes = [1, 1], strides = [1, 1]} : vector<16x1xi32> to vector<1x1xi32>
      %reduce_max3A_539 = vector.shape_cast %slice3A_538 : vector<1x1xi32> to vector<1x1x1xi32>
      %reduce_max3A_540 = arith.constant dense<-2147483648> : vector<1xi32>
      %reduce_max3A_541 = vector.multi_reduction <maxsi>, %reduce_max3A_539, %reduce_max3A_540 [1, 2] : vector<1x1x1xi32> to vector<1xi32>
      %reduce_max3A_542 = vector.shape_cast %reduce_max3A_541 : vector<1xi32> to vector<1x1x1xi32>
      %reduce_max3A_543 = vector.extract %reduce_max3A_542[0, 0, 0] : i32 from vector<1x1x1xi32>
      %get3A_544 = arith.constant 9 : index
      %get3A_545 = arith.index_cast %reduce_max3A_543 : i32 to index
      %get3A_546 = arith.constant 0 : index
      %get3A_547 = vector.load %arg6[%get3A_544, %get3A_545, %get3A_546] : memref<16x108x128xf32, #tpu.memory_space<vmem>>, vector<1x1x128xf32>
      %get3A_548 = vector.shape_cast %get3A_547 : vector<1x1x128xf32> to vector<1x128xf32>
      %argmax3A_549 = tpu.reduce_index %get3A_548 {axis = 1 : i32, kind = #tpu.reduction_kind<arg_max>} : vector<1x128xf32> -> vector<1xi32>
      %squeeze3A_550 = vector.extract %argmax3A_549[0] : i32 from vector<1xi32>
      %reduce_max3A_551 = vector.shape_cast %get3A_548 : vector<1x128xf32> to vector<1x1x128xf32>
      %reduce_max3A_552 = arith.constant dense<0xFF800000> : vector<1xf32>
      %reduce_max3A_553 = vector.multi_reduction <maximumf>, %reduce_max3A_551, %reduce_max3A_552 [1, 2] : vector<1x1x128xf32> to vector<1xf32>
      %reduce_max3A_554 = vector.shape_cast %reduce_max3A_553 : vector<1xf32> to vector<1x1x1xf32>
      %reduce_max3A_555 = vector.extract %reduce_max3A_554[0, 0, 0] : f32 from vector<1x1x1xf32>
      %reshape3A_556 = vector.broadcast %reduce_max3A_555 : f32 to vector<1x1xf32>
      %swap3A_557 = arith.index_cast %add3A_83 : i32 to index
      %swap3A_558 = arith.constant 9 : index
      %swap3A_559 = vector.load %arg3[%swap3A_557, %swap3A_558] : memref<180x16xf32, #tpu.memory_space<vmem>>, vector<1x1xf32>
      tpu.vector_store %arg3[%swap3A_557, %swap3A_558], %reshape3A_556 {strides = array<i32>} : memref<180x16xf32, #tpu.memory_space<vmem>>, vector<1x1xf32>,
      %mul3A_560 = arith.constant 128 : i32
      %mul3A_561 = arith.muli %reduce_max3A_543, %mul3A_560 : i32
      %add3A_562 = arith.constant 110592 : i32
      %add3A_563 = arith.addi %add3A_562, %mul3A_561 : i32
      %add3A_564 = arith.addi %add3A_563, %squeeze3A_550 : i32
      %reshape3A_565 = vector.broadcast %add3A_564 : i32 to vector<1x1xi32>
      %swap3A_566 = arith.index_cast %add3A_83 : i32 to index
      %swap3A_567 = arith.constant 9 : index
      %swap3A_568 = vector.load %arg4[%swap3A_566, %swap3A_567] : memref<180x16xi32, #tpu.memory_space<vmem>>, vector<1x1xi32>
      tpu.vector_store %arg4[%swap3A_566, %swap3A_567], %reshape3A_565 {strides = array<i32>} : memref<180x16xi32, #tpu.memory_space<vmem>>, vector<1x1xi32>,
      %eq3A_569 = vector.broadcast %squeeze3A_550 : i32 to vector<1x128xi32>
      %eq3A_570 = arith.cmpi eq, %iota3A_59, %eq3A_569 : vector<1x128xi32>
      %jit3A_571 = arith.constant -1.000000e+00 : f32
      %broadcast_in_dim3A_572 = vector.broadcast %jit3A_571 : f32 to vector<1x128xf32>
      %select_n3A_573 = arith.select %eq3A_570, %broadcast_in_dim3A_572, %get3A_548 : vector<1x128xi1>, vector<1x128xf32>
      %swap3A_574 = arith.constant 9 : index
      %swap3A_575 = arith.index_cast %reduce_max3A_543 : i32 to index
      %swap3A_576 = arith.constant 0 : index
      %swap3A_577 = vector.load %arg6[%swap3A_574, %swap3A_575, %swap3A_576] : memref<16x108x128xf32, #tpu.memory_space<vmem>>, vector<1x1x128xf32>
      %swap3A_578 = vector.shape_cast %swap3A_577 : vector<1x1x128xf32> to vector<1x128xf32>
      %swap3A_579 = vector.shape_cast %select_n3A_573 : vector<1x128xf32> to vector<1x1x128xf32>
      tpu.vector_store %arg6[%swap3A_574, %swap3A_575, %swap3A_576], %swap3A_579 {strides = array<i32>} : memref<16x108x128xf32, #tpu.memory_space<vmem>>, vector<1x1x128xf32>,
      %reduce_max3A_580 = vector.shape_cast %select_n3A_573 : vector<1x128xf32> to vector<1x1x128xf32>
      %reduce_max3A_581 = arith.constant dense<0xFF800000> : vector<1xf32>
      %reduce_max3A_582 = vector.multi_reduction <maximumf>, %reduce_max3A_580, %reduce_max3A_581 [1, 2] : vector<1x1x128xf32> to vector<1xf32>
      %reduce_max3A_583 = vector.shape_cast %reduce_max3A_582 : vector<1xf32> to vector<1x1x1xf32>
      %reduce_max3A_584 = vector.extract %reduce_max3A_583[0, 0, 0] : f32 from vector<1x1x1xf32>
      %reshape3A_585 = vector.broadcast %reduce_max3A_584 : f32 to vector<1x1xf32>
      %swap3A_586 = arith.constant 9 : index
      %swap3A_587 = arith.constant 0 : index
      %swap3A_588 = vector.load %arg11[%swap3A_586, %swap3A_587] : memref<16x128xf32, #tpu.memory_space<vmem>>, vector<1x1xf32>
      tpu.vector_store %arg11[%swap3A_586, %swap3A_587], %reshape3A_585 {strides = array<i32>} : memref<16x128xf32, #tpu.memory_space<vmem>>, vector<1x1xf32>,
      %slice3A_589 = vector.extract_strided_slice %broadcast_in_dim3A_82 {offsets = [10, 0], sizes = [1, 1], strides = [1, 1]} : vector<16x1xi32> to vector<1x1xi32>
      %reduce_max3A_590 = vector.shape_cast %slice3A_589 : vector<1x1xi32> to vector<1x1x1xi32>
      %reduce_max3A_591 = arith.constant dense<-2147483648> : vector<1xi32>
      %reduce_max3A_592 = vector.multi_reduction <maxsi>, %reduce_max3A_590, %reduce_max3A_591 [1, 2] : vector<1x1x1xi32> to vector<1xi32>
      %reduce_max3A_593 = vector.shape_cast %reduce_max3A_592 : vector<1xi32> to vector<1x1x1xi32>
      %reduce_max3A_594 = vector.extract %reduce_max3A_593[0, 0, 0] : i32 from vector<1x1x1xi32>
      %get3A_595 = arith.constant 10 : index
      %get3A_596 = arith.index_cast %reduce_max3A_594 : i32 to index
      %get3A_597 = arith.constant 0 : index
      %get3A_598 = vector.load %arg6[%get3A_595, %get3A_596, %get3A_597] : memref<16x108x128xf32, #tpu.memory_space<vmem>>, vector<1x1x128xf32>
      %get3A_599 = vector.shape_cast %get3A_598 : vector<1x1x128xf32> to vector<1x128xf32>
      %argmax3A_600 = tpu.reduce_index %get3A_599 {axis = 1 : i32, kind = #tpu.reduction_kind<arg_max>} : vector<1x128xf32> -> vector<1xi32>
      %squeeze3A_601 = vector.extract %argmax3A_600[0] : i32 from vector<1xi32>
      %reduce_max3A_602 = vector.shape_cast %get3A_599 : vector<1x128xf32> to vector<1x1x128xf32>
      %reduce_max3A_603 = arith.constant dense<0xFF800000> : vector<1xf32>
      %reduce_max3A_604 = vector.multi_reduction <maximumf>, %reduce_max3A_602, %reduce_max3A_603 [1, 2] : vector<1x1x128xf32> to vector<1xf32>
      %reduce_max3A_605 = vector.shape_cast %reduce_max3A_604 : vector<1xf32> to vector<1x1x1xf32>
      %reduce_max3A_606 = vector.extract %reduce_max3A_605[0, 0, 0] : f32 from vector<1x1x1xf32>
      %reshape3A_607 = vector.broadcast %reduce_max3A_606 : f32 to vector<1x1xf32>
      %swap3A_608 = arith.index_cast %add3A_83 : i32 to index
      %swap3A_609 = arith.constant 10 : index
      %swap3A_610 = vector.load %arg3[%swap3A_608, %swap3A_609] : memref<180x16xf32, #tpu.memory_space<vmem>>, vector<1x1xf32>
      tpu.vector_store %arg3[%swap3A_608, %swap3A_609], %reshape3A_607 {strides = array<i32>} : memref<180x16xf32, #tpu.memory_space<vmem>>, vector<1x1xf32>,
      %mul3A_611 = arith.constant 128 : i32
      %mul3A_612 = arith.muli %reduce_max3A_594, %mul3A_611 : i32
      %add3A_613 = arith.constant 110592 : i32
      %add3A_614 = arith.addi %add3A_613, %mul3A_612 : i32
      %add3A_615 = arith.addi %add3A_614, %squeeze3A_601 : i32
      %reshape3A_616 = vector.broadcast %add3A_615 : i32 to vector<1x1xi32>
      %swap3A_617 = arith.index_cast %add3A_83 : i32 to index
      %swap3A_618 = arith.constant 10 : index
      %swap3A_619 = vector.load %arg4[%swap3A_617, %swap3A_618] : memref<180x16xi32, #tpu.memory_space<vmem>>, vector<1x1xi32>
      tpu.vector_store %arg4[%swap3A_617, %swap3A_618], %reshape3A_616 {strides = array<i32>} : memref<180x16xi32, #tpu.memory_space<vmem>>, vector<1x1xi32>,
      %eq3A_620 = vector.broadcast %squeeze3A_601 : i32 to vector<1x128xi32>
      %eq3A_621 = arith.cmpi eq, %iota3A_59, %eq3A_620 : vector<1x128xi32>
      %jit3A_622 = arith.constant -1.000000e+00 : f32
      %broadcast_in_dim3A_623 = vector.broadcast %jit3A_622 : f32 to vector<1x128xf32>
      %select_n3A_624 = arith.select %eq3A_621, %broadcast_in_dim3A_623, %get3A_599 : vector<1x128xi1>, vector<1x128xf32>
      %swap3A_625 = arith.constant 10 : index
      %swap3A_626 = arith.index_cast %reduce_max3A_594 : i32 to index
      %swap3A_627 = arith.constant 0 : index
      %swap3A_628 = vector.load %arg6[%swap3A_625, %swap3A_626, %swap3A_627] : memref<16x108x128xf32, #tpu.memory_space<vmem>>, vector<1x1x128xf32>
      %swap3A_629 = vector.shape_cast %swap3A_628 : vector<1x1x128xf32> to vector<1x128xf32>
      %swap3A_630 = vector.shape_cast %select_n3A_624 : vector<1x128xf32> to vector<1x1x128xf32>
      tpu.vector_store %arg6[%swap3A_625, %swap3A_626, %swap3A_627], %swap3A_630 {strides = array<i32>} : memref<16x108x128xf32, #tpu.memory_space<vmem>>, vector<1x1x128xf32>,
      %reduce_max3A_631 = vector.shape_cast %select_n3A_624 : vector<1x128xf32> to vector<1x1x128xf32>
      %reduce_max3A_632 = arith.constant dense<0xFF800000> : vector<1xf32>
      %reduce_max3A_633 = vector.multi_reduction <maximumf>, %reduce_max3A_631, %reduce_max3A_632 [1, 2] : vector<1x1x128xf32> to vector<1xf32>
      %reduce_max3A_634 = vector.shape_cast %reduce_max3A_633 : vector<1xf32> to vector<1x1x1xf32>
      %reduce_max3A_635 = vector.extract %reduce_max3A_634[0, 0, 0] : f32 from vector<1x1x1xf32>
      %reshape3A_636 = vector.broadcast %reduce_max3A_635 : f32 to vector<1x1xf32>
      %swap3A_637 = arith.constant 10 : index
      %swap3A_638 = arith.constant 0 : index
      %swap3A_639 = vector.load %arg11[%swap3A_637, %swap3A_638] : memref<16x128xf32, #tpu.memory_space<vmem>>, vector<1x1xf32>
      tpu.vector_store %arg11[%swap3A_637, %swap3A_638], %reshape3A_636 {strides = array<i32>} : memref<16x128xf32, #tpu.memory_space<vmem>>, vector<1x1xf32>,
      %slice3A_640 = vector.extract_strided_slice %broadcast_in_dim3A_82 {offsets = [11, 0], sizes = [1, 1], strides = [1, 1]} : vector<16x1xi32> to vector<1x1xi32>
      %reduce_max3A_641 = vector.shape_cast %slice3A_640 : vector<1x1xi32> to vector<1x1x1xi32>
      %reduce_max3A_642 = arith.constant dense<-2147483648> : vector<1xi32>
      %reduce_max3A_643 = vector.multi_reduction <maxsi>, %reduce_max3A_641, %reduce_max3A_642 [1, 2] : vector<1x1x1xi32> to vector<1xi32>
      %reduce_max3A_644 = vector.shape_cast %reduce_max3A_643 : vector<1xi32> to vector<1x1x1xi32>
      %reduce_max3A_645 = vector.extract %reduce_max3A_644[0, 0, 0] : i32 from vector<1x1x1xi32>
      %get3A_646 = arith.constant 11 : index
      %get3A_647 = arith.index_cast %reduce_max3A_645 : i32 to index
      %get3A_648 = arith.constant 0 : index
      %get3A_649 = vector.load %arg6[%get3A_646, %get3A_647, %get3A_648] : memref<16x108x128xf32, #tpu.memory_space<vmem>>, vector<1x1x128xf32>
      %get3A_650 = vector.shape_cast %get3A_649 : vector<1x1x128xf32> to vector<1x128xf32>
      %argmax3A_651 = tpu.reduce_index %get3A_650 {axis = 1 : i32, kind = #tpu.reduction_kind<arg_max>} : vector<1x128xf32> -> vector<1xi32>
      %squeeze3A_652 = vector.extract %argmax3A_651[0] : i32 from vector<1xi32>
      %reduce_max3A_653 = vector.shape_cast %get3A_650 : vector<1x128xf32> to vector<1x1x128xf32>
      %reduce_max3A_654 = arith.constant dense<0xFF800000> : vector<1xf32>
      %reduce_max3A_655 = vector.multi_reduction <maximumf>, %reduce_max3A_653, %reduce_max3A_654 [1, 2] : vector<1x1x128xf32> to vector<1xf32>
      %reduce_max3A_656 = vector.shape_cast %reduce_max3A_655 : vector<1xf32> to vector<1x1x1xf32>
      %reduce_max3A_657 = vector.extract %reduce_max3A_656[0, 0, 0] : f32 from vector<1x1x1xf32>
      %reshape3A_658 = vector.broadcast %reduce_max3A_657 : f32 to vector<1x1xf32>
      %swap3A_659 = arith.index_cast %add3A_83 : i32 to index
      %swap3A_660 = arith.constant 11 : index
      %swap3A_661 = vector.load %arg3[%swap3A_659, %swap3A_660] : memref<180x16xf32, #tpu.memory_space<vmem>>, vector<1x1xf32>
      tpu.vector_store %arg3[%swap3A_659, %swap3A_660], %reshape3A_658 {strides = array<i32>} : memref<180x16xf32, #tpu.memory_space<vmem>>, vector<1x1xf32>,
      %mul3A_662 = arith.constant 128 : i32
      %mul3A_663 = arith.muli %reduce_max3A_645, %mul3A_662 : i32
      %add3A_664 = arith.constant 110592 : i32
      %add3A_665 = arith.addi %add3A_664, %mul3A_663 : i32
      %add3A_666 = arith.addi %add3A_665, %squeeze3A_652 : i32
      %reshape3A_667 = vector.broadcast %add3A_666 : i32 to vector<1x1xi32>
      %swap3A_668 = arith.index_cast %add3A_83 : i32 to index
      %swap3A_669 = arith.constant 11 : index
      %swap3A_670 = vector.load %arg4[%swap3A_668, %swap3A_669] : memref<180x16xi32, #tpu.memory_space<vmem>>, vector<1x1xi32>
      tpu.vector_store %arg4[%swap3A_668, %swap3A_669], %reshape3A_667 {strides = array<i32>} : memref<180x16xi32, #tpu.memory_space<vmem>>, vector<1x1xi32>,
      %eq3A_671 = vector.broadcast %squeeze3A_652 : i32 to vector<1x128xi32>
      %eq3A_672 = arith.cmpi eq, %iota3A_59, %eq3A_671 : vector<1x128xi32>
      %jit3A_673 = arith.constant -1.000000e+00 : f32
      %broadcast_in_dim3A_674 = vector.broadcast %jit3A_673 : f32 to vector<1x128xf32>
      %select_n3A_675 = arith.select %eq3A_672, %broadcast_in_dim3A_674, %get3A_650 : vector<1x128xi1>, vector<1x128xf32>
      %swap3A_676 = arith.constant 11 : index
      %swap3A_677 = arith.index_cast %reduce_max3A_645 : i32 to index
      %swap3A_678 = arith.constant 0 : index
      %swap3A_679 = vector.load %arg6[%swap3A_676, %swap3A_677, %swap3A_678] : memref<16x108x128xf32, #tpu.memory_space<vmem>>, vector<1x1x128xf32>
      %swap3A_680 = vector.shape_cast %swap3A_679 : vector<1x1x128xf32> to vector<1x128xf32>
      %swap3A_681 = vector.shape_cast %select_n3A_675 : vector<1x128xf32> to vector<1x1x128xf32>
      tpu.vector_store %arg6[%swap3A_676, %swap3A_677, %swap3A_678], %swap3A_681 {strides = array<i32>} : memref<16x108x128xf32, #tpu.memory_space<vmem>>, vector<1x1x128xf32>,
      %reduce_max3A_682 = vector.shape_cast %select_n3A_675 : vector<1x128xf32> to vector<1x1x128xf32>
      %reduce_max3A_683 = arith.constant dense<0xFF800000> : vector<1xf32>
      %reduce_max3A_684 = vector.multi_reduction <maximumf>, %reduce_max3A_682, %reduce_max3A_683 [1, 2] : vector<1x1x128xf32> to vector<1xf32>
      %reduce_max3A_685 = vector.shape_cast %reduce_max3A_684 : vector<1xf32> to vector<1x1x1xf32>
      %reduce_max3A_686 = vector.extract %reduce_max3A_685[0, 0, 0] : f32 from vector<1x1x1xf32>
      %reshape3A_687 = vector.broadcast %reduce_max3A_686 : f32 to vector<1x1xf32>
      %swap3A_688 = arith.constant 11 : index
      %swap3A_689 = arith.constant 0 : index
      %swap3A_690 = vector.load %arg11[%swap3A_688, %swap3A_689] : memref<16x128xf32, #tpu.memory_space<vmem>>, vector<1x1xf32>
      tpu.vector_store %arg11[%swap3A_688, %swap3A_689], %reshape3A_687 {strides = array<i32>} : memref<16x128xf32, #tpu.memory_space<vmem>>, vector<1x1xf32>,
      %slice3A_691 = vector.extract_strided_slice %broadcast_in_dim3A_82 {offsets = [12, 0], sizes = [1, 1], strides = [1, 1]} : vector<16x1xi32> to vector<1x1xi32>
      %reduce_max3A_692 = vector.shape_cast %slice3A_691 : vector<1x1xi32> to vector<1x1x1xi32>
      %reduce_max3A_693 = arith.constant dense<-2147483648> : vector<1xi32>
      %reduce_max3A_694 = vector.multi_reduction <maxsi>, %reduce_max3A_692, %reduce_max3A_693 [1, 2] : vector<1x1x1xi32> to vector<1xi32>
      %reduce_max3A_695 = vector.shape_cast %reduce_max3A_694 : vector<1xi32> to vector<1x1x1xi32>
      %reduce_max3A_696 = vector.extract %reduce_max3A_695[0, 0, 0] : i32 from vector<1x1x1xi32>
      %get3A_697 = arith.constant 12 : index
      %get3A_698 = arith.index_cast %reduce_max3A_696 : i32 to index
      %get3A_699 = arith.constant 0 : index
      %get3A_700 = vector.load %arg6[%get3A_697, %get3A_698, %get3A_699] : memref<16x108x128xf32, #tpu.memory_space<vmem>>, vector<1x1x128xf32>
      %get3A_701 = vector.shape_cast %get3A_700 : vector<1x1x128xf32> to vector<1x128xf32>
      %argmax3A_702 = tpu.reduce_index %get3A_701 {axis = 1 : i32, kind = #tpu.reduction_kind<arg_max>} : vector<1x128xf32> -> vector<1xi32>
      %squeeze3A_703 = vector.extract %argmax3A_702[0] : i32 from vector<1xi32>
      %reduce_max3A_704 = vector.shape_cast %get3A_701 : vector<1x128xf32> to vector<1x1x128xf32>
      %reduce_max3A_705 = arith.constant dense<0xFF800000> : vector<1xf32>
      %reduce_max3A_706 = vector.multi_reduction <maximumf>, %reduce_max3A_704, %reduce_max3A_705 [1, 2] : vector<1x1x128xf32> to vector<1xf32>
      %reduce_max3A_707 = vector.shape_cast %reduce_max3A_706 : vector<1xf32> to vector<1x1x1xf32>
      %reduce_max3A_708 = vector.extract %reduce_max3A_707[0, 0, 0] : f32 from vector<1x1x1xf32>
      %reshape3A_709 = vector.broadcast %reduce_max3A_708 : f32 to vector<1x1xf32>
      %swap3A_710 = arith.index_cast %add3A_83 : i32 to index
      %swap3A_711 = arith.constant 12 : index
      %swap3A_712 = vector.load %arg3[%swap3A_710, %swap3A_711] : memref<180x16xf32, #tpu.memory_space<vmem>>, vector<1x1xf32>
      tpu.vector_store %arg3[%swap3A_710, %swap3A_711], %reshape3A_709 {strides = array<i32>} : memref<180x16xf32, #tpu.memory_space<vmem>>, vector<1x1xf32>,
      %mul3A_713 = arith.constant 128 : i32
      %mul3A_714 = arith.muli %reduce_max3A_696, %mul3A_713 : i32
      %add3A_715 = arith.constant 110592 : i32
      %add3A_716 = arith.addi %add3A_715, %mul3A_714 : i32
      %add3A_717 = arith.addi %add3A_716, %squeeze3A_703 : i32
      %reshape3A_718 = vector.broadcast %add3A_717 : i32 to vector<1x1xi32>
      %swap3A_719 = arith.index_cast %add3A_83 : i32 to index
      %swap3A_720 = arith.constant 12 : index
      %swap3A_721 = vector.load %arg4[%swap3A_719, %swap3A_720] : memref<180x16xi32, #tpu.memory_space<vmem>>, vector<1x1xi32>
      tpu.vector_store %arg4[%swap3A_719, %swap3A_720], %reshape3A_718 {strides = array<i32>} : memref<180x16xi32, #tpu.memory_space<vmem>>, vector<1x1xi32>,
      %eq3A_722 = vector.broadcast %squeeze3A_703 : i32 to vector<1x128xi32>
      %eq3A_723 = arith.cmpi eq, %iota3A_59, %eq3A_722 : vector<1x128xi32>
      %jit3A_724 = arith.constant -1.000000e+00 : f32
      %broadcast_in_dim3A_725 = vector.broadcast %jit3A_724 : f32 to vector<1x128xf32>
      %select_n3A_726 = arith.select %eq3A_723, %broadcast_in_dim3A_725, %get3A_701 : vector<1x128xi1>, vector<1x128xf32>
      %swap3A_727 = arith.constant 12 : index
      %swap3A_728 = arith.index_cast %reduce_max3A_696 : i32 to index
      %swap3A_729 = arith.constant 0 : index
      %swap3A_730 = vector.load %arg6[%swap3A_727, %swap3A_728, %swap3A_729] : memref<16x108x128xf32, #tpu.memory_space<vmem>>, vector<1x1x128xf32>
      %swap3A_731 = vector.shape_cast %swap3A_730 : vector<1x1x128xf32> to vector<1x128xf32>
      %swap3A_732 = vector.shape_cast %select_n3A_726 : vector<1x128xf32> to vector<1x1x128xf32>
      tpu.vector_store %arg6[%swap3A_727, %swap3A_728, %swap3A_729], %swap3A_732 {strides = array<i32>} : memref<16x108x128xf32, #tpu.memory_space<vmem>>, vector<1x1x128xf32>,
      %reduce_max3A_733 = vector.shape_cast %select_n3A_726 : vector<1x128xf32> to vector<1x1x128xf32>
      %reduce_max3A_734 = arith.constant dense<0xFF800000> : vector<1xf32>
      %reduce_max3A_735 = vector.multi_reduction <maximumf>, %reduce_max3A_733, %reduce_max3A_734 [1, 2] : vector<1x1x128xf32> to vector<1xf32>
      %reduce_max3A_736 = vector.shape_cast %reduce_max3A_735 : vector<1xf32> to vector<1x1x1xf32>
      %reduce_max3A_737 = vector.extract %reduce_max3A_736[0, 0, 0] : f32 from vector<1x1x1xf32>
      %reshape3A_738 = vector.broadcast %reduce_max3A_737 : f32 to vector<1x1xf32>
      %swap3A_739 = arith.constant 12 : index
      %swap3A_740 = arith.constant 0 : index
      %swap3A_741 = vector.load %arg11[%swap3A_739, %swap3A_740] : memref<16x128xf32, #tpu.memory_space<vmem>>, vector<1x1xf32>
      tpu.vector_store %arg11[%swap3A_739, %swap3A_740], %reshape3A_738 {strides = array<i32>} : memref<16x128xf32, #tpu.memory_space<vmem>>, vector<1x1xf32>,
      %slice3A_742 = vector.extract_strided_slice %broadcast_in_dim3A_82 {offsets = [13, 0], sizes = [1, 1], strides = [1, 1]} : vector<16x1xi32> to vector<1x1xi32>
      %reduce_max3A_743 = vector.shape_cast %slice3A_742 : vector<1x1xi32> to vector<1x1x1xi32>
      %reduce_max3A_744 = arith.constant dense<-2147483648> : vector<1xi32>
      %reduce_max3A_745 = vector.multi_reduction <maxsi>, %reduce_max3A_743, %reduce_max3A_744 [1, 2] : vector<1x1x1xi32> to vector<1xi32>
      %reduce_max3A_746 = vector.shape_cast %reduce_max3A_745 : vector<1xi32> to vector<1x1x1xi32>
      %reduce_max3A_747 = vector.extract %reduce_max3A_746[0, 0, 0] : i32 from vector<1x1x1xi32>
      %get3A_748 = arith.constant 13 : index
      %get3A_749 = arith.index_cast %reduce_max3A_747 : i32 to index
      %get3A_750 = arith.constant 0 : index
      %get3A_751 = vector.load %arg6[%get3A_748, %get3A_749, %get3A_750] : memref<16x108x128xf32, #tpu.memory_space<vmem>>, vector<1x1x128xf32>
      %get3A_752 = vector.shape_cast %get3A_751 : vector<1x1x128xf32> to vector<1x128xf32>
      %argmax3A_753 = tpu.reduce_index %get3A_752 {axis = 1 : i32, kind = #tpu.reduction_kind<arg_max>} : vector<1x128xf32> -> vector<1xi32>
      %squeeze3A_754 = vector.extract %argmax3A_753[0] : i32 from vector<1xi32>
      %reduce_max3A_755 = vector.shape_cast %get3A_752 : vector<1x128xf32> to vector<1x1x128xf32>
      %reduce_max3A_756 = arith.constant dense<0xFF800000> : vector<1xf32>
      %reduce_max3A_757 = vector.multi_reduction <maximumf>, %reduce_max3A_755, %reduce_max3A_756 [1, 2] : vector<1x1x128xf32> to vector<1xf32>
      %reduce_max3A_758 = vector.shape_cast %reduce_max3A_757 : vector<1xf32> to vector<1x1x1xf32>
      %reduce_max3A_759 = vector.extract %reduce_max3A_758[0, 0, 0] : f32 from vector<1x1x1xf32>
      %reshape3A_760 = vector.broadcast %reduce_max3A_759 : f32 to vector<1x1xf32>
      %swap3A_761 = arith.index_cast %add3A_83 : i32 to index
      %swap3A_762 = arith.constant 13 : index
      %swap3A_763 = vector.load %arg3[%swap3A_761, %swap3A_762] : memref<180x16xf32, #tpu.memory_space<vmem>>, vector<1x1xf32>
      tpu.vector_store %arg3[%swap3A_761, %swap3A_762], %reshape3A_760 {strides = array<i32>} : memref<180x16xf32, #tpu.memory_space<vmem>>, vector<1x1xf32>,
      %mul3A_764 = arith.constant 128 : i32
      %mul3A_765 = arith.muli %reduce_max3A_747, %mul3A_764 : i32
      %add3A_766 = arith.constant 110592 : i32
      %add3A_767 = arith.addi %add3A_766, %mul3A_765 : i32
      %add3A_768 = arith.addi %add3A_767, %squeeze3A_754 : i32
      %reshape3A_769 = vector.broadcast %add3A_768 : i32 to vector<1x1xi32>
      %swap3A_770 = arith.index_cast %add3A_83 : i32 to index
      %swap3A_771 = arith.constant 13 : index
      %swap3A_772 = vector.load %arg4[%swap3A_770, %swap3A_771] : memref<180x16xi32, #tpu.memory_space<vmem>>, vector<1x1xi32>
      tpu.vector_store %arg4[%swap3A_770, %swap3A_771], %reshape3A_769 {strides = array<i32>} : memref<180x16xi32, #tpu.memory_space<vmem>>, vector<1x1xi32>,
      %eq3A_773 = vector.broadcast %squeeze3A_754 : i32 to vector<1x128xi32>
      %eq3A_774 = arith.cmpi eq, %iota3A_59, %eq3A_773 : vector<1x128xi32>
      %jit3A_775 = arith.constant -1.000000e+00 : f32
      %broadcast_in_dim3A_776 = vector.broadcast %jit3A_775 : f32 to vector<1x128xf32>
      %select_n3A_777 = arith.select %eq3A_774, %broadcast_in_dim3A_776, %get3A_752 : vector<1x128xi1>, vector<1x128xf32>
      %swap3A_778 = arith.constant 13 : index
      %swap3A_779 = arith.index_cast %reduce_max3A_747 : i32 to index
      %swap3A_780 = arith.constant 0 : index
      %swap3A_781 = vector.load %arg6[%swap3A_778, %swap3A_779, %swap3A_780] : memref<16x108x128xf32, #tpu.memory_space<vmem>>, vector<1x1x128xf32>
      %swap3A_782 = vector.shape_cast %swap3A_781 : vector<1x1x128xf32> to vector<1x128xf32>
      %swap3A_783 = vector.shape_cast %select_n3A_777 : vector<1x128xf32> to vector<1x1x128xf32>
      tpu.vector_store %arg6[%swap3A_778, %swap3A_779, %swap3A_780], %swap3A_783 {strides = array<i32>} : memref<16x108x128xf32, #tpu.memory_space<vmem>>, vector<1x1x128xf32>,
      %reduce_max3A_784 = vector.shape_cast %select_n3A_777 : vector<1x128xf32> to vector<1x1x128xf32>
      %reduce_max3A_785 = arith.constant dense<0xFF800000> : vector<1xf32>
      %reduce_max3A_786 = vector.multi_reduction <maximumf>, %reduce_max3A_784, %reduce_max3A_785 [1, 2] : vector<1x1x128xf32> to vector<1xf32>
      %reduce_max3A_787 = vector.shape_cast %reduce_max3A_786 : vector<1xf32> to vector<1x1x1xf32>
      %reduce_max3A_788 = vector.extract %reduce_max3A_787[0, 0, 0] : f32 from vector<1x1x1xf32>
      %reshape3A_789 = vector.broadcast %reduce_max3A_788 : f32 to vector<1x1xf32>
      %swap3A_790 = arith.constant 13 : index
      %swap3A_791 = arith.constant 0 : index
      %swap3A_792 = vector.load %arg11[%swap3A_790, %swap3A_791] : memref<16x128xf32, #tpu.memory_space<vmem>>, vector<1x1xf32>
      tpu.vector_store %arg11[%swap3A_790, %swap3A_791], %reshape3A_789 {strides = array<i32>} : memref<16x128xf32, #tpu.memory_space<vmem>>, vector<1x1xf32>,
      %slice3A_793 = vector.extract_strided_slice %broadcast_in_dim3A_82 {offsets = [14, 0], sizes = [1, 1], strides = [1, 1]} : vector<16x1xi32> to vector<1x1xi32>
      %reduce_max3A_794 = vector.shape_cast %slice3A_793 : vector<1x1xi32> to vector<1x1x1xi32>
      %reduce_max3A_795 = arith.constant dense<-2147483648> : vector<1xi32>
      %reduce_max3A_796 = vector.multi_reduction <maxsi>, %reduce_max3A_794, %reduce_max3A_795 [1, 2] : vector<1x1x1xi32> to vector<1xi32>
      %reduce_max3A_797 = vector.shape_cast %reduce_max3A_796 : vector<1xi32> to vector<1x1x1xi32>
      %reduce_max3A_798 = vector.extract %reduce_max3A_797[0, 0, 0] : i32 from vector<1x1x1xi32>
      %get3A_799 = arith.constant 14 : index
      %get3A_800 = arith.index_cast %reduce_max3A_798 : i32 to index
      %get3A_801 = arith.constant 0 : index
      %get3A_802 = vector.load %arg6[%get3A_799, %get3A_800, %get3A_801] : memref<16x108x128xf32, #tpu.memory_space<vmem>>, vector<1x1x128xf32>
      %get3A_803 = vector.shape_cast %get3A_802 : vector<1x1x128xf32> to vector<1x128xf32>
      %argmax3A_804 = tpu.reduce_index %get3A_803 {axis = 1 : i32, kind = #tpu.reduction_kind<arg_max>} : vector<1x128xf32> -> vector<1xi32>
      %squeeze3A_805 = vector.extract %argmax3A_804[0] : i32 from vector<1xi32>
      %reduce_max3A_806 = vector.shape_cast %get3A_803 : vector<1x128xf32> to vector<1x1x128xf32>
      %reduce_max3A_807 = arith.constant dense<0xFF800000> : vector<1xf32>
      %reduce_max3A_808 = vector.multi_reduction <maximumf>, %reduce_max3A_806, %reduce_max3A_807 [1, 2] : vector<1x1x128xf32> to vector<1xf32>
      %reduce_max3A_809 = vector.shape_cast %reduce_max3A_808 : vector<1xf32> to vector<1x1x1xf32>
      %reduce_max3A_810 = vector.extract %reduce_max3A_809[0, 0, 0] : f32 from vector<1x1x1xf32>
      %reshape3A_811 = vector.broadcast %reduce_max3A_810 : f32 to vector<1x1xf32>
      %swap3A_812 = arith.index_cast %add3A_83 : i32 to index
      %swap3A_813 = arith.constant 14 : index
      %swap3A_814 = vector.load %arg3[%swap3A_812, %swap3A_813] : memref<180x16xf32, #tpu.memory_space<vmem>>, vector<1x1xf32>
      tpu.vector_store %arg3[%swap3A_812, %swap3A_813], %reshape3A_811 {strides = array<i32>} : memref<180x16xf32, #tpu.memory_space<vmem>>, vector<1x1xf32>,
      %mul3A_815 = arith.constant 128 : i32
      %mul3A_816 = arith.muli %reduce_max3A_798, %mul3A_815 : i32
      %add3A_817 = arith.constant 110592 : i32
      %add3A_818 = arith.addi %add3A_817, %mul3A_816 : i32
      %add3A_819 = arith.addi %add3A_818, %squeeze3A_805 : i32
      %reshape3A_820 = vector.broadcast %add3A_819 : i32 to vector<1x1xi32>
      %swap3A_821 = arith.index_cast %add3A_83 : i32 to index
      %swap3A_822 = arith.constant 14 : index
      %swap3A_823 = vector.load %arg4[%swap3A_821, %swap3A_822] : memref<180x16xi32, #tpu.memory_space<vmem>>, vector<1x1xi32>
      tpu.vector_store %arg4[%swap3A_821, %swap3A_822], %reshape3A_820 {strides = array<i32>} : memref<180x16xi32, #tpu.memory_space<vmem>>, vector<1x1xi32>,
      %eq3A_824 = vector.broadcast %squeeze3A_805 : i32 to vector<1x128xi32>
      %eq3A_825 = arith.cmpi eq, %iota3A_59, %eq3A_824 : vector<1x128xi32>
      %jit3A_826 = arith.constant -1.000000e+00 : f32
      %broadcast_in_dim3A_827 = vector.broadcast %jit3A_826 : f32 to vector<1x128xf32>
      %select_n3A_828 = arith.select %eq3A_825, %broadcast_in_dim3A_827, %get3A_803 : vector<1x128xi1>, vector<1x128xf32>
      %swap3A_829 = arith.constant 14 : index
      %swap3A_830 = arith.index_cast %reduce_max3A_798 : i32 to index
      %swap3A_831 = arith.constant 0 : index
      %swap3A_832 = vector.load %arg6[%swap3A_829, %swap3A_830, %swap3A_831] : memref<16x108x128xf32, #tpu.memory_space<vmem>>, vector<1x1x128xf32>
      %swap3A_833 = vector.shape_cast %swap3A_832 : vector<1x1x128xf32> to vector<1x128xf32>
      %swap3A_834 = vector.shape_cast %select_n3A_828 : vector<1x128xf32> to vector<1x1x128xf32>
      tpu.vector_store %arg6[%swap3A_829, %swap3A_830, %swap3A_831], %swap3A_834 {strides = array<i32>} : memref<16x108x128xf32, #tpu.memory_space<vmem>>, vector<1x1x128xf32>,
      %reduce_max3A_835 = vector.shape_cast %select_n3A_828 : vector<1x128xf32> to vector<1x1x128xf32>
      %reduce_max3A_836 = arith.constant dense<0xFF800000> : vector<1xf32>
      %reduce_max3A_837 = vector.multi_reduction <maximumf>, %reduce_max3A_835, %reduce_max3A_836 [1, 2] : vector<1x1x128xf32> to vector<1xf32>
      %reduce_max3A_838 = vector.shape_cast %reduce_max3A_837 : vector<1xf32> to vector<1x1x1xf32>
      %reduce_max3A_839 = vector.extract %reduce_max3A_838[0, 0, 0] : f32 from vector<1x1x1xf32>
      %reshape3A_840 = vector.broadcast %reduce_max3A_839 : f32 to vector<1x1xf32>
      %swap3A_841 = arith.constant 14 : index
      %swap3A_842 = arith.constant 0 : index
      %swap3A_843 = vector.load %arg11[%swap3A_841, %swap3A_842] : memref<16x128xf32, #tpu.memory_space<vmem>>, vector<1x1xf32>
      tpu.vector_store %arg11[%swap3A_841, %swap3A_842], %reshape3A_840 {strides = array<i32>} : memref<16x128xf32, #tpu.memory_space<vmem>>, vector<1x1xf32>,
      %slice3A_844 = vector.extract_strided_slice %broadcast_in_dim3A_82 {offsets = [15, 0], sizes = [1, 1], strides = [1, 1]} : vector<16x1xi32> to vector<1x1xi32>
      %reduce_max3A_845 = vector.shape_cast %slice3A_844 : vector<1x1xi32> to vector<1x1x1xi32>
      %reduce_max3A_846 = arith.constant dense<-2147483648> : vector<1xi32>
      %reduce_max3A_847 = vector.multi_reduction <maxsi>, %reduce_max3A_845, %reduce_max3A_846 [1, 2] : vector<1x1x1xi32> to vector<1xi32>
      %reduce_max3A_848 = vector.shape_cast %reduce_max3A_847 : vector<1xi32> to vector<1x1x1xi32>
      %reduce_max3A_849 = vector.extract %reduce_max3A_848[0, 0, 0] : i32 from vector<1x1x1xi32>
      %get3A_850 = arith.constant 15 : index
      %get3A_851 = arith.index_cast %reduce_max3A_849 : i32 to index
      %get3A_852 = arith.constant 0 : index
      %get3A_853 = vector.load %arg6[%get3A_850, %get3A_851, %get3A_852] : memref<16x108x128xf32, #tpu.memory_space<vmem>>, vector<1x1x128xf32>
      %get3A_854 = vector.shape_cast %get3A_853 : vector<1x1x128xf32> to vector<1x128xf32>
      %argmax3A_855 = tpu.reduce_index %get3A_854 {axis = 1 : i32, kind = #tpu.reduction_kind<arg_max>} : vector<1x128xf32> -> vector<1xi32>
      %squeeze3A_856 = vector.extract %argmax3A_855[0] : i32 from vector<1xi32>
      %reduce_max3A_857 = vector.shape_cast %get3A_854 : vector<1x128xf32> to vector<1x1x128xf32>
      %reduce_max3A_858 = arith.constant dense<0xFF800000> : vector<1xf32>
      %reduce_max3A_859 = vector.multi_reduction <maximumf>, %reduce_max3A_857, %reduce_max3A_858 [1, 2] : vector<1x1x128xf32> to vector<1xf32>
      %reduce_max3A_860 = vector.shape_cast %reduce_max3A_859 : vector<1xf32> to vector<1x1x1xf32>
      %reduce_max3A_861 = vector.extract %reduce_max3A_860[0, 0, 0] : f32 from vector<1x1x1xf32>
      %reshape3A_862 = vector.broadcast %reduce_max3A_861 : f32 to vector<1x1xf32>
      %swap3A_863 = arith.index_cast %add3A_83 : i32 to index
      %swap3A_864 = arith.constant 15 : index
      %swap3A_865 = vector.load %arg3[%swap3A_863, %swap3A_864] : memref<180x16xf32, #tpu.memory_space<vmem>>, vector<1x1xf32>
      tpu.vector_store %arg3[%swap3A_863, %swap3A_864], %reshape3A_862 {strides = array<i32>} : memref<180x16xf32, #tpu.memory_space<vmem>>, vector<1x1xf32>,
      %mul3A_866 = arith.constant 128 : i32
      %mul3A_867 = arith.muli %reduce_max3A_849, %mul3A_866 : i32
      %add3A_868 = arith.constant 110592 : i32
      %add3A_869 = arith.addi %add3A_868, %mul3A_867 : i32
      %add3A_870 = arith.addi %add3A_869, %squeeze3A_856 : i32
      %reshape3A_871 = vector.broadcast %add3A_870 : i32 to vector<1x1xi32>
      %swap3A_872 = arith.index_cast %add3A_83 : i32 to index
      %swap3A_873 = arith.constant 15 : index
      %swap3A_874 = vector.load %arg4[%swap3A_872, %swap3A_873] : memref<180x16xi32, #tpu.memory_space<vmem>>, vector<1x1xi32>
      tpu.vector_store %arg4[%swap3A_872, %swap3A_873], %reshape3A_871 {strides = array<i32>} : memref<180x16xi32, #tpu.memory_space<vmem>>, vector<1x1xi32>,
      %eq3A_875 = vector.broadcast %squeeze3A_856 : i32 to vector<1x128xi32>
      %eq3A_876 = arith.cmpi eq, %iota3A_59, %eq3A_875 : vector<1x128xi32>
      %jit3A_877 = arith.constant -1.000000e+00 : f32
      %broadcast_in_dim3A_878 = vector.broadcast %jit3A_877 : f32 to vector<1x128xf32>
      %select_n3A_879 = arith.select %eq3A_876, %broadcast_in_dim3A_878, %get3A_854 : vector<1x128xi1>, vector<1x128xf32>
      %swap3A_880 = arith.constant 15 : index
      %swap3A_881 = arith.index_cast %reduce_max3A_849 : i32 to index
      %swap3A_882 = arith.constant 0 : index
      %swap3A_883 = vector.load %arg6[%swap3A_880, %swap3A_881, %swap3A_882] : memref<16x108x128xf32, #tpu.memory_space<vmem>>, vector<1x1x128xf32>
      %swap3A_884 = vector.shape_cast %swap3A_883 : vector<1x1x128xf32> to vector<1x128xf32>
      %swap3A_885 = vector.shape_cast %select_n3A_879 : vector<1x128xf32> to vector<1x1x128xf32>
      tpu.vector_store %arg6[%swap3A_880, %swap3A_881, %swap3A_882], %swap3A_885 {strides = array<i32>} : memref<16x108x128xf32, #tpu.memory_space<vmem>>, vector<1x1x128xf32>,
      %reduce_max3A_886 = vector.shape_cast %select_n3A_879 : vector<1x128xf32> to vector<1x1x128xf32>
      %reduce_max3A_887 = arith.constant dense<0xFF800000> : vector<1xf32>
      %reduce_max3A_888 = vector.multi_reduction <maximumf>, %reduce_max3A_886, %reduce_max3A_887 [1, 2] : vector<1x1x128xf32> to vector<1xf32>
      %reduce_max3A_889 = vector.shape_cast %reduce_max3A_888 : vector<1xf32> to vector<1x1x1xf32>
      %reduce_max3A_890 = vector.extract %reduce_max3A_889[0, 0, 0] : f32 from vector<1x1x1xf32>
      %reshape3A_891 = vector.broadcast %reduce_max3A_890 : f32 to vector<1x1xf32>
      %swap3A_892 = arith.constant 15 : index
      %swap3A_893 = arith.constant 0 : index
      %swap3A_894 = vector.load %arg11[%swap3A_892, %swap3A_893] : memref<16x128xf32, #tpu.memory_space<vmem>>, vector<1x1xf32>
      tpu.vector_store %arg11[%swap3A_892, %swap3A_893], %reshape3A_891 {strides = array<i32>} : memref<16x128xf32, #tpu.memory_space<vmem>>, vector<1x1xf32>,
      %eq3A_895 = vector.broadcast %iota3A_58 : vector<1x108xi32> to vector<16x108xi32>
      %eq3A_896 = vector.broadcast %broadcast_in_dim3A_82 : vector<16x1xi32> to vector<16x108xi32>
      %eq3A_897 = arith.cmpi eq, %eq3A_895, %eq3A_896 : vector<16x108xi32>
      %get3A_898 = arith.constant 0 : index
      %get3A_899 = arith.constant 0 : index
      %get3A_900 = vector.load %arg11[%get3A_898, %get3A_899] : memref<16x128xf32, #tpu.memory_space<vmem>>, vector<16x1xf32>
      %broadcast_in_dim3A_901 = vector.shape_cast %get3A_900 : vector<16x1xf32> to vector<16x1xf32>
      %broadcast_in_dim3A_902 = vector.broadcast %broadcast_in_dim3A_901 : vector<16x1xf32> to vector<16x108xf32>
      %select_n3A_903 = arith.select %eq3A_897, %broadcast_in_dim3A_902, %get3A_75 : vector<16x108xi1>, vector<16x108xf32>
      %swap3A_904 = arith.constant 0 : index
      %swap3A_905 = arith.constant 0 : index
      %swap3A_906 = vector.load %arg9[%swap3A_904, %swap3A_905] : memref<16x108xf32, #tpu.memory_space<vmem>>, vector<16x108xf32>
      tpu.vector_store %arg9[%swap3A_904, %swap3A_905], %select_n3A_903 {strides = array<i32>} : memref<16x108xf32, #tpu.memory_space<vmem>>, vector<16x108xf32>,
    }
    %scan3A_64 = arith.constant 60 : i32
    %iota3A_65 = tpu.iota {dimensions = array<i32: 1>} : vector<1x14xi32>
    %iota3A_66 = tpu.iota {dimensions = array<i32: 1>} : vector<1x128xi32>
    %scan3A_67 = arith.constant 0 : i32
    %scan3A_68 = arith.constant 60 : i32
    %scan3A_69 = arith.addi %scan3A_67, %scan3A_68 : i32
    %scan3A_70 = arith.constant 1 : i32
    scf.for %scan3A_72 = %scan3A_67 to %scan3A_69 step %scan3A_70  : i32 {
      %get3A_73 = arith.constant 0 : index
      %get3A_74 = arith.constant 0 : index
      %get3A_75 = vector.load %arg10[%get3A_73, %get3A_74] : memref<16x14xf32, #tpu.memory_space<vmem>>, vector<16x14xf32>
      %reduce_max3A_76 = arith.constant dense<0xFF800000> : vector<16xf32>
      %reduce_max3A_77 = vector.multi_reduction <maximumf>, %get3A_75, %reduce_max3A_76 [1] : vector<16x14xf32> to vector<16xf32>
      %broadcast_in_dim3A = vector.shape_cast %reduce_max3A_77 : vector<16xf32> to vector<16x1xf32>
      %iota3A_78 = tpu.iota {dimensions = array<i32: 1>} : vector<16x14xi32>
      %eq3A = vector.broadcast %broadcast_in_dim3A : vector<16x1xf32> to vector<16x14xf32>
      %eq3A_79 = arith.cmpf oeq, %get3A_75, %eq3A : vector<16x14xf32>
      %jit3A = arith.constant 14 : i32
      %broadcast_in_dim3A_80 = vector.broadcast %jit3A : i32 to vector<16x14xi32>
      %select_n3A = arith.select %eq3A_79, %iota3A_78, %broadcast_in_dim3A_80 : vector<16x14xi1>, vector<16x14xi32>
      %reduce_min3A = arith.constant dense<2147483647> : vector<16xi32>
      %reduce_min3A_81 = vector.multi_reduction <minsi>, %select_n3A, %reduce_min3A [1] : vector<16x14xi32> to vector<16xi32>
      %broadcast_in_dim3A_82 = vector.shape_cast %reduce_min3A_81 : vector<16xi32> to vector<16x1xi32>
      %add3A = arith.constant 120 : i32
      %add3A_83 = arith.addi %add3A, %scan3A_72 : i32
      %slice3A = vector.extract_strided_slice %broadcast_in_dim3A_82 {offsets = [0, 0], sizes = [1, 1], strides = [1, 1]} : vector<16x1xi32> to vector<1x1xi32>
      %reduce_max3A_84 = vector.shape_cast %slice3A : vector<1x1xi32> to vector<1x1x1xi32>
      %reduce_max3A_85 = arith.constant dense<-2147483648> : vector<1xi32>
      %reduce_max3A_86 = vector.multi_reduction <maxsi>, %reduce_max3A_84, %reduce_max3A_85 [1, 2] : vector<1x1x1xi32> to vector<1xi32>
      %reduce_max3A_87 = vector.shape_cast %reduce_max3A_86 : vector<1xi32> to vector<1x1x1xi32>
      %reduce_max3A_88 = vector.extract %reduce_max3A_87[0, 0, 0] : i32 from vector<1x1x1xi32>
      %get3A_89 = arith.constant 0 : index
      %get3A_90 = arith.index_cast %reduce_max3A_88 : i32 to index
      %get3A_91 = arith.constant 0 : index
      %get3A_92 = vector.load %arg7[%get3A_89, %get3A_90, %get3A_91] : memref<16x14x128xf32, #tpu.memory_space<vmem>>, vector<1x1x128xf32>
      %get3A_93 = vector.shape_cast %get3A_92 : vector<1x1x128xf32> to vector<1x128xf32>
      %argmax3A = tpu.reduce_index %get3A_93 {axis = 1 : i32, kind = #tpu.reduction_kind<arg_max>} : vector<1x128xf32> -> vector<1xi32>
      %squeeze3A = vector.extract %argmax3A[0] : i32 from vector<1xi32>
      %reduce_max3A_94 = vector.shape_cast %get3A_93 : vector<1x128xf32> to vector<1x1x128xf32>
      %reduce_max3A_95 = arith.constant dense<0xFF800000> : vector<1xf32>
      %reduce_max3A_96 = vector.multi_reduction <maximumf>, %reduce_max3A_94, %reduce_max3A_95 [1, 2] : vector<1x1x128xf32> to vector<1xf32>
      %reduce_max3A_97 = vector.shape_cast %reduce_max3A_96 : vector<1xf32> to vector<1x1x1xf32>
      %reduce_max3A_98 = vector.extract %reduce_max3A_97[0, 0, 0] : f32 from vector<1x1x1xf32>
      %reshape3A = vector.broadcast %reduce_max3A_98 : f32 to vector<1x1xf32>
      %swap3A_99 = arith.index_cast %add3A_83 : i32 to index
      %swap3A_100 = arith.constant 0 : index
      %swap3A_101 = vector.load %arg3[%swap3A_99, %swap3A_100] : memref<180x16xf32, #tpu.memory_space<vmem>>, vector<1x1xf32>
      tpu.vector_store %arg3[%swap3A_99, %swap3A_100], %reshape3A {strides = array<i32>} : memref<180x16xf32, #tpu.memory_space<vmem>>, vector<1x1xf32>,
      %mul3A = arith.constant 128 : i32
      %mul3A_102 = arith.muli %reduce_max3A_88, %mul3A : i32
      %add3A_103 = arith.constant 124416 : i32
      %add3A_104 = arith.addi %add3A_103, %mul3A_102 : i32
      %add3A_105 = arith.addi %add3A_104, %squeeze3A : i32
      %reshape3A_106 = vector.broadcast %add3A_105 : i32 to vector<1x1xi32>
      %swap3A_107 = arith.index_cast %add3A_83 : i32 to index
      %swap3A_108 = arith.constant 0 : index
      %swap3A_109 = vector.load %arg4[%swap3A_107, %swap3A_108] : memref<180x16xi32, #tpu.memory_space<vmem>>, vector<1x1xi32>
      tpu.vector_store %arg4[%swap3A_107, %swap3A_108], %reshape3A_106 {strides = array<i32>} : memref<180x16xi32, #tpu.memory_space<vmem>>, vector<1x1xi32>,
      %eq3A_110 = vector.broadcast %squeeze3A : i32 to vector<1x128xi32>
      %eq3A_111 = arith.cmpi eq, %iota3A_66, %eq3A_110 : vector<1x128xi32>
      %jit3A_112 = arith.constant -1.000000e+00 : f32
      %broadcast_in_dim3A_113 = vector.broadcast %jit3A_112 : f32 to vector<1x128xf32>
      %select_n3A_114 = arith.select %eq3A_111, %broadcast_in_dim3A_113, %get3A_93 : vector<1x128xi1>, vector<1x128xf32>
      %swap3A_115 = arith.constant 0 : index
      %swap3A_116 = arith.index_cast %reduce_max3A_88 : i32 to index
      %swap3A_117 = arith.constant 0 : index
      %swap3A_118 = vector.load %arg7[%swap3A_115, %swap3A_116, %swap3A_117] : memref<16x14x128xf32, #tpu.memory_space<vmem>>, vector<1x1x128xf32>
      %swap3A_119 = vector.shape_cast %swap3A_118 : vector<1x1x128xf32> to vector<1x128xf32>
      %swap3A_120 = vector.shape_cast %select_n3A_114 : vector<1x128xf32> to vector<1x1x128xf32>
      tpu.vector_store %arg7[%swap3A_115, %swap3A_116, %swap3A_117], %swap3A_120 {strides = array<i32>} : memref<16x14x128xf32, #tpu.memory_space<vmem>>, vector<1x1x128xf32>,
      %reduce_max3A_121 = vector.shape_cast %select_n3A_114 : vector<1x128xf32> to vector<1x1x128xf32>
      %reduce_max3A_122 = arith.constant dense<0xFF800000> : vector<1xf32>
      %reduce_max3A_123 = vector.multi_reduction <maximumf>, %reduce_max3A_121, %reduce_max3A_122 [1, 2] : vector<1x1x128xf32> to vector<1xf32>
      %reduce_max3A_124 = vector.shape_cast %reduce_max3A_123 : vector<1xf32> to vector<1x1x1xf32>
      %reduce_max3A_125 = vector.extract %reduce_max3A_124[0, 0, 0] : f32 from vector<1x1x1xf32>
      %reshape3A_126 = vector.broadcast %reduce_max3A_125 : f32 to vector<1x1xf32>
      %swap3A_127 = arith.constant 0 : index
      %swap3A_128 = arith.constant 0 : index
      %swap3A_129 = vector.load %arg11[%swap3A_127, %swap3A_128] : memref<16x128xf32, #tpu.memory_space<vmem>>, vector<1x1xf32>
      tpu.vector_store %arg11[%swap3A_127, %swap3A_128], %reshape3A_126 {strides = array<i32>} : memref<16x128xf32, #tpu.memory_space<vmem>>, vector<1x1xf32>,
      %slice3A_130 = vector.extract_strided_slice %broadcast_in_dim3A_82 {offsets = [1, 0], sizes = [1, 1], strides = [1, 1]} : vector<16x1xi32> to vector<1x1xi32>
      %reduce_max3A_131 = vector.shape_cast %slice3A_130 : vector<1x1xi32> to vector<1x1x1xi32>
      %reduce_max3A_132 = arith.constant dense<-2147483648> : vector<1xi32>
      %reduce_max3A_133 = vector.multi_reduction <maxsi>, %reduce_max3A_131, %reduce_max3A_132 [1, 2] : vector<1x1x1xi32> to vector<1xi32>
      %reduce_max3A_134 = vector.shape_cast %reduce_max3A_133 : vector<1xi32> to vector<1x1x1xi32>
      %reduce_max3A_135 = vector.extract %reduce_max3A_134[0, 0, 0] : i32 from vector<1x1x1xi32>
      %get3A_136 = arith.constant 1 : index
      %get3A_137 = arith.index_cast %reduce_max3A_135 : i32 to index
      %get3A_138 = arith.constant 0 : index
      %get3A_139 = vector.load %arg7[%get3A_136, %get3A_137, %get3A_138] : memref<16x14x128xf32, #tpu.memory_space<vmem>>, vector<1x1x128xf32>
      %get3A_140 = vector.shape_cast %get3A_139 : vector<1x1x128xf32> to vector<1x128xf32>
      %argmax3A_141 = tpu.reduce_index %get3A_140 {axis = 1 : i32, kind = #tpu.reduction_kind<arg_max>} : vector<1x128xf32> -> vector<1xi32>
      %squeeze3A_142 = vector.extract %argmax3A_141[0] : i32 from vector<1xi32>
      %reduce_max3A_143 = vector.shape_cast %get3A_140 : vector<1x128xf32> to vector<1x1x128xf32>
      %reduce_max3A_144 = arith.constant dense<0xFF800000> : vector<1xf32>
      %reduce_max3A_145 = vector.multi_reduction <maximumf>, %reduce_max3A_143, %reduce_max3A_144 [1, 2] : vector<1x1x128xf32> to vector<1xf32>
      %reduce_max3A_146 = vector.shape_cast %reduce_max3A_145 : vector<1xf32> to vector<1x1x1xf32>
      %reduce_max3A_147 = vector.extract %reduce_max3A_146[0, 0, 0] : f32 from vector<1x1x1xf32>
      %reshape3A_148 = vector.broadcast %reduce_max3A_147 : f32 to vector<1x1xf32>
      %swap3A_149 = arith.index_cast %add3A_83 : i32 to index
      %swap3A_150 = arith.constant 1 : index
      %swap3A_151 = vector.load %arg3[%swap3A_149, %swap3A_150] : memref<180x16xf32, #tpu.memory_space<vmem>>, vector<1x1xf32>
      tpu.vector_store %arg3[%swap3A_149, %swap3A_150], %reshape3A_148 {strides = array<i32>} : memref<180x16xf32, #tpu.memory_space<vmem>>, vector<1x1xf32>,
      %mul3A_152 = arith.constant 128 : i32
      %mul3A_153 = arith.muli %reduce_max3A_135, %mul3A_152 : i32
      %add3A_154 = arith.constant 124416 : i32
      %add3A_155 = arith.addi %add3A_154, %mul3A_153 : i32
      %add3A_156 = arith.addi %add3A_155, %squeeze3A_142 : i32
      %reshape3A_157 = vector.broadcast %add3A_156 : i32 to vector<1x1xi32>
      %swap3A_158 = arith.index_cast %add3A_83 : i32 to index
      %swap3A_159 = arith.constant 1 : index
      %swap3A_160 = vector.load %arg4[%swap3A_158, %swap3A_159] : memref<180x16xi32, #tpu.memory_space<vmem>>, vector<1x1xi32>
      tpu.vector_store %arg4[%swap3A_158, %swap3A_159], %reshape3A_157 {strides = array<i32>} : memref<180x16xi32, #tpu.memory_space<vmem>>, vector<1x1xi32>,
      %eq3A_161 = vector.broadcast %squeeze3A_142 : i32 to vector<1x128xi32>
      %eq3A_162 = arith.cmpi eq, %iota3A_66, %eq3A_161 : vector<1x128xi32>
      %jit3A_163 = arith.constant -1.000000e+00 : f32
      %broadcast_in_dim3A_164 = vector.broadcast %jit3A_163 : f32 to vector<1x128xf32>
      %select_n3A_165 = arith.select %eq3A_162, %broadcast_in_dim3A_164, %get3A_140 : vector<1x128xi1>, vector<1x128xf32>
      %swap3A_166 = arith.constant 1 : index
      %swap3A_167 = arith.index_cast %reduce_max3A_135 : i32 to index
      %swap3A_168 = arith.constant 0 : index
      %swap3A_169 = vector.load %arg7[%swap3A_166, %swap3A_167, %swap3A_168] : memref<16x14x128xf32, #tpu.memory_space<vmem>>, vector<1x1x128xf32>
      %swap3A_170 = vector.shape_cast %swap3A_169 : vector<1x1x128xf32> to vector<1x128xf32>
      %swap3A_171 = vector.shape_cast %select_n3A_165 : vector<1x128xf32> to vector<1x1x128xf32>
      tpu.vector_store %arg7[%swap3A_166, %swap3A_167, %swap3A_168], %swap3A_171 {strides = array<i32>} : memref<16x14x128xf32, #tpu.memory_space<vmem>>, vector<1x1x128xf32>,
      %reduce_max3A_172 = vector.shape_cast %select_n3A_165 : vector<1x128xf32> to vector<1x1x128xf32>
      %reduce_max3A_173 = arith.constant dense<0xFF800000> : vector<1xf32>
      %reduce_max3A_174 = vector.multi_reduction <maximumf>, %reduce_max3A_172, %reduce_max3A_173 [1, 2] : vector<1x1x128xf32> to vector<1xf32>
      %reduce_max3A_175 = vector.shape_cast %reduce_max3A_174 : vector<1xf32> to vector<1x1x1xf32>
      %reduce_max3A_176 = vector.extract %reduce_max3A_175[0, 0, 0] : f32 from vector<1x1x1xf32>
      %reshape3A_177 = vector.broadcast %reduce_max3A_176 : f32 to vector<1x1xf32>
      %swap3A_178 = arith.constant 1 : index
      %swap3A_179 = arith.constant 0 : index
      %swap3A_180 = vector.load %arg11[%swap3A_178, %swap3A_179] : memref<16x128xf32, #tpu.memory_space<vmem>>, vector<1x1xf32>
      tpu.vector_store %arg11[%swap3A_178, %swap3A_179], %reshape3A_177 {strides = array<i32>} : memref<16x128xf32, #tpu.memory_space<vmem>>, vector<1x1xf32>,
      %slice3A_181 = vector.extract_strided_slice %broadcast_in_dim3A_82 {offsets = [2, 0], sizes = [1, 1], strides = [1, 1]} : vector<16x1xi32> to vector<1x1xi32>
      %reduce_max3A_182 = vector.shape_cast %slice3A_181 : vector<1x1xi32> to vector<1x1x1xi32>
      %reduce_max3A_183 = arith.constant dense<-2147483648> : vector<1xi32>
      %reduce_max3A_184 = vector.multi_reduction <maxsi>, %reduce_max3A_182, %reduce_max3A_183 [1, 2] : vector<1x1x1xi32> to vector<1xi32>
      %reduce_max3A_185 = vector.shape_cast %reduce_max3A_184 : vector<1xi32> to vector<1x1x1xi32>
      %reduce_max3A_186 = vector.extract %reduce_max3A_185[0, 0, 0] : i32 from vector<1x1x1xi32>
      %get3A_187 = arith.constant 2 : index
      %get3A_188 = arith.index_cast %reduce_max3A_186 : i32 to index
      %get3A_189 = arith.constant 0 : index
      %get3A_190 = vector.load %arg7[%get3A_187, %get3A_188, %get3A_189] : memref<16x14x128xf32, #tpu.memory_space<vmem>>, vector<1x1x128xf32>
      %get3A_191 = vector.shape_cast %get3A_190 : vector<1x1x128xf32> to vector<1x128xf32>
      %argmax3A_192 = tpu.reduce_index %get3A_191 {axis = 1 : i32, kind = #tpu.reduction_kind<arg_max>} : vector<1x128xf32> -> vector<1xi32>
      %squeeze3A_193 = vector.extract %argmax3A_192[0] : i32 from vector<1xi32>
      %reduce_max3A_194 = vector.shape_cast %get3A_191 : vector<1x128xf32> to vector<1x1x128xf32>
      %reduce_max3A_195 = arith.constant dense<0xFF800000> : vector<1xf32>
      %reduce_max3A_196 = vector.multi_reduction <maximumf>, %reduce_max3A_194, %reduce_max3A_195 [1, 2] : vector<1x1x128xf32> to vector<1xf32>
      %reduce_max3A_197 = vector.shape_cast %reduce_max3A_196 : vector<1xf32> to vector<1x1x1xf32>
      %reduce_max3A_198 = vector.extract %reduce_max3A_197[0, 0, 0] : f32 from vector<1x1x1xf32>
      %reshape3A_199 = vector.broadcast %reduce_max3A_198 : f32 to vector<1x1xf32>
      %swap3A_200 = arith.index_cast %add3A_83 : i32 to index
      %swap3A_201 = arith.constant 2 : index
      %swap3A_202 = vector.load %arg3[%swap3A_200, %swap3A_201] : memref<180x16xf32, #tpu.memory_space<vmem>>, vector<1x1xf32>
      tpu.vector_store %arg3[%swap3A_200, %swap3A_201], %reshape3A_199 {strides = array<i32>} : memref<180x16xf32, #tpu.memory_space<vmem>>, vector<1x1xf32>,
      %mul3A_203 = arith.constant 128 : i32
      %mul3A_204 = arith.muli %reduce_max3A_186, %mul3A_203 : i32
      %add3A_205 = arith.constant 124416 : i32
      %add3A_206 = arith.addi %add3A_205, %mul3A_204 : i32
      %add3A_207 = arith.addi %add3A_206, %squeeze3A_193 : i32
      %reshape3A_208 = vector.broadcast %add3A_207 : i32 to vector<1x1xi32>
      %swap3A_209 = arith.index_cast %add3A_83 : i32 to index
      %swap3A_210 = arith.constant 2 : index
      %swap3A_211 = vector.load %arg4[%swap3A_209, %swap3A_210] : memref<180x16xi32, #tpu.memory_space<vmem>>, vector<1x1xi32>
      tpu.vector_store %arg4[%swap3A_209, %swap3A_210], %reshape3A_208 {strides = array<i32>} : memref<180x16xi32, #tpu.memory_space<vmem>>, vector<1x1xi32>,
      %eq3A_212 = vector.broadcast %squeeze3A_193 : i32 to vector<1x128xi32>
      %eq3A_213 = arith.cmpi eq, %iota3A_66, %eq3A_212 : vector<1x128xi32>
      %jit3A_214 = arith.constant -1.000000e+00 : f32
      %broadcast_in_dim3A_215 = vector.broadcast %jit3A_214 : f32 to vector<1x128xf32>
      %select_n3A_216 = arith.select %eq3A_213, %broadcast_in_dim3A_215, %get3A_191 : vector<1x128xi1>, vector<1x128xf32>
      %swap3A_217 = arith.constant 2 : index
      %swap3A_218 = arith.index_cast %reduce_max3A_186 : i32 to index
      %swap3A_219 = arith.constant 0 : index
      %swap3A_220 = vector.load %arg7[%swap3A_217, %swap3A_218, %swap3A_219] : memref<16x14x128xf32, #tpu.memory_space<vmem>>, vector<1x1x128xf32>
      %swap3A_221 = vector.shape_cast %swap3A_220 : vector<1x1x128xf32> to vector<1x128xf32>
      %swap3A_222 = vector.shape_cast %select_n3A_216 : vector<1x128xf32> to vector<1x1x128xf32>
      tpu.vector_store %arg7[%swap3A_217, %swap3A_218, %swap3A_219], %swap3A_222 {strides = array<i32>} : memref<16x14x128xf32, #tpu.memory_space<vmem>>, vector<1x1x128xf32>,
      %reduce_max3A_223 = vector.shape_cast %select_n3A_216 : vector<1x128xf32> to vector<1x1x128xf32>
      %reduce_max3A_224 = arith.constant dense<0xFF800000> : vector<1xf32>
      %reduce_max3A_225 = vector.multi_reduction <maximumf>, %reduce_max3A_223, %reduce_max3A_224 [1, 2] : vector<1x1x128xf32> to vector<1xf32>
      %reduce_max3A_226 = vector.shape_cast %reduce_max3A_225 : vector<1xf32> to vector<1x1x1xf32>
      %reduce_max3A_227 = vector.extract %reduce_max3A_226[0, 0, 0] : f32 from vector<1x1x1xf32>
      %reshape3A_228 = vector.broadcast %reduce_max3A_227 : f32 to vector<1x1xf32>
      %swap3A_229 = arith.constant 2 : index
      %swap3A_230 = arith.constant 0 : index
      %swap3A_231 = vector.load %arg11[%swap3A_229, %swap3A_230] : memref<16x128xf32, #tpu.memory_space<vmem>>, vector<1x1xf32>
      tpu.vector_store %arg11[%swap3A_229, %swap3A_230], %reshape3A_228 {strides = array<i32>} : memref<16x128xf32, #tpu.memory_space<vmem>>, vector<1x1xf32>,
      %slice3A_232 = vector.extract_strided_slice %broadcast_in_dim3A_82 {offsets = [3, 0], sizes = [1, 1], strides = [1, 1]} : vector<16x1xi32> to vector<1x1xi32>
      %reduce_max3A_233 = vector.shape_cast %slice3A_232 : vector<1x1xi32> to vector<1x1x1xi32>
      %reduce_max3A_234 = arith.constant dense<-2147483648> : vector<1xi32>
      %reduce_max3A_235 = vector.multi_reduction <maxsi>, %reduce_max3A_233, %reduce_max3A_234 [1, 2] : vector<1x1x1xi32> to vector<1xi32>
      %reduce_max3A_236 = vector.shape_cast %reduce_max3A_235 : vector<1xi32> to vector<1x1x1xi32>
      %reduce_max3A_237 = vector.extract %reduce_max3A_236[0, 0, 0] : i32 from vector<1x1x1xi32>
      %get3A_238 = arith.constant 3 : index
      %get3A_239 = arith.index_cast %reduce_max3A_237 : i32 to index
      %get3A_240 = arith.constant 0 : index
      %get3A_241 = vector.load %arg7[%get3A_238, %get3A_239, %get3A_240] : memref<16x14x128xf32, #tpu.memory_space<vmem>>, vector<1x1x128xf32>
      %get3A_242 = vector.shape_cast %get3A_241 : vector<1x1x128xf32> to vector<1x128xf32>
      %argmax3A_243 = tpu.reduce_index %get3A_242 {axis = 1 : i32, kind = #tpu.reduction_kind<arg_max>} : vector<1x128xf32> -> vector<1xi32>
      %squeeze3A_244 = vector.extract %argmax3A_243[0] : i32 from vector<1xi32>
      %reduce_max3A_245 = vector.shape_cast %get3A_242 : vector<1x128xf32> to vector<1x1x128xf32>
      %reduce_max3A_246 = arith.constant dense<0xFF800000> : vector<1xf32>
      %reduce_max3A_247 = vector.multi_reduction <maximumf>, %reduce_max3A_245, %reduce_max3A_246 [1, 2] : vector<1x1x128xf32> to vector<1xf32>
      %reduce_max3A_248 = vector.shape_cast %reduce_max3A_247 : vector<1xf32> to vector<1x1x1xf32>
      %reduce_max3A_249 = vector.extract %reduce_max3A_248[0, 0, 0] : f32 from vector<1x1x1xf32>
      %reshape3A_250 = vector.broadcast %reduce_max3A_249 : f32 to vector<1x1xf32>
      %swap3A_251 = arith.index_cast %add3A_83 : i32 to index
      %swap3A_252 = arith.constant 3 : index
      %swap3A_253 = vector.load %arg3[%swap3A_251, %swap3A_252] : memref<180x16xf32, #tpu.memory_space<vmem>>, vector<1x1xf32>
      tpu.vector_store %arg3[%swap3A_251, %swap3A_252], %reshape3A_250 {strides = array<i32>} : memref<180x16xf32, #tpu.memory_space<vmem>>, vector<1x1xf32>,
      %mul3A_254 = arith.constant 128 : i32
      %mul3A_255 = arith.muli %reduce_max3A_237, %mul3A_254 : i32
      %add3A_256 = arith.constant 124416 : i32
      %add3A_257 = arith.addi %add3A_256, %mul3A_255 : i32
      %add3A_258 = arith.addi %add3A_257, %squeeze3A_244 : i32
      %reshape3A_259 = vector.broadcast %add3A_258 : i32 to vector<1x1xi32>
      %swap3A_260 = arith.index_cast %add3A_83 : i32 to index
      %swap3A_261 = arith.constant 3 : index
      %swap3A_262 = vector.load %arg4[%swap3A_260, %swap3A_261] : memref<180x16xi32, #tpu.memory_space<vmem>>, vector<1x1xi32>
      tpu.vector_store %arg4[%swap3A_260, %swap3A_261], %reshape3A_259 {strides = array<i32>} : memref<180x16xi32, #tpu.memory_space<vmem>>, vector<1x1xi32>,
      %eq3A_263 = vector.broadcast %squeeze3A_244 : i32 to vector<1x128xi32>
      %eq3A_264 = arith.cmpi eq, %iota3A_66, %eq3A_263 : vector<1x128xi32>
      %jit3A_265 = arith.constant -1.000000e+00 : f32
      %broadcast_in_dim3A_266 = vector.broadcast %jit3A_265 : f32 to vector<1x128xf32>
      %select_n3A_267 = arith.select %eq3A_264, %broadcast_in_dim3A_266, %get3A_242 : vector<1x128xi1>, vector<1x128xf32>
      %swap3A_268 = arith.constant 3 : index
      %swap3A_269 = arith.index_cast %reduce_max3A_237 : i32 to index
      %swap3A_270 = arith.constant 0 : index
      %swap3A_271 = vector.load %arg7[%swap3A_268, %swap3A_269, %swap3A_270] : memref<16x14x128xf32, #tpu.memory_space<vmem>>, vector<1x1x128xf32>
      %swap3A_272 = vector.shape_cast %swap3A_271 : vector<1x1x128xf32> to vector<1x128xf32>
      %swap3A_273 = vector.shape_cast %select_n3A_267 : vector<1x128xf32> to vector<1x1x128xf32>
      tpu.vector_store %arg7[%swap3A_268, %swap3A_269, %swap3A_270], %swap3A_273 {strides = array<i32>} : memref<16x14x128xf32, #tpu.memory_space<vmem>>, vector<1x1x128xf32>,
      %reduce_max3A_274 = vector.shape_cast %select_n3A_267 : vector<1x128xf32> to vector<1x1x128xf32>
      %reduce_max3A_275 = arith.constant dense<0xFF800000> : vector<1xf32>
      %reduce_max3A_276 = vector.multi_reduction <maximumf>, %reduce_max3A_274, %reduce_max3A_275 [1, 2] : vector<1x1x128xf32> to vector<1xf32>
      %reduce_max3A_277 = vector.shape_cast %reduce_max3A_276 : vector<1xf32> to vector<1x1x1xf32>
      %reduce_max3A_278 = vector.extract %reduce_max3A_277[0, 0, 0] : f32 from vector<1x1x1xf32>
      %reshape3A_279 = vector.broadcast %reduce_max3A_278 : f32 to vector<1x1xf32>
      %swap3A_280 = arith.constant 3 : index
      %swap3A_281 = arith.constant 0 : index
      %swap3A_282 = vector.load %arg11[%swap3A_280, %swap3A_281] : memref<16x128xf32, #tpu.memory_space<vmem>>, vector<1x1xf32>
      tpu.vector_store %arg11[%swap3A_280, %swap3A_281], %reshape3A_279 {strides = array<i32>} : memref<16x128xf32, #tpu.memory_space<vmem>>, vector<1x1xf32>,
      %slice3A_283 = vector.extract_strided_slice %broadcast_in_dim3A_82 {offsets = [4, 0], sizes = [1, 1], strides = [1, 1]} : vector<16x1xi32> to vector<1x1xi32>
      %reduce_max3A_284 = vector.shape_cast %slice3A_283 : vector<1x1xi32> to vector<1x1x1xi32>
      %reduce_max3A_285 = arith.constant dense<-2147483648> : vector<1xi32>
      %reduce_max3A_286 = vector.multi_reduction <maxsi>, %reduce_max3A_284, %reduce_max3A_285 [1, 2] : vector<1x1x1xi32> to vector<1xi32>
      %reduce_max3A_287 = vector.shape_cast %reduce_max3A_286 : vector<1xi32> to vector<1x1x1xi32>
      %reduce_max3A_288 = vector.extract %reduce_max3A_287[0, 0, 0] : i32 from vector<1x1x1xi32>
      %get3A_289 = arith.constant 4 : index
      %get3A_290 = arith.index_cast %reduce_max3A_288 : i32 to index
      %get3A_291 = arith.constant 0 : index
      %get3A_292 = vector.load %arg7[%get3A_289, %get3A_290, %get3A_291] : memref<16x14x128xf32, #tpu.memory_space<vmem>>, vector<1x1x128xf32>
      %get3A_293 = vector.shape_cast %get3A_292 : vector<1x1x128xf32> to vector<1x128xf32>
      %argmax3A_294 = tpu.reduce_index %get3A_293 {axis = 1 : i32, kind = #tpu.reduction_kind<arg_max>} : vector<1x128xf32> -> vector<1xi32>
      %squeeze3A_295 = vector.extract %argmax3A_294[0] : i32 from vector<1xi32>
      %reduce_max3A_296 = vector.shape_cast %get3A_293 : vector<1x128xf32> to vector<1x1x128xf32>
      %reduce_max3A_297 = arith.constant dense<0xFF800000> : vector<1xf32>
      %reduce_max3A_298 = vector.multi_reduction <maximumf>, %reduce_max3A_296, %reduce_max3A_297 [1, 2] : vector<1x1x128xf32> to vector<1xf32>
      %reduce_max3A_299 = vector.shape_cast %reduce_max3A_298 : vector<1xf32> to vector<1x1x1xf32>
      %reduce_max3A_300 = vector.extract %reduce_max3A_299[0, 0, 0] : f32 from vector<1x1x1xf32>
      %reshape3A_301 = vector.broadcast %reduce_max3A_300 : f32 to vector<1x1xf32>
      %swap3A_302 = arith.index_cast %add3A_83 : i32 to index
      %swap3A_303 = arith.constant 4 : index
      %swap3A_304 = vector.load %arg3[%swap3A_302, %swap3A_303] : memref<180x16xf32, #tpu.memory_space<vmem>>, vector<1x1xf32>
      tpu.vector_store %arg3[%swap3A_302, %swap3A_303], %reshape3A_301 {strides = array<i32>} : memref<180x16xf32, #tpu.memory_space<vmem>>, vector<1x1xf32>,
      %mul3A_305 = arith.constant 128 : i32
      %mul3A_306 = arith.muli %reduce_max3A_288, %mul3A_305 : i32
      %add3A_307 = arith.constant 124416 : i32
      %add3A_308 = arith.addi %add3A_307, %mul3A_306 : i32
      %add3A_309 = arith.addi %add3A_308, %squeeze3A_295 : i32
      %reshape3A_310 = vector.broadcast %add3A_309 : i32 to vector<1x1xi32>
      %swap3A_311 = arith.index_cast %add3A_83 : i32 to index
      %swap3A_312 = arith.constant 4 : index
      %swap3A_313 = vector.load %arg4[%swap3A_311, %swap3A_312] : memref<180x16xi32, #tpu.memory_space<vmem>>, vector<1x1xi32>
      tpu.vector_store %arg4[%swap3A_311, %swap3A_312], %reshape3A_310 {strides = array<i32>} : memref<180x16xi32, #tpu.memory_space<vmem>>, vector<1x1xi32>,
      %eq3A_314 = vector.broadcast %squeeze3A_295 : i32 to vector<1x128xi32>
      %eq3A_315 = arith.cmpi eq, %iota3A_66, %eq3A_314 : vector<1x128xi32>
      %jit3A_316 = arith.constant -1.000000e+00 : f32
      %broadcast_in_dim3A_317 = vector.broadcast %jit3A_316 : f32 to vector<1x128xf32>
      %select_n3A_318 = arith.select %eq3A_315, %broadcast_in_dim3A_317, %get3A_293 : vector<1x128xi1>, vector<1x128xf32>
      %swap3A_319 = arith.constant 4 : index
      %swap3A_320 = arith.index_cast %reduce_max3A_288 : i32 to index
      %swap3A_321 = arith.constant 0 : index
      %swap3A_322 = vector.load %arg7[%swap3A_319, %swap3A_320, %swap3A_321] : memref<16x14x128xf32, #tpu.memory_space<vmem>>, vector<1x1x128xf32>
      %swap3A_323 = vector.shape_cast %swap3A_322 : vector<1x1x128xf32> to vector<1x128xf32>
      %swap3A_324 = vector.shape_cast %select_n3A_318 : vector<1x128xf32> to vector<1x1x128xf32>
      tpu.vector_store %arg7[%swap3A_319, %swap3A_320, %swap3A_321], %swap3A_324 {strides = array<i32>} : memref<16x14x128xf32, #tpu.memory_space<vmem>>, vector<1x1x128xf32>,
      %reduce_max3A_325 = vector.shape_cast %select_n3A_318 : vector<1x128xf32> to vector<1x1x128xf32>
      %reduce_max3A_326 = arith.constant dense<0xFF800000> : vector<1xf32>
      %reduce_max3A_327 = vector.multi_reduction <maximumf>, %reduce_max3A_325, %reduce_max3A_326 [1, 2] : vector<1x1x128xf32> to vector<1xf32>
      %reduce_max3A_328 = vector.shape_cast %reduce_max3A_327 : vector<1xf32> to vector<1x1x1xf32>
      %reduce_max3A_329 = vector.extract %reduce_max3A_328[0, 0, 0] : f32 from vector<1x1x1xf32>
      %reshape3A_330 = vector.broadcast %reduce_max3A_329 : f32 to vector<1x1xf32>
      %swap3A_331 = arith.constant 4 : index
      %swap3A_332 = arith.constant 0 : index
      %swap3A_333 = vector.load %arg11[%swap3A_331, %swap3A_332] : memref<16x128xf32, #tpu.memory_space<vmem>>, vector<1x1xf32>
      tpu.vector_store %arg11[%swap3A_331, %swap3A_332], %reshape3A_330 {strides = array<i32>} : memref<16x128xf32, #tpu.memory_space<vmem>>, vector<1x1xf32>,
      %slice3A_334 = vector.extract_strided_slice %broadcast_in_dim3A_82 {offsets = [5, 0], sizes = [1, 1], strides = [1, 1]} : vector<16x1xi32> to vector<1x1xi32>
      %reduce_max3A_335 = vector.shape_cast %slice3A_334 : vector<1x1xi32> to vector<1x1x1xi32>
      %reduce_max3A_336 = arith.constant dense<-2147483648> : vector<1xi32>
      %reduce_max3A_337 = vector.multi_reduction <maxsi>, %reduce_max3A_335, %reduce_max3A_336 [1, 2] : vector<1x1x1xi32> to vector<1xi32>
      %reduce_max3A_338 = vector.shape_cast %reduce_max3A_337 : vector<1xi32> to vector<1x1x1xi32>
      %reduce_max3A_339 = vector.extract %reduce_max3A_338[0, 0, 0] : i32 from vector<1x1x1xi32>
      %get3A_340 = arith.constant 5 : index
      %get3A_341 = arith.index_cast %reduce_max3A_339 : i32 to index
      %get3A_342 = arith.constant 0 : index
      %get3A_343 = vector.load %arg7[%get3A_340, %get3A_341, %get3A_342] : memref<16x14x128xf32, #tpu.memory_space<vmem>>, vector<1x1x128xf32>
      %get3A_344 = vector.shape_cast %get3A_343 : vector<1x1x128xf32> to vector<1x128xf32>
      %argmax3A_345 = tpu.reduce_index %get3A_344 {axis = 1 : i32, kind = #tpu.reduction_kind<arg_max>} : vector<1x128xf32> -> vector<1xi32>
      %squeeze3A_346 = vector.extract %argmax3A_345[0] : i32 from vector<1xi32>
      %reduce_max3A_347 = vector.shape_cast %get3A_344 : vector<1x128xf32> to vector<1x1x128xf32>
      %reduce_max3A_348 = arith.constant dense<0xFF800000> : vector<1xf32>
      %reduce_max3A_349 = vector.multi_reduction <maximumf>, %reduce_max3A_347, %reduce_max3A_348 [1, 2] : vector<1x1x128xf32> to vector<1xf32>
      %reduce_max3A_350 = vector.shape_cast %reduce_max3A_349 : vector<1xf32> to vector<1x1x1xf32>
      %reduce_max3A_351 = vector.extract %reduce_max3A_350[0, 0, 0] : f32 from vector<1x1x1xf32>
      %reshape3A_352 = vector.broadcast %reduce_max3A_351 : f32 to vector<1x1xf32>
      %swap3A_353 = arith.index_cast %add3A_83 : i32 to index
      %swap3A_354 = arith.constant 5 : index
      %swap3A_355 = vector.load %arg3[%swap3A_353, %swap3A_354] : memref<180x16xf32, #tpu.memory_space<vmem>>, vector<1x1xf32>
      tpu.vector_store %arg3[%swap3A_353, %swap3A_354], %reshape3A_352 {strides = array<i32>} : memref<180x16xf32, #tpu.memory_space<vmem>>, vector<1x1xf32>,
      %mul3A_356 = arith.constant 128 : i32
      %mul3A_357 = arith.muli %reduce_max3A_339, %mul3A_356 : i32
      %add3A_358 = arith.constant 124416 : i32
      %add3A_359 = arith.addi %add3A_358, %mul3A_357 : i32
      %add3A_360 = arith.addi %add3A_359, %squeeze3A_346 : i32
      %reshape3A_361 = vector.broadcast %add3A_360 : i32 to vector<1x1xi32>
      %swap3A_362 = arith.index_cast %add3A_83 : i32 to index
      %swap3A_363 = arith.constant 5 : index
      %swap3A_364 = vector.load %arg4[%swap3A_362, %swap3A_363] : memref<180x16xi32, #tpu.memory_space<vmem>>, vector<1x1xi32>
      tpu.vector_store %arg4[%swap3A_362, %swap3A_363], %reshape3A_361 {strides = array<i32>} : memref<180x16xi32, #tpu.memory_space<vmem>>, vector<1x1xi32>,
      %eq3A_365 = vector.broadcast %squeeze3A_346 : i32 to vector<1x128xi32>
      %eq3A_366 = arith.cmpi eq, %iota3A_66, %eq3A_365 : vector<1x128xi32>
      %jit3A_367 = arith.constant -1.000000e+00 : f32
      %broadcast_in_dim3A_368 = vector.broadcast %jit3A_367 : f32 to vector<1x128xf32>
      %select_n3A_369 = arith.select %eq3A_366, %broadcast_in_dim3A_368, %get3A_344 : vector<1x128xi1>, vector<1x128xf32>
      %swap3A_370 = arith.constant 5 : index
      %swap3A_371 = arith.index_cast %reduce_max3A_339 : i32 to index
      %swap3A_372 = arith.constant 0 : index
      %swap3A_373 = vector.load %arg7[%swap3A_370, %swap3A_371, %swap3A_372] : memref<16x14x128xf32, #tpu.memory_space<vmem>>, vector<1x1x128xf32>
      %swap3A_374 = vector.shape_cast %swap3A_373 : vector<1x1x128xf32> to vector<1x128xf32>
      %swap3A_375 = vector.shape_cast %select_n3A_369 : vector<1x128xf32> to vector<1x1x128xf32>
      tpu.vector_store %arg7[%swap3A_370, %swap3A_371, %swap3A_372], %swap3A_375 {strides = array<i32>} : memref<16x14x128xf32, #tpu.memory_space<vmem>>, vector<1x1x128xf32>,
      %reduce_max3A_376 = vector.shape_cast %select_n3A_369 : vector<1x128xf32> to vector<1x1x128xf32>
      %reduce_max3A_377 = arith.constant dense<0xFF800000> : vector<1xf32>
      %reduce_max3A_378 = vector.multi_reduction <maximumf>, %reduce_max3A_376, %reduce_max3A_377 [1, 2] : vector<1x1x128xf32> to vector<1xf32>
      %reduce_max3A_379 = vector.shape_cast %reduce_max3A_378 : vector<1xf32> to vector<1x1x1xf32>
      %reduce_max3A_380 = vector.extract %reduce_max3A_379[0, 0, 0] : f32 from vector<1x1x1xf32>
      %reshape3A_381 = vector.broadcast %reduce_max3A_380 : f32 to vector<1x1xf32>
      %swap3A_382 = arith.constant 5 : index
      %swap3A_383 = arith.constant 0 : index
      %swap3A_384 = vector.load %arg11[%swap3A_382, %swap3A_383] : memref<16x128xf32, #tpu.memory_space<vmem>>, vector<1x1xf32>
      tpu.vector_store %arg11[%swap3A_382, %swap3A_383], %reshape3A_381 {strides = array<i32>} : memref<16x128xf32, #tpu.memory_space<vmem>>, vector<1x1xf32>,
      %slice3A_385 = vector.extract_strided_slice %broadcast_in_dim3A_82 {offsets = [6, 0], sizes = [1, 1], strides = [1, 1]} : vector<16x1xi32> to vector<1x1xi32>
      %reduce_max3A_386 = vector.shape_cast %slice3A_385 : vector<1x1xi32> to vector<1x1x1xi32>
      %reduce_max3A_387 = arith.constant dense<-2147483648> : vector<1xi32>
      %reduce_max3A_388 = vector.multi_reduction <maxsi>, %reduce_max3A_386, %reduce_max3A_387 [1, 2] : vector<1x1x1xi32> to vector<1xi32>
      %reduce_max3A_389 = vector.shape_cast %reduce_max3A_388 : vector<1xi32> to vector<1x1x1xi32>
      %reduce_max3A_390 = vector.extract %reduce_max3A_389[0, 0, 0] : i32 from vector<1x1x1xi32>
      %get3A_391 = arith.constant 6 : index
      %get3A_392 = arith.index_cast %reduce_max3A_390 : i32 to index
      %get3A_393 = arith.constant 0 : index
      %get3A_394 = vector.load %arg7[%get3A_391, %get3A_392, %get3A_393] : memref<16x14x128xf32, #tpu.memory_space<vmem>>, vector<1x1x128xf32>
      %get3A_395 = vector.shape_cast %get3A_394 : vector<1x1x128xf32> to vector<1x128xf32>
      %argmax3A_396 = tpu.reduce_index %get3A_395 {axis = 1 : i32, kind = #tpu.reduction_kind<arg_max>} : vector<1x128xf32> -> vector<1xi32>
      %squeeze3A_397 = vector.extract %argmax3A_396[0] : i32 from vector<1xi32>
      %reduce_max3A_398 = vector.shape_cast %get3A_395 : vector<1x128xf32> to vector<1x1x128xf32>
      %reduce_max3A_399 = arith.constant dense<0xFF800000> : vector<1xf32>
      %reduce_max3A_400 = vector.multi_reduction <maximumf>, %reduce_max3A_398, %reduce_max3A_399 [1, 2] : vector<1x1x128xf32> to vector<1xf32>
      %reduce_max3A_401 = vector.shape_cast %reduce_max3A_400 : vector<1xf32> to vector<1x1x1xf32>
      %reduce_max3A_402 = vector.extract %reduce_max3A_401[0, 0, 0] : f32 from vector<1x1x1xf32>
      %reshape3A_403 = vector.broadcast %reduce_max3A_402 : f32 to vector<1x1xf32>
      %swap3A_404 = arith.index_cast %add3A_83 : i32 to index
      %swap3A_405 = arith.constant 6 : index
      %swap3A_406 = vector.load %arg3[%swap3A_404, %swap3A_405] : memref<180x16xf32, #tpu.memory_space<vmem>>, vector<1x1xf32>
      tpu.vector_store %arg3[%swap3A_404, %swap3A_405], %reshape3A_403 {strides = array<i32>} : memref<180x16xf32, #tpu.memory_space<vmem>>, vector<1x1xf32>,
      %mul3A_407 = arith.constant 128 : i32
      %mul3A_408 = arith.muli %reduce_max3A_390, %mul3A_407 : i32
      %add3A_409 = arith.constant 124416 : i32
      %add3A_410 = arith.addi %add3A_409, %mul3A_408 : i32
      %add3A_411 = arith.addi %add3A_410, %squeeze3A_397 : i32
      %reshape3A_412 = vector.broadcast %add3A_411 : i32 to vector<1x1xi32>
      %swap3A_413 = arith.index_cast %add3A_83 : i32 to index
      %swap3A_414 = arith.constant 6 : index
      %swap3A_415 = vector.load %arg4[%swap3A_413, %swap3A_414] : memref<180x16xi32, #tpu.memory_space<vmem>>, vector<1x1xi32>
      tpu.vector_store %arg4[%swap3A_413, %swap3A_414], %reshape3A_412 {strides = array<i32>} : memref<180x16xi32, #tpu.memory_space<vmem>>, vector<1x1xi32>,
      %eq3A_416 = vector.broadcast %squeeze3A_397 : i32 to vector<1x128xi32>
      %eq3A_417 = arith.cmpi eq, %iota3A_66, %eq3A_416 : vector<1x128xi32>
      %jit3A_418 = arith.constant -1.000000e+00 : f32
      %broadcast_in_dim3A_419 = vector.broadcast %jit3A_418 : f32 to vector<1x128xf32>
      %select_n3A_420 = arith.select %eq3A_417, %broadcast_in_dim3A_419, %get3A_395 : vector<1x128xi1>, vector<1x128xf32>
      %swap3A_421 = arith.constant 6 : index
      %swap3A_422 = arith.index_cast %reduce_max3A_390 : i32 to index
      %swap3A_423 = arith.constant 0 : index
      %swap3A_424 = vector.load %arg7[%swap3A_421, %swap3A_422, %swap3A_423] : memref<16x14x128xf32, #tpu.memory_space<vmem>>, vector<1x1x128xf32>
      %swap3A_425 = vector.shape_cast %swap3A_424 : vector<1x1x128xf32> to vector<1x128xf32>
      %swap3A_426 = vector.shape_cast %select_n3A_420 : vector<1x128xf32> to vector<1x1x128xf32>
      tpu.vector_store %arg7[%swap3A_421, %swap3A_422, %swap3A_423], %swap3A_426 {strides = array<i32>} : memref<16x14x128xf32, #tpu.memory_space<vmem>>, vector<1x1x128xf32>,
      %reduce_max3A_427 = vector.shape_cast %select_n3A_420 : vector<1x128xf32> to vector<1x1x128xf32>
      %reduce_max3A_428 = arith.constant dense<0xFF800000> : vector<1xf32>
      %reduce_max3A_429 = vector.multi_reduction <maximumf>, %reduce_max3A_427, %reduce_max3A_428 [1, 2] : vector<1x1x128xf32> to vector<1xf32>
      %reduce_max3A_430 = vector.shape_cast %reduce_max3A_429 : vector<1xf32> to vector<1x1x1xf32>
      %reduce_max3A_431 = vector.extract %reduce_max3A_430[0, 0, 0] : f32 from vector<1x1x1xf32>
      %reshape3A_432 = vector.broadcast %reduce_max3A_431 : f32 to vector<1x1xf32>
      %swap3A_433 = arith.constant 6 : index
      %swap3A_434 = arith.constant 0 : index
      %swap3A_435 = vector.load %arg11[%swap3A_433, %swap3A_434] : memref<16x128xf32, #tpu.memory_space<vmem>>, vector<1x1xf32>
      tpu.vector_store %arg11[%swap3A_433, %swap3A_434], %reshape3A_432 {strides = array<i32>} : memref<16x128xf32, #tpu.memory_space<vmem>>, vector<1x1xf32>,
      %slice3A_436 = vector.extract_strided_slice %broadcast_in_dim3A_82 {offsets = [7, 0], sizes = [1, 1], strides = [1, 1]} : vector<16x1xi32> to vector<1x1xi32>
      %reduce_max3A_437 = vector.shape_cast %slice3A_436 : vector<1x1xi32> to vector<1x1x1xi32>
      %reduce_max3A_438 = arith.constant dense<-2147483648> : vector<1xi32>
      %reduce_max3A_439 = vector.multi_reduction <maxsi>, %reduce_max3A_437, %reduce_max3A_438 [1, 2] : vector<1x1x1xi32> to vector<1xi32>
      %reduce_max3A_440 = vector.shape_cast %reduce_max3A_439 : vector<1xi32> to vector<1x1x1xi32>
      %reduce_max3A_441 = vector.extract %reduce_max3A_440[0, 0, 0] : i32 from vector<1x1x1xi32>
      %get3A_442 = arith.constant 7 : index
      %get3A_443 = arith.index_cast %reduce_max3A_441 : i32 to index
      %get3A_444 = arith.constant 0 : index
      %get3A_445 = vector.load %arg7[%get3A_442, %get3A_443, %get3A_444] : memref<16x14x128xf32, #tpu.memory_space<vmem>>, vector<1x1x128xf32>
      %get3A_446 = vector.shape_cast %get3A_445 : vector<1x1x128xf32> to vector<1x128xf32>
      %argmax3A_447 = tpu.reduce_index %get3A_446 {axis = 1 : i32, kind = #tpu.reduction_kind<arg_max>} : vector<1x128xf32> -> vector<1xi32>
      %squeeze3A_448 = vector.extract %argmax3A_447[0] : i32 from vector<1xi32>
      %reduce_max3A_449 = vector.shape_cast %get3A_446 : vector<1x128xf32> to vector<1x1x128xf32>
      %reduce_max3A_450 = arith.constant dense<0xFF800000> : vector<1xf32>
      %reduce_max3A_451 = vector.multi_reduction <maximumf>, %reduce_max3A_449, %reduce_max3A_450 [1, 2] : vector<1x1x128xf32> to vector<1xf32>
      %reduce_max3A_452 = vector.shape_cast %reduce_max3A_451 : vector<1xf32> to vector<1x1x1xf32>
      %reduce_max3A_453 = vector.extract %reduce_max3A_452[0, 0, 0] : f32 from vector<1x1x1xf32>
      %reshape3A_454 = vector.broadcast %reduce_max3A_453 : f32 to vector<1x1xf32>
      %swap3A_455 = arith.index_cast %add3A_83 : i32 to index
      %swap3A_456 = arith.constant 7 : index
      %swap3A_457 = vector.load %arg3[%swap3A_455, %swap3A_456] : memref<180x16xf32, #tpu.memory_space<vmem>>, vector<1x1xf32>
      tpu.vector_store %arg3[%swap3A_455, %swap3A_456], %reshape3A_454 {strides = array<i32>} : memref<180x16xf32, #tpu.memory_space<vmem>>, vector<1x1xf32>,
      %mul3A_458 = arith.constant 128 : i32
      %mul3A_459 = arith.muli %reduce_max3A_441, %mul3A_458 : i32
      %add3A_460 = arith.constant 124416 : i32
      %add3A_461 = arith.addi %add3A_460, %mul3A_459 : i32
      %add3A_462 = arith.addi %add3A_461, %squeeze3A_448 : i32
      %reshape3A_463 = vector.broadcast %add3A_462 : i32 to vector<1x1xi32>
      %swap3A_464 = arith.index_cast %add3A_83 : i32 to index
      %swap3A_465 = arith.constant 7 : index
      %swap3A_466 = vector.load %arg4[%swap3A_464, %swap3A_465] : memref<180x16xi32, #tpu.memory_space<vmem>>, vector<1x1xi32>
      tpu.vector_store %arg4[%swap3A_464, %swap3A_465], %reshape3A_463 {strides = array<i32>} : memref<180x16xi32, #tpu.memory_space<vmem>>, vector<1x1xi32>,
      %eq3A_467 = vector.broadcast %squeeze3A_448 : i32 to vector<1x128xi32>
      %eq3A_468 = arith.cmpi eq, %iota3A_66, %eq3A_467 : vector<1x128xi32>
      %jit3A_469 = arith.constant -1.000000e+00 : f32
      %broadcast_in_dim3A_470 = vector.broadcast %jit3A_469 : f32 to vector<1x128xf32>
      %select_n3A_471 = arith.select %eq3A_468, %broadcast_in_dim3A_470, %get3A_446 : vector<1x128xi1>, vector<1x128xf32>
      %swap3A_472 = arith.constant 7 : index
      %swap3A_473 = arith.index_cast %reduce_max3A_441 : i32 to index
      %swap3A_474 = arith.constant 0 : index
      %swap3A_475 = vector.load %arg7[%swap3A_472, %swap3A_473, %swap3A_474] : memref<16x14x128xf32, #tpu.memory_space<vmem>>, vector<1x1x128xf32>
      %swap3A_476 = vector.shape_cast %swap3A_475 : vector<1x1x128xf32> to vector<1x128xf32>
      %swap3A_477 = vector.shape_cast %select_n3A_471 : vector<1x128xf32> to vector<1x1x128xf32>
      tpu.vector_store %arg7[%swap3A_472, %swap3A_473, %swap3A_474], %swap3A_477 {strides = array<i32>} : memref<16x14x128xf32, #tpu.memory_space<vmem>>, vector<1x1x128xf32>,
      %reduce_max3A_478 = vector.shape_cast %select_n3A_471 : vector<1x128xf32> to vector<1x1x128xf32>
      %reduce_max3A_479 = arith.constant dense<0xFF800000> : vector<1xf32>
      %reduce_max3A_480 = vector.multi_reduction <maximumf>, %reduce_max3A_478, %reduce_max3A_479 [1, 2] : vector<1x1x128xf32> to vector<1xf32>
      %reduce_max3A_481 = vector.shape_cast %reduce_max3A_480 : vector<1xf32> to vector<1x1x1xf32>
      %reduce_max3A_482 = vector.extract %reduce_max3A_481[0, 0, 0] : f32 from vector<1x1x1xf32>
      %reshape3A_483 = vector.broadcast %reduce_max3A_482 : f32 to vector<1x1xf32>
      %swap3A_484 = arith.constant 7 : index
      %swap3A_485 = arith.constant 0 : index
      %swap3A_486 = vector.load %arg11[%swap3A_484, %swap3A_485] : memref<16x128xf32, #tpu.memory_space<vmem>>, vector<1x1xf32>
      tpu.vector_store %arg11[%swap3A_484, %swap3A_485], %reshape3A_483 {strides = array<i32>} : memref<16x128xf32, #tpu.memory_space<vmem>>, vector<1x1xf32>,
      %slice3A_487 = vector.extract_strided_slice %broadcast_in_dim3A_82 {offsets = [8, 0], sizes = [1, 1], strides = [1, 1]} : vector<16x1xi32> to vector<1x1xi32>
      %reduce_max3A_488 = vector.shape_cast %slice3A_487 : vector<1x1xi32> to vector<1x1x1xi32>
      %reduce_max3A_489 = arith.constant dense<-2147483648> : vector<1xi32>
      %reduce_max3A_490 = vector.multi_reduction <maxsi>, %reduce_max3A_488, %reduce_max3A_489 [1, 2] : vector<1x1x1xi32> to vector<1xi32>
      %reduce_max3A_491 = vector.shape_cast %reduce_max3A_490 : vector<1xi32> to vector<1x1x1xi32>
      %reduce_max3A_492 = vector.extract %reduce_max3A_491[0, 0, 0] : i32 from vector<1x1x1xi32>
      %get3A_493 = arith.constant 8 : index
      %get3A_494 = arith.index_cast %reduce_max3A_492 : i32 to index
      %get3A_495 = arith.constant 0 : index
      %get3A_496 = vector.load %arg7[%get3A_493, %get3A_494, %get3A_495] : memref<16x14x128xf32, #tpu.memory_space<vmem>>, vector<1x1x128xf32>
      %get3A_497 = vector.shape_cast %get3A_496 : vector<1x1x128xf32> to vector<1x128xf32>
      %argmax3A_498 = tpu.reduce_index %get3A_497 {axis = 1 : i32, kind = #tpu.reduction_kind<arg_max>} : vector<1x128xf32> -> vector<1xi32>
      %squeeze3A_499 = vector.extract %argmax3A_498[0] : i32 from vector<1xi32>
      %reduce_max3A_500 = vector.shape_cast %get3A_497 : vector<1x128xf32> to vector<1x1x128xf32>
      %reduce_max3A_501 = arith.constant dense<0xFF800000> : vector<1xf32>
      %reduce_max3A_502 = vector.multi_reduction <maximumf>, %reduce_max3A_500, %reduce_max3A_501 [1, 2] : vector<1x1x128xf32> to vector<1xf32>
      %reduce_max3A_503 = vector.shape_cast %reduce_max3A_502 : vector<1xf32> to vector<1x1x1xf32>
      %reduce_max3A_504 = vector.extract %reduce_max3A_503[0, 0, 0] : f32 from vector<1x1x1xf32>
      %reshape3A_505 = vector.broadcast %reduce_max3A_504 : f32 to vector<1x1xf32>
      %swap3A_506 = arith.index_cast %add3A_83 : i32 to index
      %swap3A_507 = arith.constant 8 : index
      %swap3A_508 = vector.load %arg3[%swap3A_506, %swap3A_507] : memref<180x16xf32, #tpu.memory_space<vmem>>, vector<1x1xf32>
      tpu.vector_store %arg3[%swap3A_506, %swap3A_507], %reshape3A_505 {strides = array<i32>} : memref<180x16xf32, #tpu.memory_space<vmem>>, vector<1x1xf32>,
      %mul3A_509 = arith.constant 128 : i32
      %mul3A_510 = arith.muli %reduce_max3A_492, %mul3A_509 : i32
      %add3A_511 = arith.constant 124416 : i32
      %add3A_512 = arith.addi %add3A_511, %mul3A_510 : i32
      %add3A_513 = arith.addi %add3A_512, %squeeze3A_499 : i32
      %reshape3A_514 = vector.broadcast %add3A_513 : i32 to vector<1x1xi32>
      %swap3A_515 = arith.index_cast %add3A_83 : i32 to index
      %swap3A_516 = arith.constant 8 : index
      %swap3A_517 = vector.load %arg4[%swap3A_515, %swap3A_516] : memref<180x16xi32, #tpu.memory_space<vmem>>, vector<1x1xi32>
      tpu.vector_store %arg4[%swap3A_515, %swap3A_516], %reshape3A_514 {strides = array<i32>} : memref<180x16xi32, #tpu.memory_space<vmem>>, vector<1x1xi32>,
      %eq3A_518 = vector.broadcast %squeeze3A_499 : i32 to vector<1x128xi32>
      %eq3A_519 = arith.cmpi eq, %iota3A_66, %eq3A_518 : vector<1x128xi32>
      %jit3A_520 = arith.constant -1.000000e+00 : f32
      %broadcast_in_dim3A_521 = vector.broadcast %jit3A_520 : f32 to vector<1x128xf32>
      %select_n3A_522 = arith.select %eq3A_519, %broadcast_in_dim3A_521, %get3A_497 : vector<1x128xi1>, vector<1x128xf32>
      %swap3A_523 = arith.constant 8 : index
      %swap3A_524 = arith.index_cast %reduce_max3A_492 : i32 to index
      %swap3A_525 = arith.constant 0 : index
      %swap3A_526 = vector.load %arg7[%swap3A_523, %swap3A_524, %swap3A_525] : memref<16x14x128xf32, #tpu.memory_space<vmem>>, vector<1x1x128xf32>
      %swap3A_527 = vector.shape_cast %swap3A_526 : vector<1x1x128xf32> to vector<1x128xf32>
      %swap3A_528 = vector.shape_cast %select_n3A_522 : vector<1x128xf32> to vector<1x1x128xf32>
      tpu.vector_store %arg7[%swap3A_523, %swap3A_524, %swap3A_525], %swap3A_528 {strides = array<i32>} : memref<16x14x128xf32, #tpu.memory_space<vmem>>, vector<1x1x128xf32>,
      %reduce_max3A_529 = vector.shape_cast %select_n3A_522 : vector<1x128xf32> to vector<1x1x128xf32>
      %reduce_max3A_530 = arith.constant dense<0xFF800000> : vector<1xf32>
      %reduce_max3A_531 = vector.multi_reduction <maximumf>, %reduce_max3A_529, %reduce_max3A_530 [1, 2] : vector<1x1x128xf32> to vector<1xf32>
      %reduce_max3A_532 = vector.shape_cast %reduce_max3A_531 : vector<1xf32> to vector<1x1x1xf32>
      %reduce_max3A_533 = vector.extract %reduce_max3A_532[0, 0, 0] : f32 from vector<1x1x1xf32>
      %reshape3A_534 = vector.broadcast %reduce_max3A_533 : f32 to vector<1x1xf32>
      %swap3A_535 = arith.constant 8 : index
      %swap3A_536 = arith.constant 0 : index
      %swap3A_537 = vector.load %arg11[%swap3A_535, %swap3A_536] : memref<16x128xf32, #tpu.memory_space<vmem>>, vector<1x1xf32>
      tpu.vector_store %arg11[%swap3A_535, %swap3A_536], %reshape3A_534 {strides = array<i32>} : memref<16x128xf32, #tpu.memory_space<vmem>>, vector<1x1xf32>,
      %slice3A_538 = vector.extract_strided_slice %broadcast_in_dim3A_82 {offsets = [9, 0], sizes = [1, 1], strides = [1, 1]} : vector<16x1xi32> to vector<1x1xi32>
      %reduce_max3A_539 = vector.shape_cast %slice3A_538 : vector<1x1xi32> to vector<1x1x1xi32>
      %reduce_max3A_540 = arith.constant dense<-2147483648> : vector<1xi32>
      %reduce_max3A_541 = vector.multi_reduction <maxsi>, %reduce_max3A_539, %reduce_max3A_540 [1, 2] : vector<1x1x1xi32> to vector<1xi32>
      %reduce_max3A_542 = vector.shape_cast %reduce_max3A_541 : vector<1xi32> to vector<1x1x1xi32>
      %reduce_max3A_543 = vector.extract %reduce_max3A_542[0, 0, 0] : i32 from vector<1x1x1xi32>
      %get3A_544 = arith.constant 9 : index
      %get3A_545 = arith.index_cast %reduce_max3A_543 : i32 to index
      %get3A_546 = arith.constant 0 : index
      %get3A_547 = vector.load %arg7[%get3A_544, %get3A_545, %get3A_546] : memref<16x14x128xf32, #tpu.memory_space<vmem>>, vector<1x1x128xf32>
      %get3A_548 = vector.shape_cast %get3A_547 : vector<1x1x128xf32> to vector<1x128xf32>
      %argmax3A_549 = tpu.reduce_index %get3A_548 {axis = 1 : i32, kind = #tpu.reduction_kind<arg_max>} : vector<1x128xf32> -> vector<1xi32>
      %squeeze3A_550 = vector.extract %argmax3A_549[0] : i32 from vector<1xi32>
      %reduce_max3A_551 = vector.shape_cast %get3A_548 : vector<1x128xf32> to vector<1x1x128xf32>
      %reduce_max3A_552 = arith.constant dense<0xFF800000> : vector<1xf32>
      %reduce_max3A_553 = vector.multi_reduction <maximumf>, %reduce_max3A_551, %reduce_max3A_552 [1, 2] : vector<1x1x128xf32> to vector<1xf32>
      %reduce_max3A_554 = vector.shape_cast %reduce_max3A_553 : vector<1xf32> to vector<1x1x1xf32>
      %reduce_max3A_555 = vector.extract %reduce_max3A_554[0, 0, 0] : f32 from vector<1x1x1xf32>
      %reshape3A_556 = vector.broadcast %reduce_max3A_555 : f32 to vector<1x1xf32>
      %swap3A_557 = arith.index_cast %add3A_83 : i32 to index
      %swap3A_558 = arith.constant 9 : index
      %swap3A_559 = vector.load %arg3[%swap3A_557, %swap3A_558] : memref<180x16xf32, #tpu.memory_space<vmem>>, vector<1x1xf32>
      tpu.vector_store %arg3[%swap3A_557, %swap3A_558], %reshape3A_556 {strides = array<i32>} : memref<180x16xf32, #tpu.memory_space<vmem>>, vector<1x1xf32>,
      %mul3A_560 = arith.constant 128 : i32
      %mul3A_561 = arith.muli %reduce_max3A_543, %mul3A_560 : i32
      %add3A_562 = arith.constant 124416 : i32
      %add3A_563 = arith.addi %add3A_562, %mul3A_561 : i32
      %add3A_564 = arith.addi %add3A_563, %squeeze3A_550 : i32
      %reshape3A_565 = vector.broadcast %add3A_564 : i32 to vector<1x1xi32>
      %swap3A_566 = arith.index_cast %add3A_83 : i32 to index
      %swap3A_567 = arith.constant 9 : index
      %swap3A_568 = vector.load %arg4[%swap3A_566, %swap3A_567] : memref<180x16xi32, #tpu.memory_space<vmem>>, vector<1x1xi32>
      tpu.vector_store %arg4[%swap3A_566, %swap3A_567], %reshape3A_565 {strides = array<i32>} : memref<180x16xi32, #tpu.memory_space<vmem>>, vector<1x1xi32>,
      %eq3A_569 = vector.broadcast %squeeze3A_550 : i32 to vector<1x128xi32>
      %eq3A_570 = arith.cmpi eq, %iota3A_66, %eq3A_569 : vector<1x128xi32>
      %jit3A_571 = arith.constant -1.000000e+00 : f32
      %broadcast_in_dim3A_572 = vector.broadcast %jit3A_571 : f32 to vector<1x128xf32>
      %select_n3A_573 = arith.select %eq3A_570, %broadcast_in_dim3A_572, %get3A_548 : vector<1x128xi1>, vector<1x128xf32>
      %swap3A_574 = arith.constant 9 : index
      %swap3A_575 = arith.index_cast %reduce_max3A_543 : i32 to index
      %swap3A_576 = arith.constant 0 : index
      %swap3A_577 = vector.load %arg7[%swap3A_574, %swap3A_575, %swap3A_576] : memref<16x14x128xf32, #tpu.memory_space<vmem>>, vector<1x1x128xf32>
      %swap3A_578 = vector.shape_cast %swap3A_577 : vector<1x1x128xf32> to vector<1x128xf32>
      %swap3A_579 = vector.shape_cast %select_n3A_573 : vector<1x128xf32> to vector<1x1x128xf32>
      tpu.vector_store %arg7[%swap3A_574, %swap3A_575, %swap3A_576], %swap3A_579 {strides = array<i32>} : memref<16x14x128xf32, #tpu.memory_space<vmem>>, vector<1x1x128xf32>,
      %reduce_max3A_580 = vector.shape_cast %select_n3A_573 : vector<1x128xf32> to vector<1x1x128xf32>
      %reduce_max3A_581 = arith.constant dense<0xFF800000> : vector<1xf32>
      %reduce_max3A_582 = vector.multi_reduction <maximumf>, %reduce_max3A_580, %reduce_max3A_581 [1, 2] : vector<1x1x128xf32> to vector<1xf32>
      %reduce_max3A_583 = vector.shape_cast %reduce_max3A_582 : vector<1xf32> to vector<1x1x1xf32>
      %reduce_max3A_584 = vector.extract %reduce_max3A_583[0, 0, 0] : f32 from vector<1x1x1xf32>
      %reshape3A_585 = vector.broadcast %reduce_max3A_584 : f32 to vector<1x1xf32>
      %swap3A_586 = arith.constant 9 : index
      %swap3A_587 = arith.constant 0 : index
      %swap3A_588 = vector.load %arg11[%swap3A_586, %swap3A_587] : memref<16x128xf32, #tpu.memory_space<vmem>>, vector<1x1xf32>
      tpu.vector_store %arg11[%swap3A_586, %swap3A_587], %reshape3A_585 {strides = array<i32>} : memref<16x128xf32, #tpu.memory_space<vmem>>, vector<1x1xf32>,
      %slice3A_589 = vector.extract_strided_slice %broadcast_in_dim3A_82 {offsets = [10, 0], sizes = [1, 1], strides = [1, 1]} : vector<16x1xi32> to vector<1x1xi32>
      %reduce_max3A_590 = vector.shape_cast %slice3A_589 : vector<1x1xi32> to vector<1x1x1xi32>
      %reduce_max3A_591 = arith.constant dense<-2147483648> : vector<1xi32>
      %reduce_max3A_592 = vector.multi_reduction <maxsi>, %reduce_max3A_590, %reduce_max3A_591 [1, 2] : vector<1x1x1xi32> to vector<1xi32>
      %reduce_max3A_593 = vector.shape_cast %reduce_max3A_592 : vector<1xi32> to vector<1x1x1xi32>
      %reduce_max3A_594 = vector.extract %reduce_max3A_593[0, 0, 0] : i32 from vector<1x1x1xi32>
      %get3A_595 = arith.constant 10 : index
      %get3A_596 = arith.index_cast %reduce_max3A_594 : i32 to index
      %get3A_597 = arith.constant 0 : index
      %get3A_598 = vector.load %arg7[%get3A_595, %get3A_596, %get3A_597] : memref<16x14x128xf32, #tpu.memory_space<vmem>>, vector<1x1x128xf32>
      %get3A_599 = vector.shape_cast %get3A_598 : vector<1x1x128xf32> to vector<1x128xf32>
      %argmax3A_600 = tpu.reduce_index %get3A_599 {axis = 1 : i32, kind = #tpu.reduction_kind<arg_max>} : vector<1x128xf32> -> vector<1xi32>
      %squeeze3A_601 = vector.extract %argmax3A_600[0] : i32 from vector<1xi32>
      %reduce_max3A_602 = vector.shape_cast %get3A_599 : vector<1x128xf32> to vector<1x1x128xf32>
      %reduce_max3A_603 = arith.constant dense<0xFF800000> : vector<1xf32>
      %reduce_max3A_604 = vector.multi_reduction <maximumf>, %reduce_max3A_602, %reduce_max3A_603 [1, 2] : vector<1x1x128xf32> to vector<1xf32>
      %reduce_max3A_605 = vector.shape_cast %reduce_max3A_604 : vector<1xf32> to vector<1x1x1xf32>
      %reduce_max3A_606 = vector.extract %reduce_max3A_605[0, 0, 0] : f32 from vector<1x1x1xf32>
      %reshape3A_607 = vector.broadcast %reduce_max3A_606 : f32 to vector<1x1xf32>
      %swap3A_608 = arith.index_cast %add3A_83 : i32 to index
      %swap3A_609 = arith.constant 10 : index
      %swap3A_610 = vector.load %arg3[%swap3A_608, %swap3A_609] : memref<180x16xf32, #tpu.memory_space<vmem>>, vector<1x1xf32>
      tpu.vector_store %arg3[%swap3A_608, %swap3A_609], %reshape3A_607 {strides = array<i32>} : memref<180x16xf32, #tpu.memory_space<vmem>>, vector<1x1xf32>,
      %mul3A_611 = arith.constant 128 : i32
      %mul3A_612 = arith.muli %reduce_max3A_594, %mul3A_611 : i32
      %add3A_613 = arith.constant 124416 : i32
      %add3A_614 = arith.addi %add3A_613, %mul3A_612 : i32
      %add3A_615 = arith.addi %add3A_614, %squeeze3A_601 : i32
      %reshape3A_616 = vector.broadcast %add3A_615 : i32 to vector<1x1xi32>
      %swap3A_617 = arith.index_cast %add3A_83 : i32 to index
      %swap3A_618 = arith.constant 10 : index
      %swap3A_619 = vector.load %arg4[%swap3A_617, %swap3A_618] : memref<180x16xi32, #tpu.memory_space<vmem>>, vector<1x1xi32>
      tpu.vector_store %arg4[%swap3A_617, %swap3A_618], %reshape3A_616 {strides = array<i32>} : memref<180x16xi32, #tpu.memory_space<vmem>>, vector<1x1xi32>,
      %eq3A_620 = vector.broadcast %squeeze3A_601 : i32 to vector<1x128xi32>
      %eq3A_621 = arith.cmpi eq, %iota3A_66, %eq3A_620 : vector<1x128xi32>
      %jit3A_622 = arith.constant -1.000000e+00 : f32
      %broadcast_in_dim3A_623 = vector.broadcast %jit3A_622 : f32 to vector<1x128xf32>
      %select_n3A_624 = arith.select %eq3A_621, %broadcast_in_dim3A_623, %get3A_599 : vector<1x128xi1>, vector<1x128xf32>
      %swap3A_625 = arith.constant 10 : index
      %swap3A_626 = arith.index_cast %reduce_max3A_594 : i32 to index
      %swap3A_627 = arith.constant 0 : index
      %swap3A_628 = vector.load %arg7[%swap3A_625, %swap3A_626, %swap3A_627] : memref<16x14x128xf32, #tpu.memory_space<vmem>>, vector<1x1x128xf32>
      %swap3A_629 = vector.shape_cast %swap3A_628 : vector<1x1x128xf32> to vector<1x128xf32>
      %swap3A_630 = vector.shape_cast %select_n3A_624 : vector<1x128xf32> to vector<1x1x128xf32>
      tpu.vector_store %arg7[%swap3A_625, %swap3A_626, %swap3A_627], %swap3A_630 {strides = array<i32>} : memref<16x14x128xf32, #tpu.memory_space<vmem>>, vector<1x1x128xf32>,
      %reduce_max3A_631 = vector.shape_cast %select_n3A_624 : vector<1x128xf32> to vector<1x1x128xf32>
      %reduce_max3A_632 = arith.constant dense<0xFF800000> : vector<1xf32>
      %reduce_max3A_633 = vector.multi_reduction <maximumf>, %reduce_max3A_631, %reduce_max3A_632 [1, 2] : vector<1x1x128xf32> to vector<1xf32>
      %reduce_max3A_634 = vector.shape_cast %reduce_max3A_633 : vector<1xf32> to vector<1x1x1xf32>
      %reduce_max3A_635 = vector.extract %reduce_max3A_634[0, 0, 0] : f32 from vector<1x1x1xf32>
      %reshape3A_636 = vector.broadcast %reduce_max3A_635 : f32 to vector<1x1xf32>
      %swap3A_637 = arith.constant 10 : index
      %swap3A_638 = arith.constant 0 : index
      %swap3A_639 = vector.load %arg11[%swap3A_637, %swap3A_638] : memref<16x128xf32, #tpu.memory_space<vmem>>, vector<1x1xf32>
      tpu.vector_store %arg11[%swap3A_637, %swap3A_638], %reshape3A_636 {strides = array<i32>} : memref<16x128xf32, #tpu.memory_space<vmem>>, vector<1x1xf32>,
      %slice3A_640 = vector.extract_strided_slice %broadcast_in_dim3A_82 {offsets = [11, 0], sizes = [1, 1], strides = [1, 1]} : vector<16x1xi32> to vector<1x1xi32>
      %reduce_max3A_641 = vector.shape_cast %slice3A_640 : vector<1x1xi32> to vector<1x1x1xi32>
      %reduce_max3A_642 = arith.constant dense<-2147483648> : vector<1xi32>
      %reduce_max3A_643 = vector.multi_reduction <maxsi>, %reduce_max3A_641, %reduce_max3A_642 [1, 2] : vector<1x1x1xi32> to vector<1xi32>
      %reduce_max3A_644 = vector.shape_cast %reduce_max3A_643 : vector<1xi32> to vector<1x1x1xi32>
      %reduce_max3A_645 = vector.extract %reduce_max3A_644[0, 0, 0] : i32 from vector<1x1x1xi32>
      %get3A_646 = arith.constant 11 : index
      %get3A_647 = arith.index_cast %reduce_max3A_645 : i32 to index
      %get3A_648 = arith.constant 0 : index
      %get3A_649 = vector.load %arg7[%get3A_646, %get3A_647, %get3A_648] : memref<16x14x128xf32, #tpu.memory_space<vmem>>, vector<1x1x128xf32>
      %get3A_650 = vector.shape_cast %get3A_649 : vector<1x1x128xf32> to vector<1x128xf32>
      %argmax3A_651 = tpu.reduce_index %get3A_650 {axis = 1 : i32, kind = #tpu.reduction_kind<arg_max>} : vector<1x128xf32> -> vector<1xi32>
      %squeeze3A_652 = vector.extract %argmax3A_651[0] : i32 from vector<1xi32>
      %reduce_max3A_653 = vector.shape_cast %get3A_650 : vector<1x128xf32> to vector<1x1x128xf32>
      %reduce_max3A_654 = arith.constant dense<0xFF800000> : vector<1xf32>
      %reduce_max3A_655 = vector.multi_reduction <maximumf>, %reduce_max3A_653, %reduce_max3A_654 [1, 2] : vector<1x1x128xf32> to vector<1xf32>
      %reduce_max3A_656 = vector.shape_cast %reduce_max3A_655 : vector<1xf32> to vector<1x1x1xf32>
      %reduce_max3A_657 = vector.extract %reduce_max3A_656[0, 0, 0] : f32 from vector<1x1x1xf32>
      %reshape3A_658 = vector.broadcast %reduce_max3A_657 : f32 to vector<1x1xf32>
      %swap3A_659 = arith.index_cast %add3A_83 : i32 to index
      %swap3A_660 = arith.constant 11 : index
      %swap3A_661 = vector.load %arg3[%swap3A_659, %swap3A_660] : memref<180x16xf32, #tpu.memory_space<vmem>>, vector<1x1xf32>
      tpu.vector_store %arg3[%swap3A_659, %swap3A_660], %reshape3A_658 {strides = array<i32>} : memref<180x16xf32, #tpu.memory_space<vmem>>, vector<1x1xf32>,
      %mul3A_662 = arith.constant 128 : i32
      %mul3A_663 = arith.muli %reduce_max3A_645, %mul3A_662 : i32
      %add3A_664 = arith.constant 124416 : i32
      %add3A_665 = arith.addi %add3A_664, %mul3A_663 : i32
      %add3A_666 = arith.addi %add3A_665, %squeeze3A_652 : i32
      %reshape3A_667 = vector.broadcast %add3A_666 : i32 to vector<1x1xi32>
      %swap3A_668 = arith.index_cast %add3A_83 : i32 to index
      %swap3A_669 = arith.constant 11 : index
      %swap3A_670 = vector.load %arg4[%swap3A_668, %swap3A_669] : memref<180x16xi32, #tpu.memory_space<vmem>>, vector<1x1xi32>
      tpu.vector_store %arg4[%swap3A_668, %swap3A_669], %reshape3A_667 {strides = array<i32>} : memref<180x16xi32, #tpu.memory_space<vmem>>, vector<1x1xi32>,
      %eq3A_671 = vector.broadcast %squeeze3A_652 : i32 to vector<1x128xi32>
      %eq3A_672 = arith.cmpi eq, %iota3A_66, %eq3A_671 : vector<1x128xi32>
      %jit3A_673 = arith.constant -1.000000e+00 : f32
      %broadcast_in_dim3A_674 = vector.broadcast %jit3A_673 : f32 to vector<1x128xf32>
      %select_n3A_675 = arith.select %eq3A_672, %broadcast_in_dim3A_674, %get3A_650 : vector<1x128xi1>, vector<1x128xf32>
      %swap3A_676 = arith.constant 11 : index
      %swap3A_677 = arith.index_cast %reduce_max3A_645 : i32 to index
      %swap3A_678 = arith.constant 0 : index
      %swap3A_679 = vector.load %arg7[%swap3A_676, %swap3A_677, %swap3A_678] : memref<16x14x128xf32, #tpu.memory_space<vmem>>, vector<1x1x128xf32>
      %swap3A_680 = vector.shape_cast %swap3A_679 : vector<1x1x128xf32> to vector<1x128xf32>
      %swap3A_681 = vector.shape_cast %select_n3A_675 : vector<1x128xf32> to vector<1x1x128xf32>
      tpu.vector_store %arg7[%swap3A_676, %swap3A_677, %swap3A_678], %swap3A_681 {strides = array<i32>} : memref<16x14x128xf32, #tpu.memory_space<vmem>>, vector<1x1x128xf32>,
      %reduce_max3A_682 = vector.shape_cast %select_n3A_675 : vector<1x128xf32> to vector<1x1x128xf32>
      %reduce_max3A_683 = arith.constant dense<0xFF800000> : vector<1xf32>
      %reduce_max3A_684 = vector.multi_reduction <maximumf>, %reduce_max3A_682, %reduce_max3A_683 [1, 2] : vector<1x1x128xf32> to vector<1xf32>
      %reduce_max3A_685 = vector.shape_cast %reduce_max3A_684 : vector<1xf32> to vector<1x1x1xf32>
      %reduce_max3A_686 = vector.extract %reduce_max3A_685[0, 0, 0] : f32 from vector<1x1x1xf32>
      %reshape3A_687 = vector.broadcast %reduce_max3A_686 : f32 to vector<1x1xf32>
      %swap3A_688 = arith.constant 11 : index
      %swap3A_689 = arith.constant 0 : index
      %swap3A_690 = vector.load %arg11[%swap3A_688, %swap3A_689] : memref<16x128xf32, #tpu.memory_space<vmem>>, vector<1x1xf32>
      tpu.vector_store %arg11[%swap3A_688, %swap3A_689], %reshape3A_687 {strides = array<i32>} : memref<16x128xf32, #tpu.memory_space<vmem>>, vector<1x1xf32>,
      %slice3A_691 = vector.extract_strided_slice %broadcast_in_dim3A_82 {offsets = [12, 0], sizes = [1, 1], strides = [1, 1]} : vector<16x1xi32> to vector<1x1xi32>
      %reduce_max3A_692 = vector.shape_cast %slice3A_691 : vector<1x1xi32> to vector<1x1x1xi32>
      %reduce_max3A_693 = arith.constant dense<-2147483648> : vector<1xi32>
      %reduce_max3A_694 = vector.multi_reduction <maxsi>, %reduce_max3A_692, %reduce_max3A_693 [1, 2] : vector<1x1x1xi32> to vector<1xi32>
      %reduce_max3A_695 = vector.shape_cast %reduce_max3A_694 : vector<1xi32> to vector<1x1x1xi32>
      %reduce_max3A_696 = vector.extract %reduce_max3A_695[0, 0, 0] : i32 from vector<1x1x1xi32>
      %get3A_697 = arith.constant 12 : index
      %get3A_698 = arith.index_cast %reduce_max3A_696 : i32 to index
      %get3A_699 = arith.constant 0 : index
      %get3A_700 = vector.load %arg7[%get3A_697, %get3A_698, %get3A_699] : memref<16x14x128xf32, #tpu.memory_space<vmem>>, vector<1x1x128xf32>
      %get3A_701 = vector.shape_cast %get3A_700 : vector<1x1x128xf32> to vector<1x128xf32>
      %argmax3A_702 = tpu.reduce_index %get3A_701 {axis = 1 : i32, kind = #tpu.reduction_kind<arg_max>} : vector<1x128xf32> -> vector<1xi32>
      %squeeze3A_703 = vector.extract %argmax3A_702[0] : i32 from vector<1xi32>
      %reduce_max3A_704 = vector.shape_cast %get3A_701 : vector<1x128xf32> to vector<1x1x128xf32>
      %reduce_max3A_705 = arith.constant dense<0xFF800000> : vector<1xf32>
      %reduce_max3A_706 = vector.multi_reduction <maximumf>, %reduce_max3A_704, %reduce_max3A_705 [1, 2] : vector<1x1x128xf32> to vector<1xf32>
      %reduce_max3A_707 = vector.shape_cast %reduce_max3A_706 : vector<1xf32> to vector<1x1x1xf32>
      %reduce_max3A_708 = vector.extract %reduce_max3A_707[0, 0, 0] : f32 from vector<1x1x1xf32>
      %reshape3A_709 = vector.broadcast %reduce_max3A_708 : f32 to vector<1x1xf32>
      %swap3A_710 = arith.index_cast %add3A_83 : i32 to index
      %swap3A_711 = arith.constant 12 : index
      %swap3A_712 = vector.load %arg3[%swap3A_710, %swap3A_711] : memref<180x16xf32, #tpu.memory_space<vmem>>, vector<1x1xf32>
      tpu.vector_store %arg3[%swap3A_710, %swap3A_711], %reshape3A_709 {strides = array<i32>} : memref<180x16xf32, #tpu.memory_space<vmem>>, vector<1x1xf32>,
      %mul3A_713 = arith.constant 128 : i32
      %mul3A_714 = arith.muli %reduce_max3A_696, %mul3A_713 : i32
      %add3A_715 = arith.constant 124416 : i32
      %add3A_716 = arith.addi %add3A_715, %mul3A_714 : i32
      %add3A_717 = arith.addi %add3A_716, %squeeze3A_703 : i32
      %reshape3A_718 = vector.broadcast %add3A_717 : i32 to vector<1x1xi32>
      %swap3A_719 = arith.index_cast %add3A_83 : i32 to index
      %swap3A_720 = arith.constant 12 : index
      %swap3A_721 = vector.load %arg4[%swap3A_719, %swap3A_720] : memref<180x16xi32, #tpu.memory_space<vmem>>, vector<1x1xi32>
      tpu.vector_store %arg4[%swap3A_719, %swap3A_720], %reshape3A_718 {strides = array<i32>} : memref<180x16xi32, #tpu.memory_space<vmem>>, vector<1x1xi32>,
      %eq3A_722 = vector.broadcast %squeeze3A_703 : i32 to vector<1x128xi32>
      %eq3A_723 = arith.cmpi eq, %iota3A_66, %eq3A_722 : vector<1x128xi32>
      %jit3A_724 = arith.constant -1.000000e+00 : f32
      %broadcast_in_dim3A_725 = vector.broadcast %jit3A_724 : f32 to vector<1x128xf32>
      %select_n3A_726 = arith.select %eq3A_723, %broadcast_in_dim3A_725, %get3A_701 : vector<1x128xi1>, vector<1x128xf32>
      %swap3A_727 = arith.constant 12 : index
      %swap3A_728 = arith.index_cast %reduce_max3A_696 : i32 to index
      %swap3A_729 = arith.constant 0 : index
      %swap3A_730 = vector.load %arg7[%swap3A_727, %swap3A_728, %swap3A_729] : memref<16x14x128xf32, #tpu.memory_space<vmem>>, vector<1x1x128xf32>
      %swap3A_731 = vector.shape_cast %swap3A_730 : vector<1x1x128xf32> to vector<1x128xf32>
      %swap3A_732 = vector.shape_cast %select_n3A_726 : vector<1x128xf32> to vector<1x1x128xf32>
      tpu.vector_store %arg7[%swap3A_727, %swap3A_728, %swap3A_729], %swap3A_732 {strides = array<i32>} : memref<16x14x128xf32, #tpu.memory_space<vmem>>, vector<1x1x128xf32>,
      %reduce_max3A_733 = vector.shape_cast %select_n3A_726 : vector<1x128xf32> to vector<1x1x128xf32>
      %reduce_max3A_734 = arith.constant dense<0xFF800000> : vector<1xf32>
      %reduce_max3A_735 = vector.multi_reduction <maximumf>, %reduce_max3A_733, %reduce_max3A_734 [1, 2] : vector<1x1x128xf32> to vector<1xf32>
      %reduce_max3A_736 = vector.shape_cast %reduce_max3A_735 : vector<1xf32> to vector<1x1x1xf32>
      %reduce_max3A_737 = vector.extract %reduce_max3A_736[0, 0, 0] : f32 from vector<1x1x1xf32>
      %reshape3A_738 = vector.broadcast %reduce_max3A_737 : f32 to vector<1x1xf32>
      %swap3A_739 = arith.constant 12 : index
      %swap3A_740 = arith.constant 0 : index
      %swap3A_741 = vector.load %arg11[%swap3A_739, %swap3A_740] : memref<16x128xf32, #tpu.memory_space<vmem>>, vector<1x1xf32>
      tpu.vector_store %arg11[%swap3A_739, %swap3A_740], %reshape3A_738 {strides = array<i32>} : memref<16x128xf32, #tpu.memory_space<vmem>>, vector<1x1xf32>,
      %slice3A_742 = vector.extract_strided_slice %broadcast_in_dim3A_82 {offsets = [13, 0], sizes = [1, 1], strides = [1, 1]} : vector<16x1xi32> to vector<1x1xi32>
      %reduce_max3A_743 = vector.shape_cast %slice3A_742 : vector<1x1xi32> to vector<1x1x1xi32>
      %reduce_max3A_744 = arith.constant dense<-2147483648> : vector<1xi32>
      %reduce_max3A_745 = vector.multi_reduction <maxsi>, %reduce_max3A_743, %reduce_max3A_744 [1, 2] : vector<1x1x1xi32> to vector<1xi32>
      %reduce_max3A_746 = vector.shape_cast %reduce_max3A_745 : vector<1xi32> to vector<1x1x1xi32>
      %reduce_max3A_747 = vector.extract %reduce_max3A_746[0, 0, 0] : i32 from vector<1x1x1xi32>
      %get3A_748 = arith.constant 13 : index
      %get3A_749 = arith.index_cast %reduce_max3A_747 : i32 to index
      %get3A_750 = arith.constant 0 : index
      %get3A_751 = vector.load %arg7[%get3A_748, %get3A_749, %get3A_750] : memref<16x14x128xf32, #tpu.memory_space<vmem>>, vector<1x1x128xf32>
      %get3A_752 = vector.shape_cast %get3A_751 : vector<1x1x128xf32> to vector<1x128xf32>
      %argmax3A_753 = tpu.reduce_index %get3A_752 {axis = 1 : i32, kind = #tpu.reduction_kind<arg_max>} : vector<1x128xf32> -> vector<1xi32>
      %squeeze3A_754 = vector.extract %argmax3A_753[0] : i32 from vector<1xi32>
      %reduce_max3A_755 = vector.shape_cast %get3A_752 : vector<1x128xf32> to vector<1x1x128xf32>
      %reduce_max3A_756 = arith.constant dense<0xFF800000> : vector<1xf32>
      %reduce_max3A_757 = vector.multi_reduction <maximumf>, %reduce_max3A_755, %reduce_max3A_756 [1, 2] : vector<1x1x128xf32> to vector<1xf32>
      %reduce_max3A_758 = vector.shape_cast %reduce_max3A_757 : vector<1xf32> to vector<1x1x1xf32>
      %reduce_max3A_759 = vector.extract %reduce_max3A_758[0, 0, 0] : f32 from vector<1x1x1xf32>
      %reshape3A_760 = vector.broadcast %reduce_max3A_759 : f32 to vector<1x1xf32>
      %swap3A_761 = arith.index_cast %add3A_83 : i32 to index
      %swap3A_762 = arith.constant 13 : index
      %swap3A_763 = vector.load %arg3[%swap3A_761, %swap3A_762] : memref<180x16xf32, #tpu.memory_space<vmem>>, vector<1x1xf32>
      tpu.vector_store %arg3[%swap3A_761, %swap3A_762], %reshape3A_760 {strides = array<i32>} : memref<180x16xf32, #tpu.memory_space<vmem>>, vector<1x1xf32>,
      %mul3A_764 = arith.constant 128 : i32
      %mul3A_765 = arith.muli %reduce_max3A_747, %mul3A_764 : i32
      %add3A_766 = arith.constant 124416 : i32
      %add3A_767 = arith.addi %add3A_766, %mul3A_765 : i32
      %add3A_768 = arith.addi %add3A_767, %squeeze3A_754 : i32
      %reshape3A_769 = vector.broadcast %add3A_768 : i32 to vector<1x1xi32>
      %swap3A_770 = arith.index_cast %add3A_83 : i32 to index
      %swap3A_771 = arith.constant 13 : index
      %swap3A_772 = vector.load %arg4[%swap3A_770, %swap3A_771] : memref<180x16xi32, #tpu.memory_space<vmem>>, vector<1x1xi32>
      tpu.vector_store %arg4[%swap3A_770, %swap3A_771], %reshape3A_769 {strides = array<i32>} : memref<180x16xi32, #tpu.memory_space<vmem>>, vector<1x1xi32>,
      %eq3A_773 = vector.broadcast %squeeze3A_754 : i32 to vector<1x128xi32>
      %eq3A_774 = arith.cmpi eq, %iota3A_66, %eq3A_773 : vector<1x128xi32>
      %jit3A_775 = arith.constant -1.000000e+00 : f32
      %broadcast_in_dim3A_776 = vector.broadcast %jit3A_775 : f32 to vector<1x128xf32>
      %select_n3A_777 = arith.select %eq3A_774, %broadcast_in_dim3A_776, %get3A_752 : vector<1x128xi1>, vector<1x128xf32>
      %swap3A_778 = arith.constant 13 : index
      %swap3A_779 = arith.index_cast %reduce_max3A_747 : i32 to index
      %swap3A_780 = arith.constant 0 : index
      %swap3A_781 = vector.load %arg7[%swap3A_778, %swap3A_779, %swap3A_780] : memref<16x14x128xf32, #tpu.memory_space<vmem>>, vector<1x1x128xf32>
      %swap3A_782 = vector.shape_cast %swap3A_781 : vector<1x1x128xf32> to vector<1x128xf32>
      %swap3A_783 = vector.shape_cast %select_n3A_777 : vector<1x128xf32> to vector<1x1x128xf32>
      tpu.vector_store %arg7[%swap3A_778, %swap3A_779, %swap3A_780], %swap3A_783 {strides = array<i32>} : memref<16x14x128xf32, #tpu.memory_space<vmem>>, vector<1x1x128xf32>,
      %reduce_max3A_784 = vector.shape_cast %select_n3A_777 : vector<1x128xf32> to vector<1x1x128xf32>
      %reduce_max3A_785 = arith.constant dense<0xFF800000> : vector<1xf32>
      %reduce_max3A_786 = vector.multi_reduction <maximumf>, %reduce_max3A_784, %reduce_max3A_785 [1, 2] : vector<1x1x128xf32> to vector<1xf32>
      %reduce_max3A_787 = vector.shape_cast %reduce_max3A_786 : vector<1xf32> to vector<1x1x1xf32>
      %reduce_max3A_788 = vector.extract %reduce_max3A_787[0, 0, 0] : f32 from vector<1x1x1xf32>
      %reshape3A_789 = vector.broadcast %reduce_max3A_788 : f32 to vector<1x1xf32>
      %swap3A_790 = arith.constant 13 : index
      %swap3A_791 = arith.constant 0 : index
      %swap3A_792 = vector.load %arg11[%swap3A_790, %swap3A_791] : memref<16x128xf32, #tpu.memory_space<vmem>>, vector<1x1xf32>
      tpu.vector_store %arg11[%swap3A_790, %swap3A_791], %reshape3A_789 {strides = array<i32>} : memref<16x128xf32, #tpu.memory_space<vmem>>, vector<1x1xf32>,
      %slice3A_793 = vector.extract_strided_slice %broadcast_in_dim3A_82 {offsets = [14, 0], sizes = [1, 1], strides = [1, 1]} : vector<16x1xi32> to vector<1x1xi32>
      %reduce_max3A_794 = vector.shape_cast %slice3A_793 : vector<1x1xi32> to vector<1x1x1xi32>
      %reduce_max3A_795 = arith.constant dense<-2147483648> : vector<1xi32>
      %reduce_max3A_796 = vector.multi_reduction <maxsi>, %reduce_max3A_794, %reduce_max3A_795 [1, 2] : vector<1x1x1xi32> to vector<1xi32>
      %reduce_max3A_797 = vector.shape_cast %reduce_max3A_796 : vector<1xi32> to vector<1x1x1xi32>
      %reduce_max3A_798 = vector.extract %reduce_max3A_797[0, 0, 0] : i32 from vector<1x1x1xi32>
      %get3A_799 = arith.constant 14 : index
      %get3A_800 = arith.index_cast %reduce_max3A_798 : i32 to index
      %get3A_801 = arith.constant 0 : index
      %get3A_802 = vector.load %arg7[%get3A_799, %get3A_800, %get3A_801] : memref<16x14x128xf32, #tpu.memory_space<vmem>>, vector<1x1x128xf32>
      %get3A_803 = vector.shape_cast %get3A_802 : vector<1x1x128xf32> to vector<1x128xf32>
      %argmax3A_804 = tpu.reduce_index %get3A_803 {axis = 1 : i32, kind = #tpu.reduction_kind<arg_max>} : vector<1x128xf32> -> vector<1xi32>
      %squeeze3A_805 = vector.extract %argmax3A_804[0] : i32 from vector<1xi32>
      %reduce_max3A_806 = vector.shape_cast %get3A_803 : vector<1x128xf32> to vector<1x1x128xf32>
      %reduce_max3A_807 = arith.constant dense<0xFF800000> : vector<1xf32>
      %reduce_max3A_808 = vector.multi_reduction <maximumf>, %reduce_max3A_806, %reduce_max3A_807 [1, 2] : vector<1x1x128xf32> to vector<1xf32>
      %reduce_max3A_809 = vector.shape_cast %reduce_max3A_808 : vector<1xf32> to vector<1x1x1xf32>
      %reduce_max3A_810 = vector.extract %reduce_max3A_809[0, 0, 0] : f32 from vector<1x1x1xf32>
      %reshape3A_811 = vector.broadcast %reduce_max3A_810 : f32 to vector<1x1xf32>
      %swap3A_812 = arith.index_cast %add3A_83 : i32 to index
      %swap3A_813 = arith.constant 14 : index
      %swap3A_814 = vector.load %arg3[%swap3A_812, %swap3A_813] : memref<180x16xf32, #tpu.memory_space<vmem>>, vector<1x1xf32>
      tpu.vector_store %arg3[%swap3A_812, %swap3A_813], %reshape3A_811 {strides = array<i32>} : memref<180x16xf32, #tpu.memory_space<vmem>>, vector<1x1xf32>,
      %mul3A_815 = arith.constant 128 : i32
      %mul3A_816 = arith.muli %reduce_max3A_798, %mul3A_815 : i32
      %add3A_817 = arith.constant 124416 : i32
      %add3A_818 = arith.addi %add3A_817, %mul3A_816 : i32
      %add3A_819 = arith.addi %add3A_818, %squeeze3A_805 : i32
      %reshape3A_820 = vector.broadcast %add3A_819 : i32 to vector<1x1xi32>
      %swap3A_821 = arith.index_cast %add3A_83 : i32 to index
      %swap3A_822 = arith.constant 14 : index
      %swap3A_823 = vector.load %arg4[%swap3A_821, %swap3A_822] : memref<180x16xi32, #tpu.memory_space<vmem>>, vector<1x1xi32>
      tpu.vector_store %arg4[%swap3A_821, %swap3A_822], %reshape3A_820 {strides = array<i32>} : memref<180x16xi32, #tpu.memory_space<vmem>>, vector<1x1xi32>,
      %eq3A_824 = vector.broadcast %squeeze3A_805 : i32 to vector<1x128xi32>
      %eq3A_825 = arith.cmpi eq, %iota3A_66, %eq3A_824 : vector<1x128xi32>
      %jit3A_826 = arith.constant -1.000000e+00 : f32
      %broadcast_in_dim3A_827 = vector.broadcast %jit3A_826 : f32 to vector<1x128xf32>
      %select_n3A_828 = arith.select %eq3A_825, %broadcast_in_dim3A_827, %get3A_803 : vector<1x128xi1>, vector<1x128xf32>
      %swap3A_829 = arith.constant 14 : index
      %swap3A_830 = arith.index_cast %reduce_max3A_798 : i32 to index
      %swap3A_831 = arith.constant 0 : index
      %swap3A_832 = vector.load %arg7[%swap3A_829, %swap3A_830, %swap3A_831] : memref<16x14x128xf32, #tpu.memory_space<vmem>>, vector<1x1x128xf32>
      %swap3A_833 = vector.shape_cast %swap3A_832 : vector<1x1x128xf32> to vector<1x128xf32>
      %swap3A_834 = vector.shape_cast %select_n3A_828 : vector<1x128xf32> to vector<1x1x128xf32>
      tpu.vector_store %arg7[%swap3A_829, %swap3A_830, %swap3A_831], %swap3A_834 {strides = array<i32>} : memref<16x14x128xf32, #tpu.memory_space<vmem>>, vector<1x1x128xf32>,
      %reduce_max3A_835 = vector.shape_cast %select_n3A_828 : vector<1x128xf32> to vector<1x1x128xf32>
      %reduce_max3A_836 = arith.constant dense<0xFF800000> : vector<1xf32>
      %reduce_max3A_837 = vector.multi_reduction <maximumf>, %reduce_max3A_835, %reduce_max3A_836 [1, 2] : vector<1x1x128xf32> to vector<1xf32>
      %reduce_max3A_838 = vector.shape_cast %reduce_max3A_837 : vector<1xf32> to vector<1x1x1xf32>
      %reduce_max3A_839 = vector.extract %reduce_max3A_838[0, 0, 0] : f32 from vector<1x1x1xf32>
      %reshape3A_840 = vector.broadcast %reduce_max3A_839 : f32 to vector<1x1xf32>
      %swap3A_841 = arith.constant 14 : index
      %swap3A_842 = arith.constant 0 : index
      %swap3A_843 = vector.load %arg11[%swap3A_841, %swap3A_842] : memref<16x128xf32, #tpu.memory_space<vmem>>, vector<1x1xf32>
      tpu.vector_store %arg11[%swap3A_841, %swap3A_842], %reshape3A_840 {strides = array<i32>} : memref<16x128xf32, #tpu.memory_space<vmem>>, vector<1x1xf32>,
      %slice3A_844 = vector.extract_strided_slice %broadcast_in_dim3A_82 {offsets = [15, 0], sizes = [1, 1], strides = [1, 1]} : vector<16x1xi32> to vector<1x1xi32>
      %reduce_max3A_845 = vector.shape_cast %slice3A_844 : vector<1x1xi32> to vector<1x1x1xi32>
      %reduce_max3A_846 = arith.constant dense<-2147483648> : vector<1xi32>
      %reduce_max3A_847 = vector.multi_reduction <maxsi>, %reduce_max3A_845, %reduce_max3A_846 [1, 2] : vector<1x1x1xi32> to vector<1xi32>
      %reduce_max3A_848 = vector.shape_cast %reduce_max3A_847 : vector<1xi32> to vector<1x1x1xi32>
      %reduce_max3A_849 = vector.extract %reduce_max3A_848[0, 0, 0] : i32 from vector<1x1x1xi32>
      %get3A_850 = arith.constant 15 : index
      %get3A_851 = arith.index_cast %reduce_max3A_849 : i32 to index
      %get3A_852 = arith.constant 0 : index
      %get3A_853 = vector.load %arg7[%get3A_850, %get3A_851, %get3A_852] : memref<16x14x128xf32, #tpu.memory_space<vmem>>, vector<1x1x128xf32>
      %get3A_854 = vector.shape_cast %get3A_853 : vector<1x1x128xf32> to vector<1x128xf32>
      %argmax3A_855 = tpu.reduce_index %get3A_854 {axis = 1 : i32, kind = #tpu.reduction_kind<arg_max>} : vector<1x128xf32> -> vector<1xi32>
      %squeeze3A_856 = vector.extract %argmax3A_855[0] : i32 from vector<1xi32>
      %reduce_max3A_857 = vector.shape_cast %get3A_854 : vector<1x128xf32> to vector<1x1x128xf32>
      %reduce_max3A_858 = arith.constant dense<0xFF800000> : vector<1xf32>
      %reduce_max3A_859 = vector.multi_reduction <maximumf>, %reduce_max3A_857, %reduce_max3A_858 [1, 2] : vector<1x1x128xf32> to vector<1xf32>
      %reduce_max3A_860 = vector.shape_cast %reduce_max3A_859 : vector<1xf32> to vector<1x1x1xf32>
      %reduce_max3A_861 = vector.extract %reduce_max3A_860[0, 0, 0] : f32 from vector<1x1x1xf32>
      %reshape3A_862 = vector.broadcast %reduce_max3A_861 : f32 to vector<1x1xf32>
      %swap3A_863 = arith.index_cast %add3A_83 : i32 to index
      %swap3A_864 = arith.constant 15 : index
      %swap3A_865 = vector.load %arg3[%swap3A_863, %swap3A_864] : memref<180x16xf32, #tpu.memory_space<vmem>>, vector<1x1xf32>
      tpu.vector_store %arg3[%swap3A_863, %swap3A_864], %reshape3A_862 {strides = array<i32>} : memref<180x16xf32, #tpu.memory_space<vmem>>, vector<1x1xf32>,
      %mul3A_866 = arith.constant 128 : i32
      %mul3A_867 = arith.muli %reduce_max3A_849, %mul3A_866 : i32
      %add3A_868 = arith.constant 124416 : i32
      %add3A_869 = arith.addi %add3A_868, %mul3A_867 : i32
      %add3A_870 = arith.addi %add3A_869, %squeeze3A_856 : i32
      %reshape3A_871 = vector.broadcast %add3A_870 : i32 to vector<1x1xi32>
      %swap3A_872 = arith.index_cast %add3A_83 : i32 to index
      %swap3A_873 = arith.constant 15 : index
      %swap3A_874 = vector.load %arg4[%swap3A_872, %swap3A_873] : memref<180x16xi32, #tpu.memory_space<vmem>>, vector<1x1xi32>
      tpu.vector_store %arg4[%swap3A_872, %swap3A_873], %reshape3A_871 {strides = array<i32>} : memref<180x16xi32, #tpu.memory_space<vmem>>, vector<1x1xi32>,
      %eq3A_875 = vector.broadcast %squeeze3A_856 : i32 to vector<1x128xi32>
      %eq3A_876 = arith.cmpi eq, %iota3A_66, %eq3A_875 : vector<1x128xi32>
      %jit3A_877 = arith.constant -1.000000e+00 : f32
      %broadcast_in_dim3A_878 = vector.broadcast %jit3A_877 : f32 to vector<1x128xf32>
      %select_n3A_879 = arith.select %eq3A_876, %broadcast_in_dim3A_878, %get3A_854 : vector<1x128xi1>, vector<1x128xf32>
      %swap3A_880 = arith.constant 15 : index
      %swap3A_881 = arith.index_cast %reduce_max3A_849 : i32 to index
      %swap3A_882 = arith.constant 0 : index
      %swap3A_883 = vector.load %arg7[%swap3A_880, %swap3A_881, %swap3A_882] : memref<16x14x128xf32, #tpu.memory_space<vmem>>, vector<1x1x128xf32>
      %swap3A_884 = vector.shape_cast %swap3A_883 : vector<1x1x128xf32> to vector<1x128xf32>
      %swap3A_885 = vector.shape_cast %select_n3A_879 : vector<1x128xf32> to vector<1x1x128xf32>
      tpu.vector_store %arg7[%swap3A_880, %swap3A_881, %swap3A_882], %swap3A_885 {strides = array<i32>} : memref<16x14x128xf32, #tpu.memory_space<vmem>>, vector<1x1x128xf32>,
      %reduce_max3A_886 = vector.shape_cast %select_n3A_879 : vector<1x128xf32> to vector<1x1x128xf32>
      %reduce_max3A_887 = arith.constant dense<0xFF800000> : vector<1xf32>
      %reduce_max3A_888 = vector.multi_reduction <maximumf>, %reduce_max3A_886, %reduce_max3A_887 [1, 2] : vector<1x1x128xf32> to vector<1xf32>
      %reduce_max3A_889 = vector.shape_cast %reduce_max3A_888 : vector<1xf32> to vector<1x1x1xf32>
      %reduce_max3A_890 = vector.extract %reduce_max3A_889[0, 0, 0] : f32 from vector<1x1x1xf32>
      %reshape3A_891 = vector.broadcast %reduce_max3A_890 : f32 to vector<1x1xf32>
      %swap3A_892 = arith.constant 15 : index
      %swap3A_893 = arith.constant 0 : index
      %swap3A_894 = vector.load %arg11[%swap3A_892, %swap3A_893] : memref<16x128xf32, #tpu.memory_space<vmem>>, vector<1x1xf32>
      tpu.vector_store %arg11[%swap3A_892, %swap3A_893], %reshape3A_891 {strides = array<i32>} : memref<16x128xf32, #tpu.memory_space<vmem>>, vector<1x1xf32>,
      %eq3A_895 = vector.broadcast %iota3A_65 : vector<1x14xi32> to vector<16x14xi32>
      %eq3A_896 = vector.broadcast %broadcast_in_dim3A_82 : vector<16x1xi32> to vector<16x14xi32>
      %eq3A_897 = arith.cmpi eq, %eq3A_895, %eq3A_896 : vector<16x14xi32>
      %get3A_898 = arith.constant 0 : index
      %get3A_899 = arith.constant 0 : index
      %get3A_900 = vector.load %arg11[%get3A_898, %get3A_899] : memref<16x128xf32, #tpu.memory_space<vmem>>, vector<16x1xf32>
      %broadcast_in_dim3A_901 = vector.shape_cast %get3A_900 : vector<16x1xf32> to vector<16x1xf32>
      %broadcast_in_dim3A_902 = vector.broadcast %broadcast_in_dim3A_901 : vector<16x1xf32> to vector<16x14xf32>
      %select_n3A_903 = arith.select %eq3A_897, %broadcast_in_dim3A_902, %get3A_75 : vector<16x14xi1>, vector<16x14xf32>
      %swap3A_904 = arith.constant 0 : index
      %swap3A_905 = arith.constant 0 : index
      %swap3A_906 = vector.load %arg10[%swap3A_904, %swap3A_905] : memref<16x14xf32, #tpu.memory_space<vmem>>, vector<16x14xf32>
      tpu.vector_store %arg10[%swap3A_904, %swap3A_905], %select_n3A_903 {strides = array<i32>} : memref<16x14xf32, #tpu.memory_space<vmem>>, vector<16x14xf32>,
    }
    %scan3A_71 = arith.constant 60 : i32
    return
  }
}

module attributes {stable_mosaic.version = 14 : i64} {
  func.func @_nms_body(%arg0: memref<16x180xf32, #tpu.memory_space<vmem>>, %arg1: memref<16x180xi32, #tpu.memory_space<vmem>>, %arg2: memref<16x180x3xf32, #tpu.memory_space<vmem>>, %arg3: memref<16x180x3xf32, #tpu.memory_space<vmem>>, %arg4: memref<16x180x8xf32, #tpu.memory_space<vmem>>, %arg5: memref<16x180x180xf32, #tpu.memory_space<vmem>>) attributes {dimension_semantics = [], scalar_prefetch = 0 : i64, scratch_operands = 1 : i64, tpu.core_type = #tpu.core_type<tc>} {
    %get3A = arith.constant 0 : index
    %get3A_0 = arith.constant 0 : index
    %get3A_1 = vector.load %arg0[%get3A, %get3A_0] : memref<16x180xf32, #tpu.memory_space<vmem>>, vector<16x180xf32>
    %get3A_2 = arith.constant 0 : index
    %get3A_3 = arith.constant 0 : index
    %get3A_4 = vector.load %arg1[%get3A_2, %get3A_3] : memref<16x180xi32, #tpu.memory_space<vmem>>, vector<16x180xi32>
    %gt3A = arith.constant 1.500000e-01 : f32
    %gt3A_5 = vector.broadcast %gt3A : f32 to vector<16x180xf32>
    %gt3A_6 = arith.cmpf ogt, %get3A_1, %gt3A_5 : vector<16x180xf32>
    %iota3A = tpu.iota {dimensions = array<i32: 1>} : vector<1x180xi32>
    %lt3A = arith.constant 60 : i32
    %lt3A_7 = vector.broadcast %lt3A : i32 to vector<1x180xi32>
    %lt3A_8 = arith.cmpi slt, %iota3A, %lt3A_7 : vector<1x180xi32>
    %lt3A_9 = arith.constant 120 : i32
    %lt3A_10 = vector.broadcast %lt3A_9 : i32 to vector<1x180xi32>
    %lt3A_11 = arith.cmpi slt, %iota3A, %lt3A_10 : vector<1x180xi32>
    %jit3A = arith.constant 24 : i32
    %jit3A_12 = arith.constant 12 : i32
    %broadcast_in_dim3A = vector.broadcast %jit3A : i32 to vector<1x180xi32>
    %broadcast_in_dim3A_13 = vector.broadcast %jit3A_12 : i32 to vector<1x180xi32>
    %select_n3A = arith.select %lt3A_11, %broadcast_in_dim3A, %broadcast_in_dim3A_13 : vector<1x180xi1>, vector<1x180xi32>
    %jit3A_14 = arith.constant 48 : i32
    %broadcast_in_dim3A_15 = vector.broadcast %jit3A_14 : i32 to vector<1x180xi32>
    %select_n3A_16 = arith.select %lt3A_8, %broadcast_in_dim3A_15, %select_n3A : vector<1x180xi1>, vector<1x180xi32>
    %lt3A_17 = arith.constant 60 : i32
    %lt3A_18 = vector.broadcast %lt3A_17 : i32 to vector<1x180xi32>
    %lt3A_19 = arith.cmpi slt, %iota3A, %lt3A_18 : vector<1x180xi32>
    %lt3A_20 = arith.constant 120 : i32
    %lt3A_21 = vector.broadcast %lt3A_20 : i32 to vector<1x180xi32>
    %lt3A_22 = arith.cmpi slt, %iota3A, %lt3A_21 : vector<1x180xi32>
    %jit3A_23 = arith.constant 110592 : i32
    %jit3A_24 = arith.constant 124416 : i32
    %broadcast_in_dim3A_25 = vector.broadcast %jit3A_23 : i32 to vector<1x180xi32>
    %broadcast_in_dim3A_26 = vector.broadcast %jit3A_24 : i32 to vector<1x180xi32>
    %select_n3A_27 = arith.select %lt3A_22, %broadcast_in_dim3A_25, %broadcast_in_dim3A_26 : vector<1x180xi1>, vector<1x180xi32>
    %jit3A_28 = arith.constant 0 : i32
    %broadcast_in_dim3A_29 = vector.broadcast %jit3A_28 : i32 to vector<1x180xi32>
    %select_n3A_30 = arith.select %lt3A_19, %broadcast_in_dim3A_29, %select_n3A_27 : vector<1x180xi1>, vector<1x180xi32>
    %convert_element_type3A = arith.sitofp %select_n3A_16 : vector<1x180xi32> to vector<1x180xf32>
    %div3A = arith.constant 1.920000e+02 : f32
    %div3A_31 = vector.broadcast %div3A : f32 to vector<1x180xf32>
    %div3A_32 = arith.divf %div3A_31, %convert_element_type3A : vector<1x180xf32>
    %sub3A = vector.broadcast %select_n3A_30 : vector<1x180xi32> to vector<16x180xi32>
    %sub3A_33 = arith.subi %get3A_4, %sub3A : vector<16x180xi32>
    %mul3A = arith.muli %select_n3A_16, %select_n3A_16 : vector<1x180xi32>
    %div3A_34 = vector.broadcast %mul3A : vector<1x180xi32> to vector<16x180xi32>
    %div3A_35 = arith.divsi %sub3A_33, %div3A_34 : vector<16x180xi32>
    %sign3A = arith.constant 0 : i32
    %sign3A_36 = vector.broadcast %sign3A : i32 to vector<16x180xi32>
    %sign3A_37 = arith.cmpi sgt, %sub3A_33, %sign3A_36 : vector<16x180xi32>
    %sign3A_38 = arith.extui %sign3A_37 : vector<16x180xi1> to vector<16x180xi32>
    %sign3A_39 = arith.constant 0 : i32
    %sign3A_40 = vector.broadcast %sign3A_39 : i32 to vector<16x180xi32>
    %sign3A_41 = arith.cmpi slt, %sub3A_33, %sign3A_40 : vector<16x180xi32>
    %sign3A_42 = arith.extui %sign3A_41 : vector<16x180xi1> to vector<16x180xi32>
    %sign3A_43 = arith.subi %sign3A_38, %sign3A_42 : vector<16x180xi32>
    %sign3A_44 = arith.constant 0 : i32
    %sign3A_45 = vector.broadcast %sign3A_44 : i32 to vector<1x180xi32>
    %sign3A_46 = arith.cmpi sgt, %mul3A, %sign3A_45 : vector<1x180xi32>
    %sign3A_47 = arith.extui %sign3A_46 : vector<1x180xi1> to vector<1x180xi32>
    %sign3A_48 = arith.constant 0 : i32
    %sign3A_49 = vector.broadcast %sign3A_48 : i32 to vector<1x180xi32>
    %sign3A_50 = arith.cmpi slt, %mul3A, %sign3A_49 : vector<1x180xi32>
    %sign3A_51 = arith.extui %sign3A_50 : vector<1x180xi1> to vector<1x180xi32>
    %sign3A_52 = arith.subi %sign3A_47, %sign3A_51 : vector<1x180xi32>
    %ne3A = vector.broadcast %sign3A_52 : vector<1x180xi32> to vector<16x180xi32>
    %ne3A_53 = arith.cmpi ne, %sign3A_43, %ne3A : vector<16x180xi32>
    %rem3A = vector.broadcast %mul3A : vector<1x180xi32> to vector<16x180xi32>
    %rem3A_54 = arith.remsi %sub3A_33, %rem3A : vector<16x180xi32>
    %ne3A_55 = arith.constant 0 : i32
    %ne3A_56 = vector.broadcast %ne3A_55 : i32 to vector<16x180xi32>
    %ne3A_57 = arith.cmpi ne, %rem3A_54, %ne3A_56 : vector<16x180xi32>
    %and3A = arith.andi %ne3A_53, %ne3A_57 : vector<16x180xi1>
    %sub3A_58 = arith.constant 1 : i32
    %sub3A_59 = vector.broadcast %sub3A_58 : i32 to vector<16x180xi32>
    %sub3A_60 = arith.subi %div3A_35, %sub3A_59 : vector<16x180xi32>
    %select_n3A_61 = arith.select %and3A, %sub3A_60, %div3A_35 : vector<16x180xi1>, vector<16x180xi32>
    %mul3A_62 = vector.broadcast %mul3A : vector<1x180xi32> to vector<16x180xi32>
    %mul3A_63 = arith.muli %select_n3A_61, %mul3A_62 : vector<16x180xi32>
    %sub3A_64 = arith.subi %sub3A_33, %mul3A_63 : vector<16x180xi32>
    %div3A_65 = vector.broadcast %select_n3A_16 : vector<1x180xi32> to vector<16x180xi32>
    %div3A_66 = arith.divsi %sub3A_64, %div3A_65 : vector<16x180xi32>
    %sign3A_67 = arith.constant 0 : i32
    %sign3A_68 = vector.broadcast %sign3A_67 : i32 to vector<16x180xi32>
    %sign3A_69 = arith.cmpi sgt, %sub3A_64, %sign3A_68 : vector<16x180xi32>
    %sign3A_70 = arith.extui %sign3A_69 : vector<16x180xi1> to vector<16x180xi32>
    %sign3A_71 = arith.constant 0 : i32
    %sign3A_72 = vector.broadcast %sign3A_71 : i32 to vector<16x180xi32>
    %sign3A_73 = arith.cmpi slt, %sub3A_64, %sign3A_72 : vector<16x180xi32>
    %sign3A_74 = arith.extui %sign3A_73 : vector<16x180xi1> to vector<16x180xi32>
    %sign3A_75 = arith.subi %sign3A_70, %sign3A_74 : vector<16x180xi32>
    %sign3A_76 = arith.constant 0 : i32
    %sign3A_77 = vector.broadcast %sign3A_76 : i32 to vector<1x180xi32>
    %sign3A_78 = arith.cmpi sgt, %select_n3A_16, %sign3A_77 : vector<1x180xi32>
    %sign3A_79 = arith.extui %sign3A_78 : vector<1x180xi1> to vector<1x180xi32>
    %sign3A_80 = arith.constant 0 : i32
    %sign3A_81 = vector.broadcast %sign3A_80 : i32 to vector<1x180xi32>
    %sign3A_82 = arith.cmpi slt, %select_n3A_16, %sign3A_81 : vector<1x180xi32>
    %sign3A_83 = arith.extui %sign3A_82 : vector<1x180xi1> to vector<1x180xi32>
    %sign3A_84 = arith.subi %sign3A_79, %sign3A_83 : vector<1x180xi32>
    %ne3A_85 = vector.broadcast %sign3A_84 : vector<1x180xi32> to vector<16x180xi32>
    %ne3A_86 = arith.cmpi ne, %sign3A_75, %ne3A_85 : vector<16x180xi32>
    %rem3A_87 = vector.broadcast %select_n3A_16 : vector<1x180xi32> to vector<16x180xi32>
    %rem3A_88 = arith.remsi %sub3A_64, %rem3A_87 : vector<16x180xi32>
    %ne3A_89 = arith.constant 0 : i32
    %ne3A_90 = vector.broadcast %ne3A_89 : i32 to vector<16x180xi32>
    %ne3A_91 = arith.cmpi ne, %rem3A_88, %ne3A_90 : vector<16x180xi32>
    %and3A_92 = arith.andi %ne3A_86, %ne3A_91 : vector<16x180xi1>
    %sub3A_93 = arith.constant 1 : i32
    %sub3A_94 = vector.broadcast %sub3A_93 : i32 to vector<16x180xi32>
    %sub3A_95 = arith.subi %div3A_66, %sub3A_94 : vector<16x180xi32>
    %select_n3A_96 = arith.select %and3A_92, %sub3A_95, %div3A_66 : vector<16x180xi1>, vector<16x180xi32>
    %mul3A_97 = vector.broadcast %select_n3A_16 : vector<1x180xi32> to vector<16x180xi32>
    %mul3A_98 = arith.muli %select_n3A_96, %mul3A_97 : vector<16x180xi32>
    %sub3A_99 = arith.subi %sub3A_64, %mul3A_98 : vector<16x180xi32>
    %convert_element_type3A_100 = arith.sitofp %select_n3A_61 : vector<16x180xi32> to vector<16x180xf32>
    %convert_element_type3A_101 = arith.sitofp %select_n3A_96 : vector<16x180xi32> to vector<16x180xf32>
    %convert_element_type3A_102 = arith.sitofp %sub3A_99 : vector<16x180xi32> to vector<16x180xf32>
    %get3A_103 = arith.constant 0 : index
    %get3A_104 = arith.constant 0 : index
    %get3A_105 = arith.constant 0 : index
    %get3A_106 = vector.load %arg2[%get3A_103, %get3A_104, %get3A_105] : memref<16x180x3xf32, #tpu.memory_space<vmem>>, vector<16x180x1xf32>
    %get3A_107 = vector.shape_cast %get3A_106 : vector<16x180x1xf32> to vector<16x180xf32>
    %add3A = arith.addf %convert_element_type3A_100, %get3A_107 : vector<16x180xf32>
    %mul3A_108 = vector.broadcast %div3A_32 : vector<1x180xf32> to vector<16x180xf32>
    %mul3A_109 = arith.mulf %add3A, %mul3A_108 : vector<16x180xf32>
    %get3A_110 = arith.constant 0 : index
    %get3A_111 = arith.constant 0 : index
    %get3A_112 = arith.constant 1 : index
    %get3A_113 = vector.load %arg2[%get3A_110, %get3A_111, %get3A_112] : memref<16x180x3xf32, #tpu.memory_space<vmem>>, vector<16x180x1xf32>
    %get3A_114 = vector.shape_cast %get3A_113 : vector<16x180x1xf32> to vector<16x180xf32>
    %add3A_115 = arith.addf %convert_element_type3A_101, %get3A_114 : vector<16x180xf32>
    %mul3A_116 = vector.broadcast %div3A_32 : vector<1x180xf32> to vector<16x180xf32>
    %mul3A_117 = arith.mulf %add3A_115, %mul3A_116 : vector<16x180xf32>
    %get3A_118 = arith.constant 0 : index
    %get3A_119 = arith.constant 0 : index
    %get3A_120 = arith.constant 2 : index
    %get3A_121 = vector.load %arg2[%get3A_118, %get3A_119, %get3A_120] : memref<16x180x3xf32, #tpu.memory_space<vmem>>, vector<16x180x1xf32>
    %get3A_122 = vector.shape_cast %get3A_121 : vector<16x180x1xf32> to vector<16x180xf32>
    %add3A_123 = arith.addf %convert_element_type3A_102, %get3A_122 : vector<16x180xf32>
    %mul3A_124 = vector.broadcast %div3A_32 : vector<1x180xf32> to vector<16x180xf32>
    %mul3A_125 = arith.mulf %add3A_123, %mul3A_124 : vector<16x180xf32>
    %get3A_126 = arith.constant 0 : index
    %get3A_127 = arith.constant 0 : index
    %get3A_128 = arith.constant 0 : index
    %get3A_129 = vector.load %arg3[%get3A_126, %get3A_127, %get3A_128] : memref<16x180x3xf32, #tpu.memory_space<vmem>>, vector<16x180x1xf32>
    %get3A_130 = vector.shape_cast %get3A_129 : vector<16x180x1xf32> to vector<16x180xf32>
    %get3A_131 = arith.constant 0 : index
    %get3A_132 = arith.constant 0 : index
    %get3A_133 = arith.constant 1 : index
    %get3A_134 = vector.load %arg3[%get3A_131, %get3A_132, %get3A_133] : memref<16x180x3xf32, #tpu.memory_space<vmem>>, vector<16x180x1xf32>
    %get3A_135 = vector.shape_cast %get3A_134 : vector<16x180x1xf32> to vector<16x180xf32>
    %get3A_136 = arith.constant 0 : index
    %get3A_137 = arith.constant 0 : index
    %get3A_138 = arith.constant 2 : index
    %get3A_139 = vector.load %arg3[%get3A_136, %get3A_137, %get3A_138] : memref<16x180x3xf32, #tpu.memory_space<vmem>>, vector<16x180x1xf32>
    %get3A_140 = vector.shape_cast %get3A_139 : vector<16x180x1xf32> to vector<16x180xf32>
    %neg3A = arith.constant 0.000000e+00 : f32
    %neg3A_141 = vector.broadcast %neg3A : f32 to vector<16x180xf32>
    %neg3A_142 = arith.subf %neg3A_141, %get3A_1 : vector<16x180xf32>
    %jit3A_143 = arith.constant 2.000000e+00 : f32
    %broadcast_in_dim3A_144 = vector.broadcast %jit3A_143 : f32 to vector<16x180xf32>
    %select_n3A_145 = arith.select %gt3A_6, %neg3A_142, %broadcast_in_dim3A_144 : vector<16x180xi1>, vector<16x180xf32>
    %broadcast_in_dim3A_146 = vector.shape_cast %select_n3A_145 : vector<16x180xf32> to vector<16x180x1xf32>
    %broadcast_in_dim3A_147 = vector.shape_cast %select_n3A_145 : vector<16x180xf32> to vector<16x1x180xf32>
    %iota3A_148 = tpu.iota {dimensions = array<i32: 1>} : vector<1x180x1xi32>
    %iota3A_149 = tpu.iota {dimensions = array<i32: 2>} : vector<1x1x180xi32>
    %lt3A_150 = vector.broadcast %broadcast_in_dim3A_147 : vector<16x1x180xf32> to vector<16x180x180xf32>
    %lt3A_151 = vector.broadcast %broadcast_in_dim3A_146 : vector<16x180x1xf32> to vector<16x180x180xf32>
    %lt3A_152 = arith.cmpf olt, %lt3A_150, %lt3A_151 : vector<16x180x180xf32>
    %eq3A = vector.broadcast %broadcast_in_dim3A_147 : vector<16x1x180xf32> to vector<16x180x180xf32>
    %eq3A_153 = vector.broadcast %broadcast_in_dim3A_146 : vector<16x180x1xf32> to vector<16x180x180xf32>
    %eq3A_154 = arith.cmpf oeq, %eq3A, %eq3A_153 : vector<16x180x180xf32>
    %lt3A_155 = vector.broadcast %iota3A_149 : vector<1x1x180xi32> to vector<1x180x180xi32>
    %lt3A_156 = vector.broadcast %iota3A_148 : vector<1x180x1xi32> to vector<1x180x180xi32>
    %lt3A_157 = arith.cmpi slt, %lt3A_155, %lt3A_156 : vector<1x180x180xi32>
    %and3A_158 = vector.broadcast %lt3A_157 : vector<1x180x180xi1> to vector<16x180x180xi1>
    %and3A_159 = arith.andi %eq3A_154, %and3A_158 : vector<16x180x180xi1>
    %or3A = arith.ori %lt3A_152, %and3A_159 : vector<16x180x180xi1>
    %convert_element_type3A_160 = arith.extui %or3A : vector<16x180x180xi1> to vector<16x180x180xi32>
    %convert_element_type3A_161 = arith.sitofp %convert_element_type3A_160 : vector<16x180x180xi32> to vector<16x180x180xf32>
    %reduce_sum3A = arith.constant dense<0.000000e+00> : vector<16x180xf32>
    %reduce_sum3A_162 = vector.multi_reduction <add>, %convert_element_type3A_161, %reduce_sum3A [2] : vector<16x180x180xf32> to vector<16x180xf32>
    %convert_element_type3A_163 = arith.fptosi %reduce_sum3A_162 : vector<16x180xf32> to vector<16x180xi32>
    %iota3A_164 = tpu.iota {dimensions = array<i32: 2>} : vector<1x1x180xi32>
    %broadcast_in_dim3A_165 = vector.shape_cast %convert_element_type3A_163 : vector<16x180xi32> to vector<16x180x1xi32>
    %eq3A_166 = vector.broadcast %broadcast_in_dim3A_165 : vector<16x180x1xi32> to vector<16x180x180xi32>
    %eq3A_167 = vector.broadcast %iota3A_164 : vector<1x1x180xi32> to vector<16x180x180xi32>
    %eq3A_168 = arith.cmpi eq, %eq3A_166, %eq3A_167 : vector<16x180x180xi32>
    %convert_element_type3A_169 = arith.extui %eq3A_168 : vector<16x180x180xi1> to vector<16x180x180xi32>
    %convert_element_type3A_170 = arith.sitofp %convert_element_type3A_169 : vector<16x180x180xi32> to vector<16x180x180xf32>
    %broadcast_in_dim3A_171 = vector.shape_cast %get3A_1 : vector<16x180xf32> to vector<16x180x1xf32>
    %mul3A_172 = vector.broadcast %broadcast_in_dim3A_171 : vector<16x180x1xf32> to vector<16x180x180xf32>
    %mul3A_173 = arith.mulf %convert_element_type3A_170, %mul3A_172 : vector<16x180x180xf32>
    %reduce_sum3A_174 = arith.constant dense<0.000000e+00> : vector<16x180xf32>
    %reduce_sum3A_175 = vector.multi_reduction <add>, %mul3A_173, %reduce_sum3A_174 [1] : vector<16x180x180xf32> to vector<16x180xf32>
    %convert_element_type3A_176 = arith.extui %gt3A_6 : vector<16x180xi1> to vector<16x180xi32>
    %convert_element_type3A_177 = arith.sitofp %convert_element_type3A_176 : vector<16x180xi32> to vector<16x180xf32>
    %broadcast_in_dim3A_178 = vector.shape_cast %convert_element_type3A_177 : vector<16x180xf32> to vector<16x180x1xf32>
    %mul3A_179 = vector.broadcast %broadcast_in_dim3A_178 : vector<16x180x1xf32> to vector<16x180x180xf32>
    %mul3A_180 = arith.mulf %convert_element_type3A_170, %mul3A_179 : vector<16x180x180xf32>
    %reduce_sum3A_181 = arith.constant dense<0.000000e+00> : vector<16x180xf32>
    %reduce_sum3A_182 = vector.multi_reduction <add>, %mul3A_180, %reduce_sum3A_181 [1] : vector<16x180x180xf32> to vector<16x180xf32>
    %gt3A_183 = arith.constant 5.000000e-01 : f32
    %gt3A_184 = vector.broadcast %gt3A_183 : f32 to vector<16x180xf32>
    %gt3A_185 = arith.cmpf ogt, %reduce_sum3A_182, %gt3A_184 : vector<16x180xf32>
    %broadcast_in_dim3A_186 = vector.shape_cast %mul3A_109 : vector<16x180xf32> to vector<16x180x1xf32>
    %mul3A_187 = vector.broadcast %broadcast_in_dim3A_186 : vector<16x180x1xf32> to vector<16x180x180xf32>
    %mul3A_188 = arith.mulf %convert_element_type3A_170, %mul3A_187 : vector<16x180x180xf32>
    %reduce_sum3A_189 = arith.constant dense<0.000000e+00> : vector<16x180xf32>
    %reduce_sum3A_190 = vector.multi_reduction <add>, %mul3A_188, %reduce_sum3A_189 [1] : vector<16x180x180xf32> to vector<16x180xf32>
    %broadcast_in_dim3A_191 = vector.shape_cast %mul3A_117 : vector<16x180xf32> to vector<16x180x1xf32>
    %mul3A_192 = vector.broadcast %broadcast_in_dim3A_191 : vector<16x180x1xf32> to vector<16x180x180xf32>
    %mul3A_193 = arith.mulf %convert_element_type3A_170, %mul3A_192 : vector<16x180x180xf32>
    %reduce_sum3A_194 = arith.constant dense<0.000000e+00> : vector<16x180xf32>
    %reduce_sum3A_195 = vector.multi_reduction <add>, %mul3A_193, %reduce_sum3A_194 [1] : vector<16x180x180xf32> to vector<16x180xf32>
    %broadcast_in_dim3A_196 = vector.shape_cast %mul3A_125 : vector<16x180xf32> to vector<16x180x1xf32>
    %mul3A_197 = vector.broadcast %broadcast_in_dim3A_196 : vector<16x180x1xf32> to vector<16x180x180xf32>
    %mul3A_198 = arith.mulf %convert_element_type3A_170, %mul3A_197 : vector<16x180x180xf32>
    %reduce_sum3A_199 = arith.constant dense<0.000000e+00> : vector<16x180xf32>
    %reduce_sum3A_200 = vector.multi_reduction <add>, %mul3A_198, %reduce_sum3A_199 [1] : vector<16x180x180xf32> to vector<16x180xf32>
    %broadcast_in_dim3A_201 = vector.shape_cast %get3A_130 : vector<16x180xf32> to vector<16x180x1xf32>
    %mul3A_202 = vector.broadcast %broadcast_in_dim3A_201 : vector<16x180x1xf32> to vector<16x180x180xf32>
    %mul3A_203 = arith.mulf %convert_element_type3A_170, %mul3A_202 : vector<16x180x180xf32>
    %reduce_sum3A_204 = arith.constant dense<0.000000e+00> : vector<16x180xf32>
    %reduce_sum3A_205 = vector.multi_reduction <add>, %mul3A_203, %reduce_sum3A_204 [1] : vector<16x180x180xf32> to vector<16x180xf32>
    %broadcast_in_dim3A_206 = vector.shape_cast %get3A_135 : vector<16x180xf32> to vector<16x180x1xf32>
    %mul3A_207 = vector.broadcast %broadcast_in_dim3A_206 : vector<16x180x1xf32> to vector<16x180x180xf32>
    %mul3A_208 = arith.mulf %convert_element_type3A_170, %mul3A_207 : vector<16x180x180xf32>
    %reduce_sum3A_209 = arith.constant dense<0.000000e+00> : vector<16x180xf32>
    %reduce_sum3A_210 = vector.multi_reduction <add>, %mul3A_208, %reduce_sum3A_209 [1] : vector<16x180x180xf32> to vector<16x180xf32>
    %broadcast_in_dim3A_211 = vector.shape_cast %get3A_140 : vector<16x180xf32> to vector<16x180x1xf32>
    %mul3A_212 = vector.broadcast %broadcast_in_dim3A_211 : vector<16x180x1xf32> to vector<16x180x180xf32>
    %mul3A_213 = arith.mulf %convert_element_type3A_170, %mul3A_212 : vector<16x180x180xf32>
    %reduce_sum3A_214 = arith.constant dense<0.000000e+00> : vector<16x180xf32>
    %reduce_sum3A_215 = vector.multi_reduction <add>, %mul3A_213, %reduce_sum3A_214 [1] : vector<16x180x180xf32> to vector<16x180xf32>
    %div3A_216 = arith.constant 2.000000e+00 : f32
    %div3A_217 = vector.broadcast %div3A_216 : f32 to vector<16x180xf32>
    %div3A_218 = arith.divf %reduce_sum3A_205, %div3A_217 : vector<16x180xf32>
    %sub3A_219 = arith.subf %reduce_sum3A_190, %div3A_218 : vector<16x180xf32>
    %div3A_220 = arith.constant 2.000000e+00 : f32
    %div3A_221 = vector.broadcast %div3A_220 : f32 to vector<16x180xf32>
    %div3A_222 = arith.divf %reduce_sum3A_205, %div3A_221 : vector<16x180xf32>
    %add3A_223 = arith.addf %reduce_sum3A_190, %div3A_222 : vector<16x180xf32>
    %broadcast_in_dim3A_224 = vector.shape_cast %add3A_223 : vector<16x180xf32> to vector<16x180x1xf32>
    %broadcast_in_dim3A_225 = vector.shape_cast %add3A_223 : vector<16x180xf32> to vector<16x1x180xf32>
    %min3A = vector.broadcast %broadcast_in_dim3A_224 : vector<16x180x1xf32> to vector<16x180x180xf32>
    %min3A_226 = vector.broadcast %broadcast_in_dim3A_225 : vector<16x1x180xf32> to vector<16x180x180xf32>
    %min3A_227 = arith.minimumf %min3A, %min3A_226 : vector<16x180x180xf32>
    %broadcast_in_dim3A_228 = vector.shape_cast %sub3A_219 : vector<16x180xf32> to vector<16x180x1xf32>
    %broadcast_in_dim3A_229 = vector.shape_cast %sub3A_219 : vector<16x180xf32> to vector<16x1x180xf32>
    %max3A = vector.broadcast %broadcast_in_dim3A_228 : vector<16x180x1xf32> to vector<16x180x180xf32>
    %max3A_230 = vector.broadcast %broadcast_in_dim3A_229 : vector<16x1x180xf32> to vector<16x180x180xf32>
    %max3A_231 = arith.maximumf %max3A, %max3A_230 : vector<16x180x180xf32>
    %sub3A_232 = arith.subf %min3A_227, %max3A_231 : vector<16x180x180xf32>
    %jit3A_233 = arith.constant 0.000000e+00 : f32
    %max3A_234 = vector.broadcast %jit3A_233 : f32 to vector<16x180x180xf32>
    %max3A_235 = arith.maximumf %max3A_234, %sub3A_232 : vector<16x180x180xf32>
    %div3A_236 = arith.constant 2.000000e+00 : f32
    %div3A_237 = vector.broadcast %div3A_236 : f32 to vector<16x180xf32>
    %div3A_238 = arith.divf %reduce_sum3A_210, %div3A_237 : vector<16x180xf32>
    %sub3A_239 = arith.subf %reduce_sum3A_195, %div3A_238 : vector<16x180xf32>
    %div3A_240 = arith.constant 2.000000e+00 : f32
    %div3A_241 = vector.broadcast %div3A_240 : f32 to vector<16x180xf32>
    %div3A_242 = arith.divf %reduce_sum3A_210, %div3A_241 : vector<16x180xf32>
    %add3A_243 = arith.addf %reduce_sum3A_195, %div3A_242 : vector<16x180xf32>
    %broadcast_in_dim3A_244 = vector.shape_cast %add3A_243 : vector<16x180xf32> to vector<16x180x1xf32>
    %broadcast_in_dim3A_245 = vector.shape_cast %add3A_243 : vector<16x180xf32> to vector<16x1x180xf32>
    %min3A_246 = vector.broadcast %broadcast_in_dim3A_244 : vector<16x180x1xf32> to vector<16x180x180xf32>
    %min3A_247 = vector.broadcast %broadcast_in_dim3A_245 : vector<16x1x180xf32> to vector<16x180x180xf32>
    %min3A_248 = arith.minimumf %min3A_246, %min3A_247 : vector<16x180x180xf32>
    %broadcast_in_dim3A_249 = vector.shape_cast %sub3A_239 : vector<16x180xf32> to vector<16x180x1xf32>
    %broadcast_in_dim3A_250 = vector.shape_cast %sub3A_239 : vector<16x180xf32> to vector<16x1x180xf32>
    %max3A_251 = vector.broadcast %broadcast_in_dim3A_249 : vector<16x180x1xf32> to vector<16x180x180xf32>
    %max3A_252 = vector.broadcast %broadcast_in_dim3A_250 : vector<16x1x180xf32> to vector<16x180x180xf32>
    %max3A_253 = arith.maximumf %max3A_251, %max3A_252 : vector<16x180x180xf32>
    %sub3A_254 = arith.subf %min3A_248, %max3A_253 : vector<16x180x180xf32>
    %jit3A_255 = arith.constant 0.000000e+00 : f32
    %max3A_256 = vector.broadcast %jit3A_255 : f32 to vector<16x180x180xf32>
    %max3A_257 = arith.maximumf %max3A_256, %sub3A_254 : vector<16x180x180xf32>
    %mul3A_258 = arith.mulf %max3A_235, %max3A_257 : vector<16x180x180xf32>
    %div3A_259 = arith.constant 2.000000e+00 : f32
    %div3A_260 = vector.broadcast %div3A_259 : f32 to vector<16x180xf32>
    %div3A_261 = arith.divf %reduce_sum3A_215, %div3A_260 : vector<16x180xf32>
    %sub3A_262 = arith.subf %reduce_sum3A_200, %div3A_261 : vector<16x180xf32>
    %div3A_263 = arith.constant 2.000000e+00 : f32
    %div3A_264 = vector.broadcast %div3A_263 : f32 to vector<16x180xf32>
    %div3A_265 = arith.divf %reduce_sum3A_215, %div3A_264 : vector<16x180xf32>
    %add3A_266 = arith.addf %reduce_sum3A_200, %div3A_265 : vector<16x180xf32>
    %broadcast_in_dim3A_267 = vector.shape_cast %add3A_266 : vector<16x180xf32> to vector<16x180x1xf32>
    %broadcast_in_dim3A_268 = vector.shape_cast %add3A_266 : vector<16x180xf32> to vector<16x1x180xf32>
    %min3A_269 = vector.broadcast %broadcast_in_dim3A_267 : vector<16x180x1xf32> to vector<16x180x180xf32>
    %min3A_270 = vector.broadcast %broadcast_in_dim3A_268 : vector<16x1x180xf32> to vector<16x180x180xf32>
    %min3A_271 = arith.minimumf %min3A_269, %min3A_270 : vector<16x180x180xf32>
    %broadcast_in_dim3A_272 = vector.shape_cast %sub3A_262 : vector<16x180xf32> to vector<16x180x1xf32>
    %broadcast_in_dim3A_273 = vector.shape_cast %sub3A_262 : vector<16x180xf32> to vector<16x1x180xf32>
    %max3A_274 = vector.broadcast %broadcast_in_dim3A_272 : vector<16x180x1xf32> to vector<16x180x180xf32>
    %max3A_275 = vector.broadcast %broadcast_in_dim3A_273 : vector<16x1x180xf32> to vector<16x180x180xf32>
    %max3A_276 = arith.maximumf %max3A_274, %max3A_275 : vector<16x180x180xf32>
    %sub3A_277 = arith.subf %min3A_271, %max3A_276 : vector<16x180x180xf32>
    %jit3A_278 = arith.constant 0.000000e+00 : f32
    %max3A_279 = vector.broadcast %jit3A_278 : f32 to vector<16x180x180xf32>
    %max3A_280 = arith.maximumf %max3A_279, %sub3A_277 : vector<16x180x180xf32>
    %mul3A_281 = arith.mulf %mul3A_258, %max3A_280 : vector<16x180x180xf32>
    %mul3A_282 = arith.mulf %reduce_sum3A_205, %reduce_sum3A_210 : vector<16x180xf32>
    %mul3A_283 = arith.mulf %mul3A_282, %reduce_sum3A_215 : vector<16x180xf32>
    %broadcast_in_dim3A_284 = vector.shape_cast %mul3A_283 : vector<16x180xf32> to vector<16x180x1xf32>
    %broadcast_in_dim3A_285 = vector.shape_cast %mul3A_283 : vector<16x180xf32> to vector<16x1x180xf32>
    %add3A_286 = vector.broadcast %broadcast_in_dim3A_284 : vector<16x180x1xf32> to vector<16x180x180xf32>
    %add3A_287 = vector.broadcast %broadcast_in_dim3A_285 : vector<16x1x180xf32> to vector<16x180x180xf32>
    %add3A_288 = arith.addf %add3A_286, %add3A_287 : vector<16x180x180xf32>
    %sub3A_289 = arith.subf %add3A_288, %mul3A_281 : vector<16x180x180xf32>
    %add3A_290 = arith.constant 9.99999993E-9 : f32
    %add3A_291 = vector.broadcast %add3A_290 : f32 to vector<16x180x180xf32>
    %add3A_292 = arith.addf %sub3A_289, %add3A_291 : vector<16x180x180xf32>
    %div3A_293 = arith.divf %mul3A_281, %add3A_292 : vector<16x180x180xf32>
    %swap3A = arith.constant 0 : index
    %swap3A_294 = arith.constant 0 : index
    %swap3A_295 = arith.constant 0 : index
    %swap3A_296 = vector.load %arg5[%swap3A, %swap3A_294, %swap3A_295] : memref<16x180x180xf32, #tpu.memory_space<vmem>>, vector<16x180x180xf32>
    tpu.vector_store %arg5[%swap3A, %swap3A_294, %swap3A_295], %div3A_293 {strides = array<i32>} : memref<16x180x180xf32, #tpu.memory_space<vmem>>, vector<16x180x180xf32>,
    %iota3A_297 = tpu.iota {dimensions = array<i32: 1>} : vector<1x180xi32>
    %convert_element_type3A_298 = arith.extui %gt3A_185 : vector<16x180xi1> to vector<16x180xi32>
    %broadcast_in_dim3A_299 = arith.constant 0 : i32
    %broadcast_in_dim3A_300 = vector.broadcast %broadcast_in_dim3A_299 : i32 to vector<16x180xi32>
    %broadcast_in_dim3A_301 = arith.constant 0 : i32
    %broadcast_in_dim3A_302 = vector.broadcast %broadcast_in_dim3A_301 : i32 to vector<16x180xi32>
    %broadcast_in_dim3A_303 = arith.constant 0 : i32
    %broadcast_in_dim3A_304 = vector.broadcast %broadcast_in_dim3A_303 : i32 to vector<16x1xi32>
    %scan3A = arith.constant 0 : i32
    %scan3A_305 = arith.constant 2 : i32
    %scan3A_306 = arith.addi %scan3A, %scan3A_305 : i32
    %scan3A_307 = arith.constant 1 : i32
    %scan3A_308:3 = scf.for %scan3A_438 = %scan3A to %scan3A_306 step %scan3A_307 iter_args(%scan3A_439 = %broadcast_in_dim3A_300, %scan3A_440 = %broadcast_in_dim3A_302, %scan3A_441 = %broadcast_in_dim3A_304) -> (vector<16x180xi32>, vector<16x180xi32>, vector<16x1xi32>)  : i32 {
      %get3A_442 = arith.constant 0 : index
      %get3A_443 = arith.index_cast %scan3A_438 : i32 to index
      %get3A_444 = arith.constant 0 : index
      %get3A_445 = vector.load %arg5[%get3A_442, %get3A_443, %get3A_444] : memref<16x180x180xf32, #tpu.memory_space<vmem>>, vector<16x1x180xf32>
      %squeeze3A = vector.shape_cast %get3A_445 : vector<16x1x180xf32> to vector<16x180xf32>
      %eq3A_446 = vector.broadcast %scan3A_438 : i32 to vector<1x180xi32>
      %eq3A_447 = arith.cmpi eq, %iota3A_297, %eq3A_446 : vector<1x180xi32>
      %jit3A_448 = arith.constant 0 : i32
      %broadcast_in_dim3A_449 = vector.shape_cast %eq3A_447 : vector<1x180xi1> to vector<1x180xi1>
      %broadcast_in_dim3A_450 = vector.broadcast %broadcast_in_dim3A_449 : vector<1x180xi1> to vector<16x180xi1>
      %broadcast_in_dim3A_451 = vector.broadcast %jit3A_448 : i32 to vector<16x180xi32>
      %select_n3A_452 = arith.select %broadcast_in_dim3A_450, %scan3A_439, %broadcast_in_dim3A_451 : vector<16x180xi1>, vector<16x180xi32>
      %reduce_max3A = arith.constant dense<-2147483648> : vector<16xi32>
      %reduce_max3A_453 = vector.multi_reduction <maxsi>, %select_n3A_452, %reduce_max3A [1] : vector<16x180xi32> to vector<16xi32>
      %broadcast_in_dim3A_454 = vector.shape_cast %reduce_max3A_453 : vector<16xi32> to vector<16x1xi32>
      %jit3A_455 = arith.constant 0 : i32
      %broadcast_in_dim3A_456 = vector.shape_cast %eq3A_447 : vector<1x180xi1> to vector<1x180xi1>
      %broadcast_in_dim3A_457 = vector.broadcast %broadcast_in_dim3A_456 : vector<1x180xi1> to vector<16x180xi1>
      %broadcast_in_dim3A_458 = vector.broadcast %jit3A_455 : i32 to vector<16x180xi32>
      %select_n3A_459 = arith.select %broadcast_in_dim3A_457, %convert_element_type3A_298, %broadcast_in_dim3A_458 : vector<16x180xi1>, vector<16x180xi32>
      %reduce_max3A_460 = arith.constant dense<-2147483648> : vector<16xi32>
      %reduce_max3A_461 = vector.multi_reduction <maxsi>, %select_n3A_459, %reduce_max3A_460 [1] : vector<16x180xi32> to vector<16xi32>
      %broadcast_in_dim3A_462 = vector.shape_cast %reduce_max3A_461 : vector<16xi32> to vector<16x1xi32>
      %eq3A_463 = arith.constant 0 : i32
      %eq3A_464 = vector.broadcast %eq3A_463 : i32 to vector<16x1xi32>
      %eq3A_465 = arith.cmpi eq, %broadcast_in_dim3A_454, %eq3A_464 : vector<16x1xi32>
      %gt3A_466 = arith.constant 0 : i32
      %gt3A_467 = vector.broadcast %gt3A_466 : i32 to vector<16x1xi32>
      %gt3A_468 = arith.cmpi sgt, %broadcast_in_dim3A_462, %gt3A_467 : vector<16x1xi32>
      %and3A_469 = arith.andi %eq3A_465, %gt3A_468 : vector<16x1xi1>
      %lt3A_470 = arith.constant 20 : i32
      %lt3A_471 = vector.broadcast %lt3A_470 : i32 to vector<16x1xi32>
      %lt3A_472 = arith.cmpi slt, %scan3A_441, %lt3A_471 : vector<16x1xi32>
      %and3A_473 = arith.andi %and3A_469, %lt3A_472 : vector<16x1xi1>
      %gt3A_474 = arith.constant 5.000000e-02 : f32
      %gt3A_475 = vector.broadcast %gt3A_474 : f32 to vector<16x180xf32>
      %gt3A_476 = arith.cmpf ogt, %squeeze3A, %gt3A_475 : vector<16x180xf32>
      %and3A_477 = vector.broadcast %and3A_473 : vector<16x1xi1> to vector<16x180xi1>
      %and3A_478 = arith.andi %and3A_477, %gt3A_476 : vector<16x180xi1>
      %gt3A_479 = vector.broadcast %scan3A_438 : i32 to vector<1x180xi32>
      %gt3A_480 = arith.cmpi sgt, %iota3A_297, %gt3A_479 : vector<1x180xi32>
      %and3A_481 = vector.broadcast %gt3A_480 : vector<1x180xi1> to vector<16x180xi1>
      %and3A_482 = arith.andi %and3A_478, %and3A_481 : vector<16x180xi1>
      %jit3A_483 = arith.constant 1 : i32
      %broadcast_in_dim3A_484 = vector.broadcast %jit3A_483 : i32 to vector<16x180xi32>
      %select_n3A_485 = arith.select %and3A_482, %broadcast_in_dim3A_484, %scan3A_439 : vector<16x180xi1>, vector<16x180xi32>
      %and3A_486 = vector.broadcast %and3A_473 : vector<16x1xi1> to vector<16x180xi1>
      %and3A_487 = vector.broadcast %eq3A_447 : vector<1x180xi1> to vector<16x180xi1>
      %and3A_488 = arith.andi %and3A_486, %and3A_487 : vector<16x180xi1>
      %jit3A_489 = arith.constant 1 : i32
      %broadcast_in_dim3A_490 = vector.broadcast %jit3A_489 : i32 to vector<16x180xi32>
      %select_n3A_491 = arith.select %and3A_488, %broadcast_in_dim3A_490, %scan3A_440 : vector<16x180xi1>, vector<16x180xi32>
      %convert_element_type3A_492 = arith.extui %and3A_473 : vector<16x1xi1> to vector<16x1xi32>
      %add3A_493 = arith.addi %scan3A_441, %convert_element_type3A_492 : vector<16x1xi32>
      scf.yield %select_n3A_485, %select_n3A_491, %add3A_493 : vector<16x180xi32>, vector<16x180xi32>, vector<16x1xi32>
    }
    %scan3A_309 = arith.constant 2 : i32
    %gt3A_310 = arith.constant 0 : i32
    %gt3A_311 = vector.broadcast %gt3A_310 : i32 to vector<16x180xi32>
    %gt3A_312 = arith.cmpi sgt, %scan3A_308#1, %gt3A_311 : vector<16x180xi32>
    %convert_element_type3A_313 = arith.extui %gt3A_312 : vector<16x180xi1> to vector<16x180xi32>
    %convert_element_type3A_314 = arith.sitofp %convert_element_type3A_313 : vector<16x180xi32> to vector<16x180xf32>
    %broadcast_in_dim3A_315 = vector.shape_cast %convert_element_type3A_314 : vector<16x180xf32> to vector<16x1x180xf32>
    %lt3A_316 = vector.broadcast %iota3A_149 : vector<1x1x180xi32> to vector<1x180x180xi32>
    %lt3A_317 = vector.broadcast %iota3A_148 : vector<1x180x1xi32> to vector<1x180x180xi32>
    %lt3A_318 = arith.cmpi slt, %lt3A_316, %lt3A_317 : vector<1x180x180xi32>
    %convert_element_type3A_319 = arith.extui %lt3A_318 : vector<1x180x180xi1> to vector<1x180x180xi32>
    %convert_element_type3A_320 = arith.sitofp %convert_element_type3A_319 : vector<1x180x180xi32> to vector<1x180x180xf32>
    %mul3A_321 = vector.broadcast %broadcast_in_dim3A_315 : vector<16x1x180xf32> to vector<16x180x180xf32>
    %mul3A_322 = vector.broadcast %convert_element_type3A_320 : vector<1x180x180xf32> to vector<16x180x180xf32>
    %mul3A_323 = arith.mulf %mul3A_321, %mul3A_322 : vector<16x180x180xf32>
    %reduce_sum3A_324 = arith.constant dense<0.000000e+00> : vector<16x180xf32>
    %reduce_sum3A_325 = vector.multi_reduction <add>, %mul3A_323, %reduce_sum3A_324 [2] : vector<16x180x180xf32> to vector<16x180xf32>
    %convert_element_type3A_326 = arith.fptosi %reduce_sum3A_325 : vector<16x180xf32> to vector<16x180xi32>
    %jit3A_327 = arith.constant 360 : i32
    %broadcast_in_dim3A_328 = vector.broadcast %jit3A_327 : i32 to vector<16x180xi32>
    %select_n3A_329 = arith.select %gt3A_312, %convert_element_type3A_326, %broadcast_in_dim3A_328 : vector<16x180xi1>, vector<16x180xi32>
    %broadcast_in_dim3A_330 = vector.shape_cast %select_n3A_329 : vector<16x180xi32> to vector<16x180x1xi32>
    %eq3A_331 = vector.broadcast %broadcast_in_dim3A_330 : vector<16x180x1xi32> to vector<16x180x180xi32>
    %eq3A_332 = vector.broadcast %iota3A_164 : vector<1x1x180xi32> to vector<16x180x180xi32>
    %eq3A_333 = arith.cmpi eq, %eq3A_331, %eq3A_332 : vector<16x180x180xi32>
    %convert_element_type3A_334 = arith.extui %eq3A_333 : vector<16x180x180xi1> to vector<16x180x180xi32>
    %convert_element_type3A_335 = arith.sitofp %convert_element_type3A_334 : vector<16x180x180xi32> to vector<16x180x180xf32>
    %broadcast_in_dim3A_336 = arith.constant 1.000000e+00 : f32
    %broadcast_in_dim3A_337 = vector.broadcast %broadcast_in_dim3A_336 : f32 to vector<16x180xf32>
    %add3A_338 = arith.constant 1.000000e+00 : f32
    %add3A_339 = vector.broadcast %add3A_338 : f32 to vector<16x180xf32>
    %add3A_340 = arith.addf %broadcast_in_dim3A_337, %add3A_339 : vector<16x180xf32>
    %broadcast_in_dim3A_341 = vector.shape_cast %add3A_340 : vector<16x180xf32> to vector<16x180x1xf32>
    %mul3A_342 = vector.broadcast %broadcast_in_dim3A_341 : vector<16x180x1xf32> to vector<16x180x180xf32>
    %mul3A_343 = arith.mulf %convert_element_type3A_335, %mul3A_342 : vector<16x180x180xf32>
    %reduce_sum3A_344 = arith.constant dense<0.000000e+00> : vector<16x180xf32>
    %reduce_sum3A_345 = vector.multi_reduction <add>, %mul3A_343, %reduce_sum3A_344 [1] : vector<16x180x180xf32> to vector<16x180xf32>
    %sub3A_346 = arith.constant 1.000000e+00 : f32
    %sub3A_347 = vector.broadcast %sub3A_346 : f32 to vector<16x180xf32>
    %sub3A_348 = arith.subf %reduce_sum3A_345, %sub3A_347 : vector<16x180xf32>
    %add3A_349 = arith.constant 1.000000e+00 : f32
    %add3A_350 = vector.broadcast %add3A_349 : f32 to vector<16x180xf32>
    %add3A_351 = arith.addf %reduce_sum3A_175, %add3A_350 : vector<16x180xf32>
    %broadcast_in_dim3A_352 = vector.shape_cast %add3A_351 : vector<16x180xf32> to vector<16x180x1xf32>
    %mul3A_353 = vector.broadcast %broadcast_in_dim3A_352 : vector<16x180x1xf32> to vector<16x180x180xf32>
    %mul3A_354 = arith.mulf %convert_element_type3A_335, %mul3A_353 : vector<16x180x180xf32>
    %reduce_sum3A_355 = arith.constant dense<0.000000e+00> : vector<16x180xf32>
    %reduce_sum3A_356 = vector.multi_reduction <add>, %mul3A_354, %reduce_sum3A_355 [1] : vector<16x180x180xf32> to vector<16x180xf32>
    %sub3A_357 = arith.constant 1.000000e+00 : f32
    %sub3A_358 = vector.broadcast %sub3A_357 : f32 to vector<16x180xf32>
    %sub3A_359 = arith.subf %reduce_sum3A_356, %sub3A_358 : vector<16x180xf32>
    %add3A_360 = arith.constant 1.000000e+00 : f32
    %add3A_361 = vector.broadcast %add3A_360 : f32 to vector<16x180xf32>
    %add3A_362 = arith.addf %reduce_sum3A_190, %add3A_361 : vector<16x180xf32>
    %broadcast_in_dim3A_363 = vector.shape_cast %add3A_362 : vector<16x180xf32> to vector<16x180x1xf32>
    %mul3A_364 = vector.broadcast %broadcast_in_dim3A_363 : vector<16x180x1xf32> to vector<16x180x180xf32>
    %mul3A_365 = arith.mulf %convert_element_type3A_335, %mul3A_364 : vector<16x180x180xf32>
    %reduce_sum3A_366 = arith.constant dense<0.000000e+00> : vector<16x180xf32>
    %reduce_sum3A_367 = vector.multi_reduction <add>, %mul3A_365, %reduce_sum3A_366 [1] : vector<16x180x180xf32> to vector<16x180xf32>
    %sub3A_368 = arith.constant 1.000000e+00 : f32
    %sub3A_369 = vector.broadcast %sub3A_368 : f32 to vector<16x180xf32>
    %sub3A_370 = arith.subf %reduce_sum3A_367, %sub3A_369 : vector<16x180xf32>
    %add3A_371 = arith.constant 1.000000e+00 : f32
    %add3A_372 = vector.broadcast %add3A_371 : f32 to vector<16x180xf32>
    %add3A_373 = arith.addf %reduce_sum3A_195, %add3A_372 : vector<16x180xf32>
    %broadcast_in_dim3A_374 = vector.shape_cast %add3A_373 : vector<16x180xf32> to vector<16x180x1xf32>
    %mul3A_375 = vector.broadcast %broadcast_in_dim3A_374 : vector<16x180x1xf32> to vector<16x180x180xf32>
    %mul3A_376 = arith.mulf %convert_element_type3A_335, %mul3A_375 : vector<16x180x180xf32>
    %reduce_sum3A_377 = arith.constant dense<0.000000e+00> : vector<16x180xf32>
    %reduce_sum3A_378 = vector.multi_reduction <add>, %mul3A_376, %reduce_sum3A_377 [1] : vector<16x180x180xf32> to vector<16x180xf32>
    %sub3A_379 = arith.constant 1.000000e+00 : f32
    %sub3A_380 = vector.broadcast %sub3A_379 : f32 to vector<16x180xf32>
    %sub3A_381 = arith.subf %reduce_sum3A_378, %sub3A_380 : vector<16x180xf32>
    %add3A_382 = arith.constant 1.000000e+00 : f32
    %add3A_383 = vector.broadcast %add3A_382 : f32 to vector<16x180xf32>
    %add3A_384 = arith.addf %reduce_sum3A_200, %add3A_383 : vector<16x180xf32>
    %broadcast_in_dim3A_385 = vector.shape_cast %add3A_384 : vector<16x180xf32> to vector<16x180x1xf32>
    %mul3A_386 = vector.broadcast %broadcast_in_dim3A_385 : vector<16x180x1xf32> to vector<16x180x180xf32>
    %mul3A_387 = arith.mulf %convert_element_type3A_335, %mul3A_386 : vector<16x180x180xf32>
    %reduce_sum3A_388 = arith.constant dense<0.000000e+00> : vector<16x180xf32>
    %reduce_sum3A_389 = vector.multi_reduction <add>, %mul3A_387, %reduce_sum3A_388 [1] : vector<16x180x180xf32> to vector<16x180xf32>
    %sub3A_390 = arith.constant 1.000000e+00 : f32
    %sub3A_391 = vector.broadcast %sub3A_390 : f32 to vector<16x180xf32>
    %sub3A_392 = arith.subf %reduce_sum3A_389, %sub3A_391 : vector<16x180xf32>
    %add3A_393 = arith.constant 1.000000e+00 : f32
    %add3A_394 = vector.broadcast %add3A_393 : f32 to vector<16x180xf32>
    %add3A_395 = arith.addf %reduce_sum3A_205, %add3A_394 : vector<16x180xf32>
    %broadcast_in_dim3A_396 = vector.shape_cast %add3A_395 : vector<16x180xf32> to vector<16x180x1xf32>
    %mul3A_397 = vector.broadcast %broadcast_in_dim3A_396 : vector<16x180x1xf32> to vector<16x180x180xf32>
    %mul3A_398 = arith.mulf %convert_element_type3A_335, %mul3A_397 : vector<16x180x180xf32>
    %reduce_sum3A_399 = arith.constant dense<0.000000e+00> : vector<16x180xf32>
    %reduce_sum3A_400 = vector.multi_reduction <add>, %mul3A_398, %reduce_sum3A_399 [1] : vector<16x180x180xf32> to vector<16x180xf32>
    %sub3A_401 = arith.constant 1.000000e+00 : f32
    %sub3A_402 = vector.broadcast %sub3A_401 : f32 to vector<16x180xf32>
    %sub3A_403 = arith.subf %reduce_sum3A_400, %sub3A_402 : vector<16x180xf32>
    %add3A_404 = arith.constant 1.000000e+00 : f32
    %add3A_405 = vector.broadcast %add3A_404 : f32 to vector<16x180xf32>
    %add3A_406 = arith.addf %reduce_sum3A_210, %add3A_405 : vector<16x180xf32>
    %broadcast_in_dim3A_407 = vector.shape_cast %add3A_406 : vector<16x180xf32> to vector<16x180x1xf32>
    %mul3A_408 = vector.broadcast %broadcast_in_dim3A_407 : vector<16x180x1xf32> to vector<16x180x180xf32>
    %mul3A_409 = arith.mulf %convert_element_type3A_335, %mul3A_408 : vector<16x180x180xf32>
    %reduce_sum3A_410 = arith.constant dense<0.000000e+00> : vector<16x180xf32>
    %reduce_sum3A_411 = vector.multi_reduction <add>, %mul3A_409, %reduce_sum3A_410 [1] : vector<16x180x180xf32> to vector<16x180xf32>
    %sub3A_412 = arith.constant 1.000000e+00 : f32
    %sub3A_413 = vector.broadcast %sub3A_412 : f32 to vector<16x180xf32>
    %sub3A_414 = arith.subf %reduce_sum3A_411, %sub3A_413 : vector<16x180xf32>
    %add3A_415 = arith.constant 1.000000e+00 : f32
    %add3A_416 = vector.broadcast %add3A_415 : f32 to vector<16x180xf32>
    %add3A_417 = arith.addf %reduce_sum3A_215, %add3A_416 : vector<16x180xf32>
    %broadcast_in_dim3A_418 = vector.shape_cast %add3A_417 : vector<16x180xf32> to vector<16x180x1xf32>
    %mul3A_419 = vector.broadcast %broadcast_in_dim3A_418 : vector<16x180x1xf32> to vector<16x180x180xf32>
    %mul3A_420 = arith.mulf %convert_element_type3A_335, %mul3A_419 : vector<16x180x180xf32>
    %reduce_sum3A_421 = arith.constant dense<0.000000e+00> : vector<16x180xf32>
    %reduce_sum3A_422 = vector.multi_reduction <add>, %mul3A_420, %reduce_sum3A_421 [1] : vector<16x180x180xf32> to vector<16x180xf32>
    %sub3A_423 = arith.constant 1.000000e+00 : f32
    %sub3A_424 = vector.broadcast %sub3A_423 : f32 to vector<16x180xf32>
    %sub3A_425 = arith.subf %reduce_sum3A_422, %sub3A_424 : vector<16x180xf32>
    %stack3A = vector.shape_cast %sub3A_348 : vector<16x180xf32> to vector<16x180x1xf32>
    %stack3A_426 = vector.shape_cast %sub3A_359 : vector<16x180xf32> to vector<16x180x1xf32>
    %stack3A_427 = vector.shape_cast %sub3A_370 : vector<16x180xf32> to vector<16x180x1xf32>
    %stack3A_428 = vector.shape_cast %sub3A_381 : vector<16x180xf32> to vector<16x180x1xf32>
    %stack3A_429 = vector.shape_cast %sub3A_392 : vector<16x180xf32> to vector<16x180x1xf32>
    %stack3A_430 = vector.shape_cast %sub3A_403 : vector<16x180xf32> to vector<16x180x1xf32>
    %stack3A_431 = vector.shape_cast %sub3A_414 : vector<16x180xf32> to vector<16x180x1xf32>
    %stack3A_432 = vector.shape_cast %sub3A_425 : vector<16x180xf32> to vector<16x180x1xf32>
    %stack3A_433 = tpu.concatenate %stack3A, %stack3A_426, %stack3A_427, %stack3A_428, %stack3A_429, %stack3A_430, %stack3A_431, %stack3A_432 in 2 : vector<16x180x1xf32>, vector<16x180x1xf32>, vector<16x180x1xf32>, vector<16x180x1xf32>, vector<16x180x1xf32>, vector<16x180x1xf32>, vector<16x180x1xf32>, vector<16x180x1xf32> -> vector<16x180x8xf32>
    %swap3A_434 = arith.constant 0 : index
    %swap3A_435 = arith.constant 0 : index
    %swap3A_436 = arith.constant 0 : index
    %swap3A_437 = vector.load %arg4[%swap3A_434, %swap3A_435, %swap3A_436] : memref<16x180x8xf32, #tpu.memory_space<vmem>>, vector<16x180x8xf32>
    tpu.vector_store %arg4[%swap3A_434, %swap3A_435, %swap3A_436], %stack3A_433 {strides = array<i32>} : memref<16x180x8xf32, #tpu.memory_space<vmem>>, vector<16x180x8xf32>,
    return
  }
}

</mosaic_0001>

<sc_bundles>
// kernel: kernel.5.cloned.1.call-start
scs
__scs_entry_jumppad:
0x0: {  	(pc) =	sbr.rel $0x88, $3  }
0x1: {  	(tag) =	ssettag $0x0;
	lr =	simm.s32 $0x1  }
0x2: {  	[smem:$0x3F98] =	sst lr;
	_ =	strace $0xD0000000  }
0x3: {  	_ = 	snop  }
0x4: {  	_ = 	snop  }
0x5: {  	_ = 	snop  }
0x6: {  	_ = 	snop  }
0x7: {  	_ = 	snop  }
__scs_overlays_trampoline_lowered:
0x8: {  	[smem:$0x3FA7] =	sst s0  }
0x9: {  	[smem:$0x3FA8] =	sst s1  }
0xa: {  	[smem:$0x3FA9] =	sst s2  }
0xb: {  	[smem:$0x3FAA] =	sst s3  }
0xc: {  	[smem:$0x3FAB] =	sst s4  }
0xd: {  	[smem:$0x3FAC] =	sst s5  }
0xe: {  	[smem:$0x3FAD] =	sst s6  }
0xf: {  	[smem:$0x3FAE] =	sst s7  }
0x10: {  	[smem:$0x3FAF] =	sst s8  }
0x11: {  	[smem:$0x3FB0] =	sst s9;
	s0 =	simm.s32 @!p0 $0x0  }
0x12: {  	s1 =	sld [smem:$0x3F96];
	s0 =	simm.s32 @p0 $0x1  }
0x13: {  	[smem:$0x3FB1] =	sst s0;
	s0 =	simm.s32 @!p1 $0x0  }
0x14: {  	s2 =	sld [smem:$0x3F95];
	s0 =	simm.s32 @p1 $0x1  }
0x15: {  	[smem:$0x3FB2] =	sst s0;
	s0 =	simm.s32 @!p2 $0x0  }
0x16: {  	s3 =	sld [smem:$0x3FDB];
	s0 =	simm.s32 @p2 $0x1  }
0x17: {  	s4 =	simm.s32 $0x1BF5;
	[smem:$0x3FB4] =	sst s0  }
0x18: {  	s0 =	sld [smem:$0x3F97];
	_ =	swait.ge [sflag:s4], $0x0  }
0x19: {  	s7 =	sld [smem:$0x3F98]  }
0x1a: {  	s8 =	sadd.s32 $0xFFFFE003, lr  }
0x1b: {  	s9 =	sadd.s32 $0xFFFFFEF7, lr;
	s5 =	simm.s32 $0xFFFFFFFF;
	p2 =	slt.u32 s8, $0xFFFFF086  }
0x1c: {  	p1 =	slt.u32 s9, $0xF7A;
	s5 =	simm.s32 @!p2 $0x0  }
0x1d: {  	s5 =	simm.s32 @p1 $0x1;
	p0 =	seq.s32 s7, s2  }
0x1e: {  	s7 =	smul.u32 @!p0 $0xF7A, s2;
	p2 =	seq.s32 @!p0 s5, $0x0  }
0x1f: {  	s9 =	smul.u32 $0xF7A, s1;
	s8 =	simm.s32 @!p0 $0x1BF5;
	p2 =	por !p2, p0  }
0x20: {  	[sflag:s8] =	ssyncset.s32 @!p0 $0xFFFFF086;
	s6 =	sadd.s32 @!p0 s3, s7;
	s7 =	simm.s32 @!p0 $0x108  }
0x21: {  	s3 =	sadd.s32 s3, s9;
	s6 =	sadd.s32 @!p0 $0x88, s6;
	s7 =	simm.s32 @p2 $0x1082  }
0x22: {  	[simem:s7], [sflag:s8] =	dma.local @!p0 [hbm:s6], $0xF7A  }
0x23: {  	s9 =	sor.u32 $0xD0000000, s2;
	s6 =	simm.s32 $0x108;
	_ =	swait.ge @!p0 [sflag:s8], $0x0  }
0x24: {  	s3 =	sadd.s32 $0x88, s3;
	s6 =	simm.s32 @!p1 $0x1082;
	[sflag:s4] =	ssyncset.s32 $0xFFFFF086  }
0x25: {  	[simem:s6], [sflag:s4] =	dma.local [hbm:s3], $0xF7A  }
0x26: {  	[smem:$0x3F98] =	sst s1;
	(tag) =	ssettag s2;
	_ =	strace s9  }
0x27: {  	s1 =	sld [smem:$0x3FA8]  }
0x28: {  	s2 =	sld [smem:$0x3FA9]  }
0x29: {  	s4 =	sld [smem:$0x3FAB]  }
0x2a: {  	p0 =	seq.s32 s5, $0x0;
	s5 =	sld [smem:$0x3FAC]  }
0x2b: {  	s6 =	sld [smem:$0x3FAD]  }
0x2c: {  	s7 =	sld [smem:$0x3FAE]  }
0x2d: {  	s3 =	simm.s32 $0x108;
	s8 =	sld [smem:$0x3FAF]  }
0x2e: {  	s3 =	simm.s32 @!p0 $0x1082;
	s9 =	sld [smem:$0x3FB0]  }
0x2f: {  	lr =	sadd.s32 s0, s3;
	s0 =	sld [smem:$0x3FA7]  }
0x30: {  	s3 =	sld [smem:$0x3FAA]  }
0x31: {  	[smem:$0x3FB3] =	sst s10  }
0x32: {  	s10 =	sld [smem:$0x3FB1];
	_ =	sdelay $0x3  }
0x33: {  	p0 =	seq.s32 s10, $0x1;
	s10 =	sld [smem:$0x3FB3];
	_ =	sdelay $0x3  }
0x34: {  	[smem:$0x3FB3] =	sst s10  }
0x35: {  	s10 =	sld [smem:$0x3FB2];
	_ =	sdelay $0x3  }
0x36: {  	p1 =	seq.s32 s10, $0x1;
	s10 =	sld [smem:$0x3FB3];
	_ =	sdelay $0x3  }
0x37: {  	[smem:$0x3FB3] =	sst s10  }
0x38: {  	s10 =	sld [smem:$0x3FB4]  }
0x39: {  	_ = 	snop;
	(pc) =	sbr.ind lr, $3  }
0x3a: {  	_ = 	snop  }
0x3b: {  	_ = 	snop  }
0x3c: {  	p2 =	seq.s32 s10, $0x1;
	s10 =	sld [smem:$0x3FB3]  }
0x3d: {  	_ =	shalt  }
0x3e: {  	_ =	shalt  }
0x3f: {  	_ =	shalt  }
0x40: {  	_ =	shalt  }
0x41: {  	_ =	shalt  }
0x42: {  	_ =	shalt  }
0x43: {  	_ =	shalt  }
0x44: {  	_ =	shalt  }
0x45: {  	_ =	shalt  }
0x46: {  	_ =	shalt  }
0x47: {  	_ =	shalt  }
0x48: {  	_ =	shalt  }
0x49: {  	_ =	shalt  }
0x4a: {  	_ =	shalt  }
0x4b: {  	_ =	shalt  }
0x4c: {  	_ =	shalt  }
0x4d: {  	_ =	shalt  }
0x4e: {  	_ =	shalt  }
0x4f: {  	_ =	shalt  }
0x50: {  	_ =	shalt  }
0x51: {  	_ =	shalt  }
0x52: {  	_ =	shalt  }
0x53: {  	_ =	shalt  }
0x54: {  	_ =	shalt  }
0x55: {  	_ =	shalt  }
0x56: {  	_ =	shalt  }
0x57: {  	_ =	shalt  }
0x58: {  	_ =	shalt  }
0x59: {  	_ =	shalt  }
0x5a: {  	_ =	shalt  }
0x5b: {  	_ =	shalt  }
0x5c: {  	_ =	shalt  }
0x5d: {  	_ =	shalt  }
0x5e: {  	_ =	shalt  }
0x5f: {  	_ =	shalt  }
0x60: {  	_ =	shalt  }
0x61: {  	_ =	shalt  }
0x62: {  	_ =	shalt  }
0x63: {  	_ =	shalt  }
0x64: {  	_ =	shalt  }
0x65: {  	_ =	shalt  }
0x66: {  	_ =	shalt  }
0x67: {  	_ =	shalt  }
0x68: {  	_ =	shalt  }
0x69: {  	_ =	shalt  }
0x6a: {  	_ =	shalt  }
0x6b: {  	_ =	shalt  }
0x6c: {  	_ =	shalt  }
0x6d: {  	_ =	shalt  }
0x6e: {  	_ =	shalt  }
0x6f: {  	_ =	shalt  }
0x70: {  	_ =	shalt  }
0x71: {  	_ =	shalt  }
0x72: {  	_ =	shalt  }
0x73: {  	_ =	shalt  }
0x74: {  	_ =	shalt  }
0x75: {  	_ =	shalt  }
0x76: {  	_ =	shalt  }
0x77: {  	_ =	shalt  }
0x78: {  	_ =	shalt  }
0x79: {  	_ =	shalt  }
0x7a: {  	_ =	shalt  }
0x7b: {  	_ =	shalt  }
0x7c: {  	_ =	shalt  }
0x7d: {  	_ =	shalt  }
0x7e: {  	_ =	shalt  }
0x7f: {  	_ =	shalt  }
0x80: {  	_ =	shalt  }
0x81: {  	_ =	shalt  }
0x82: {  	_ =	shalt  }
0x83: {  	_ =	shalt  }
0x84: {  	_ =	shalt  }
0x85: {  	_ =	shalt  }
0x86: {  	_ =	shalt  }
0x87: {  	_ =	shalt  }
.Lfunc_end0:
.L_simem_size_0:
called_computation_lowered:
.L_overlay_start_0:
0x88: {  	s2 =	sld [smem:$0x3FD9]  }
0x89: {  	s3 =	sld [smem:$0x3FFE];
	_ =	sdelay $0x1  }
0x8a: {  	s1 =	srdreg.scid  }
0x8b: {  	s0 =	sand.u32 $0x1, s1  }
0x8c: {  	s17 =	sshll.u32 s0, $0xA;
	s2 =	sadd.s32 s3, s2  }
0x8d: {  	s2 =	sadd.s32 s2, s17  }
0x8e: {  	[smem:$0x3FBF] =	sst s2  }
0x8f: {  	_ = 	snop  }
0x90: {  	s2 =	sld [smem:$0x3FD0];
	(tm) =	ssettm $0x1  }
0x91: {  	s18 =	sld [smem:$0x3FFB];
	_ =	sdelay $0x3  }
0x92: {  	_ =	strace s18  }
0x93: {  	s3 =	sld [smem:$0x3FFC];
	_ =	sdelay $0x3  }
0x94: {  	_ =	strace s3  }
0x95: {  	s3 =	sld [smem:$0x3FFD];
	_ =	sdelay $0x3  }
0x96: {  	_ =	strace s3  }
0x97: {  	_ =	strace $0x8FFFFFFF  }
0x98: {  	s19 =	sld [smem:$0x3FDB];
	_ =	sdelay $0x1  }
0x99: {  	s4 =	simm.s32 $_scs_section_size  }
0x9a: {  	s5 =	simm.s32 $_size__tile_overlayer_lowered;
	s6 =	simm.s32 $_tile_overlayer_lowered  }
0x9b: {  	s22 =	simm.s32 $0x1BFF;
	s21 =	sshll.u32 s6, $0x1;
	s3 =	sadd.s32 s4, s19  }
0x9c: {  	s7 =	simm.s32 $0x0;
	s20 =	sshll.u32 s5, $0x1;
	s5 =	sadd.s32 s21, s3  }
0x9d: {  	[timem:s7], [sflag:s22] =	dma.local [hbm:s5], s20  }
0x9e: {  	_ =	swait.ge [sflag:s22], s20  }
0x9f: {  	s4 =	ssub.s32 $0x0, s20;
	[sflag:s22] =	ssyncset.done $0x0  }
0xa0: {  	[sflag:s22] =	ssyncadd.s32 s4;
	_ =	sdelay $0x1  }
0xa1: {  	s23 =	simm.s32 $0x1B8B  }
0xa2: {  	_ =	swait.ge [sflag:s23], $0x1  }
0xa3: {  	[sflag:s23] =	ssyncset.done $0x0  }
0xa4: {  	s25 =	simm.s32 $0x1B8E;
	s24 =	sld [smem:$0x3FFE];
	[sflag:s23] =	ssyncadd.s32 $0xFFFFFFFF  }
0xa5: {  	s26 =	simm.s32 $execute0_lowered;
	[smem:$0x3FD2] =	sst s25  }
0xa6: {  	s5 =	sshll.u32 s26, $0x1;
	_ =	strace $0x80000046;
	[dreg:$0x1] =	wrdreg $0xFFFFFFFF  }
0xa7: {  	s28 =	simm.s32 $_size_execute0_lowered;
	s3 =	sadd.s32 s3, s5;
	[dreg:$0x0] =	wrdreg $0x0  }
0xa8: {  	s5 =	sshll.u32 s28, $0x1;
	[dreg:$0x2] =	wrdreg s3  }
0xa9: {  	[dreg:$0x3] =	wrdreg s5  }
0xaa: {  	[dreg:$0x4] =	wrdreg $0xC0  }
0xab: {  	_ =	task [dreg:s7], $0x5FFFF  }
0xac: {  	[dreg:$0x1] =	wrdreg $0xFFFFFFFF  }
0xad: {  	[dreg:$0x0] =	wrdreg $0x60  }
0xae: {  	[dreg:$0x2] =	wrdreg s24  }
0xaf: {  	[dreg:$0x3] =	wrdreg s2  }
0xb0: {  	[dreg:$0x4] =	wrdreg $0x9  }
0xb1: {  	_ =	task.clear_ibuf [dreg:s7], $0x5FFFF;
	_ =	strace $0x90000046  }
0xb2: {  	s29 =	simm.s32 $0x9;
	_ =	strace $0x80000048  }
0xb3: {  	_ =	swait.ge [sflag:s29], $0x1  }
0xb4: {  	[sflag:s29] =	ssyncadd.s32 $0xFFFFFFFF  }
0xb5: {  	_ =	strace $0x90000048  }
0xb6: {  	_ =	sfence  }
0xb7: {  	s30 =	sld [smem:$0x0];
	_ =	sdelay $0x2  }
0xb8: {  	s31 =	sshll.u32 s1, $0xD;
	s1 =	sshrl.u32 s1, $0x2  }
0xb9: {  	s3 =	sand.u32 $0x4000, s31;
	s1 =	sadd.s32 s1, s30  }
0xba: {  	s0 =	sor.u32 s3, s0;
	s1 =	sshll.u32 s1, $0x11  }
0xbb: {  	s0 =	sor.u32 s1, s0  }
0xbc: {  	s0 =	sadd.s32 $0x8F2B, s0  }
0xbd: {  	[sflag:s0] =	ssyncadd.remote.s32 $0x1  }
0xbe: {  	_ =	sfence.sel $0xFFFF  }
0xbf: {  	[dreg:$0x0] =	wrdreg $0xFFFFFFFF;
	(pc) =	sbr.abs _section_cstart, $3  }
0xc0: {  	[dreg:$0x1] =	wrdreg $0xFFFFFFFF  }
0xc1: {  	_ =	task.clear_ibuf [dreg:s7], $0x2FFFF;
	_ =	strace $0x9FFFFFFF  }
0xc2: {  	(tm) =	ssettm $0x7FFFFFFF  }
0xc3: {  	_ =	shalt  }
tec
execute0_lowered:
.L_overlay_start_1:
0x0: {  	(tag) =	ssettag $0x1  }
0x1: {  	s1 =	srdreg.scid;
	s0 =	stileid.u32  }
0x2: {  	s10 =	sand.u32 $0x1, s1;
	s21 =	sshll.u32 s0, $0x1  }
0x3: {  	s11 =	sor.u32 s10, s21  }
0x4: {  	s9 =	smul.u32 $0x60, s11  }
0x5: {  	v20 =	vlaneseq.u32  }
0x6: {  	v0 =	vor.u32 s9, v20;
	s22 =	sor.u32 $0x10, s9  }
0x7: {  	s26 =	sadd.s32 $0x40, s9;
	s29 =	sadd.s32 $0x50, s9;
	v1 =	vmul.u32 $0x5556, v0;
	v2 =	vor.u32 s22, v20  }
0x8: {  	v11 =	vor.u32 s26, v20;
	v13 =	vor.u32 s29, v20;
	v3 =	vmul.u32 $0x5556, v2  }
0x9: {  	s24 =	sshll.u32 s11, $0x5;
	v12 =	vmul.u32 $0x5556, v11;
	v14 =	vmul.u32 $0x5556, v13;
	v1 =	vshrl.u32 v1, $0x10  }
0xa: {  	v10 =	vmov s24;
	v4 =	vmul.u32 $0xFFFFFFFD, v1;
	v5 =	vmul.u32 $0x445, v1  }
0xb: {  	v3 =	vshra.s32 v3, $0x10;
	v12 =	vshra.s32 v12, $0x10;
	v14 =	vshra.s32 v14, $0x10  }
0xc: {  	v6 =	vmul.u32 $0x445, v3;
	v8 =	vmul.u32 $0xFFFFFFFD, v3;
	v15 =	vmul.u32 $0x445, v12  }
0xd: {  	s23 =	sadd.s32 $0x20, s9;
	v16 =	vmul.u32 $0x445, v14;
	v0 =	vadd.s32 v0, v4;
	v4 =	vshrl.u32 v5, $0x10  }
0xe: {  	v17 =	vmul.u32 $0xFFFFFFFD, v14;
	v5 =	vor.u32 s23, v20;
	v4 =	vmin.u32 v4, $0xF  }
0xf: {  	v6 =	vshra.s32 v6, $0x10;
	v7 =	vmul.u32 $0x5556, v5;
	v8 =	vadd.s32 v2, v8  }
0x10: {  	v2 =	vsub.s32 v3, v10;
	v15 =	vshra.s32 v15, $0x10;
	v13 =	vadd.s32 v13, v17  }
0x11: {  	v4 =	vmul.u32 $0x3, v4;
	vm0 =	vlt.s32 v6, $0xF;
	vm14 =	vlt.s32 v15, $0xF  }
0x12: {  	v6 =	vnsel vm0, $0xF, v6;
	v7 =	vshra.s32 v7, $0x10;
	v15 =	vnsel vm14, $0xF, v15  }
0x13: {  	v18 =	vadd.s32 v4, v0;
	v4 =	vmul.u32 $0x3, v6;
	v6 =	vmul.u32 $0x445, v7  }
0x14: {  	s25 =	sadd.s32 $0x30, s9;
	v0 =	vsub.s32 v1, v10;
	v15 =	vmul.u32 $0x3, v15;
	v1 =	vmul.u32 $0x1B000, v18  }
0x15: {  	v19 =	vadd.s32 v4, v8;
	v4 =	vshra.s32 v6, $0x10;
	v8 =	vor.u32 s25, v20  }
0x16: {  	v6 =	vmul.u32 $0xFFFFFFFD, v7;
	vm12 =	vlt.s32 v4, $0xF;
	v9 =	vmul.u32 $0x5556, v8  }
0x17: {  	v20 =	vmul.u32 $0x80, v20;
	v3 =	vmul.u32 $0x1B000, v19;
	v4 =	vnsel vm12, $0xF, v4  }
0x18: {  	v5 =	vadd.s32 v5, v6;
	v6 =	vmul.u32 $0x3, v4;
	v9 =	vshra.s32 v9, $0x10  }
0x19: {  	s12 =	rddreg [dreg:$0x0];
	v25 =	vor.u32 $0x800, v20;
	v4 =	vsub.s32 v7, v10;
	v7 =	vmul.u32 $0x445, v9  }
0x1a: {  	s13 =	rddreg [dreg:$0x1];
	v26 =	vor.u32 $0x1000, v20;
	v21 =	vadd.s32 v6, v5;
	v6 =	vmul.u32 $0xFFFFFFFD, v9  }
0x1b: {  	s2 =	simm.s32 $0x0;
	s19 =	simm.s32 $0x3;
	s1 =	rddreg [dreg:$0x2];
	v27 =	vor.u32 $0x1800, v20;
	v28 =	vor.u32 $0x2000, v20;
	v7 =	vshra.s32 v7, $0x10  }
0x1c: {  	s20 =	simm.s32 $0x60;
	s28 =	simm.s32 $0x6200;
	[smem:$0x7FF] =	sst s2;
	vm13 =	vlt.s32 v7, $0xF;
	v8 =	vadd.s32 v8, v6;
	v6 =	vsub.s32 v9, v10  }
0x1d: {  	s3 =	sadd.s32 $0x30C00, s12;
	s4 =	sadd.s32 $0xD2C00, s12;
	s5 =	sadd.s32 $0x2A00, s12;
	v9 =	vshra.s32 v16, $0x10;
	v16 =	vmul.u32 $0xFFFFFFFD, v12;
	v7 =	vnsel vm13, $0xF, v7  }
0x1e: {  	s6 =	sadd.s32 $0x16E00, s12;
	s7 =	sadd.s32 $0x2B200, s12;
	s8 =	sadd.s32 $0x2DC00, s12;
	v29 =	vor.u32 $0x2800, v20;
	vm15 =	vlt.s32 v9, $0xF;
	v7 =	vmul.u32 $0x3, v7  }
0x1f: {  	_ =	strace $0x80000047;
	s10 =	ssub.s32 $0x2, s10;
	s11 =	sshll.u32 s11, $0x2;
	v5 =	vmul.u32 $0x1B000, v21;
	v9 =	vnsel vm15, $0xF, v9;
	v11 =	vadd.s32 v11, v16  }
0x20: {  	s21 =	simm.s32 $0x80;
	s31 =	sshrl.u32 s10, $0x1;
	s15 =	sadd.s32 s11, s12;
	v9 =	vmul.u32 $0x3, v9;
	v23 =	vadd.s32 v15, v11;
	v22 =	vadd.s32 v7, v8  }
0x21: {  	s18 =	ssub.s32 s10, s31;
	s30 =	sshrl.u32 s9, $0x3;
	s9 =	sadd.s32 $0x30A00, s15;
	v8 =	vsub.s32 v12, v10;
	v10 =	vsub.s32 v14, v10;
	v12 =	vmul.u32 $0x3600, v18  }
0x22: {  	s17 =	sadd.s32 s30, s12;
	s10 =	sadd.s32 s13, s30;
	s13 =	sadd.s32 $0x30800, s15;
	v14 =	vmul.u32 $0x3600, v21;
	v16 =	vmul.u32 $0x3600, v23;
	v18 =	vmul.u32 $0x6C0, v18  }
0x23: {  	s15 =	sadd.s32 $0x30600, s15;
	s22 =	simm.s32 $0x180;
	s26 =	simm.s32 $0x6180;
	v21 =	vmul.u32 $0x6C0, v21;
	v7 =	vmul.u32 $0x1B000, v22;
	v24 =	vadd.s32 v9, v13  }
0x24: {  	s24 =	simm.s32 $0x1;
	s11 =	sadd.s32 $0x174E00, s17;
	s12 =	sadd.s32 $0x175200, s17;
	v9 =	vmul.u32 $0x1B000, v23;
	v13 =	vmul.u32 $0x3600, v19;
	v15 =	vmul.u32 $0x3600, v22  }
0x25: {  	s18 =	smax.u32 s18, $0x1;
	s14 =	sadd.s32 $0x174C00, s17;
	s16 =	sadd.s32 $0x175400, s17;
	v19 =	vmul.u32 $0x6C0, v19;
	v22 =	vmul.u32 $0x6C0, v22;
	v23 =	vmul.u32 $0x6C0, v23  }
0x26: {  	s17 =	sadd.s32 $0x175000, s17;
	s23 =	simm.s32 $0x3180;
	s25 =	simm.s32 $0x2;
	v11 =	vmul.u32 $0x1B000, v24;
	v17 =	vmul.u32 $0x3600, v24;
	v24 =	vmul.u32 $0x6C0, v24  }
.LBB2_1:
0x27: {  	[tilespmem:s2], [sflag:$0x3] =	stream.linear.gather [hbm4b:s9+s2], $0x20, $0x38;
	[tilespmem:$0x6280] =	vst v63  }
0x28: {  	_ =	swait.ge [sflag:s19], $0x20  }
0x29: {  	[sflag:s19] =	ssyncset.done $0x0  }
0x2a: {  	[sflag:s19] =	ssyncadd.s32 $0xFFFFFFE0  }
0x2b: {  	v30 =	vld.idx.msk [tilespmem:v0+s2+$0x0], $0xffff;
	_ =	sdelay $0x4  }
0x2c: {  	v31 =	vadd.s32 v1, v30;
	v30 =	vand.u32 $0x7F, v30  }
0x2d: {  	v31 =	vshra.s32 v31, $0x7;
	[tilespmem:$0x100] =	vst v30  }
0x2e: {  	[tilespmem:$0x80] =	vst v31  }
0x2f: {  	v30 =	vld.idx.msk [tilespmem:v2+s2+$0x0], $0xffff;
	_ =	sdelay $0x4  }
0x30: {  	v31 =	vadd.s32 v3, v30;
	v30 =	vand.u32 $0x7F, v30  }
0x31: {  	v31 =	vshra.s32 v31, $0x7;
	[tilespmem:$0x110] =	vst v30  }
0x32: {  	[tilespmem:$0x90] =	vst v31  }
0x33: {  	v30 =	vld.idx.msk [tilespmem:v4+s2+$0x0], $0xffff;
	_ =	sdelay $0x4  }
0x34: {  	v31 =	vadd.s32 v5, v30;
	v30 =	vand.u32 $0x7F, v30  }
0x35: {  	v31 =	vshra.s32 v31, $0x7;
	[tilespmem:$0x120] =	vst v30  }
0x36: {  	[tilespmem:$0xA0] =	vst v31  }
0x37: {  	v30 =	vld.idx.msk [tilespmem:v6+s2+$0x0], $0xffff;
	_ =	sdelay $0x4  }
0x38: {  	v31 =	vadd.s32 v7, v30;
	v30 =	vand.u32 $0x7F, v30  }
0x39: {  	v31 =	vshra.s32 v31, $0x7;
	[tilespmem:$0x130] =	vst v30  }
0x3a: {  	[tilespmem:$0xB0] =	vst v31  }
0x3b: {  	v30 =	vld.idx.msk [tilespmem:v8+s2+$0x0], $0xffff;
	_ =	sdelay $0x4  }
0x3c: {  	v31 =	vadd.s32 v9, v30;
	v30 =	vand.u32 $0x7F, v30  }
0x3d: {  	v31 =	vshra.s32 v31, $0x7;
	[tilespmem:$0x140] =	vst v30  }
0x3e: {  	[tilespmem:$0xC0] =	vst v31  }
0x3f: {  	v30 =	vld.idx.msk [tilespmem:v10+s2+$0x0], $0xffff;
	_ =	sdelay $0x4  }
0x40: {  	v31 =	vadd.s32 v11, v30;
	v30 =	vand.u32 $0x7F, v30  }
0x41: {  	v31 =	vshra.s32 v31, $0x7;
	[tilespmem:$0x150] =	vst v30  }
0x42: {  	[tilespmem:$0xD0] =	vst v31  }
0x43: {  	[tilespmem:s22], [sflag:$0x1] =	stream.indirect.gather [hbm4b:s3+s20], $0x80, s21, s20, $0xb8;
	[tilespmem:$0x6280] =	vst v63  }
0x44: {  	_ = 	snop  }
0x45: {  	[tilespmem:s23], [sflag:$0x2] =	stream.indirect.gather [hbm4b:s4+s20], $0x80, s21, s20, $0xb8;
	[tilespmem:$0x6280] =	vst v63  }
0x46: {  	_ =	swait.ge [sflag:s24], $0x3000  }
0x47: {  	[sflag:s24] =	ssyncset.done $0x0  }
0x48: {  	[sflag:s24] =	ssyncadd.s32 $0xFFFFD000  }
0x49: {  	_ =	swait.ge [sflag:s25], $0x3000  }
0x4a: {  	[sflag:s25] =	ssyncset.done $0x0  }
0x4b: {  	[sflag:s25] =	ssyncadd.s32 $0xFFFFD000  }
0x4c: {  	v30 =	vld [tilespmem:$0x100];
	_ =	sdelay $0x4  }
0x4d: {  	v30 =	vadd.s32 v20, v30;
	_ =	sdelay $0x4  }
0x4e: {  	v31 =	vld.idx.msk [tilespmem:v30+s22+$0x0], $0xffff;
	_ =	sdelay $0x1  }
0x4f: {  	v32 =	vld [tilespmem:$0x110];
	_ =	sdelay $0x2  }
0x50: {  	[tilespmem:$0x6180] =	vst v31  }
0x51: {  	v30 =	vld.idx.msk [tilespmem:v30+s23+$0x0], $0xffff  }
0x52: {  	v31 =	vadd.s32 v25, v32;
	_ =	sdelay $0x3  }
0x53: {  	[tilespmem:$0x6200] =	vst v30  }
0x54: {  	v30 =	vld.idx.msk [tilespmem:v31+s22+$0x0], $0xffff;
	_ =	sdelay $0x1  }
0x55: {  	v50 =	vld [tilespmem:$0x120];
	_ =	sdelay $0x2  }
0x56: {  	[tilespmem:$0x6190] =	vst v30  }
0x57: {  	v30 =	vld.idx.msk [tilespmem:v31+s23+$0x0], $0xffff  }
0x58: {  	v31 =	vadd.s32 v26, v50;
	_ =	sdelay $0x3  }
0x59: {  	[tilespmem:$0x6210] =	vst v30  }
0x5a: {  	v30 =	vld.idx.msk [tilespmem:v31+s22+$0x0], $0xffff;
	_ =	sdelay $0x1  }
0x5b: {  	v51 =	vld [tilespmem:$0x130];
	_ =	sdelay $0x2  }
0x5c: {  	[tilespmem:$0x61A0] =	vst v30  }
0x5d: {  	v30 =	vld.idx.msk [tilespmem:v31+s23+$0x0], $0xffff  }
0x5e: {  	v31 =	vadd.s32 v27, v51;
	_ =	sdelay $0x3  }
0x5f: {  	[tilespmem:$0x6220] =	vst v30  }
0x60: {  	v30 =	vld.idx.msk [tilespmem:v31+s22+$0x0], $0xffff;
	_ =	sdelay $0x1  }
0x61: {  	v52 =	vld [tilespmem:$0x140];
	_ =	sdelay $0x2  }
0x62: {  	[tilespmem:$0x61B0] =	vst v30  }
0x63: {  	v30 =	vld.idx.msk [tilespmem:v31+s23+$0x0], $0xffff  }
0x64: {  	v31 =	vadd.s32 v28, v52;
	_ =	sdelay $0x3  }
0x65: {  	[tilespmem:$0x6230] =	vst v30  }
0x66: {  	v30 =	vld.idx.msk [tilespmem:v31+s22+$0x0], $0xffff;
	_ =	sdelay $0x1  }
0x67: {  	v53 =	vld [tilespmem:$0x150];
	_ =	sdelay $0x2  }
0x68: {  	[tilespmem:$0x61C0] =	vst v30  }
0x69: {  	v30 =	vld.idx.msk [tilespmem:v31+s23+$0x0], $0xffff  }
0x6a: {  	v31 =	vadd.s32 v29, v53;
	_ =	sdelay $0x3  }
0x6b: {  	[tilespmem:$0x6240] =	vst v30  }
0x6c: {  	v30 =	vld.idx.msk [tilespmem:v31+s22+$0x0], $0xffff;
	_ =	sdelay $0x4  }
0x6d: {  	[tilespmem:$0x61D0] =	vst v30  }
0x6e: {  	v30 =	vld.idx.msk [tilespmem:v31+s23+$0x0], $0xffff;
	_ =	sdelay $0x4  }
0x6f: {  	[tilespmem:$0x6250] =	vst v30  }
0x70: {  	[hbm4b:s10+s2] =	stream.linear.scatter [tilespmem:s26], [sflag:$0x3], $0x60, $0x38;
	[tilespmem:$0x6280] =	vst v63  }
0x71: {  	_ =	swait.ge [sflag:s19], $0x60  }
0x72: {  	[sflag:s19] =	ssyncset.done $0x0  }
0x73: {  	[sflag:s19] =	ssyncadd.s32 $0xFFFFFFA0  }
0x74: {  	[hbm4b:s11+s2] =	stream.linear.scatter [tilespmem:s28], [sflag:$0x3], $0x60, $0x38;
	[tilespmem:$0x6280] =	vst v63  }
0x75: {  	_ =	swait.ge [sflag:s19], $0x60  }
0x76: {  	[sflag:s19] =	ssyncset.done $0x0  }
0x77: {  	[sflag:s19] =	ssyncadd.s32 $0xFFFFFFA0  }
0x78: {  	[tilespmem:s2], [sflag:$0x3] =	stream.linear.gather [hbm4b:s13+s2], $0x20, $0x38;
	[tilespmem:$0x6280] =	vst v63  }
0x79: {  	_ =	swait.ge [sflag:s19], $0x20  }
0x7a: {  	[sflag:s19] =	ssyncset.done $0x0  }
0x7b: {  	[sflag:s19] =	ssyncadd.s32 $0xFFFFFFE0  }
0x7c: {  	v30 =	vld.idx.msk [tilespmem:v0+s2+$0x0], $0xffff;
	_ =	sdelay $0x4  }
0x7d: {  	v31 =	vadd.s32 v12, v30;
	v30 =	vand.u32 $0x7F, v30  }
0x7e: {  	v31 =	vshra.s32 v31, $0x7;
	[tilespmem:$0x100] =	vst v30  }
0x7f: {  	[tilespmem:$0x80] =	vst v31  }
0x80: {  	v30 =	vld.idx.msk [tilespmem:v2+s2+$0x0], $0xffff;
	_ =	sdelay $0x4  }
0x81: {  	v31 =	vadd.s32 v13, v30;
	v30 =	vand.u32 $0x7F, v30  }
0x82: {  	v31 =	vshra.s32 v31, $0x7;
	[tilespmem:$0x110] =	vst v30  }
0x83: {  	[tilespmem:$0x90] =	vst v31  }
0x84: {  	v30 =	vld.idx.msk [tilespmem:v4+s2+$0x0], $0xffff;
	_ =	sdelay $0x4  }
0x85: {  	v31 =	vadd.s32 v14, v30;
	v30 =	vand.u32 $0x7F, v30  }
0x86: {  	v31 =	vshra.s32 v31, $0x7;
	[tilespmem:$0x120] =	vst v30  }
0x87: {  	[tilespmem:$0xA0] =	vst v31  }
0x88: {  	v30 =	vld.idx.msk [tilespmem:v6+s2+$0x0], $0xffff;
	_ =	sdelay $0x4  }
0x89: {  	v31 =	vadd.s32 v15, v30;
	v30 =	vand.u32 $0x7F, v30  }
0x8a: {  	v31 =	vshra.s32 v31, $0x7;
	[tilespmem:$0x130] =	vst v30  }
0x8b: {  	[tilespmem:$0xB0] =	vst v31  }
0x8c: {  	v30 =	vld.idx.msk [tilespmem:v8+s2+$0x0], $0xffff;
	_ =	sdelay $0x4  }
0x8d: {  	v31 =	vadd.s32 v16, v30;
	v30 =	vand.u32 $0x7F, v30  }
0x8e: {  	v31 =	vshra.s32 v31, $0x7;
	[tilespmem:$0x140] =	vst v30  }
0x8f: {  	[tilespmem:$0xC0] =	vst v31  }
0x90: {  	v30 =	vld.idx.msk [tilespmem:v10+s2+$0x0], $0xffff;
	_ =	sdelay $0x4  }
0x91: {  	v31 =	vadd.s32 v17, v30;
	v30 =	vand.u32 $0x7F, v30  }
0x92: {  	v31 =	vshra.s32 v31, $0x7;
	[tilespmem:$0x150] =	vst v30  }
0x93: {  	[tilespmem:$0xD0] =	vst v31  }
0x94: {  	[tilespmem:s22], [sflag:$0x1] =	stream.indirect.gather [hbm4b:s5+s20], $0x80, s21, s20, $0xb8;
	[tilespmem:$0x6280] =	vst v63  }
0x95: {  	_ = 	snop  }
0x96: {  	[tilespmem:s23], [sflag:$0x2] =	stream.indirect.gather [hbm4b:s6+s20], $0x80, s21, s20, $0xb8;
	[tilespmem:$0x6280] =	vst v63  }
0x97: {  	_ =	swait.ge [sflag:s24], $0x3000  }
0x98: {  	[sflag:s24] =	ssyncset.done $0x0  }
0x99: {  	[sflag:s24] =	ssyncadd.s32 $0xFFFFD000  }
0x9a: {  	_ =	swait.ge [sflag:s25], $0x3000  }
0x9b: {  	[sflag:s25] =	ssyncset.done $0x0  }
0x9c: {  	[sflag:s25] =	ssyncadd.s32 $0xFFFFD000  }
0x9d: {  	v30 =	vld [tilespmem:$0x100];
	_ =	sdelay $0x4  }
0x9e: {  	v30 =	vadd.s32 v20, v30;
	_ =	sdelay $0x4  }
0x9f: {  	v31 =	vld.idx.msk [tilespmem:v30+s22+$0x0], $0xffff;
	_ =	sdelay $0x1  }
0xa0: {  	v54 =	vld [tilespmem:$0x110];
	_ =	sdelay $0x2  }
0xa1: {  	[tilespmem:$0x6180] =	vst v31  }
0xa2: {  	v30 =	vld.idx.msk [tilespmem:v30+s23+$0x0], $0xffff  }
0xa3: {  	v31 =	vadd.s32 v25, v54;
	_ =	sdelay $0x3  }
0xa4: {  	[tilespmem:$0x6200] =	vst v30  }
0xa5: {  	v30 =	vld.idx.msk [tilespmem:v31+s22+$0x0], $0xffff;
	_ =	sdelay $0x1  }
0xa6: {  	v55 =	vld [tilespmem:$0x120];
	_ =	sdelay $0x2  }
0xa7: {  	[tilespmem:$0x6190] =	vst v30  }
0xa8: {  	v30 =	vld.idx.msk [tilespmem:v31+s23+$0x0], $0xffff  }
0xa9: {  	v31 =	vadd.s32 v26, v55;
	_ =	sdelay $0x3  }
0xaa: {  	[tilespmem:$0x6210] =	vst v30  }
0xab: {  	v30 =	vld.idx.msk [tilespmem:v31+s22+$0x0], $0xffff;
	_ =	sdelay $0x1  }
0xac: {  	v56 =	vld [tilespmem:$0x130];
	_ =	sdelay $0x2  }
0xad: {  	[tilespmem:$0x61A0] =	vst v30  }
0xae: {  	v30 =	vld.idx.msk [tilespmem:v31+s23+$0x0], $0xffff  }
0xaf: {  	v31 =	vadd.s32 v27, v56;
	_ =	sdelay $0x3  }
0xb0: {  	[tilespmem:$0x6220] =	vst v30  }
0xb1: {  	v30 =	vld.idx.msk [tilespmem:v31+s22+$0x0], $0xffff;
	_ =	sdelay $0x1  }
0xb2: {  	v57 =	vld [tilespmem:$0x140];
	_ =	sdelay $0x2  }
0xb3: {  	[tilespmem:$0x61B0] =	vst v30  }
0xb4: {  	v30 =	vld.idx.msk [tilespmem:v31+s23+$0x0], $0xffff  }
0xb5: {  	v31 =	vadd.s32 v28, v57;
	_ =	sdelay $0x3  }
0xb6: {  	[tilespmem:$0x6230] =	vst v30  }
0xb7: {  	v30 =	vld.idx.msk [tilespmem:v31+s22+$0x0], $0xffff;
	_ =	sdelay $0x1  }
0xb8: {  	v58 =	vld [tilespmem:$0x150];
	_ =	sdelay $0x2  }
0xb9: {  	[tilespmem:$0x61C0] =	vst v30  }
0xba: {  	v30 =	vld.idx.msk [tilespmem:v31+s23+$0x0], $0xffff  }
0xbb: {  	v31 =	vadd.s32 v29, v58;
	_ =	sdelay $0x3  }
0xbc: {  	[tilespmem:$0x6240] =	vst v30  }
0xbd: {  	v30 =	vld.idx.msk [tilespmem:v31+s22+$0x0], $0xffff;
	_ =	sdelay $0x4  }
0xbe: {  	[tilespmem:$0x61D0] =	vst v30  }
0xbf: {  	v30 =	vld.idx.msk [tilespmem:v31+s23+$0x0], $0xffff;
	_ =	sdelay $0x4  }
0xc0: {  	[tilespmem:$0x6250] =	vst v30  }
0xc1: {  	[hbm4b:s12+s2] =	stream.linear.scatter [tilespmem:s26], [sflag:$0x3], $0x60, $0x38;
	[tilespmem:$0x6280] =	vst v63  }
0xc2: {  	_ =	swait.ge [sflag:s19], $0x60  }
0xc3: {  	[sflag:s19] =	ssyncset.done $0x0  }
0xc4: {  	[sflag:s19] =	ssyncadd.s32 $0xFFFFFFA0  }
0xc5: {  	[hbm4b:s14+s2] =	stream.linear.scatter [tilespmem:s28], [sflag:$0x3], $0x60, $0x38;
	[tilespmem:$0x6280] =	vst v63  }
0xc6: {  	_ =	swait.ge [sflag:s19], $0x60  }
0xc7: {  	[sflag:s19] =	ssyncset.done $0x0  }
0xc8: {  	[sflag:s19] =	ssyncadd.s32 $0xFFFFFFA0  }
0xc9: {  	[tilespmem:s2], [sflag:$0x3] =	stream.linear.gather [hbm4b:s15+s2], $0x20, $0x38;
	[tilespmem:$0x6280] =	vst v63  }
0xca: {  	_ =	swait.ge [sflag:s19], $0x20  }
0xcb: {  	[sflag:s19] =	ssyncset.done $0x0  }
0xcc: {  	[sflag:s19] =	ssyncadd.s32 $0xFFFFFFE0  }
0xcd: {  	v30 =	vld.idx.msk [tilespmem:v0+s2+$0x0], $0xffff;
	_ =	sdelay $0x4  }
0xce: {  	v30 =	vadd.s32 v18, v30  }
0xcf: {  	v31 =	vshra.s32 v30, $0x7  }
0xd0: {  	v30 =	vand.u32 $0x7F, v30;
	[tilespmem:$0x80] =	vst v31  }
0xd1: {  	[tilespmem:$0x100] =	vst v30  }
0xd2: {  	v30 =	vld.idx.msk [tilespmem:v2+s2+$0x0], $0xffff;
	_ =	sdelay $0x4  }
0xd3: {  	v30 =	vadd.s32 v19, v30  }
0xd4: {  	v31 =	vshra.s32 v30, $0x7  }
0xd5: {  	v30 =	vand.u32 $0x7F, v30;
	[tilespmem:$0x90] =	vst v31  }
0xd6: {  	[tilespmem:$0x110] =	vst v30  }
0xd7: {  	v30 =	vld.idx.msk [tilespmem:v4+s2+$0x0], $0xffff;
	_ =	sdelay $0x4  }
0xd8: {  	v30 =	vadd.s32 v21, v30  }
0xd9: {  	v31 =	vshra.s32 v30, $0x7  }
0xda: {  	v30 =	vand.u32 $0x7F, v30;
	[tilespmem:$0xA0] =	vst v31  }
0xdb: {  	[tilespmem:$0x120] =	vst v30  }
0xdc: {  	v30 =	vld.idx.msk [tilespmem:v6+s2+$0x0], $0xffff;
	_ =	sdelay $0x4  }
0xdd: {  	v30 =	vadd.s32 v22, v30  }
0xde: {  	v31 =	vshra.s32 v30, $0x7  }
0xdf: {  	v30 =	vand.u32 $0x7F, v30;
	[tilespmem:$0xB0] =	vst v31  }
0xe0: {  	[tilespmem:$0x130] =	vst v30  }
0xe1: {  	v30 =	vld.idx.msk [tilespmem:v8+s2+$0x0], $0xffff;
	_ =	sdelay $0x4  }
0xe2: {  	v30 =	vadd.s32 v23, v30  }
0xe3: {  	v31 =	vshra.s32 v30, $0x7  }
0xe4: {  	v30 =	vand.u32 $0x7F, v30;
	[tilespmem:$0xC0] =	vst v31  }
0xe5: {  	[tilespmem:$0x140] =	vst v30  }
0xe6: {  	v30 =	vld.idx.msk [tilespmem:v10+s2+$0x0], $0xffff;
	_ =	sdelay $0x4  }
0xe7: {  	v30 =	vadd.s32 v24, v30  }
0xe8: {  	v31 =	vshra.s32 v30, $0x7  }
0xe9: {  	v30 =	vand.u32 $0x7F, v30;
	[tilespmem:$0xD0] =	vst v31  }
0xea: {  	[tilespmem:$0x150] =	vst v30  }
0xeb: {  	[tilespmem:s22], [sflag:$0x1] =	stream.indirect.gather [hbm4b:s7+s20], $0x80, s21, s20, $0xb8;
	[tilespmem:$0x6280] =	vst v63  }
0xec: {  	_ = 	snop  }
0xed: {  	[tilespmem:s23], [sflag:$0x2] =	stream.indirect.gather [hbm4b:s8+s20], $0x80, s21, s20, $0xb8;
	[tilespmem:$0x6280] =	vst v63  }
0xee: {  	_ =	swait.ge [sflag:s24], $0x3000  }
0xef: {  	[sflag:s24] =	ssyncset.done $0x0  }
0xf0: {  	[sflag:s24] =	ssyncadd.s32 $0xFFFFD000  }
0xf1: {  	_ =	swait.ge [sflag:s25], $0x3000  }
0xf2: {  	[sflag:s25] =	ssyncset.done $0x0  }
0xf3: {  	[sflag:s25] =	ssyncadd.s32 $0xFFFFD000  }
0xf4: {  	v30 =	vld [tilespmem:$0x100];
	_ =	sdelay $0x4  }
0xf5: {  	v30 =	vadd.s32 v20, v30;
	_ =	sdelay $0x4  }
0xf6: {  	v31 =	vld.idx.msk [tilespmem:v30+s22+$0x0], $0xffff;
	_ =	sdelay $0x1  }
0xf7: {  	v59 =	vld [tilespmem:$0x110];
	_ =	sdelay $0x2  }
0xf8: {  	[tilespmem:$0x6180] =	vst v31  }
0xf9: {  	v30 =	vld.idx.msk [tilespmem:v30+s23+$0x0], $0xffff  }
0xfa: {  	v31 =	vadd.s32 v25, v59;
	_ =	sdelay $0x3  }
0xfb: {  	[tilespmem:$0x6200] =	vst v30  }
0xfc: {  	v30 =	vld.idx.msk [tilespmem:v31+s22+$0x0], $0xffff;
	_ =	sdelay $0x1  }
0xfd: {  	v60 =	vld [tilespmem:$0x120];
	_ =	sdelay $0x2  }
0xfe: {  	[tilespmem:$0x6190] =	vst v30  }
0xff: {  	v30 =	vld.idx.msk [tilespmem:v31+s23+$0x0], $0xffff  }
0x100: {  	v31 =	vadd.s32 v26, v60;
	_ =	sdelay $0x3  }
0x101: {  	[tilespmem:$0x6210] =	vst v30  }
0x102: {  	v30 =	vld.idx.msk [tilespmem:v31+s22+$0x0], $0xffff;
	_ =	sdelay $0x1  }
0x103: {  	v61 =	vld [tilespmem:$0x130];
	_ =	sdelay $0x2  }
0x104: {  	[tilespmem:$0x61A0] =	vst v30  }
0x105: {  	v30 =	vld.idx.msk [tilespmem:v31+s23+$0x0], $0xffff  }
0x106: {  	v31 =	vadd.s32 v27, v61;
	_ =	sdelay $0x3  }
0x107: {  	[tilespmem:$0x6220] =	vst v30  }
0x108: {  	v30 =	vld.idx.msk [tilespmem:v31+s22+$0x0], $0xffff;
	_ =	sdelay $0x1  }
0x109: {  	v62 =	vld [tilespmem:$0x140];
	_ =	sdelay $0x2  }
0x10a: {  	[tilespmem:$0x61B0] =	vst v30  }
0x10b: {  	v30 =	vld.idx.msk [tilespmem:v31+s23+$0x0], $0xffff  }
0x10c: {  	v31 =	vadd.s32 v28, v62;
	_ =	sdelay $0x3  }
0x10d: {  	[tilespmem:$0x6230] =	vst v30  }
0x10e: {  	v30 =	vld.idx.msk [tilespmem:v31+s22+$0x0], $0xffff;
	_ =	sdelay $0x1  }
0x10f: {  	v63 =	vld [tilespmem:$0x150];
	_ =	sdelay $0x2  }
0x110: {  	[tilespmem:$0x61C0] =	vst v30  }
0x111: {  	v30 =	vld.idx.msk [tilespmem:v31+s23+$0x0], $0xffff  }
0x112: {  	v31 =	vadd.s32 v29, v63;
	_ =	sdelay $0x3  }
0x113: {  	[tilespmem:$0x6240] =	vst v30  }
0x114: {  	v30 =	vld.idx.msk [tilespmem:v31+s22+$0x0], $0xffff;
	_ =	sdelay $0x4  }
0x115: {  	[tilespmem:$0x61D0] =	vst v30  }
0x116: {  	v30 =	vld.idx.msk [tilespmem:v31+s23+$0x0], $0xffff;
	_ =	sdelay $0x4  }
0x117: {  	[tilespmem:$0x6250] =	vst v30  }
0x118: {  	[hbm4b:s16+s2] =	stream.linear.scatter [tilespmem:s26], [sflag:$0x3], $0x60, $0x38;
	[tilespmem:$0x6280] =	vst v63  }
0x119: {  	_ =	swait.ge [sflag:s19], $0x60  }
0x11a: {  	p0 =	sne.s32 s18, $0x1;
	[sflag:s19] =	ssyncset.done $0x0  }
.Ltmp0:
0x11b: {  	[sflag:s19] =	ssyncadd.s32 $0xFFFFFFA0;
	(pc) =	sbr.rel @p0 .LBB2_1-.Ltmp0, $4  }
0x11c: {  	[hbm4b:s17+s2] =	stream.linear.scatter [tilespmem:s28], [sflag:$0x3], $0x60, $0x38;
	[tilespmem:$0x6280] =	vst v63  }
0x11d: {  	_ =	swait.ge [sflag:s19], $0x60  }
0x11e: {  	[sflag:s19] =	ssyncset.done $0x0  }
0x11f: {  	s18 =	sadd.s32 $0xFFFFFFFF, s18;
	[sflag:s19] =	ssyncadd.s32 $0xFFFFFFA0  }
0x120: {  	_ =	sfence.sel $0x180000  }
0x121: {  	[bflag:$0x0] =	sbarrier.arrive $0xFFFF  }
0x122: {  	p0 =	sne.s32 s0, $0x0;
	_ =	strace $0x90000047  }
0x123: {  	s0 =	sadd.s32 @!p0 $0x100000, s1;
	[bflag:$0x2] =	sbarrier.arrive $0xFFFF  }
0x124: {  	[sflag:s0] =	ssyncadd.tile.s32 @!p0 $0x1;
	_ =	shalt  }
.Lfunc_end2:
_tile_overlayer_lowered:
.L_overlay_start_2:
0x125: {  	(tag) =	ssettag $0x2  }
0x126: {  	s0 =	rddreg [dreg:$0x0];
	s2 =	stileid.u32  }
0x127: {  	s1 =	rddreg [dreg:$0x1];
	p0 =	sne.s32 s2, $0x0  }
0x128: {  	s3 =	rddreg [dreg:$0x2];
	[bflag:$0x3] =	sbarrier.arrive $0xFFFF;
	s2 =	simm.s32 @!p0 $0x1C03  }
0x129: {  	[timem:s3], [sflag:s2] =	dma.local @!p0 [hbm:s0], s1  }
0x12a: {  	s0 =	simm.s32 @!p0 $0x3  }
0x12b: {  	_ =	swait.ge @!p0 [sflag:s0], s1  }
0x12c: {  	s1 =	ssub.s32 @!p0 $0x0, s1;
	[sflag:s0] =	ssyncset.done @!p0 $0x0  }
0x12d: {  	[sflag:s0] =	ssyncadd.s32 @!p0 s1  }
0x12e: {  	[bflag:$0x3] =	sbarrier.arrive $0xFFFF  }
0x12f: {  	_ =	shalt  }

</sc_bundles>
